<compile_context>
chip_gen: v7x
topology: tpu7x:2x2x1
jax: 0.10.2.dev20260603
libtpu: 0.0.44.dev20260713+nightly
codegen_flags: <defaults>
</compile_context>

<pallas_src>
import functools

import jax
import jax.numpy as jnp
from jax import lax
from jax.experimental import pallas as pl
from jax.experimental.pallas import tpu as pltpu
from jax.experimental.pallas import tpu_sc as plsc

_EMBED = 128
_BATCH = 16384
_MARGIN = 1.0
_LANES = 16
_NSEG = _EMBED // _LANES

_NC = 2
_NS = 16
_NW = _NC * _NS
_B_PER_W = _BATCH // _NW
_CHUNK = 64
_NCHUNK = _B_PER_W // _CHUNK


def _tec_kernel(pos_hbm, neg_hbm, ent_hbm, rel_hbm, out_hbm,
                idx_ph, idx_pr, idx_pt, idx_nh, idx_nr, idx_nt,
                ph0, pr0, pt0, nh0, nr0, nt0,
                ph1, pr1, pt1, nh1, nr1, nt1,
                out_v, sem):
    wid = lax.axis_index("s") * _NC + lax.axis_index("c")
    base0 = wid * _B_PER_W
    sl0 = pl.ds(base0, _B_PER_W)

    _H = 2 * _CHUNK
    srcs = ((pos_hbm, 0), (pos_hbm, 1), (pos_hbm, 2),
            (neg_hbm, 0), (neg_hbm, 1), (neg_hbm, 2))
    idxs6 = (idx_ph, idx_pr, idx_pt, idx_nh, idx_nr, idx_nt)
    head = [pltpu.async_copy(a.at[pl.ds(r, 1), pl.ds(base0, _H)],
                             idx.at[:, pl.ds(0, _H)], sem)
            for (a, r), idx in zip(srcs, idxs6)]
    tail = [pltpu.async_copy(a.at[pl.ds(r, 1), pl.ds(base0 + _H,
                                                     _B_PER_W - _H)],
                             idx.at[:, pl.ds(_H, _B_PER_W - _H)], sem)
            for (a, r), idx in zip(srcs, idxs6)]
    for cp in head:
        cp.wait()

    tables = (ent_hbm, rel_hbm, ent_hbm, ent_hbm, rel_hbm, ent_hbm)
    idxs = (idx_ph, idx_pr, idx_pt, idx_nh, idx_nr, idx_nt)
    bufsets = ((ph0, pr0, pt0, nh0, nr0, nt0),
               (ph1, pr1, pt1, nh1, nr1, nt1))

    def fire(ci):
        s = ci % 2
        return [pltpu.async_copy(
                    tab.at[idx.at[0, pl.ds(ci * _CHUNK, _CHUNK)]], buf, sem)
                for tab, idx, buf in zip(tables, idxs, bufsets[s])]

    lane = lax.broadcasted_iota(jnp.int32, (_LANES,), 0)

    def compute_chunk(s, acc0):
        ph, pr, pt, nh, nr, nt = bufsets[s]

        def row_body(b, acc):
            d = jnp.zeros((_LANES,), jnp.float32)
            for j in range(_NSEG):
                ds = pl.ds(j * _LANES, _LANES)
                pd = jnp.abs(ph[b, ds] + pr[b, ds] - pt[b, ds])
                nd = jnp.abs(nh[b, ds] + nr[b, ds] - nt[b, ds])
                d = d + (nd - pd)
            for k in (1, 2, 4, 8):
                d = d + d.at[lane ^ k].get(mode="promise_in_bounds")
            return acc + jnp.maximum(d + _MARGIN, 0.0)

        return lax.fori_loop(0, _CHUNK, row_body, acc0)

    acc = jnp.zeros((_LANES,), jnp.float32)
    pending = fire(0)
    for cp in tail:
        cp.wait()
    for ci in range(_NCHUNK):
        nxt = fire(ci + 1) if ci + 1 < _NCHUNK else None
        for cp in pending:
            cp.wait()
        acc = compute_chunk(ci % 2, acc)
        pending = nxt

    out_v[...] = acc * (1.0 / _LANES)
    pltpu.sync_copy(out_v, out_hbm.at[wid])


@jax.jit
def kernel(pos_exmpl, neg_exmpl, entity_emb, relation_emb):
    mesh = plsc.VectorSubcoreMesh(core_axis_name="c", subcore_axis_name="s")
    buf = pltpu.VMEM((_CHUNK, _EMBED), jnp.float32)
    run = functools.partial(
        pl.kernel,
        mesh=mesh,
        out_type=jax.ShapeDtypeStruct((_NW, _LANES), jnp.float32),
        scratch_types=(
            [pltpu.VMEM((1, _B_PER_W), jnp.int32)] * 6
            + [buf] * 12
            + [pltpu.VMEM((_LANES,), jnp.float32), pltpu.SemaphoreType.DMA]
        ),
    )(_tec_kernel)
    partials = run(pos_exmpl, neg_exmpl, entity_emb, relation_emb)
    return jnp.sum(partials)

# --- scband reference (transcript-rebuilt; emitter-appended) ---
"""Pipeline reference for scband-trans-e-79680233275489 (READ-ONLY COPY).

The authoritative reference and input builder live on the scoring server;
editing this copy changes nothing except your own understanding.
"""

import jax, jax.numpy as jnp
import numpy as np

NUM_ENTITIES = 100000
NUM_RELATIONS = 100000
EMBED_DIM = 128
BATCH = 16384
MARGIN = 1.0


def setup_inputs(seed: int = 0) -> dict:
    key = jax.random.key(seed)
    k1, k2, k3, k4 = jax.random.split(key, 4)
    pos_exmpl = jax.random.randint(k1, (3, BATCH), 0, NUM_ENTITIES, dtype=jnp.int32)
    neg_exmpl = jax.random.randint(k2, (3, BATCH), 0, NUM_ENTITIES, dtype=jnp.int32)
    entity_emb = jax.random.normal(k3, (NUM_ENTITIES, EMBED_DIM), dtype=jnp.float32)
    relation_emb = jax.random.normal(k4, (NUM_RELATIONS, EMBED_DIM), dtype=jnp.float32)
    return {"pos_exmpl": pos_exmpl, "neg_exmpl": neg_exmpl,
            "entity_emb": entity_emb, "relation_emb": relation_emb}


def _calc_score(h_emb, r_emb, t_emb):
    # score = -sum(|h + r - t|, axis=1)
    return -jnp.sum(jnp.abs(h_emb + r_emb - t_emb), axis=1)


def reference(pos_exmpl, neg_exmpl, entity_emb, relation_emb):
    pos_h, pos_r, pos_t = pos_exmpl[0], pos_exmpl[1], pos_exmpl[2]
    neg_h, neg_r, neg_t = neg_exmpl[0], neg_exmpl[1], neg_exmpl[2]

    pos_h_emb = jnp.take(entity_emb, pos_h, axis=0)
    pos_r_emb = jnp.take(relation_emb, pos_r, axis=0)
    pos_t_emb = jnp.take(entity_emb, pos_t, axis=0)
    neg_h_emb = jnp.take(entity_emb, neg_h, axis=0)
    neg_r_emb = jnp.take(relation_emb, neg_r, axis=0)
    neg_t_emb = jnp.take(entity_emb, neg_t, axis=0)

    pos_score = _calc_score(pos_h_emb, pos_r_emb, pos_t_emb)
    neg_score = _calc_score(neg_h_emb, neg_r_emb, neg_t_emb)

    # MarginRankingLoss with y = -1, sum reduction (size_average=False):
    # loss = sum(max(0, -y*(x1 - x2) + margin)) = sum(max(0, (pos - neg) + margin))
    loss = jnp.sum(jnp.maximum(0.0, (pos_score - neg_score) + MARGIN))
    return loss

if __name__ == "__main__":
    import jax
    _d = setup_inputs()
    print(jax.jit(kernel)(*tuple(_d.values())))

</pallas_src>

<mosaic_0001>
#map = affine_map<(d0, d1) -> (0, 0)>
module attributes {stable_mosaic.version = 14 : i64} {
  func.func @_tec_kernel(%arg0: i32, %arg1: i32, %arg2: memref<3x16384xi32, #tpu.memory_space<hbm>>, %arg3: memref<3x16384xi32, #tpu.memory_space<hbm>>, %arg4: memref<100000x128xf32, #tpu.memory_space<hbm>>, %arg5: memref<100000x128xf32, #tpu.memory_space<hbm>>, %arg6: memref<32x16xf32, #tpu.memory_space<hbm>>, %arg7: memref<1x512xi32, #tpu.memory_space<vmem>>, %arg8: memref<1x512xi32, #tpu.memory_space<vmem>>, %arg9: memref<1x512xi32, #tpu.memory_space<vmem>>, %arg10: memref<1x512xi32, #tpu.memory_space<vmem>>, %arg11: memref<1x512xi32, #tpu.memory_space<vmem>>, %arg12: memref<1x512xi32, #tpu.memory_space<vmem>>, %arg13: memref<64x128xf32, #tpu.memory_space<vmem>>, %arg14: memref<64x128xf32, #tpu.memory_space<vmem>>, %arg15: memref<64x128xf32, #tpu.memory_space<vmem>>, %arg16: memref<64x128xf32, #tpu.memory_space<vmem>>, %arg17: memref<64x128xf32, #tpu.memory_space<vmem>>, %arg18: memref<64x128xf32, #tpu.memory_space<vmem>>, %arg19: memref<64x128xf32, #tpu.memory_space<vmem>>, %arg20: memref<64x128xf32, #tpu.memory_space<vmem>>, %arg21: memref<64x128xf32, #tpu.memory_space<vmem>>, %arg22: memref<64x128xf32, #tpu.memory_space<vmem>>, %arg23: memref<64x128xf32, #tpu.memory_space<vmem>>, %arg24: memref<64x128xf32, #tpu.memory_space<vmem>>, %arg25: memref<16xf32, #tpu.memory_space<vmem>>, %arg26: memref<!tpu.dma_semaphore, #tpu.memory_space<semaphore_mem>>) attributes {dimension_semantics = [#tpu.dimension_semantics<core_parallel>, #tpu.dimension_semantics<subcore_parallel>], iteration_bounds = array<i64: 2, 16>, scalar_prefetch = 0 : i64, scratch_operands = 20 : i64, tpu.core_type = #tpu.core_type<sc_vector_subcore>, window_params = [{transform_indices = #map}, {transform_indices = #map}, {transform_indices = #map}, {transform_indices = #map}, {transform_indices = #map}]} {
    %mul3A = arith.constant 2 : i32
    %mul3A_0 = arith.muli %arg1, %mul3A : i32
    %add3A = arith.addi %mul3A_0, %arg0 : i32
    %mul3A_1 = arith.constant 512 : i32
    %mul3A_2 = arith.muli %add3A, %mul3A_1 : i32
    %dma_start3A = arith.constant 0 : i32
    %dma_start3A_3 = arith.constant 0 : i32
    %dma_start3A_4 = tpu.memref_slice %arg7[%dma_start3A, %dma_start3A_3] : memref<1x512xi32, #tpu.memory_space<vmem>> -> memref<1x128xi32, #tpu.memory_space<vmem>>
    %dma_start3A_5 = arith.constant 0 : i32
    %dma_start3A_6 = tpu.memref_slice %arg2[%dma_start3A_5, %mul3A_2] : memref<3x16384xi32, #tpu.memory_space<hbm>> -> memref<1x128xi32, #tpu.memory_space<hbm>>
    %dma_start3A_7 = arith.constant 0 : i32
    %dma_start3A_8 = arith.constant 0 : i32
    %dma_start3A_9 = tpu.memref_slice %arg7[%dma_start3A_7, %dma_start3A_8] : memref<1x512xi32, #tpu.memory_space<vmem>> -> memref<1x128xi32, #tpu.memory_space<vmem>>
    %dma_start3A_10 = arith.constant 0 : i32
    %dma_start3A_11 = tpu.memref_slice %arg2[%dma_start3A_10, %mul3A_2] : memref<3x16384xi32, #tpu.memory_space<hbm>> -> memref<1x128xi32, #tpu.memory_space<hbm>>
    tpu.enqueue_dma source(%dma_start3A_11 : memref<1x128xi32, #tpu.memory_space<hbm>>) target(%dma_start3A_9 : memref<1x128xi32, #tpu.memory_space<vmem>>) target_semaphore(%arg26 : memref<!tpu.dma_semaphore, #tpu.memory_space<semaphore_mem>>)
    %dma_start3A_12 = arith.constant 0 : i32
    %dma_start3A_13 = arith.constant 0 : i32
    %dma_start3A_14 = tpu.memref_slice %arg8[%dma_start3A_12, %dma_start3A_13] : memref<1x512xi32, #tpu.memory_space<vmem>> -> memref<1x128xi32, #tpu.memory_space<vmem>>
    %dma_start3A_15 = arith.constant 1 : i32
    %dma_start3A_16 = tpu.memref_slice %arg2[%dma_start3A_15, %mul3A_2] : memref<3x16384xi32, #tpu.memory_space<hbm>> -> memref<1x128xi32, #tpu.memory_space<hbm>>
    %dma_start3A_17 = arith.constant 0 : i32
    %dma_start3A_18 = arith.constant 0 : i32
    %dma_start3A_19 = tpu.memref_slice %arg8[%dma_start3A_17, %dma_start3A_18] : memref<1x512xi32, #tpu.memory_space<vmem>> -> memref<1x128xi32, #tpu.memory_space<vmem>>
    %dma_start3A_20 = arith.constant 1 : i32
    %dma_start3A_21 = tpu.memref_slice %arg2[%dma_start3A_20, %mul3A_2] : memref<3x16384xi32, #tpu.memory_space<hbm>> -> memref<1x128xi32, #tpu.memory_space<hbm>>
    tpu.enqueue_dma source(%dma_start3A_21 : memref<1x128xi32, #tpu.memory_space<hbm>>) target(%dma_start3A_19 : memref<1x128xi32, #tpu.memory_space<vmem>>) target_semaphore(%arg26 : memref<!tpu.dma_semaphore, #tpu.memory_space<semaphore_mem>>)
    %dma_start3A_22 = arith.constant 0 : i32
    %dma_start3A_23 = arith.constant 0 : i32
    %dma_start3A_24 = tpu.memref_slice %arg9[%dma_start3A_22, %dma_start3A_23] : memref<1x512xi32, #tpu.memory_space<vmem>> -> memref<1x128xi32, #tpu.memory_space<vmem>>
    %dma_start3A_25 = arith.constant 2 : i32
    %dma_start3A_26 = tpu.memref_slice %arg2[%dma_start3A_25, %mul3A_2] : memref<3x16384xi32, #tpu.memory_space<hbm>> -> memref<1x128xi32, #tpu.memory_space<hbm>>
    %dma_start3A_27 = arith.constant 0 : i32
    %dma_start3A_28 = arith.constant 0 : i32
    %dma_start3A_29 = tpu.memref_slice %arg9[%dma_start3A_27, %dma_start3A_28] : memref<1x512xi32, #tpu.memory_space<vmem>> -> memref<1x128xi32, #tpu.memory_space<vmem>>
    %dma_start3A_30 = arith.constant 2 : i32
    %dma_start3A_31 = tpu.memref_slice %arg2[%dma_start3A_30, %mul3A_2] : memref<3x16384xi32, #tpu.memory_space<hbm>> -> memref<1x128xi32, #tpu.memory_space<hbm>>
    tpu.enqueue_dma source(%dma_start3A_31 : memref<1x128xi32, #tpu.memory_space<hbm>>) target(%dma_start3A_29 : memref<1x128xi32, #tpu.memory_space<vmem>>) target_semaphore(%arg26 : memref<!tpu.dma_semaphore, #tpu.memory_space<semaphore_mem>>)
    %dma_start3A_32 = arith.constant 0 : i32
    %dma_start3A_33 = arith.constant 0 : i32
    %dma_start3A_34 = tpu.memref_slice %arg10[%dma_start3A_32, %dma_start3A_33] : memref<1x512xi32, #tpu.memory_space<vmem>> -> memref<1x128xi32, #tpu.memory_space<vmem>>
    %dma_start3A_35 = arith.constant 0 : i32
    %dma_start3A_36 = tpu.memref_slice %arg3[%dma_start3A_35, %mul3A_2] : memref<3x16384xi32, #tpu.memory_space<hbm>> -> memref<1x128xi32, #tpu.memory_space<hbm>>
    %dma_start3A_37 = arith.constant 0 : i32
    %dma_start3A_38 = arith.constant 0 : i32
    %dma_start3A_39 = tpu.memref_slice %arg10[%dma_start3A_37, %dma_start3A_38] : memref<1x512xi32, #tpu.memory_space<vmem>> -> memref<1x128xi32, #tpu.memory_space<vmem>>
    %dma_start3A_40 = arith.constant 0 : i32
    %dma_start3A_41 = tpu.memref_slice %arg3[%dma_start3A_40, %mul3A_2] : memref<3x16384xi32, #tpu.memory_space<hbm>> -> memref<1x128xi32, #tpu.memory_space<hbm>>
    tpu.enqueue_dma source(%dma_start3A_41 : memref<1x128xi32, #tpu.memory_space<hbm>>) target(%dma_start3A_39 : memref<1x128xi32, #tpu.memory_space<vmem>>) target_semaphore(%arg26 : memref<!tpu.dma_semaphore, #tpu.memory_space<semaphore_mem>>)
    %dma_start3A_42 = arith.constant 0 : i32
    %dma_start3A_43 = arith.constant 0 : i32
    %dma_start3A_44 = tpu.memref_slice %arg11[%dma_start3A_42, %dma_start3A_43] : memref<1x512xi32, #tpu.memory_space<vmem>> -> memref<1x128xi32, #tpu.memory_space<vmem>>
    %dma_start3A_45 = arith.constant 1 : i32
    %dma_start3A_46 = tpu.memref_slice %arg3[%dma_start3A_45, %mul3A_2] : memref<3x16384xi32, #tpu.memory_space<hbm>> -> memref<1x128xi32, #tpu.memory_space<hbm>>
    %dma_start3A_47 = arith.constant 0 : i32
    %dma_start3A_48 = arith.constant 0 : i32
    %dma_start3A_49 = tpu.memref_slice %arg11[%dma_start3A_47, %dma_start3A_48] : memref<1x512xi32, #tpu.memory_space<vmem>> -> memref<1x128xi32, #tpu.memory_space<vmem>>
    %dma_start3A_50 = arith.constant 1 : i32
    %dma_start3A_51 = tpu.memref_slice %arg3[%dma_start3A_50, %mul3A_2] : memref<3x16384xi32, #tpu.memory_space<hbm>> -> memref<1x128xi32, #tpu.memory_space<hbm>>
    tpu.enqueue_dma source(%dma_start3A_51 : memref<1x128xi32, #tpu.memory_space<hbm>>) target(%dma_start3A_49 : memref<1x128xi32, #tpu.memory_space<vmem>>) target_semaphore(%arg26 : memref<!tpu.dma_semaphore, #tpu.memory_space<semaphore_mem>>)
    %dma_start3A_52 = arith.constant 0 : i32
    %dma_start3A_53 = arith.constant 0 : i32
    %dma_start3A_54 = tpu.memref_slice %arg12[%dma_start3A_52, %dma_start3A_53] : memref<1x512xi32, #tpu.memory_space<vmem>> -> memref<1x128xi32, #tpu.memory_space<vmem>>
    %dma_start3A_55 = arith.constant 2 : i32
    %dma_start3A_56 = tpu.memref_slice %arg3[%dma_start3A_55, %mul3A_2] : memref<3x16384xi32, #tpu.memory_space<hbm>> -> memref<1x128xi32, #tpu.memory_space<hbm>>
    %dma_start3A_57 = arith.constant 0 : i32
    %dma_start3A_58 = arith.constant 0 : i32
    %dma_start3A_59 = tpu.memref_slice %arg12[%dma_start3A_57, %dma_start3A_58] : memref<1x512xi32, #tpu.memory_space<vmem>> -> memref<1x128xi32, #tpu.memory_space<vmem>>
    %dma_start3A_60 = arith.constant 2 : i32
    %dma_start3A_61 = tpu.memref_slice %arg3[%dma_start3A_60, %mul3A_2] : memref<3x16384xi32, #tpu.memory_space<hbm>> -> memref<1x128xi32, #tpu.memory_space<hbm>>
    tpu.enqueue_dma source(%dma_start3A_61 : memref<1x128xi32, #tpu.memory_space<hbm>>) target(%dma_start3A_59 : memref<1x128xi32, #tpu.memory_space<vmem>>) target_semaphore(%arg26 : memref<!tpu.dma_semaphore, #tpu.memory_space<semaphore_mem>>)
    %add3A_62 = arith.constant 128 : i32
    %add3A_63 = arith.addi %mul3A_2, %add3A_62 : i32
    %dma_start3A_64 = arith.constant 0 : i32
    %dma_start3A_65 = arith.constant 128 : i32
    %dma_start3A_66 = tpu.memref_slice %arg7[%dma_start3A_64, %dma_start3A_65] : memref<1x512xi32, #tpu.memory_space<vmem>> -> memref<1x384xi32, #tpu.memory_space<vmem>>
    %dma_start3A_67 = arith.constant 0 : i32
    %dma_start3A_68 = tpu.memref_slice %arg2[%dma_start3A_67, %add3A_63] : memref<3x16384xi32, #tpu.memory_space<hbm>> -> memref<1x384xi32, #tpu.memory_space<hbm>>
    %dma_start3A_69 = arith.constant 0 : i32
    %dma_start3A_70 = arith.constant 128 : i32
    %dma_start3A_71 = tpu.memref_slice %arg7[%dma_start3A_69, %dma_start3A_70] : memref<1x512xi32, #tpu.memory_space<vmem>> -> memref<1x384xi32, #tpu.memory_space<vmem>>
    %dma_start3A_72 = arith.constant 0 : i32
    %dma_start3A_73 = tpu.memref_slice %arg2[%dma_start3A_72, %add3A_63] : memref<3x16384xi32, #tpu.memory_space<hbm>> -> memref<1x384xi32, #tpu.memory_space<hbm>>
    tpu.enqueue_dma source(%dma_start3A_73 : memref<1x384xi32, #tpu.memory_space<hbm>>) target(%dma_start3A_71 : memref<1x384xi32, #tpu.memory_space<vmem>>) target_semaphore(%arg26 : memref<!tpu.dma_semaphore, #tpu.memory_space<semaphore_mem>>)
    %add3A_74 = arith.constant 128 : i32
    %add3A_75 = arith.addi %mul3A_2, %add3A_74 : i32
    %dma_start3A_76 = arith.constant 0 : i32
    %dma_start3A_77 = arith.constant 128 : i32
    %dma_start3A_78 = tpu.memref_slice %arg8[%dma_start3A_76, %dma_start3A_77] : memref<1x512xi32, #tpu.memory_space<vmem>> -> memref<1x384xi32, #tpu.memory_space<vmem>>
    %dma_start3A_79 = arith.constant 1 : i32
    %dma_start3A_80 = tpu.memref_slice %arg2[%dma_start3A_79, %add3A_75] : memref<3x16384xi32, #tpu.memory_space<hbm>> -> memref<1x384xi32, #tpu.memory_space<hbm>>
    %dma_start3A_81 = arith.constant 0 : i32
    %dma_start3A_82 = arith.constant 128 : i32
    %dma_start3A_83 = tpu.memref_slice %arg8[%dma_start3A_81, %dma_start3A_82] : memref<1x512xi32, #tpu.memory_space<vmem>> -> memref<1x384xi32, #tpu.memory_space<vmem>>
    %dma_start3A_84 = arith.constant 1 : i32
    %dma_start3A_85 = tpu.memref_slice %arg2[%dma_start3A_84, %add3A_75] : memref<3x16384xi32, #tpu.memory_space<hbm>> -> memref<1x384xi32, #tpu.memory_space<hbm>>
    tpu.enqueue_dma source(%dma_start3A_85 : memref<1x384xi32, #tpu.memory_space<hbm>>) target(%dma_start3A_83 : memref<1x384xi32, #tpu.memory_space<vmem>>) target_semaphore(%arg26 : memref<!tpu.dma_semaphore, #tpu.memory_space<semaphore_mem>>)
    %add3A_86 = arith.constant 128 : i32
    %add3A_87 = arith.addi %mul3A_2, %add3A_86 : i32
    %dma_start3A_88 = arith.constant 0 : i32
    %dma_start3A_89 = arith.constant 128 : i32
    %dma_start3A_90 = tpu.memref_slice %arg9[%dma_start3A_88, %dma_start3A_89] : memref<1x512xi32, #tpu.memory_space<vmem>> -> memref<1x384xi32, #tpu.memory_space<vmem>>
    %dma_start3A_91 = arith.constant 2 : i32
    %dma_start3A_92 = tpu.memref_slice %arg2[%dma_start3A_91, %add3A_87] : memref<3x16384xi32, #tpu.memory_space<hbm>> -> memref<1x384xi32, #tpu.memory_space<hbm>>
    %dma_start3A_93 = arith.constant 0 : i32
    %dma_start3A_94 = arith.constant 128 : i32
    %dma_start3A_95 = tpu.memref_slice %arg9[%dma_start3A_93, %dma_start3A_94] : memref<1x512xi32, #tpu.memory_space<vmem>> -> memref<1x384xi32, #tpu.memory_space<vmem>>
    %dma_start3A_96 = arith.constant 2 : i32
    %dma_start3A_97 = tpu.memref_slice %arg2[%dma_start3A_96, %add3A_87] : memref<3x16384xi32, #tpu.memory_space<hbm>> -> memref<1x384xi32, #tpu.memory_space<hbm>>
    tpu.enqueue_dma source(%dma_start3A_97 : memref<1x384xi32, #tpu.memory_space<hbm>>) target(%dma_start3A_95 : memref<1x384xi32, #tpu.memory_space<vmem>>) target_semaphore(%arg26 : memref<!tpu.dma_semaphore, #tpu.memory_space<semaphore_mem>>)
    %add3A_98 = arith.constant 128 : i32
    %add3A_99 = arith.addi %mul3A_2, %add3A_98 : i32
    %dma_start3A_100 = arith.constant 0 : i32
    %dma_start3A_101 = arith.constant 128 : i32
    %dma_start3A_102 = tpu.memref_slice %arg10[%dma_start3A_100, %dma_start3A_101] : memref<1x512xi32, #tpu.memory_space<vmem>> -> memref<1x384xi32, #tpu.memory_space<vmem>>
    %dma_start3A_103 = arith.constant 0 : i32
    %dma_start3A_104 = tpu.memref_slice %arg3[%dma_start3A_103, %add3A_99] : memref<3x16384xi32, #tpu.memory_space<hbm>> -> memref<1x384xi32, #tpu.memory_space<hbm>>
    %dma_start3A_105 = arith.constant 0 : i32
    %dma_start3A_106 = arith.constant 128 : i32
    %dma_start3A_107 = tpu.memref_slice %arg10[%dma_start3A_105, %dma_start3A_106] : memref<1x512xi32, #tpu.memory_space<vmem>> -> memref<1x384xi32, #tpu.memory_space<vmem>>
    %dma_start3A_108 = arith.constant 0 : i32
    %dma_start3A_109 = tpu.memref_slice %arg3[%dma_start3A_108, %add3A_99] : memref<3x16384xi32, #tpu.memory_space<hbm>> -> memref<1x384xi32, #tpu.memory_space<hbm>>
    tpu.enqueue_dma source(%dma_start3A_109 : memref<1x384xi32, #tpu.memory_space<hbm>>) target(%dma_start3A_107 : memref<1x384xi32, #tpu.memory_space<vmem>>) target_semaphore(%arg26 : memref<!tpu.dma_semaphore, #tpu.memory_space<semaphore_mem>>)
    %add3A_110 = arith.constant 128 : i32
    %add3A_111 = arith.addi %mul3A_2, %add3A_110 : i32
    %dma_start3A_112 = arith.constant 0 : i32
    %dma_start3A_113 = arith.constant 128 : i32
    %dma_start3A_114 = tpu.memref_slice %arg11[%dma_start3A_112, %dma_start3A_113] : memref<1x512xi32, #tpu.memory_space<vmem>> -> memref<1x384xi32, #tpu.memory_space<vmem>>
    %dma_start3A_115 = arith.constant 1 : i32
    %dma_start3A_116 = tpu.memref_slice %arg3[%dma_start3A_115, %add3A_111] : memref<3x16384xi32, #tpu.memory_space<hbm>> -> memref<1x384xi32, #tpu.memory_space<hbm>>
    %dma_start3A_117 = arith.constant 0 : i32
    %dma_start3A_118 = arith.constant 128 : i32
    %dma_start3A_119 = tpu.memref_slice %arg11[%dma_start3A_117, %dma_start3A_118] : memref<1x512xi32, #tpu.memory_space<vmem>> -> memref<1x384xi32, #tpu.memory_space<vmem>>
    %dma_start3A_120 = arith.constant 1 : i32
    %dma_start3A_121 = tpu.memref_slice %arg3[%dma_start3A_120, %add3A_111] : memref<3x16384xi32, #tpu.memory_space<hbm>> -> memref<1x384xi32, #tpu.memory_space<hbm>>
    tpu.enqueue_dma source(%dma_start3A_121 : memref<1x384xi32, #tpu.memory_space<hbm>>) target(%dma_start3A_119 : memref<1x384xi32, #tpu.memory_space<vmem>>) target_semaphore(%arg26 : memref<!tpu.dma_semaphore, #tpu.memory_space<semaphore_mem>>)
    %add3A_122 = arith.constant 128 : i32
    %add3A_123 = arith.addi %mul3A_2, %add3A_122 : i32
    %dma_start3A_124 = arith.constant 0 : i32
    %dma_start3A_125 = arith.constant 128 : i32
    %dma_start3A_126 = tpu.memref_slice %arg12[%dma_start3A_124, %dma_start3A_125] : memref<1x512xi32, #tpu.memory_space<vmem>> -> memref<1x384xi32, #tpu.memory_space<vmem>>
    %dma_start3A_127 = arith.constant 2 : i32
    %dma_start3A_128 = tpu.memref_slice %arg3[%dma_start3A_127, %add3A_123] : memref<3x16384xi32, #tpu.memory_space<hbm>> -> memref<1x384xi32, #tpu.memory_space<hbm>>
    %dma_start3A_129 = arith.constant 0 : i32
    %dma_start3A_130 = arith.constant 128 : i32
    %dma_start3A_131 = tpu.memref_slice %arg12[%dma_start3A_129, %dma_start3A_130] : memref<1x512xi32, #tpu.memory_space<vmem>> -> memref<1x384xi32, #tpu.memory_space<vmem>>
    %dma_start3A_132 = arith.constant 2 : i32
    %dma_start3A_133 = tpu.memref_slice %arg3[%dma_start3A_132, %add3A_123] : memref<3x16384xi32, #tpu.memory_space<hbm>> -> memref<1x384xi32, #tpu.memory_space<hbm>>
    tpu.enqueue_dma source(%dma_start3A_133 : memref<1x384xi32, #tpu.memory_space<hbm>>) target(%dma_start3A_131 : memref<1x384xi32, #tpu.memory_space<vmem>>) target_semaphore(%arg26 : memref<!tpu.dma_semaphore, #tpu.memory_space<semaphore_mem>>)
    %dma_wait3A = arith.constant 0 : i32
    %dma_wait3A_134 = arith.constant 0 : i32
    %dma_wait3A_135 = tpu.memref_slice %arg7[%dma_wait3A, %dma_wait3A_134] : memref<1x512xi32, #tpu.memory_space<vmem>> -> memref<1x128xi32, #tpu.memory_space<vmem>>
    %dma_wait3A_136 = arith.constant 0 : i32
    %dma_wait3A_137 = tpu.memref_slice %arg2[%dma_wait3A_136, %mul3A_2] : memref<3x16384xi32, #tpu.memory_space<hbm>> -> memref<1x128xi32, #tpu.memory_space<hbm>>
    %dma_wait3A_138 = arith.constant 0 : i32
    %dma_wait3A_139 = arith.constant 0 : i32
    %dma_wait3A_140 = tpu.memref_slice %arg7[%dma_wait3A_138, %dma_wait3A_139] : memref<1x512xi32, #tpu.memory_space<vmem>> -> memref<1x128xi32, #tpu.memory_space<vmem>>
    %dma_wait3A_141 = arith.constant 0 : i32
    %dma_wait3A_142 = tpu.memref_slice %arg2[%dma_wait3A_141, %mul3A_2] : memref<3x16384xi32, #tpu.memory_space<hbm>> -> memref<1x128xi32, #tpu.memory_space<hbm>>
    tpu.wait_dma2 semaphore(%arg26 : memref<!tpu.dma_semaphore, #tpu.memory_space<semaphore_mem>>) src(%dma_wait3A_142 : memref<1x128xi32, #tpu.memory_space<hbm>>) dst(%dma_wait3A_140 : memref<1x128xi32, #tpu.memory_space<vmem>>)
    %dma_wait3A_143 = arith.constant 0 : i32
    %dma_wait3A_144 = arith.constant 0 : i32
    %dma_wait3A_145 = tpu.memref_slice %arg8[%dma_wait3A_143, %dma_wait3A_144] : memref<1x512xi32, #tpu.memory_space<vmem>> -> memref<1x128xi32, #tpu.memory_space<vmem>>
    %dma_wait3A_146 = arith.constant 1 : i32
    %dma_wait3A_147 = tpu.memref_slice %arg2[%dma_wait3A_146, %mul3A_2] : memref<3x16384xi32, #tpu.memory_space<hbm>> -> memref<1x128xi32, #tpu.memory_space<hbm>>
    %dma_wait3A_148 = arith.constant 0 : i32
    %dma_wait3A_149 = arith.constant 0 : i32
    %dma_wait3A_150 = tpu.memref_slice %arg8[%dma_wait3A_148, %dma_wait3A_149] : memref<1x512xi32, #tpu.memory_space<vmem>> -> memref<1x128xi32, #tpu.memory_space<vmem>>
    %dma_wait3A_151 = arith.constant 1 : i32
    %dma_wait3A_152 = tpu.memref_slice %arg2[%dma_wait3A_151, %mul3A_2] : memref<3x16384xi32, #tpu.memory_space<hbm>> -> memref<1x128xi32, #tpu.memory_space<hbm>>
    tpu.wait_dma2 semaphore(%arg26 : memref<!tpu.dma_semaphore, #tpu.memory_space<semaphore_mem>>) src(%dma_wait3A_152 : memref<1x128xi32, #tpu.memory_space<hbm>>) dst(%dma_wait3A_150 : memref<1x128xi32, #tpu.memory_space<vmem>>)
    %dma_wait3A_153 = arith.constant 0 : i32
    %dma_wait3A_154 = arith.constant 0 : i32
    %dma_wait3A_155 = tpu.memref_slice %arg9[%dma_wait3A_153, %dma_wait3A_154] : memref<1x512xi32, #tpu.memory_space<vmem>> -> memref<1x128xi32, #tpu.memory_space<vmem>>
    %dma_wait3A_156 = arith.constant 2 : i32
    %dma_wait3A_157 = tpu.memref_slice %arg2[%dma_wait3A_156, %mul3A_2] : memref<3x16384xi32, #tpu.memory_space<hbm>> -> memref<1x128xi32, #tpu.memory_space<hbm>>
    %dma_wait3A_158 = arith.constant 0 : i32
    %dma_wait3A_159 = arith.constant 0 : i32
    %dma_wait3A_160 = tpu.memref_slice %arg9[%dma_wait3A_158, %dma_wait3A_159] : memref<1x512xi32, #tpu.memory_space<vmem>> -> memref<1x128xi32, #tpu.memory_space<vmem>>
    %dma_wait3A_161 = arith.constant 2 : i32
    %dma_wait3A_162 = tpu.memref_slice %arg2[%dma_wait3A_161, %mul3A_2] : memref<3x16384xi32, #tpu.memory_space<hbm>> -> memref<1x128xi32, #tpu.memory_space<hbm>>
    tpu.wait_dma2 semaphore(%arg26 : memref<!tpu.dma_semaphore, #tpu.memory_space<semaphore_mem>>) src(%dma_wait3A_162 : memref<1x128xi32, #tpu.memory_space<hbm>>) dst(%dma_wait3A_160 : memref<1x128xi32, #tpu.memory_space<vmem>>)
    %dma_wait3A_163 = arith.constant 0 : i32
    %dma_wait3A_164 = arith.constant 0 : i32
    %dma_wait3A_165 = tpu.memref_slice %arg10[%dma_wait3A_163, %dma_wait3A_164] : memref<1x512xi32, #tpu.memory_space<vmem>> -> memref<1x128xi32, #tpu.memory_space<vmem>>
    %dma_wait3A_166 = arith.constant 0 : i32
    %dma_wait3A_167 = tpu.memref_slice %arg3[%dma_wait3A_166, %mul3A_2] : memref<3x16384xi32, #tpu.memory_space<hbm>> -> memref<1x128xi32, #tpu.memory_space<hbm>>
    %dma_wait3A_168 = arith.constant 0 : i32
    %dma_wait3A_169 = arith.constant 0 : i32
    %dma_wait3A_170 = tpu.memref_slice %arg10[%dma_wait3A_168, %dma_wait3A_169] : memref<1x512xi32, #tpu.memory_space<vmem>> -> memref<1x128xi32, #tpu.memory_space<vmem>>
    %dma_wait3A_171 = arith.constant 0 : i32
    %dma_wait3A_172 = tpu.memref_slice %arg3[%dma_wait3A_171, %mul3A_2] : memref<3x16384xi32, #tpu.memory_space<hbm>> -> memref<1x128xi32, #tpu.memory_space<hbm>>
    tpu.wait_dma2 semaphore(%arg26 : memref<!tpu.dma_semaphore, #tpu.memory_space<semaphore_mem>>) src(%dma_wait3A_172 : memref<1x128xi32, #tpu.memory_space<hbm>>) dst(%dma_wait3A_170 : memref<1x128xi32, #tpu.memory_space<vmem>>)
    %dma_wait3A_173 = arith.constant 0 : i32
    %dma_wait3A_174 = arith.constant 0 : i32
    %dma_wait3A_175 = tpu.memref_slice %arg11[%dma_wait3A_173, %dma_wait3A_174] : memref<1x512xi32, #tpu.memory_space<vmem>> -> memref<1x128xi32, #tpu.memory_space<vmem>>
    %dma_wait3A_176 = arith.constant 1 : i32
    %dma_wait3A_177 = tpu.memref_slice %arg3[%dma_wait3A_176, %mul3A_2] : memref<3x16384xi32, #tpu.memory_space<hbm>> -> memref<1x128xi32, #tpu.memory_space<hbm>>
    %dma_wait3A_178 = arith.constant 0 : i32
    %dma_wait3A_179 = arith.constant 0 : i32
    %dma_wait3A_180 = tpu.memref_slice %arg11[%dma_wait3A_178, %dma_wait3A_179] : memref<1x512xi32, #tpu.memory_space<vmem>> -> memref<1x128xi32, #tpu.memory_space<vmem>>
    %dma_wait3A_181 = arith.constant 1 : i32
    %dma_wait3A_182 = tpu.memref_slice %arg3[%dma_wait3A_181, %mul3A_2] : memref<3x16384xi32, #tpu.memory_space<hbm>> -> memref<1x128xi32, #tpu.memory_space<hbm>>
    tpu.wait_dma2 semaphore(%arg26 : memref<!tpu.dma_semaphore, #tpu.memory_space<semaphore_mem>>) src(%dma_wait3A_182 : memref<1x128xi32, #tpu.memory_space<hbm>>) dst(%dma_wait3A_180 : memref<1x128xi32, #tpu.memory_space<vmem>>)
    %dma_wait3A_183 = arith.constant 0 : i32
    %dma_wait3A_184 = arith.constant 0 : i32
    %dma_wait3A_185 = tpu.memref_slice %arg12[%dma_wait3A_183, %dma_wait3A_184] : memref<1x512xi32, #tpu.memory_space<vmem>> -> memref<1x128xi32, #tpu.memory_space<vmem>>
    %dma_wait3A_186 = arith.constant 2 : i32
    %dma_wait3A_187 = tpu.memref_slice %arg3[%dma_wait3A_186, %mul3A_2] : memref<3x16384xi32, #tpu.memory_space<hbm>> -> memref<1x128xi32, #tpu.memory_space<hbm>>
    %dma_wait3A_188 = arith.constant 0 : i32
    %dma_wait3A_189 = arith.constant 0 : i32
    %dma_wait3A_190 = tpu.memref_slice %arg12[%dma_wait3A_188, %dma_wait3A_189] : memref<1x512xi32, #tpu.memory_space<vmem>> -> memref<1x128xi32, #tpu.memory_space<vmem>>
    %dma_wait3A_191 = arith.constant 2 : i32
    %dma_wait3A_192 = tpu.memref_slice %arg3[%dma_wait3A_191, %mul3A_2] : memref<3x16384xi32, #tpu.memory_space<hbm>> -> memref<1x128xi32, #tpu.memory_space<hbm>>
    tpu.wait_dma2 semaphore(%arg26 : memref<!tpu.dma_semaphore, #tpu.memory_space<semaphore_mem>>) src(%dma_wait3A_192 : memref<1x128xi32, #tpu.memory_space<hbm>>) dst(%dma_wait3A_190 : memref<1x128xi32, #tpu.memory_space<vmem>>)
    %iota3A = tpu.iota {dimensions = array<i32: 0>} : vector<16xi32>
    %broadcast_in_dim3A = arith.constant 0.000000e+00 : f32
    %broadcast_in_dim3A_193 = vector.broadcast %broadcast_in_dim3A : f32 to vector<16xf32>
    %dma_start3A_194 = arith.constant 0 : i32
    %dma_start3A_195 = arith.constant 0 : i32
    %dma_start3A_196 = tpu.memref_slice %arg7[%dma_start3A_194, %dma_start3A_195] : memref<1x512xi32, #tpu.memory_space<vmem>> -> memref<1x64xi32, #tpu.memory_space<vmem>>
    %dma_start3A_197 = tpu.memref_squeeze %dma_start3A_196 : memref<1x64xi32, #tpu.memory_space<vmem>> -> memref<64xi32, #tpu.memory_space<vmem>>
    %dma_start3A_198 = arith.constant 0 : i32
    %dma_start3A_199 = arith.constant 0 : i32
    %dma_start3A_200 = tpu.memref_slice %arg4[%dma_start3A_198, %dma_start3A_199] : memref<100000x128xf32, #tpu.memory_space<hbm>> -> memref<100000x128xf32, #tpu.memory_space<hbm>>
    tpu.enqueue_indirect_dma source(%dma_start3A_200 : memref<100000x128xf32, #tpu.memory_space<hbm>>) target(%arg13 : memref<64x128xf32, #tpu.memory_space<vmem>>) offsets(%dma_start3A_197 : memref<64xi32, #tpu.memory_space<vmem>>) semaphore(%arg26 : memref<!tpu.dma_semaphore, #tpu.memory_space<semaphore_mem>>)
    %dma_start3A_201 = arith.constant 0 : i32
    %dma_start3A_202 = arith.constant 0 : i32
    %dma_start3A_203 = tpu.memref_slice %arg8[%dma_start3A_201, %dma_start3A_202] : memref<1x512xi32, #tpu.memory_space<vmem>> -> memref<1x64xi32, #tpu.memory_space<vmem>>
    %dma_start3A_204 = tpu.memref_squeeze %dma_start3A_203 : memref<1x64xi32, #tpu.memory_space<vmem>> -> memref<64xi32, #tpu.memory_space<vmem>>
    %dma_start3A_205 = arith.constant 0 : i32
    %dma_start3A_206 = arith.constant 0 : i32
    %dma_start3A_207 = tpu.memref_slice %arg5[%dma_start3A_205, %dma_start3A_206] : memref<100000x128xf32, #tpu.memory_space<hbm>> -> memref<100000x128xf32, #tpu.memory_space<hbm>>
    tpu.enqueue_indirect_dma source(%dma_start3A_207 : memref<100000x128xf32, #tpu.memory_space<hbm>>) target(%arg14 : memref<64x128xf32, #tpu.memory_space<vmem>>) offsets(%dma_start3A_204 : memref<64xi32, #tpu.memory_space<vmem>>) semaphore(%arg26 : memref<!tpu.dma_semaphore, #tpu.memory_space<semaphore_mem>>)
    %dma_start3A_208 = arith.constant 0 : i32
    %dma_start3A_209 = arith.constant 0 : i32
    %dma_start3A_210 = tpu.memref_slice %arg9[%dma_start3A_208, %dma_start3A_209] : memref<1x512xi32, #tpu.memory_space<vmem>> -> memref<1x64xi32, #tpu.memory_space<vmem>>
    %dma_start3A_211 = tpu.memref_squeeze %dma_start3A_210 : memref<1x64xi32, #tpu.memory_space<vmem>> -> memref<64xi32, #tpu.memory_space<vmem>>
    %dma_start3A_212 = arith.constant 0 : i32
    %dma_start3A_213 = arith.constant 0 : i32
    %dma_start3A_214 = tpu.memref_slice %arg4[%dma_start3A_212, %dma_start3A_213] : memref<100000x128xf32, #tpu.memory_space<hbm>> -> memref<100000x128xf32, #tpu.memory_space<hbm>>
    tpu.enqueue_indirect_dma source(%dma_start3A_214 : memref<100000x128xf32, #tpu.memory_space<hbm>>) target(%arg15 : memref<64x128xf32, #tpu.memory_space<vmem>>) offsets(%dma_start3A_211 : memref<64xi32, #tpu.memory_space<vmem>>) semaphore(%arg26 : memref<!tpu.dma_semaphore, #tpu.memory_space<semaphore_mem>>)
    %dma_start3A_215 = arith.constant 0 : i32
    %dma_start3A_216 = arith.constant 0 : i32
    %dma_start3A_217 = tpu.memref_slice %arg10[%dma_start3A_215, %dma_start3A_216] : memref<1x512xi32, #tpu.memory_space<vmem>> -> memref<1x64xi32, #tpu.memory_space<vmem>>
    %dma_start3A_218 = tpu.memref_squeeze %dma_start3A_217 : memref<1x64xi32, #tpu.memory_space<vmem>> -> memref<64xi32, #tpu.memory_space<vmem>>
    %dma_start3A_219 = arith.constant 0 : i32
    %dma_start3A_220 = arith.constant 0 : i32
    %dma_start3A_221 = tpu.memref_slice %arg4[%dma_start3A_219, %dma_start3A_220] : memref<100000x128xf32, #tpu.memory_space<hbm>> -> memref<100000x128xf32, #tpu.memory_space<hbm>>
    tpu.enqueue_indirect_dma source(%dma_start3A_221 : memref<100000x128xf32, #tpu.memory_space<hbm>>) target(%arg16 : memref<64x128xf32, #tpu.memory_space<vmem>>) offsets(%dma_start3A_218 : memref<64xi32, #tpu.memory_space<vmem>>) semaphore(%arg26 : memref<!tpu.dma_semaphore, #tpu.memory_space<semaphore_mem>>)
    %dma_start3A_222 = arith.constant 0 : i32
    %dma_start3A_223 = arith.constant 0 : i32
    %dma_start3A_224 = tpu.memref_slice %arg11[%dma_start3A_222, %dma_start3A_223] : memref<1x512xi32, #tpu.memory_space<vmem>> -> memref<1x64xi32, #tpu.memory_space<vmem>>
    %dma_start3A_225 = tpu.memref_squeeze %dma_start3A_224 : memref<1x64xi32, #tpu.memory_space<vmem>> -> memref<64xi32, #tpu.memory_space<vmem>>
    %dma_start3A_226 = arith.constant 0 : i32
    %dma_start3A_227 = arith.constant 0 : i32
    %dma_start3A_228 = tpu.memref_slice %arg5[%dma_start3A_226, %dma_start3A_227] : memref<100000x128xf32, #tpu.memory_space<hbm>> -> memref<100000x128xf32, #tpu.memory_space<hbm>>
    tpu.enqueue_indirect_dma source(%dma_start3A_228 : memref<100000x128xf32, #tpu.memory_space<hbm>>) target(%arg17 : memref<64x128xf32, #tpu.memory_space<vmem>>) offsets(%dma_start3A_225 : memref<64xi32, #tpu.memory_space<vmem>>) semaphore(%arg26 : memref<!tpu.dma_semaphore, #tpu.memory_space<semaphore_mem>>)
    %dma_start3A_229 = arith.constant 0 : i32
    %dma_start3A_230 = arith.constant 0 : i32
    %dma_start3A_231 = tpu.memref_slice %arg12[%dma_start3A_229, %dma_start3A_230] : memref<1x512xi32, #tpu.memory_space<vmem>> -> memref<1x64xi32, #tpu.memory_space<vmem>>
    %dma_start3A_232 = tpu.memref_squeeze %dma_start3A_231 : memref<1x64xi32, #tpu.memory_space<vmem>> -> memref<64xi32, #tpu.memory_space<vmem>>
    %dma_start3A_233 = arith.constant 0 : i32
    %dma_start3A_234 = arith.constant 0 : i32
    %dma_start3A_235 = tpu.memref_slice %arg4[%dma_start3A_233, %dma_start3A_234] : memref<100000x128xf32, #tpu.memory_space<hbm>> -> memref<100000x128xf32, #tpu.memory_space<hbm>>
    tpu.enqueue_indirect_dma source(%dma_start3A_235 : memref<100000x128xf32, #tpu.memory_space<hbm>>) target(%arg18 : memref<64x128xf32, #tpu.memory_space<vmem>>) offsets(%dma_start3A_232 : memref<64xi32, #tpu.memory_space<vmem>>) semaphore(%arg26 : memref<!tpu.dma_semaphore, #tpu.memory_space<semaphore_mem>>)
    %dma_wait3A_236 = arith.constant 0 : i32
    %dma_wait3A_237 = arith.constant 128 : i32
    %dma_wait3A_238 = tpu.memref_slice %arg7[%dma_wait3A_236, %dma_wait3A_237] : memref<1x512xi32, #tpu.memory_space<vmem>> -> memref<1x384xi32, #tpu.memory_space<vmem>>
    %dma_wait3A_239 = arith.constant 0 : i32
    %dma_wait3A_240 = tpu.memref_slice %arg2[%dma_wait3A_239, %add3A_63] : memref<3x16384xi32, #tpu.memory_space<hbm>> -> memref<1x384xi32, #tpu.memory_space<hbm>>
    %dma_wait3A_241 = arith.constant 0 : i32
    %dma_wait3A_242 = arith.constant 128 : i32
    %dma_wait3A_243 = tpu.memref_slice %arg7[%dma_wait3A_241, %dma_wait3A_242] : memref<1x512xi32, #tpu.memory_space<vmem>> -> memref<1x384xi32, #tpu.memory_space<vmem>>
    %dma_wait3A_244 = arith.constant 0 : i32
    %dma_wait3A_245 = tpu.memref_slice %arg2[%dma_wait3A_244, %add3A_63] : memref<3x16384xi32, #tpu.memory_space<hbm>> -> memref<1x384xi32, #tpu.memory_space<hbm>>
    tpu.wait_dma2 semaphore(%arg26 : memref<!tpu.dma_semaphore, #tpu.memory_space<semaphore_mem>>) src(%dma_wait3A_245 : memref<1x384xi32, #tpu.memory_space<hbm>>) dst(%dma_wait3A_243 : memref<1x384xi32, #tpu.memory_space<vmem>>)
    %dma_wait3A_246 = arith.constant 0 : i32
    %dma_wait3A_247 = arith.constant 128 : i32
    %dma_wait3A_248 = tpu.memref_slice %arg8[%dma_wait3A_246, %dma_wait3A_247] : memref<1x512xi32, #tpu.memory_space<vmem>> -> memref<1x384xi32, #tpu.memory_space<vmem>>
    %dma_wait3A_249 = arith.constant 1 : i32
    %dma_wait3A_250 = tpu.memref_slice %arg2[%dma_wait3A_249, %add3A_75] : memref<3x16384xi32, #tpu.memory_space<hbm>> -> memref<1x384xi32, #tpu.memory_space<hbm>>
    %dma_wait3A_251 = arith.constant 0 : i32
    %dma_wait3A_252 = arith.constant 128 : i32
    %dma_wait3A_253 = tpu.memref_slice %arg8[%dma_wait3A_251, %dma_wait3A_252] : memref<1x512xi32, #tpu.memory_space<vmem>> -> memref<1x384xi32, #tpu.memory_space<vmem>>
    %dma_wait3A_254 = arith.constant 1 : i32
    %dma_wait3A_255 = tpu.memref_slice %arg2[%dma_wait3A_254, %add3A_75] : memref<3x16384xi32, #tpu.memory_space<hbm>> -> memref<1x384xi32, #tpu.memory_space<hbm>>
    tpu.wait_dma2 semaphore(%arg26 : memref<!tpu.dma_semaphore, #tpu.memory_space<semaphore_mem>>) src(%dma_wait3A_255 : memref<1x384xi32, #tpu.memory_space<hbm>>) dst(%dma_wait3A_253 : memref<1x384xi32, #tpu.memory_space<vmem>>)
    %dma_wait3A_256 = arith.constant 0 : i32
    %dma_wait3A_257 = arith.constant 128 : i32
    %dma_wait3A_258 = tpu.memref_slice %arg9[%dma_wait3A_256, %dma_wait3A_257] : memref<1x512xi32, #tpu.memory_space<vmem>> -> memref<1x384xi32, #tpu.memory_space<vmem>>
    %dma_wait3A_259 = arith.constant 2 : i32
    %dma_wait3A_260 = tpu.memref_slice %arg2[%dma_wait3A_259, %add3A_87] : memref<3x16384xi32, #tpu.memory_space<hbm>> -> memref<1x384xi32, #tpu.memory_space<hbm>>
    %dma_wait3A_261 = arith.constant 0 : i32
    %dma_wait3A_262 = arith.constant 128 : i32
    %dma_wait3A_263 = tpu.memref_slice %arg9[%dma_wait3A_261, %dma_wait3A_262] : memref<1x512xi32, #tpu.memory_space<vmem>> -> memref<1x384xi32, #tpu.memory_space<vmem>>
    %dma_wait3A_264 = arith.constant 2 : i32
    %dma_wait3A_265 = tpu.memref_slice %arg2[%dma_wait3A_264, %add3A_87] : memref<3x16384xi32, #tpu.memory_space<hbm>> -> memref<1x384xi32, #tpu.memory_space<hbm>>
    tpu.wait_dma2 semaphore(%arg26 : memref<!tpu.dma_semaphore, #tpu.memory_space<semaphore_mem>>) src(%dma_wait3A_265 : memref<1x384xi32, #tpu.memory_space<hbm>>) dst(%dma_wait3A_263 : memref<1x384xi32, #tpu.memory_space<vmem>>)
    %dma_wait3A_266 = arith.constant 0 : i32
    %dma_wait3A_267 = arith.constant 128 : i32
    %dma_wait3A_268 = tpu.memref_slice %arg10[%dma_wait3A_266, %dma_wait3A_267] : memref<1x512xi32, #tpu.memory_space<vmem>> -> memref<1x384xi32, #tpu.memory_space<vmem>>
    %dma_wait3A_269 = arith.constant 0 : i32
    %dma_wait3A_270 = tpu.memref_slice %arg3[%dma_wait3A_269, %add3A_99] : memref<3x16384xi32, #tpu.memory_space<hbm>> -> memref<1x384xi32, #tpu.memory_space<hbm>>
    %dma_wait3A_271 = arith.constant 0 : i32
    %dma_wait3A_272 = arith.constant 128 : i32
    %dma_wait3A_273 = tpu.memref_slice %arg10[%dma_wait3A_271, %dma_wait3A_272] : memref<1x512xi32, #tpu.memory_space<vmem>> -> memref<1x384xi32, #tpu.memory_space<vmem>>
    %dma_wait3A_274 = arith.constant 0 : i32
    %dma_wait3A_275 = tpu.memref_slice %arg3[%dma_wait3A_274, %add3A_99] : memref<3x16384xi32, #tpu.memory_space<hbm>> -> memref<1x384xi32, #tpu.memory_space<hbm>>
    tpu.wait_dma2 semaphore(%arg26 : memref<!tpu.dma_semaphore, #tpu.memory_space<semaphore_mem>>) src(%dma_wait3A_275 : memref<1x384xi32, #tpu.memory_space<hbm>>) dst(%dma_wait3A_273 : memref<1x384xi32, #tpu.memory_space<vmem>>)
    %dma_wait3A_276 = arith.constant 0 : i32
    %dma_wait3A_277 = arith.constant 128 : i32
    %dma_wait3A_278 = tpu.memref_slice %arg11[%dma_wait3A_276, %dma_wait3A_277] : memref<1x512xi32, #tpu.memory_space<vmem>> -> memref<1x384xi32, #tpu.memory_space<vmem>>
    %dma_wait3A_279 = arith.constant 1 : i32
    %dma_wait3A_280 = tpu.memref_slice %arg3[%dma_wait3A_279, %add3A_111] : memref<3x16384xi32, #tpu.memory_space<hbm>> -> memref<1x384xi32, #tpu.memory_space<hbm>>
    %dma_wait3A_281 = arith.constant 0 : i32
    %dma_wait3A_282 = arith.constant 128 : i32
    %dma_wait3A_283 = tpu.memref_slice %arg11[%dma_wait3A_281, %dma_wait3A_282] : memref<1x512xi32, #tpu.memory_space<vmem>> -> memref<1x384xi32, #tpu.memory_space<vmem>>
    %dma_wait3A_284 = arith.constant 1 : i32
    %dma_wait3A_285 = tpu.memref_slice %arg3[%dma_wait3A_284, %add3A_111] : memref<3x16384xi32, #tpu.memory_space<hbm>> -> memref<1x384xi32, #tpu.memory_space<hbm>>
    tpu.wait_dma2 semaphore(%arg26 : memref<!tpu.dma_semaphore, #tpu.memory_space<semaphore_mem>>) src(%dma_wait3A_285 : memref<1x384xi32, #tpu.memory_space<hbm>>) dst(%dma_wait3A_283 : memref<1x384xi32, #tpu.memory_space<vmem>>)
    %dma_wait3A_286 = arith.constant 0 : i32
    %dma_wait3A_287 = arith.constant 128 : i32
    %dma_wait3A_288 = tpu.memref_slice %arg12[%dma_wait3A_286, %dma_wait3A_287] : memref<1x512xi32, #tpu.memory_space<vmem>> -> memref<1x384xi32, #tpu.memory_space<vmem>>
    %dma_wait3A_289 = arith.constant 2 : i32
    %dma_wait3A_290 = tpu.memref_slice %arg3[%dma_wait3A_289, %add3A_123] : memref<3x16384xi32, #tpu.memory_space<hbm>> -> memref<1x384xi32, #tpu.memory_space<hbm>>
    %dma_wait3A_291 = arith.constant 0 : i32
    %dma_wait3A_292 = arith.constant 128 : i32
    %dma_wait3A_293 = tpu.memref_slice %arg12[%dma_wait3A_291, %dma_wait3A_292] : memref<1x512xi32, #tpu.memory_space<vmem>> -> memref<1x384xi32, #tpu.memory_space<vmem>>
    %dma_wait3A_294 = arith.constant 2 : i32
    %dma_wait3A_295 = tpu.memref_slice %arg3[%dma_wait3A_294, %add3A_123] : memref<3x16384xi32, #tpu.memory_space<hbm>> -> memref<1x384xi32, #tpu.memory_space<hbm>>
    tpu.wait_dma2 semaphore(%arg26 : memref<!tpu.dma_semaphore, #tpu.memory_space<semaphore_mem>>) src(%dma_wait3A_295 : memref<1x384xi32, #tpu.memory_space<hbm>>) dst(%dma_wait3A_293 : memref<1x384xi32, #tpu.memory_space<vmem>>)
    %dma_start3A_296 = arith.constant 0 : i32
    %dma_start3A_297 = arith.constant 64 : i32
    %dma_start3A_298 = tpu.memref_slice %arg7[%dma_start3A_296, %dma_start3A_297] : memref<1x512xi32, #tpu.memory_space<vmem>> -> memref<1x64xi32, #tpu.memory_space<vmem>>
    %dma_start3A_299 = tpu.memref_squeeze %dma_start3A_298 : memref<1x64xi32, #tpu.memory_space<vmem>> -> memref<64xi32, #tpu.memory_space<vmem>>
    %dma_start3A_300 = arith.constant 0 : i32
    %dma_start3A_301 = arith.constant 0 : i32
    %dma_start3A_302 = tpu.memref_slice %arg4[%dma_start3A_300, %dma_start3A_301] : memref<100000x128xf32, #tpu.memory_space<hbm>> -> memref<100000x128xf32, #tpu.memory_space<hbm>>
    tpu.enqueue_indirect_dma source(%dma_start3A_302 : memref<100000x128xf32, #tpu.memory_space<hbm>>) target(%arg19 : memref<64x128xf32, #tpu.memory_space<vmem>>) offsets(%dma_start3A_299 : memref<64xi32, #tpu.memory_space<vmem>>) semaphore(%arg26 : memref<!tpu.dma_semaphore, #tpu.memory_space<semaphore_mem>>)
    %dma_start3A_303 = arith.constant 0 : i32
    %dma_start3A_304 = arith.constant 64 : i32
    %dma_start3A_305 = tpu.memref_slice %arg8[%dma_start3A_303, %dma_start3A_304] : memref<1x512xi32, #tpu.memory_space<vmem>> -> memref<1x64xi32, #tpu.memory_space<vmem>>
    %dma_start3A_306 = tpu.memref_squeeze %dma_start3A_305 : memref<1x64xi32, #tpu.memory_space<vmem>> -> memref<64xi32, #tpu.memory_space<vmem>>
    %dma_start3A_307 = arith.constant 0 : i32
    %dma_start3A_308 = arith.constant 0 : i32
    %dma_start3A_309 = tpu.memref_slice %arg5[%dma_start3A_307, %dma_start3A_308] : memref<100000x128xf32, #tpu.memory_space<hbm>> -> memref<100000x128xf32, #tpu.memory_space<hbm>>
    tpu.enqueue_indirect_dma source(%dma_start3A_309 : memref<100000x128xf32, #tpu.memory_space<hbm>>) target(%arg20 : memref<64x128xf32, #tpu.memory_space<vmem>>) offsets(%dma_start3A_306 : memref<64xi32, #tpu.memory_space<vmem>>) semaphore(%arg26 : memref<!tpu.dma_semaphore, #tpu.memory_space<semaphore_mem>>)
    %dma_start3A_310 = arith.constant 0 : i32
    %dma_start3A_311 = arith.constant 64 : i32
    %dma_start3A_312 = tpu.memref_slice %arg9[%dma_start3A_310, %dma_start3A_311] : memref<1x512xi32, #tpu.memory_space<vmem>> -> memref<1x64xi32, #tpu.memory_space<vmem>>
    %dma_start3A_313 = tpu.memref_squeeze %dma_start3A_312 : memref<1x64xi32, #tpu.memory_space<vmem>> -> memref<64xi32, #tpu.memory_space<vmem>>
    %dma_start3A_314 = arith.constant 0 : i32
    %dma_start3A_315 = arith.constant 0 : i32
    %dma_start3A_316 = tpu.memref_slice %arg4[%dma_start3A_314, %dma_start3A_315] : memref<100000x128xf32, #tpu.memory_space<hbm>> -> memref<100000x128xf32, #tpu.memory_space<hbm>>
    tpu.enqueue_indirect_dma source(%dma_start3A_316 : memref<100000x128xf32, #tpu.memory_space<hbm>>) target(%arg21 : memref<64x128xf32, #tpu.memory_space<vmem>>) offsets(%dma_start3A_313 : memref<64xi32, #tpu.memory_space<vmem>>) semaphore(%arg26 : memref<!tpu.dma_semaphore, #tpu.memory_space<semaphore_mem>>)
    %dma_start3A_317 = arith.constant 0 : i32
    %dma_start3A_318 = arith.constant 64 : i32
    %dma_start3A_319 = tpu.memref_slice %arg10[%dma_start3A_317, %dma_start3A_318] : memref<1x512xi32, #tpu.memory_space<vmem>> -> memref<1x64xi32, #tpu.memory_space<vmem>>
    %dma_start3A_320 = tpu.memref_squeeze %dma_start3A_319 : memref<1x64xi32, #tpu.memory_space<vmem>> -> memref<64xi32, #tpu.memory_space<vmem>>
    %dma_start3A_321 = arith.constant 0 : i32
    %dma_start3A_322 = arith.constant 0 : i32
    %dma_start3A_323 = tpu.memref_slice %arg4[%dma_start3A_321, %dma_start3A_322] : memref<100000x128xf32, #tpu.memory_space<hbm>> -> memref<100000x128xf32, #tpu.memory_space<hbm>>
    tpu.enqueue_indirect_dma source(%dma_start3A_323 : memref<100000x128xf32, #tpu.memory_space<hbm>>) target(%arg22 : memref<64x128xf32, #tpu.memory_space<vmem>>) offsets(%dma_start3A_320 : memref<64xi32, #tpu.memory_space<vmem>>) semaphore(%arg26 : memref<!tpu.dma_semaphore, #tpu.memory_space<semaphore_mem>>)
    %dma_start3A_324 = arith.constant 0 : i32
    %dma_start3A_325 = arith.constant 64 : i32
    %dma_start3A_326 = tpu.memref_slice %arg11[%dma_start3A_324, %dma_start3A_325] : memref<1x512xi32, #tpu.memory_space<vmem>> -> memref<1x64xi32, #tpu.memory_space<vmem>>
    %dma_start3A_327 = tpu.memref_squeeze %dma_start3A_326 : memref<1x64xi32, #tpu.memory_space<vmem>> -> memref<64xi32, #tpu.memory_space<vmem>>
    %dma_start3A_328 = arith.constant 0 : i32
    %dma_start3A_329 = arith.constant 0 : i32
    %dma_start3A_330 = tpu.memref_slice %arg5[%dma_start3A_328, %dma_start3A_329] : memref<100000x128xf32, #tpu.memory_space<hbm>> -> memref<100000x128xf32, #tpu.memory_space<hbm>>
    tpu.enqueue_indirect_dma source(%dma_start3A_330 : memref<100000x128xf32, #tpu.memory_space<hbm>>) target(%arg23 : memref<64x128xf32, #tpu.memory_space<vmem>>) offsets(%dma_start3A_327 : memref<64xi32, #tpu.memory_space<vmem>>) semaphore(%arg26 : memref<!tpu.dma_semaphore, #tpu.memory_space<semaphore_mem>>)
    %dma_start3A_331 = arith.constant 0 : i32
    %dma_start3A_332 = arith.constant 64 : i32
    %dma_start3A_333 = tpu.memref_slice %arg12[%dma_start3A_331, %dma_start3A_332] : memref<1x512xi32, #tpu.memory_space<vmem>> -> memref<1x64xi32, #tpu.memory_space<vmem>>
    %dma_start3A_334 = tpu.memref_squeeze %dma_start3A_333 : memref<1x64xi32, #tpu.memory_space<vmem>> -> memref<64xi32, #tpu.memory_space<vmem>>
    %dma_start3A_335 = arith.constant 0 : i32
    %dma_start3A_336 = arith.constant 0 : i32
    %dma_start3A_337 = tpu.memref_slice %arg4[%dma_start3A_335, %dma_start3A_336] : memref<100000x128xf32, #tpu.memory_space<hbm>> -> memref<100000x128xf32, #tpu.memory_space<hbm>>
    tpu.enqueue_indirect_dma source(%dma_start3A_337 : memref<100000x128xf32, #tpu.memory_space<hbm>>) target(%arg24 : memref<64x128xf32, #tpu.memory_space<vmem>>) offsets(%dma_start3A_334 : memref<64xi32, #tpu.memory_space<vmem>>) semaphore(%arg26 : memref<!tpu.dma_semaphore, #tpu.memory_space<semaphore_mem>>)
    %dma_wait3A_338 = arith.constant 0 : i32
    %dma_wait3A_339 = arith.constant 0 : i32
    %dma_wait3A_340 = tpu.memref_slice %arg7[%dma_wait3A_338, %dma_wait3A_339] : memref<1x512xi32, #tpu.memory_space<vmem>> -> memref<1x64xi32, #tpu.memory_space<vmem>>
    %dma_wait3A_341 = tpu.memref_squeeze %dma_wait3A_340 : memref<1x64xi32, #tpu.memory_space<vmem>> -> memref<64xi32, #tpu.memory_space<vmem>>
    %dma_wait3A_342 = arith.constant 0 : i32
    %dma_wait3A_343 = arith.constant 0 : i32
    %dma_wait3A_344 = tpu.memref_slice %arg4[%dma_wait3A_342, %dma_wait3A_343] : memref<100000x128xf32, #tpu.memory_space<hbm>> -> memref<100000x128xf32, #tpu.memory_space<hbm>>
    tpu.wait_indirect_dma semaphore(%arg26 : memref<!tpu.dma_semaphore, #tpu.memory_space<semaphore_mem>>) src(%dma_wait3A_344 : memref<100000x128xf32, #tpu.memory_space<hbm>>) dst(%arg13 : memref<64x128xf32, #tpu.memory_space<vmem>>)
    %dma_wait3A_345 = arith.constant 0 : i32
    %dma_wait3A_346 = arith.constant 0 : i32
    %dma_wait3A_347 = tpu.memref_slice %arg8[%dma_wait3A_345, %dma_wait3A_346] : memref<1x512xi32, #tpu.memory_space<vmem>> -> memref<1x64xi32, #tpu.memory_space<vmem>>
    %dma_wait3A_348 = tpu.memref_squeeze %dma_wait3A_347 : memref<1x64xi32, #tpu.memory_space<vmem>> -> memref<64xi32, #tpu.memory_space<vmem>>
    %dma_wait3A_349 = arith.constant 0 : i32
    %dma_wait3A_350 = arith.constant 0 : i32
    %dma_wait3A_351 = tpu.memref_slice %arg5[%dma_wait3A_349, %dma_wait3A_350] : memref<100000x128xf32, #tpu.memory_space<hbm>> -> memref<100000x128xf32, #tpu.memory_space<hbm>>
    tpu.wait_indirect_dma semaphore(%arg26 : memref<!tpu.dma_semaphore, #tpu.memory_space<semaphore_mem>>) src(%dma_wait3A_351 : memref<100000x128xf32, #tpu.memory_space<hbm>>) dst(%arg14 : memref<64x128xf32, #tpu.memory_space<vmem>>)
    %dma_wait3A_352 = arith.constant 0 : i32
    %dma_wait3A_353 = arith.constant 0 : i32
    %dma_wait3A_354 = tpu.memref_slice %arg9[%dma_wait3A_352, %dma_wait3A_353] : memref<1x512xi32, #tpu.memory_space<vmem>> -> memref<1x64xi32, #tpu.memory_space<vmem>>
    %dma_wait3A_355 = tpu.memref_squeeze %dma_wait3A_354 : memref<1x64xi32, #tpu.memory_space<vmem>> -> memref<64xi32, #tpu.memory_space<vmem>>
    %dma_wait3A_356 = arith.constant 0 : i32
    %dma_wait3A_357 = arith.constant 0 : i32
    %dma_wait3A_358 = tpu.memref_slice %arg4[%dma_wait3A_356, %dma_wait3A_357] : memref<100000x128xf32, #tpu.memory_space<hbm>> -> memref<100000x128xf32, #tpu.memory_space<hbm>>
    tpu.wait_indirect_dma semaphore(%arg26 : memref<!tpu.dma_semaphore, #tpu.memory_space<semaphore_mem>>) src(%dma_wait3A_358 : memref<100000x128xf32, #tpu.memory_space<hbm>>) dst(%arg15 : memref<64x128xf32, #tpu.memory_space<vmem>>)
    %dma_wait3A_359 = arith.constant 0 : i32
    %dma_wait3A_360 = arith.constant 0 : i32
    %dma_wait3A_361 = tpu.memref_slice %arg10[%dma_wait3A_359, %dma_wait3A_360] : memref<1x512xi32, #tpu.memory_space<vmem>> -> memref<1x64xi32, #tpu.memory_space<vmem>>
    %dma_wait3A_362 = tpu.memref_squeeze %dma_wait3A_361 : memref<1x64xi32, #tpu.memory_space<vmem>> -> memref<64xi32, #tpu.memory_space<vmem>>
    %dma_wait3A_363 = arith.constant 0 : i32
    %dma_wait3A_364 = arith.constant 0 : i32
    %dma_wait3A_365 = tpu.memref_slice %arg4[%dma_wait3A_363, %dma_wait3A_364] : memref<100000x128xf32, #tpu.memory_space<hbm>> -> memref<100000x128xf32, #tpu.memory_space<hbm>>
    tpu.wait_indirect_dma semaphore(%arg26 : memref<!tpu.dma_semaphore, #tpu.memory_space<semaphore_mem>>) src(%dma_wait3A_365 : memref<100000x128xf32, #tpu.memory_space<hbm>>) dst(%arg16 : memref<64x128xf32, #tpu.memory_space<vmem>>)
    %dma_wait3A_366 = arith.constant 0 : i32
    %dma_wait3A_367 = arith.constant 0 : i32
    %dma_wait3A_368 = tpu.memref_slice %arg11[%dma_wait3A_366, %dma_wait3A_367] : memref<1x512xi32, #tpu.memory_space<vmem>> -> memref<1x64xi32, #tpu.memory_space<vmem>>
    %dma_wait3A_369 = tpu.memref_squeeze %dma_wait3A_368 : memref<1x64xi32, #tpu.memory_space<vmem>> -> memref<64xi32, #tpu.memory_space<vmem>>
    %dma_wait3A_370 = arith.constant 0 : i32
    %dma_wait3A_371 = arith.constant 0 : i32
    %dma_wait3A_372 = tpu.memref_slice %arg5[%dma_wait3A_370, %dma_wait3A_371] : memref<100000x128xf32, #tpu.memory_space<hbm>> -> memref<100000x128xf32, #tpu.memory_space<hbm>>
    tpu.wait_indirect_dma semaphore(%arg26 : memref<!tpu.dma_semaphore, #tpu.memory_space<semaphore_mem>>) src(%dma_wait3A_372 : memref<100000x128xf32, #tpu.memory_space<hbm>>) dst(%arg17 : memref<64x128xf32, #tpu.memory_space<vmem>>)
    %dma_wait3A_373 = arith.constant 0 : i32
    %dma_wait3A_374 = arith.constant 0 : i32
    %dma_wait3A_375 = tpu.memref_slice %arg12[%dma_wait3A_373, %dma_wait3A_374] : memref<1x512xi32, #tpu.memory_space<vmem>> -> memref<1x64xi32, #tpu.memory_space<vmem>>
    %dma_wait3A_376 = tpu.memref_squeeze %dma_wait3A_375 : memref<1x64xi32, #tpu.memory_space<vmem>> -> memref<64xi32, #tpu.memory_space<vmem>>
    %dma_wait3A_377 = arith.constant 0 : i32
    %dma_wait3A_378 = arith.constant 0 : i32
    %dma_wait3A_379 = tpu.memref_slice %arg4[%dma_wait3A_377, %dma_wait3A_378] : memref<100000x128xf32, #tpu.memory_space<hbm>> -> memref<100000x128xf32, #tpu.memory_space<hbm>>
    tpu.wait_indirect_dma semaphore(%arg26 : memref<!tpu.dma_semaphore, #tpu.memory_space<semaphore_mem>>) src(%dma_wait3A_379 : memref<100000x128xf32, #tpu.memory_space<hbm>>) dst(%arg18 : memref<64x128xf32, #tpu.memory_space<vmem>>)
    %scan3A = arith.constant 0 : i32
    %scan3A_380 = arith.constant 64 : i32
    %scan3A_381 = arith.addi %scan3A, %scan3A_380 : i32
    %scan3A_382 = arith.constant 1 : i32
    %scan3A_383 = scf.for %scan3A_979 = %scan3A to %scan3A_381 step %scan3A_382 iter_args(%scan3A_980 = %broadcast_in_dim3A_193) -> (vector<16xf32>)  : i32 {
      %broadcast_in_dim3A_981 = arith.constant 0.000000e+00 : f32
      %broadcast_in_dim3A_982 = vector.broadcast %broadcast_in_dim3A_981 : f32 to vector<16xf32>
      %get3A = arith.index_cast %scan3A_979 : i32 to index
      %get3A_983 = arith.constant 0 : index
      %get3A_984 = tpu.vector_load %arg13[%get3A, %get3A_983] {strides = array<i32>} : memref<64x128xf32, #tpu.memory_space<vmem>>, vector<1x16xf32>,
      %get3A_985 = vector.shape_cast %get3A_984 : vector<1x16xf32> to vector<16xf32>
      %get3A_986 = arith.index_cast %scan3A_979 : i32 to index
      %get3A_987 = arith.constant 0 : index
      %get3A_988 = tpu.vector_load %arg14[%get3A_986, %get3A_987] {strides = array<i32>} : memref<64x128xf32, #tpu.memory_space<vmem>>, vector<1x16xf32>,
      %get3A_989 = vector.shape_cast %get3A_988 : vector<1x16xf32> to vector<16xf32>
      %add3A_990 = arith.addf %get3A_985, %get3A_989 : vector<16xf32>
      %get3A_991 = arith.index_cast %scan3A_979 : i32 to index
      %get3A_992 = arith.constant 0 : index
      %get3A_993 = tpu.vector_load %arg15[%get3A_991, %get3A_992] {strides = array<i32>} : memref<64x128xf32, #tpu.memory_space<vmem>>, vector<1x16xf32>,
      %get3A_994 = vector.shape_cast %get3A_993 : vector<1x16xf32> to vector<16xf32>
      %sub3A = arith.subf %add3A_990, %get3A_994 : vector<16xf32>
      %abs3A = math.absf %sub3A : vector<16xf32>
      %get3A_995 = arith.index_cast %scan3A_979 : i32 to index
      %get3A_996 = arith.constant 0 : index
      %get3A_997 = tpu.vector_load %arg16[%get3A_995, %get3A_996] {strides = array<i32>} : memref<64x128xf32, #tpu.memory_space<vmem>>, vector<1x16xf32>,
      %get3A_998 = vector.shape_cast %get3A_997 : vector<1x16xf32> to vector<16xf32>
      %get3A_999 = arith.index_cast %scan3A_979 : i32 to index
      %get3A_1000 = arith.constant 0 : index
      %get3A_1001 = tpu.vector_load %arg17[%get3A_999, %get3A_1000] {strides = array<i32>} : memref<64x128xf32, #tpu.memory_space<vmem>>, vector<1x16xf32>,
      %get3A_1002 = vector.shape_cast %get3A_1001 : vector<1x16xf32> to vector<16xf32>
      %add3A_1003 = arith.addf %get3A_998, %get3A_1002 : vector<16xf32>
      %get3A_1004 = arith.index_cast %scan3A_979 : i32 to index
      %get3A_1005 = arith.constant 0 : index
      %get3A_1006 = tpu.vector_load %arg18[%get3A_1004, %get3A_1005] {strides = array<i32>} : memref<64x128xf32, #tpu.memory_space<vmem>>, vector<1x16xf32>,
      %get3A_1007 = vector.shape_cast %get3A_1006 : vector<1x16xf32> to vector<16xf32>
      %sub3A_1008 = arith.subf %add3A_1003, %get3A_1007 : vector<16xf32>
      %abs3A_1009 = math.absf %sub3A_1008 : vector<16xf32>
      %sub3A_1010 = arith.subf %abs3A_1009, %abs3A : vector<16xf32>
      %add3A_1011 = arith.addf %broadcast_in_dim3A_982, %sub3A_1010 : vector<16xf32>
      %get3A_1012 = arith.index_cast %scan3A_979 : i32 to index
      %get3A_1013 = arith.constant 16 : index
      %get3A_1014 = tpu.vector_load %arg13[%get3A_1012, %get3A_1013] {strides = array<i32>} : memref<64x128xf32, #tpu.memory_space<vmem>>, vector<1x16xf32>,
      %get3A_1015 = vector.shape_cast %get3A_1014 : vector<1x16xf32> to vector<16xf32>
      %get3A_1016 = arith.index_cast %scan3A_979 : i32 to index
      %get3A_1017 = arith.constant 16 : index
      %get3A_1018 = tpu.vector_load %arg14[%get3A_1016, %get3A_1017] {strides = array<i32>} : memref<64x128xf32, #tpu.memory_space<vmem>>, vector<1x16xf32>,
      %get3A_1019 = vector.shape_cast %get3A_1018 : vector<1x16xf32> to vector<16xf32>
      %add3A_1020 = arith.addf %get3A_1015, %get3A_1019 : vector<16xf32>
      %get3A_1021 = arith.index_cast %scan3A_979 : i32 to index
      %get3A_1022 = arith.constant 16 : index
      %get3A_1023 = tpu.vector_load %arg15[%get3A_1021, %get3A_1022] {strides = array<i32>} : memref<64x128xf32, #tpu.memory_space<vmem>>, vector<1x16xf32>,
      %get3A_1024 = vector.shape_cast %get3A_1023 : vector<1x16xf32> to vector<16xf32>
      %sub3A_1025 = arith.subf %add3A_1020, %get3A_1024 : vector<16xf32>
      %abs3A_1026 = math.absf %sub3A_1025 : vector<16xf32>
      %get3A_1027 = arith.index_cast %scan3A_979 : i32 to index
      %get3A_1028 = arith.constant 16 : index
      %get3A_1029 = tpu.vector_load %arg16[%get3A_1027, %get3A_1028] {strides = array<i32>} : memref<64x128xf32, #tpu.memory_space<vmem>>, vector<1x16xf32>,
      %get3A_1030 = vector.shape_cast %get3A_1029 : vector<1x16xf32> to vector<16xf32>
      %get3A_1031 = arith.index_cast %scan3A_979 : i32 to index
      %get3A_1032 = arith.constant 16 : index
      %get3A_1033 = tpu.vector_load %arg17[%get3A_1031, %get3A_1032] {strides = array<i32>} : memref<64x128xf32, #tpu.memory_space<vmem>>, vector<1x16xf32>,
      %get3A_1034 = vector.shape_cast %get3A_1033 : vector<1x16xf32> to vector<16xf32>
      %add3A_1035 = arith.addf %get3A_1030, %get3A_1034 : vector<16xf32>
      %get3A_1036 = arith.index_cast %scan3A_979 : i32 to index
      %get3A_1037 = arith.constant 16 : index
      %get3A_1038 = tpu.vector_load %arg18[%get3A_1036, %get3A_1037] {strides = array<i32>} : memref<64x128xf32, #tpu.memory_space<vmem>>, vector<1x16xf32>,
      %get3A_1039 = vector.shape_cast %get3A_1038 : vector<1x16xf32> to vector<16xf32>
      %sub3A_1040 = arith.subf %add3A_1035, %get3A_1039 : vector<16xf32>
      %abs3A_1041 = math.absf %sub3A_1040 : vector<16xf32>
      %sub3A_1042 = arith.subf %abs3A_1041, %abs3A_1026 : vector<16xf32>
      %add3A_1043 = arith.addf %add3A_1011, %sub3A_1042 : vector<16xf32>
      %get3A_1044 = arith.index_cast %scan3A_979 : i32 to index
      %get3A_1045 = arith.constant 32 : index
      %get3A_1046 = tpu.vector_load %arg13[%get3A_1044, %get3A_1045] {strides = array<i32>} : memref<64x128xf32, #tpu.memory_space<vmem>>, vector<1x16xf32>,
      %get3A_1047 = vector.shape_cast %get3A_1046 : vector<1x16xf32> to vector<16xf32>
      %get3A_1048 = arith.index_cast %scan3A_979 : i32 to index
      %get3A_1049 = arith.constant 32 : index
      %get3A_1050 = tpu.vector_load %arg14[%get3A_1048, %get3A_1049] {strides = array<i32>} : memref<64x128xf32, #tpu.memory_space<vmem>>, vector<1x16xf32>,
      %get3A_1051 = vector.shape_cast %get3A_1050 : vector<1x16xf32> to vector<16xf32>
      %add3A_1052 = arith.addf %get3A_1047, %get3A_1051 : vector<16xf32>
      %get3A_1053 = arith.index_cast %scan3A_979 : i32 to index
      %get3A_1054 = arith.constant 32 : index
      %get3A_1055 = tpu.vector_load %arg15[%get3A_1053, %get3A_1054] {strides = array<i32>} : memref<64x128xf32, #tpu.memory_space<vmem>>, vector<1x16xf32>,
      %get3A_1056 = vector.shape_cast %get3A_1055 : vector<1x16xf32> to vector<16xf32>
      %sub3A_1057 = arith.subf %add3A_1052, %get3A_1056 : vector<16xf32>
      %abs3A_1058 = math.absf %sub3A_1057 : vector<16xf32>
      %get3A_1059 = arith.index_cast %scan3A_979 : i32 to index
      %get3A_1060 = arith.constant 32 : index
      %get3A_1061 = tpu.vector_load %arg16[%get3A_1059, %get3A_1060] {strides = array<i32>} : memref<64x128xf32, #tpu.memory_space<vmem>>, vector<1x16xf32>,
      %get3A_1062 = vector.shape_cast %get3A_1061 : vector<1x16xf32> to vector<16xf32>
      %get3A_1063 = arith.index_cast %scan3A_979 : i32 to index
      %get3A_1064 = arith.constant 32 : index
      %get3A_1065 = tpu.vector_load %arg17[%get3A_1063, %get3A_1064] {strides = array<i32>} : memref<64x128xf32, #tpu.memory_space<vmem>>, vector<1x16xf32>,
      %get3A_1066 = vector.shape_cast %get3A_1065 : vector<1x16xf32> to vector<16xf32>
      %add3A_1067 = arith.addf %get3A_1062, %get3A_1066 : vector<16xf32>
      %get3A_1068 = arith.index_cast %scan3A_979 : i32 to index
      %get3A_1069 = arith.constant 32 : index
      %get3A_1070 = tpu.vector_load %arg18[%get3A_1068, %get3A_1069] {strides = array<i32>} : memref<64x128xf32, #tpu.memory_space<vmem>>, vector<1x16xf32>,
      %get3A_1071 = vector.shape_cast %get3A_1070 : vector<1x16xf32> to vector<16xf32>
      %sub3A_1072 = arith.subf %add3A_1067, %get3A_1071 : vector<16xf32>
      %abs3A_1073 = math.absf %sub3A_1072 : vector<16xf32>
      %sub3A_1074 = arith.subf %abs3A_1073, %abs3A_1058 : vector<16xf32>
      %add3A_1075 = arith.addf %add3A_1043, %sub3A_1074 : vector<16xf32>
      %get3A_1076 = arith.index_cast %scan3A_979 : i32 to index
      %get3A_1077 = arith.constant 48 : index
      %get3A_1078 = tpu.vector_load %arg13[%get3A_1076, %get3A_1077] {strides = array<i32>} : memref<64x128xf32, #tpu.memory_space<vmem>>, vector<1x16xf32>,
      %get3A_1079 = vector.shape_cast %get3A_1078 : vector<1x16xf32> to vector<16xf32>
      %get3A_1080 = arith.index_cast %scan3A_979 : i32 to index
      %get3A_1081 = arith.constant 48 : index
      %get3A_1082 = tpu.vector_load %arg14[%get3A_1080, %get3A_1081] {strides = array<i32>} : memref<64x128xf32, #tpu.memory_space<vmem>>, vector<1x16xf32>,
      %get3A_1083 = vector.shape_cast %get3A_1082 : vector<1x16xf32> to vector<16xf32>
      %add3A_1084 = arith.addf %get3A_1079, %get3A_1083 : vector<16xf32>
      %get3A_1085 = arith.index_cast %scan3A_979 : i32 to index
      %get3A_1086 = arith.constant 48 : index
      %get3A_1087 = tpu.vector_load %arg15[%get3A_1085, %get3A_1086] {strides = array<i32>} : memref<64x128xf32, #tpu.memory_space<vmem>>, vector<1x16xf32>,
      %get3A_1088 = vector.shape_cast %get3A_1087 : vector<1x16xf32> to vector<16xf32>
      %sub3A_1089 = arith.subf %add3A_1084, %get3A_1088 : vector<16xf32>
      %abs3A_1090 = math.absf %sub3A_1089 : vector<16xf32>
      %get3A_1091 = arith.index_cast %scan3A_979 : i32 to index
      %get3A_1092 = arith.constant 48 : index
      %get3A_1093 = tpu.vector_load %arg16[%get3A_1091, %get3A_1092] {strides = array<i32>} : memref<64x128xf32, #tpu.memory_space<vmem>>, vector<1x16xf32>,
      %get3A_1094 = vector.shape_cast %get3A_1093 : vector<1x16xf32> to vector<16xf32>
      %get3A_1095 = arith.index_cast %scan3A_979 : i32 to index
      %get3A_1096 = arith.constant 48 : index
      %get3A_1097 = tpu.vector_load %arg17[%get3A_1095, %get3A_1096] {strides = array<i32>} : memref<64x128xf32, #tpu.memory_space<vmem>>, vector<1x16xf32>,
      %get3A_1098 = vector.shape_cast %get3A_1097 : vector<1x16xf32> to vector<16xf32>
      %add3A_1099 = arith.addf %get3A_1094, %get3A_1098 : vector<16xf32>
      %get3A_1100 = arith.index_cast %scan3A_979 : i32 to index
      %get3A_1101 = arith.constant 48 : index
      %get3A_1102 = tpu.vector_load %arg18[%get3A_1100, %get3A_1101] {strides = array<i32>} : memref<64x128xf32, #tpu.memory_space<vmem>>, vector<1x16xf32>,
      %get3A_1103 = vector.shape_cast %get3A_1102 : vector<1x16xf32> to vector<16xf32>
      %sub3A_1104 = arith.subf %add3A_1099, %get3A_1103 : vector<16xf32>
      %abs3A_1105 = math.absf %sub3A_1104 : vector<16xf32>
      %sub3A_1106 = arith.subf %abs3A_1105, %abs3A_1090 : vector<16xf32>
      %add3A_1107 = arith.addf %add3A_1075, %sub3A_1106 : vector<16xf32>
      %get3A_1108 = arith.index_cast %scan3A_979 : i32 to index
      %get3A_1109 = arith.constant 64 : index
      %get3A_1110 = tpu.vector_load %arg13[%get3A_1108, %get3A_1109] {strides = array<i32>} : memref<64x128xf32, #tpu.memory_space<vmem>>, vector<1x16xf32>,
      %get3A_1111 = vector.shape_cast %get3A_1110 : vector<1x16xf32> to vector<16xf32>
      %get3A_1112 = arith.index_cast %scan3A_979 : i32 to index
      %get3A_1113 = arith.constant 64 : index
      %get3A_1114 = tpu.vector_load %arg14[%get3A_1112, %get3A_1113] {strides = array<i32>} : memref<64x128xf32, #tpu.memory_space<vmem>>, vector<1x16xf32>,
      %get3A_1115 = vector.shape_cast %get3A_1114 : vector<1x16xf32> to vector<16xf32>
      %add3A_1116 = arith.addf %get3A_1111, %get3A_1115 : vector<16xf32>
      %get3A_1117 = arith.index_cast %scan3A_979 : i32 to index
      %get3A_1118 = arith.constant 64 : index
      %get3A_1119 = tpu.vector_load %arg15[%get3A_1117, %get3A_1118] {strides = array<i32>} : memref<64x128xf32, #tpu.memory_space<vmem>>, vector<1x16xf32>,
      %get3A_1120 = vector.shape_cast %get3A_1119 : vector<1x16xf32> to vector<16xf32>
      %sub3A_1121 = arith.subf %add3A_1116, %get3A_1120 : vector<16xf32>
      %abs3A_1122 = math.absf %sub3A_1121 : vector<16xf32>
      %get3A_1123 = arith.index_cast %scan3A_979 : i32 to index
      %get3A_1124 = arith.constant 64 : index
      %get3A_1125 = tpu.vector_load %arg16[%get3A_1123, %get3A_1124] {strides = array<i32>} : memref<64x128xf32, #tpu.memory_space<vmem>>, vector<1x16xf32>,
      %get3A_1126 = vector.shape_cast %get3A_1125 : vector<1x16xf32> to vector<16xf32>
      %get3A_1127 = arith.index_cast %scan3A_979 : i32 to index
      %get3A_1128 = arith.constant 64 : index
      %get3A_1129 = tpu.vector_load %arg17[%get3A_1127, %get3A_1128] {strides = array<i32>} : memref<64x128xf32, #tpu.memory_space<vmem>>, vector<1x16xf32>,
      %get3A_1130 = vector.shape_cast %get3A_1129 : vector<1x16xf32> to vector<16xf32>
      %add3A_1131 = arith.addf %get3A_1126, %get3A_1130 : vector<16xf32>
      %get3A_1132 = arith.index_cast %scan3A_979 : i32 to index
      %get3A_1133 = arith.constant 64 : index
      %get3A_1134 = tpu.vector_load %arg18[%get3A_1132, %get3A_1133] {strides = array<i32>} : memref<64x128xf32, #tpu.memory_space<vmem>>, vector<1x16xf32>,
      %get3A_1135 = vector.shape_cast %get3A_1134 : vector<1x16xf32> to vector<16xf32>
      %sub3A_1136 = arith.subf %add3A_1131, %get3A_1135 : vector<16xf32>
      %abs3A_1137 = math.absf %sub3A_1136 : vector<16xf32>
      %sub3A_1138 = arith.subf %abs3A_1137, %abs3A_1122 : vector<16xf32>
      %add3A_1139 = arith.addf %add3A_1107, %sub3A_1138 : vector<16xf32>
      %get3A_1140 = arith.index_cast %scan3A_979 : i32 to index
      %get3A_1141 = arith.constant 80 : index
      %get3A_1142 = tpu.vector_load %arg13[%get3A_1140, %get3A_1141] {strides = array<i32>} : memref<64x128xf32, #tpu.memory_space<vmem>>, vector<1x16xf32>,
      %get3A_1143 = vector.shape_cast %get3A_1142 : vector<1x16xf32> to vector<16xf32>
      %get3A_1144 = arith.index_cast %scan3A_979 : i32 to index
      %get3A_1145 = arith.constant 80 : index
      %get3A_1146 = tpu.vector_load %arg14[%get3A_1144, %get3A_1145] {strides = array<i32>} : memref<64x128xf32, #tpu.memory_space<vmem>>, vector<1x16xf32>,
      %get3A_1147 = vector.shape_cast %get3A_1146 : vector<1x16xf32> to vector<16xf32>
      %add3A_1148 = arith.addf %get3A_1143, %get3A_1147 : vector<16xf32>
      %get3A_1149 = arith.index_cast %scan3A_979 : i32 to index
      %get3A_1150 = arith.constant 80 : index
      %get3A_1151 = tpu.vector_load %arg15[%get3A_1149, %get3A_1150] {strides = array<i32>} : memref<64x128xf32, #tpu.memory_space<vmem>>, vector<1x16xf32>,
      %get3A_1152 = vector.shape_cast %get3A_1151 : vector<1x16xf32> to vector<16xf32>
      %sub3A_1153 = arith.subf %add3A_1148, %get3A_1152 : vector<16xf32>
      %abs3A_1154 = math.absf %sub3A_1153 : vector<16xf32>
      %get3A_1155 = arith.index_cast %scan3A_979 : i32 to index
      %get3A_1156 = arith.constant 80 : index
      %get3A_1157 = tpu.vector_load %arg16[%get3A_1155, %get3A_1156] {strides = array<i32>} : memref<64x128xf32, #tpu.memory_space<vmem>>, vector<1x16xf32>,
      %get3A_1158 = vector.shape_cast %get3A_1157 : vector<1x16xf32> to vector<16xf32>
      %get3A_1159 = arith.index_cast %scan3A_979 : i32 to index
      %get3A_1160 = arith.constant 80 : index
      %get3A_1161 = tpu.vector_load %arg17[%get3A_1159, %get3A_1160] {strides = array<i32>} : memref<64x128xf32, #tpu.memory_space<vmem>>, vector<1x16xf32>,
      %get3A_1162 = vector.shape_cast %get3A_1161 : vector<1x16xf32> to vector<16xf32>
      %add3A_1163 = arith.addf %get3A_1158, %get3A_1162 : vector<16xf32>
      %get3A_1164 = arith.index_cast %scan3A_979 : i32 to index
      %get3A_1165 = arith.constant 80 : index
      %get3A_1166 = tpu.vector_load %arg18[%get3A_1164, %get3A_1165] {strides = array<i32>} : memref<64x128xf32, #tpu.memory_space<vmem>>, vector<1x16xf32>,
      %get3A_1167 = vector.shape_cast %get3A_1166 : vector<1x16xf32> to vector<16xf32>
      %sub3A_1168 = arith.subf %add3A_1163, %get3A_1167 : vector<16xf32>
      %abs3A_1169 = math.absf %sub3A_1168 : vector<16xf32>
      %sub3A_1170 = arith.subf %abs3A_1169, %abs3A_1154 : vector<16xf32>
      %add3A_1171 = arith.addf %add3A_1139, %sub3A_1170 : vector<16xf32>
      %get3A_1172 = arith.index_cast %scan3A_979 : i32 to index
      %get3A_1173 = arith.constant 96 : index
      %get3A_1174 = tpu.vector_load %arg13[%get3A_1172, %get3A_1173] {strides = array<i32>} : memref<64x128xf32, #tpu.memory_space<vmem>>, vector<1x16xf32>,
      %get3A_1175 = vector.shape_cast %get3A_1174 : vector<1x16xf32> to vector<16xf32>
      %get3A_1176 = arith.index_cast %scan3A_979 : i32 to index
      %get3A_1177 = arith.constant 96 : index
      %get3A_1178 = tpu.vector_load %arg14[%get3A_1176, %get3A_1177] {strides = array<i32>} : memref<64x128xf32, #tpu.memory_space<vmem>>, vector<1x16xf32>,
      %get3A_1179 = vector.shape_cast %get3A_1178 : vector<1x16xf32> to vector<16xf32>
      %add3A_1180 = arith.addf %get3A_1175, %get3A_1179 : vector<16xf32>
      %get3A_1181 = arith.index_cast %scan3A_979 : i32 to index
      %get3A_1182 = arith.constant 96 : index
      %get3A_1183 = tpu.vector_load %arg15[%get3A_1181, %get3A_1182] {strides = array<i32>} : memref<64x128xf32, #tpu.memory_space<vmem>>, vector<1x16xf32>,
      %get3A_1184 = vector.shape_cast %get3A_1183 : vector<1x16xf32> to vector<16xf32>
      %sub3A_1185 = arith.subf %add3A_1180, %get3A_1184 : vector<16xf32>
      %abs3A_1186 = math.absf %sub3A_1185 : vector<16xf32>
      %get3A_1187 = arith.index_cast %scan3A_979 : i32 to index
      %get3A_1188 = arith.constant 96 : index
      %get3A_1189 = tpu.vector_load %arg16[%get3A_1187, %get3A_1188] {strides = array<i32>} : memref<64x128xf32, #tpu.memory_space<vmem>>, vector<1x16xf32>,
      %get3A_1190 = vector.shape_cast %get3A_1189 : vector<1x16xf32> to vector<16xf32>
      %get3A_1191 = arith.index_cast %scan3A_979 : i32 to index
      %get3A_1192 = arith.constant 96 : index
      %get3A_1193 = tpu.vector_load %arg17[%get3A_1191, %get3A_1192] {strides = array<i32>} : memref<64x128xf32, #tpu.memory_space<vmem>>, vector<1x16xf32>,
      %get3A_1194 = vector.shape_cast %get3A_1193 : vector<1x16xf32> to vector<16xf32>
      %add3A_1195 = arith.addf %get3A_1190, %get3A_1194 : vector<16xf32>
      %get3A_1196 = arith.index_cast %scan3A_979 : i32 to index
      %get3A_1197 = arith.constant 96 : index
      %get3A_1198 = tpu.vector_load %arg18[%get3A_1196, %get3A_1197] {strides = array<i32>} : memref<64x128xf32, #tpu.memory_space<vmem>>, vector<1x16xf32>,
      %get3A_1199 = vector.shape_cast %get3A_1198 : vector<1x16xf32> to vector<16xf32>
      %sub3A_1200 = arith.subf %add3A_1195, %get3A_1199 : vector<16xf32>
      %abs3A_1201 = math.absf %sub3A_1200 : vector<16xf32>
      %sub3A_1202 = arith.subf %abs3A_1201, %abs3A_1186 : vector<16xf32>
      %add3A_1203 = arith.addf %add3A_1171, %sub3A_1202 : vector<16xf32>
      %get3A_1204 = arith.index_cast %scan3A_979 : i32 to index
      %get3A_1205 = arith.constant 112 : index
      %get3A_1206 = tpu.vector_load %arg13[%get3A_1204, %get3A_1205] {strides = array<i32>} : memref<64x128xf32, #tpu.memory_space<vmem>>, vector<1x16xf32>,
      %get3A_1207 = vector.shape_cast %get3A_1206 : vector<1x16xf32> to vector<16xf32>
      %get3A_1208 = arith.index_cast %scan3A_979 : i32 to index
      %get3A_1209 = arith.constant 112 : index
      %get3A_1210 = tpu.vector_load %arg14[%get3A_1208, %get3A_1209] {strides = array<i32>} : memref<64x128xf32, #tpu.memory_space<vmem>>, vector<1x16xf32>,
      %get3A_1211 = vector.shape_cast %get3A_1210 : vector<1x16xf32> to vector<16xf32>
      %add3A_1212 = arith.addf %get3A_1207, %get3A_1211 : vector<16xf32>
      %get3A_1213 = arith.index_cast %scan3A_979 : i32 to index
      %get3A_1214 = arith.constant 112 : index
      %get3A_1215 = tpu.vector_load %arg15[%get3A_1213, %get3A_1214] {strides = array<i32>} : memref<64x128xf32, #tpu.memory_space<vmem>>, vector<1x16xf32>,
      %get3A_1216 = vector.shape_cast %get3A_1215 : vector<1x16xf32> to vector<16xf32>
      %sub3A_1217 = arith.subf %add3A_1212, %get3A_1216 : vector<16xf32>
      %abs3A_1218 = math.absf %sub3A_1217 : vector<16xf32>
      %get3A_1219 = arith.index_cast %scan3A_979 : i32 to index
      %get3A_1220 = arith.constant 112 : index
      %get3A_1221 = tpu.vector_load %arg16[%get3A_1219, %get3A_1220] {strides = array<i32>} : memref<64x128xf32, #tpu.memory_space<vmem>>, vector<1x16xf32>,
      %get3A_1222 = vector.shape_cast %get3A_1221 : vector<1x16xf32> to vector<16xf32>
      %get3A_1223 = arith.index_cast %scan3A_979 : i32 to index
      %get3A_1224 = arith.constant 112 : index
      %get3A_1225 = tpu.vector_load %arg17[%get3A_1223, %get3A_1224] {strides = array<i32>} : memref<64x128xf32, #tpu.memory_space<vmem>>, vector<1x16xf32>,
      %get3A_1226 = vector.shape_cast %get3A_1225 : vector<1x16xf32> to vector<16xf32>
      %add3A_1227 = arith.addf %get3A_1222, %get3A_1226 : vector<16xf32>
      %get3A_1228 = arith.index_cast %scan3A_979 : i32 to index
      %get3A_1229 = arith.constant 112 : index
      %get3A_1230 = tpu.vector_load %arg18[%get3A_1228, %get3A_1229] {strides = array<i32>} : memref<64x128xf32, #tpu.memory_space<vmem>>, vector<1x16xf32>,
      %get3A_1231 = vector.shape_cast %get3A_1230 : vector<1x16xf32> to vector<16xf32>
      %sub3A_1232 = arith.subf %add3A_1227, %get3A_1231 : vector<16xf32>
      %abs3A_1233 = math.absf %sub3A_1232 : vector<16xf32>
      %sub3A_1234 = arith.subf %abs3A_1233, %abs3A_1218 : vector<16xf32>
      %add3A_1235 = arith.addf %add3A_1203, %sub3A_1234 : vector<16xf32>
      %xor3A = arith.constant 1 : i32
      %xor3A_1236 = vector.broadcast %xor3A : i32 to vector<16xi32>
      %xor3A_1237 = arith.xori %iota3A, %xor3A_1236 : vector<16xi32>
      %lt3A = arith.constant 0 : i32
      %lt3A_1238 = vector.broadcast %lt3A : i32 to vector<16xi32>
      %lt3A_1239 = arith.cmpi slt, %xor3A_1237, %lt3A_1238 : vector<16xi32>
      %add3A_1240 = arith.constant 16 : i32
      %add3A_1241 = vector.broadcast %add3A_1240 : i32 to vector<16xi32>
      %add3A_1242 = arith.addi %xor3A_1237, %add3A_1241 : vector<16xi32>
      %select_n3A = arith.select %lt3A_1239, %add3A_1242, %xor3A_1237 : vector<16xi1>, vector<16xi32>
      %broadcast_in_dim3A_1243 = vector.shape_cast %select_n3A : vector<16xi32> to vector<16x1xi32>
      %gather3A = vector.shape_cast %broadcast_in_dim3A_1243 : vector<16x1xi32> to vector<16xi32>
      %gather3A_1244 = tpu.dynamic_gather %add3A_1235[%gather3A] in [0] : vector<16xf32>, vector<16xi32> -> vector<16xf32>
      %add3A_1245 = arith.addf %add3A_1235, %gather3A_1244 : vector<16xf32>
      %xor3A_1246 = arith.constant 2 : i32
      %xor3A_1247 = vector.broadcast %xor3A_1246 : i32 to vector<16xi32>
      %xor3A_1248 = arith.xori %iota3A, %xor3A_1247 : vector<16xi32>
      %lt3A_1249 = arith.constant 0 : i32
      %lt3A_1250 = vector.broadcast %lt3A_1249 : i32 to vector<16xi32>
      %lt3A_1251 = arith.cmpi slt, %xor3A_1248, %lt3A_1250 : vector<16xi32>
      %add3A_1252 = arith.constant 16 : i32
      %add3A_1253 = vector.broadcast %add3A_1252 : i32 to vector<16xi32>
      %add3A_1254 = arith.addi %xor3A_1248, %add3A_1253 : vector<16xi32>
      %select_n3A_1255 = arith.select %lt3A_1251, %add3A_1254, %xor3A_1248 : vector<16xi1>, vector<16xi32>
      %broadcast_in_dim3A_1256 = vector.shape_cast %select_n3A_1255 : vector<16xi32> to vector<16x1xi32>
      %gather3A_1257 = vector.shape_cast %broadcast_in_dim3A_1256 : vector<16x1xi32> to vector<16xi32>
      %gather3A_1258 = tpu.dynamic_gather %add3A_1245[%gather3A_1257] in [0] : vector<16xf32>, vector<16xi32> -> vector<16xf32>
      %add3A_1259 = arith.addf %add3A_1245, %gather3A_1258 : vector<16xf32>
      %xor3A_1260 = arith.constant 4 : i32
      %xor3A_1261 = vector.broadcast %xor3A_1260 : i32 to vector<16xi32>
      %xor3A_1262 = arith.xori %iota3A, %xor3A_1261 : vector<16xi32>
      %lt3A_1263 = arith.constant 0 : i32
      %lt3A_1264 = vector.broadcast %lt3A_1263 : i32 to vector<16xi32>
      %lt3A_1265 = arith.cmpi slt, %xor3A_1262, %lt3A_1264 : vector<16xi32>
      %add3A_1266 = arith.constant 16 : i32
      %add3A_1267 = vector.broadcast %add3A_1266 : i32 to vector<16xi32>
      %add3A_1268 = arith.addi %xor3A_1262, %add3A_1267 : vector<16xi32>
      %select_n3A_1269 = arith.select %lt3A_1265, %add3A_1268, %xor3A_1262 : vector<16xi1>, vector<16xi32>
      %broadcast_in_dim3A_1270 = vector.shape_cast %select_n3A_1269 : vector<16xi32> to vector<16x1xi32>
      %gather3A_1271 = vector.shape_cast %broadcast_in_dim3A_1270 : vector<16x1xi32> to vector<16xi32>
      %gather3A_1272 = tpu.dynamic_gather %add3A_1259[%gather3A_1271] in [0] : vector<16xf32>, vector<16xi32> -> vector<16xf32>
      %add3A_1273 = arith.addf %add3A_1259, %gather3A_1272 : vector<16xf32>
      %xor3A_1274 = arith.constant 8 : i32
      %xor3A_1275 = vector.broadcast %xor3A_1274 : i32 to vector<16xi32>
      %xor3A_1276 = arith.xori %iota3A, %xor3A_1275 : vector<16xi32>
      %lt3A_1277 = arith.constant 0 : i32
      %lt3A_1278 = vector.broadcast %lt3A_1277 : i32 to vector<16xi32>
      %lt3A_1279 = arith.cmpi slt, %xor3A_1276, %lt3A_1278 : vector<16xi32>
      %add3A_1280 = arith.constant 16 : i32
      %add3A_1281 = vector.broadcast %add3A_1280 : i32 to vector<16xi32>
      %add3A_1282 = arith.addi %xor3A_1276, %add3A_1281 : vector<16xi32>
      %select_n3A_1283 = arith.select %lt3A_1279, %add3A_1282, %xor3A_1276 : vector<16xi1>, vector<16xi32>
      %broadcast_in_dim3A_1284 = vector.shape_cast %select_n3A_1283 : vector<16xi32> to vector<16x1xi32>
      %gather3A_1285 = vector.shape_cast %broadcast_in_dim3A_1284 : vector<16x1xi32> to vector<16xi32>
      %gather3A_1286 = tpu.dynamic_gather %add3A_1273[%gather3A_1285] in [0] : vector<16xf32>, vector<16xi32> -> vector<16xf32>
      %add3A_1287 = arith.addf %add3A_1273, %gather3A_1286 : vector<16xf32>
      %add3A_1288 = arith.constant 1.000000e+00 : f32
      %add3A_1289 = vector.broadcast %add3A_1288 : f32 to vector<16xf32>
      %add3A_1290 = arith.addf %add3A_1287, %add3A_1289 : vector<16xf32>
      %max3A = arith.constant 0.000000e+00 : f32
      %max3A_1291 = vector.broadcast %max3A : f32 to vector<16xf32>
      %max3A_1292 = arith.maximumf %add3A_1290, %max3A_1291 : vector<16xf32>
      %add3A_1293 = arith.addf %scan3A_980, %max3A_1292 : vector<16xf32>
      scf.yield %add3A_1293 : vector<16xf32>
    }
    %scan3A_384 = arith.constant 64 : i32
    %dma_start3A_385 = arith.constant 0 : i32
    %dma_start3A_386 = arith.constant 128 : i32
    %dma_start3A_387 = tpu.memref_slice %arg7[%dma_start3A_385, %dma_start3A_386] : memref<1x512xi32, #tpu.memory_space<vmem>> -> memref<1x64xi32, #tpu.memory_space<vmem>>
    %dma_start3A_388 = tpu.memref_squeeze %dma_start3A_387 : memref<1x64xi32, #tpu.memory_space<vmem>> -> memref<64xi32, #tpu.memory_space<vmem>>
    %dma_start3A_389 = arith.constant 0 : i32
    %dma_start3A_390 = arith.constant 0 : i32
    %dma_start3A_391 = tpu.memref_slice %arg4[%dma_start3A_389, %dma_start3A_390] : memref<100000x128xf32, #tpu.memory_space<hbm>> -> memref<100000x128xf32, #tpu.memory_space<hbm>>
    tpu.enqueue_indirect_dma source(%dma_start3A_391 : memref<100000x128xf32, #tpu.memory_space<hbm>>) target(%arg13 : memref<64x128xf32, #tpu.memory_space<vmem>>) offsets(%dma_start3A_388 : memref<64xi32, #tpu.memory_space<vmem>>) semaphore(%arg26 : memref<!tpu.dma_semaphore, #tpu.memory_space<semaphore_mem>>)
    %dma_start3A_392 = arith.constant 0 : i32
    %dma_start3A_393 = arith.constant 128 : i32
    %dma_start3A_394 = tpu.memref_slice %arg8[%dma_start3A_392, %dma_start3A_393] : memref<1x512xi32, #tpu.memory_space<vmem>> -> memref<1x64xi32, #tpu.memory_space<vmem>>
    %dma_start3A_395 = tpu.memref_squeeze %dma_start3A_394 : memref<1x64xi32, #tpu.memory_space<vmem>> -> memref<64xi32, #tpu.memory_space<vmem>>
    %dma_start3A_396 = arith.constant 0 : i32
    %dma_start3A_397 = arith.constant 0 : i32
    %dma_start3A_398 = tpu.memref_slice %arg5[%dma_start3A_396, %dma_start3A_397] : memref<100000x128xf32, #tpu.memory_space<hbm>> -> memref<100000x128xf32, #tpu.memory_space<hbm>>
    tpu.enqueue_indirect_dma source(%dma_start3A_398 : memref<100000x128xf32, #tpu.memory_space<hbm>>) target(%arg14 : memref<64x128xf32, #tpu.memory_space<vmem>>) offsets(%dma_start3A_395 : memref<64xi32, #tpu.memory_space<vmem>>) semaphore(%arg26 : memref<!tpu.dma_semaphore, #tpu.memory_space<semaphore_mem>>)
    %dma_start3A_399 = arith.constant 0 : i32
    %dma_start3A_400 = arith.constant 128 : i32
    %dma_start3A_401 = tpu.memref_slice %arg9[%dma_start3A_399, %dma_start3A_400] : memref<1x512xi32, #tpu.memory_space<vmem>> -> memref<1x64xi32, #tpu.memory_space<vmem>>
    %dma_start3A_402 = tpu.memref_squeeze %dma_start3A_401 : memref<1x64xi32, #tpu.memory_space<vmem>> -> memref<64xi32, #tpu.memory_space<vmem>>
    %dma_start3A_403 = arith.constant 0 : i32
    %dma_start3A_404 = arith.constant 0 : i32
    %dma_start3A_405 = tpu.memref_slice %arg4[%dma_start3A_403, %dma_start3A_404] : memref<100000x128xf32, #tpu.memory_space<hbm>> -> memref<100000x128xf32, #tpu.memory_space<hbm>>
    tpu.enqueue_indirect_dma source(%dma_start3A_405 : memref<100000x128xf32, #tpu.memory_space<hbm>>) target(%arg15 : memref<64x128xf32, #tpu.memory_space<vmem>>) offsets(%dma_start3A_402 : memref<64xi32, #tpu.memory_space<vmem>>) semaphore(%arg26 : memref<!tpu.dma_semaphore, #tpu.memory_space<semaphore_mem>>)
    %dma_start3A_406 = arith.constant 0 : i32
    %dma_start3A_407 = arith.constant 128 : i32
    %dma_start3A_408 = tpu.memref_slice %arg10[%dma_start3A_406, %dma_start3A_407] : memref<1x512xi32, #tpu.memory_space<vmem>> -> memref<1x64xi32, #tpu.memory_space<vmem>>
    %dma_start3A_409 = tpu.memref_squeeze %dma_start3A_408 : memref<1x64xi32, #tpu.memory_space<vmem>> -> memref<64xi32, #tpu.memory_space<vmem>>
    %dma_start3A_410 = arith.constant 0 : i32
    %dma_start3A_411 = arith.constant 0 : i32
    %dma_start3A_412 = tpu.memref_slice %arg4[%dma_start3A_410, %dma_start3A_411] : memref<100000x128xf32, #tpu.memory_space<hbm>> -> memref<100000x128xf32, #tpu.memory_space<hbm>>
    tpu.enqueue_indirect_dma source(%dma_start3A_412 : memref<100000x128xf32, #tpu.memory_space<hbm>>) target(%arg16 : memref<64x128xf32, #tpu.memory_space<vmem>>) offsets(%dma_start3A_409 : memref<64xi32, #tpu.memory_space<vmem>>) semaphore(%arg26 : memref<!tpu.dma_semaphore, #tpu.memory_space<semaphore_mem>>)
    %dma_start3A_413 = arith.constant 0 : i32
    %dma_start3A_414 = arith.constant 128 : i32
    %dma_start3A_415 = tpu.memref_slice %arg11[%dma_start3A_413, %dma_start3A_414] : memref<1x512xi32, #tpu.memory_space<vmem>> -> memref<1x64xi32, #tpu.memory_space<vmem>>
    %dma_start3A_416 = tpu.memref_squeeze %dma_start3A_415 : memref<1x64xi32, #tpu.memory_space<vmem>> -> memref<64xi32, #tpu.memory_space<vmem>>
    %dma_start3A_417 = arith.constant 0 : i32
    %dma_start3A_418 = arith.constant 0 : i32
    %dma_start3A_419 = tpu.memref_slice %arg5[%dma_start3A_417, %dma_start3A_418] : memref<100000x128xf32, #tpu.memory_space<hbm>> -> memref<100000x128xf32, #tpu.memory_space<hbm>>
    tpu.enqueue_indirect_dma source(%dma_start3A_419 : memref<100000x128xf32, #tpu.memory_space<hbm>>) target(%arg17 : memref<64x128xf32, #tpu.memory_space<vmem>>) offsets(%dma_start3A_416 : memref<64xi32, #tpu.memory_space<vmem>>) semaphore(%arg26 : memref<!tpu.dma_semaphore, #tpu.memory_space<semaphore_mem>>)
    %dma_start3A_420 = arith.constant 0 : i32
    %dma_start3A_421 = arith.constant 128 : i32
    %dma_start3A_422 = tpu.memref_slice %arg12[%dma_start3A_420, %dma_start3A_421] : memref<1x512xi32, #tpu.memory_space<vmem>> -> memref<1x64xi32, #tpu.memory_space<vmem>>
    %dma_start3A_423 = tpu.memref_squeeze %dma_start3A_422 : memref<1x64xi32, #tpu.memory_space<vmem>> -> memref<64xi32, #tpu.memory_space<vmem>>
    %dma_start3A_424 = arith.constant 0 : i32
    %dma_start3A_425 = arith.constant 0 : i32
    %dma_start3A_426 = tpu.memref_slice %arg4[%dma_start3A_424, %dma_start3A_425] : memref<100000x128xf32, #tpu.memory_space<hbm>> -> memref<100000x128xf32, #tpu.memory_space<hbm>>
    tpu.enqueue_indirect_dma source(%dma_start3A_426 : memref<100000x128xf32, #tpu.memory_space<hbm>>) target(%arg18 : memref<64x128xf32, #tpu.memory_space<vmem>>) offsets(%dma_start3A_423 : memref<64xi32, #tpu.memory_space<vmem>>) semaphore(%arg26 : memref<!tpu.dma_semaphore, #tpu.memory_space<semaphore_mem>>)
    %dma_wait3A_427 = arith.constant 0 : i32
    %dma_wait3A_428 = arith.constant 64 : i32
    %dma_wait3A_429 = tpu.memref_slice %arg7[%dma_wait3A_427, %dma_wait3A_428] : memref<1x512xi32, #tpu.memory_space<vmem>> -> memref<1x64xi32, #tpu.memory_space<vmem>>
    %dma_wait3A_430 = tpu.memref_squeeze %dma_wait3A_429 : memref<1x64xi32, #tpu.memory_space<vmem>> -> memref<64xi32, #tpu.memory_space<vmem>>
    %dma_wait3A_431 = arith.constant 0 : i32
    %dma_wait3A_432 = arith.constant 0 : i32
    %dma_wait3A_433 = tpu.memref_slice %arg4[%dma_wait3A_431, %dma_wait3A_432] : memref<100000x128xf32, #tpu.memory_space<hbm>> -> memref<100000x128xf32, #tpu.memory_space<hbm>>
    tpu.wait_indirect_dma semaphore(%arg26 : memref<!tpu.dma_semaphore, #tpu.memory_space<semaphore_mem>>) src(%dma_wait3A_433 : memref<100000x128xf32, #tpu.memory_space<hbm>>) dst(%arg19 : memref<64x128xf32, #tpu.memory_space<vmem>>)
    %dma_wait3A_434 = arith.constant 0 : i32
    %dma_wait3A_435 = arith.constant 64 : i32
    %dma_wait3A_436 = tpu.memref_slice %arg8[%dma_wait3A_434, %dma_wait3A_435] : memref<1x512xi32, #tpu.memory_space<vmem>> -> memref<1x64xi32, #tpu.memory_space<vmem>>
    %dma_wait3A_437 = tpu.memref_squeeze %dma_wait3A_436 : memref<1x64xi32, #tpu.memory_space<vmem>> -> memref<64xi32, #tpu.memory_space<vmem>>
    %dma_wait3A_438 = arith.constant 0 : i32
    %dma_wait3A_439 = arith.constant 0 : i32
    %dma_wait3A_440 = tpu.memref_slice %arg5[%dma_wait3A_438, %dma_wait3A_439] : memref<100000x128xf32, #tpu.memory_space<hbm>> -> memref<100000x128xf32, #tpu.memory_space<hbm>>
    tpu.wait_indirect_dma semaphore(%arg26 : memref<!tpu.dma_semaphore, #tpu.memory_space<semaphore_mem>>) src(%dma_wait3A_440 : memref<100000x128xf32, #tpu.memory_space<hbm>>) dst(%arg20 : memref<64x128xf32, #tpu.memory_space<vmem>>)
    %dma_wait3A_441 = arith.constant 0 : i32
    %dma_wait3A_442 = arith.constant 64 : i32
    %dma_wait3A_443 = tpu.memref_slice %arg9[%dma_wait3A_441, %dma_wait3A_442] : memref<1x512xi32, #tpu.memory_space<vmem>> -> memref<1x64xi32, #tpu.memory_space<vmem>>
    %dma_wait3A_444 = tpu.memref_squeeze %dma_wait3A_443 : memref<1x64xi32, #tpu.memory_space<vmem>> -> memref<64xi32, #tpu.memory_space<vmem>>
    %dma_wait3A_445 = arith.constant 0 : i32
    %dma_wait3A_446 = arith.constant 0 : i32
    %dma_wait3A_447 = tpu.memref_slice %arg4[%dma_wait3A_445, %dma_wait3A_446] : memref<100000x128xf32, #tpu.memory_space<hbm>> -> memref<100000x128xf32, #tpu.memory_space<hbm>>
    tpu.wait_indirect_dma semaphore(%arg26 : memref<!tpu.dma_semaphore, #tpu.memory_space<semaphore_mem>>) src(%dma_wait3A_447 : memref<100000x128xf32, #tpu.memory_space<hbm>>) dst(%arg21 : memref<64x128xf32, #tpu.memory_space<vmem>>)
    %dma_wait3A_448 = arith.constant 0 : i32
    %dma_wait3A_449 = arith.constant 64 : i32
    %dma_wait3A_450 = tpu.memref_slice %arg10[%dma_wait3A_448, %dma_wait3A_449] : memref<1x512xi32, #tpu.memory_space<vmem>> -> memref<1x64xi32, #tpu.memory_space<vmem>>
    %dma_wait3A_451 = tpu.memref_squeeze %dma_wait3A_450 : memref<1x64xi32, #tpu.memory_space<vmem>> -> memref<64xi32, #tpu.memory_space<vmem>>
    %dma_wait3A_452 = arith.constant 0 : i32
    %dma_wait3A_453 = arith.constant 0 : i32
    %dma_wait3A_454 = tpu.memref_slice %arg4[%dma_wait3A_452, %dma_wait3A_453] : memref<100000x128xf32, #tpu.memory_space<hbm>> -> memref<100000x128xf32, #tpu.memory_space<hbm>>
    tpu.wait_indirect_dma semaphore(%arg26 : memref<!tpu.dma_semaphore, #tpu.memory_space<semaphore_mem>>) src(%dma_wait3A_454 : memref<100000x128xf32, #tpu.memory_space<hbm>>) dst(%arg22 : memref<64x128xf32, #tpu.memory_space<vmem>>)
    %dma_wait3A_455 = arith.constant 0 : i32
    %dma_wait3A_456 = arith.constant 64 : i32
    %dma_wait3A_457 = tpu.memref_slice %arg11[%dma_wait3A_455, %dma_wait3A_456] : memref<1x512xi32, #tpu.memory_space<vmem>> -> memref<1x64xi32, #tpu.memory_space<vmem>>
    %dma_wait3A_458 = tpu.memref_squeeze %dma_wait3A_457 : memref<1x64xi32, #tpu.memory_space<vmem>> -> memref<64xi32, #tpu.memory_space<vmem>>
    %dma_wait3A_459 = arith.constant 0 : i32
    %dma_wait3A_460 = arith.constant 0 : i32
    %dma_wait3A_461 = tpu.memref_slice %arg5[%dma_wait3A_459, %dma_wait3A_460] : memref<100000x128xf32, #tpu.memory_space<hbm>> -> memref<100000x128xf32, #tpu.memory_space<hbm>>
    tpu.wait_indirect_dma semaphore(%arg26 : memref<!tpu.dma_semaphore, #tpu.memory_space<semaphore_mem>>) src(%dma_wait3A_461 : memref<100000x128xf32, #tpu.memory_space<hbm>>) dst(%arg23 : memref<64x128xf32, #tpu.memory_space<vmem>>)
    %dma_wait3A_462 = arith.constant 0 : i32
    %dma_wait3A_463 = arith.constant 64 : i32
    %dma_wait3A_464 = tpu.memref_slice %arg12[%dma_wait3A_462, %dma_wait3A_463] : memref<1x512xi32, #tpu.memory_space<vmem>> -> memref<1x64xi32, #tpu.memory_space<vmem>>
    %dma_wait3A_465 = tpu.memref_squeeze %dma_wait3A_464 : memref<1x64xi32, #tpu.memory_space<vmem>> -> memref<64xi32, #tpu.memory_space<vmem>>
    %dma_wait3A_466 = arith.constant 0 : i32
    %dma_wait3A_467 = arith.constant 0 : i32
    %dma_wait3A_468 = tpu.memref_slice %arg4[%dma_wait3A_466, %dma_wait3A_467] : memref<100000x128xf32, #tpu.memory_space<hbm>> -> memref<100000x128xf32, #tpu.memory_space<hbm>>
    tpu.wait_indirect_dma semaphore(%arg26 : memref<!tpu.dma_semaphore, #tpu.memory_space<semaphore_mem>>) src(%dma_wait3A_468 : memref<100000x128xf32, #tpu.memory_space<hbm>>) dst(%arg24 : memref<64x128xf32, #tpu.memory_space<vmem>>)
    %scan3A_469 = arith.constant 0 : i32
    %scan3A_470 = arith.constant 64 : i32
    %scan3A_471 = arith.addi %scan3A_469, %scan3A_470 : i32
    %scan3A_472 = arith.constant 1 : i32
    %scan3A_473 = scf.for %scan3A_979 = %scan3A_469 to %scan3A_471 step %scan3A_472 iter_args(%scan3A_980 = %scan3A_383) -> (vector<16xf32>)  : i32 {
      %broadcast_in_dim3A_981 = arith.constant 0.000000e+00 : f32
      %broadcast_in_dim3A_982 = vector.broadcast %broadcast_in_dim3A_981 : f32 to vector<16xf32>
      %get3A = arith.index_cast %scan3A_979 : i32 to index
      %get3A_983 = arith.constant 0 : index
      %get3A_984 = tpu.vector_load %arg19[%get3A, %get3A_983] {strides = array<i32>} : memref<64x128xf32, #tpu.memory_space<vmem>>, vector<1x16xf32>,
      %get3A_985 = vector.shape_cast %get3A_984 : vector<1x16xf32> to vector<16xf32>
      %get3A_986 = arith.index_cast %scan3A_979 : i32 to index
      %get3A_987 = arith.constant 0 : index
      %get3A_988 = tpu.vector_load %arg20[%get3A_986, %get3A_987] {strides = array<i32>} : memref<64x128xf32, #tpu.memory_space<vmem>>, vector<1x16xf32>,
      %get3A_989 = vector.shape_cast %get3A_988 : vector<1x16xf32> to vector<16xf32>
      %add3A_990 = arith.addf %get3A_985, %get3A_989 : vector<16xf32>
      %get3A_991 = arith.index_cast %scan3A_979 : i32 to index
      %get3A_992 = arith.constant 0 : index
      %get3A_993 = tpu.vector_load %arg21[%get3A_991, %get3A_992] {strides = array<i32>} : memref<64x128xf32, #tpu.memory_space<vmem>>, vector<1x16xf32>,
      %get3A_994 = vector.shape_cast %get3A_993 : vector<1x16xf32> to vector<16xf32>
      %sub3A = arith.subf %add3A_990, %get3A_994 : vector<16xf32>
      %abs3A = math.absf %sub3A : vector<16xf32>
      %get3A_995 = arith.index_cast %scan3A_979 : i32 to index
      %get3A_996 = arith.constant 0 : index
      %get3A_997 = tpu.vector_load %arg22[%get3A_995, %get3A_996] {strides = array<i32>} : memref<64x128xf32, #tpu.memory_space<vmem>>, vector<1x16xf32>,
      %get3A_998 = vector.shape_cast %get3A_997 : vector<1x16xf32> to vector<16xf32>
      %get3A_999 = arith.index_cast %scan3A_979 : i32 to index
      %get3A_1000 = arith.constant 0 : index
      %get3A_1001 = tpu.vector_load %arg23[%get3A_999, %get3A_1000] {strides = array<i32>} : memref<64x128xf32, #tpu.memory_space<vmem>>, vector<1x16xf32>,
      %get3A_1002 = vector.shape_cast %get3A_1001 : vector<1x16xf32> to vector<16xf32>
      %add3A_1003 = arith.addf %get3A_998, %get3A_1002 : vector<16xf32>
      %get3A_1004 = arith.index_cast %scan3A_979 : i32 to index
      %get3A_1005 = arith.constant 0 : index
      %get3A_1006 = tpu.vector_load %arg24[%get3A_1004, %get3A_1005] {strides = array<i32>} : memref<64x128xf32, #tpu.memory_space<vmem>>, vector<1x16xf32>,
      %get3A_1007 = vector.shape_cast %get3A_1006 : vector<1x16xf32> to vector<16xf32>
      %sub3A_1008 = arith.subf %add3A_1003, %get3A_1007 : vector<16xf32>
      %abs3A_1009 = math.absf %sub3A_1008 : vector<16xf32>
      %sub3A_1010 = arith.subf %abs3A_1009, %abs3A : vector<16xf32>
      %add3A_1011 = arith.addf %broadcast_in_dim3A_982, %sub3A_1010 : vector<16xf32>
      %get3A_1012 = arith.index_cast %scan3A_979 : i32 to index
      %get3A_1013 = arith.constant 16 : index
      %get3A_1014 = tpu.vector_load %arg19[%get3A_1012, %get3A_1013] {strides = array<i32>} : memref<64x128xf32, #tpu.memory_space<vmem>>, vector<1x16xf32>,
      %get3A_1015 = vector.shape_cast %get3A_1014 : vector<1x16xf32> to vector<16xf32>
      %get3A_1016 = arith.index_cast %scan3A_979 : i32 to index
      %get3A_1017 = arith.constant 16 : index
      %get3A_1018 = tpu.vector_load %arg20[%get3A_1016, %get3A_1017] {strides = array<i32>} : memref<64x128xf32, #tpu.memory_space<vmem>>, vector<1x16xf32>,
      %get3A_1019 = vector.shape_cast %get3A_1018 : vector<1x16xf32> to vector<16xf32>
      %add3A_1020 = arith.addf %get3A_1015, %get3A_1019 : vector<16xf32>
      %get3A_1021 = arith.index_cast %scan3A_979 : i32 to index
      %get3A_1022 = arith.constant 16 : index
      %get3A_1023 = tpu.vector_load %arg21[%get3A_1021, %get3A_1022] {strides = array<i32>} : memref<64x128xf32, #tpu.memory_space<vmem>>, vector<1x16xf32>,
      %get3A_1024 = vector.shape_cast %get3A_1023 : vector<1x16xf32> to vector<16xf32>
      %sub3A_1025 = arith.subf %add3A_1020, %get3A_1024 : vector<16xf32>
      %abs3A_1026 = math.absf %sub3A_1025 : vector<16xf32>
      %get3A_1027 = arith.index_cast %scan3A_979 : i32 to index
      %get3A_1028 = arith.constant 16 : index
      %get3A_1029 = tpu.vector_load %arg22[%get3A_1027, %get3A_1028] {strides = array<i32>} : memref<64x128xf32, #tpu.memory_space<vmem>>, vector<1x16xf32>,
      %get3A_1030 = vector.shape_cast %get3A_1029 : vector<1x16xf32> to vector<16xf32>
      %get3A_1031 = arith.index_cast %scan3A_979 : i32 to index
      %get3A_1032 = arith.constant 16 : index
      %get3A_1033 = tpu.vector_load %arg23[%get3A_1031, %get3A_1032] {strides = array<i32>} : memref<64x128xf32, #tpu.memory_space<vmem>>, vector<1x16xf32>,
      %get3A_1034 = vector.shape_cast %get3A_1033 : vector<1x16xf32> to vector<16xf32>
      %add3A_1035 = arith.addf %get3A_1030, %get3A_1034 : vector<16xf32>
      %get3A_1036 = arith.index_cast %scan3A_979 : i32 to index
      %get3A_1037 = arith.constant 16 : index
      %get3A_1038 = tpu.vector_load %arg24[%get3A_1036, %get3A_1037] {strides = array<i32>} : memref<64x128xf32, #tpu.memory_space<vmem>>, vector<1x16xf32>,
      %get3A_1039 = vector.shape_cast %get3A_1038 : vector<1x16xf32> to vector<16xf32>
      %sub3A_1040 = arith.subf %add3A_1035, %get3A_1039 : vector<16xf32>
      %abs3A_1041 = math.absf %sub3A_1040 : vector<16xf32>
      %sub3A_1042 = arith.subf %abs3A_1041, %abs3A_1026 : vector<16xf32>
      %add3A_1043 = arith.addf %add3A_1011, %sub3A_1042 : vector<16xf32>
      %get3A_1044 = arith.index_cast %scan3A_979 : i32 to index
      %get3A_1045 = arith.constant 32 : index
      %get3A_1046 = tpu.vector_load %arg19[%get3A_1044, %get3A_1045] {strides = array<i32>} : memref<64x128xf32, #tpu.memory_space<vmem>>, vector<1x16xf32>,
      %get3A_1047 = vector.shape_cast %get3A_1046 : vector<1x16xf32> to vector<16xf32>
      %get3A_1048 = arith.index_cast %scan3A_979 : i32 to index
      %get3A_1049 = arith.constant 32 : index
      %get3A_1050 = tpu.vector_load %arg20[%get3A_1048, %get3A_1049] {strides = array<i32>} : memref<64x128xf32, #tpu.memory_space<vmem>>, vector<1x16xf32>,
      %get3A_1051 = vector.shape_cast %get3A_1050 : vector<1x16xf32> to vector<16xf32>
      %add3A_1052 = arith.addf %get3A_1047, %get3A_1051 : vector<16xf32>
      %get3A_1053 = arith.index_cast %scan3A_979 : i32 to index
      %get3A_1054 = arith.constant 32 : index
      %get3A_1055 = tpu.vector_load %arg21[%get3A_1053, %get3A_1054] {strides = array<i32>} : memref<64x128xf32, #tpu.memory_space<vmem>>, vector<1x16xf32>,
      %get3A_1056 = vector.shape_cast %get3A_1055 : vector<1x16xf32> to vector<16xf32>
      %sub3A_1057 = arith.subf %add3A_1052, %get3A_1056 : vector<16xf32>
      %abs3A_1058 = math.absf %sub3A_1057 : vector<16xf32>
      %get3A_1059 = arith.index_cast %scan3A_979 : i32 to index
      %get3A_1060 = arith.constant 32 : index
      %get3A_1061 = tpu.vector_load %arg22[%get3A_1059, %get3A_1060] {strides = array<i32>} : memref<64x128xf32, #tpu.memory_space<vmem>>, vector<1x16xf32>,
      %get3A_1062 = vector.shape_cast %get3A_1061 : vector<1x16xf32> to vector<16xf32>
      %get3A_1063 = arith.index_cast %scan3A_979 : i32 to index
      %get3A_1064 = arith.constant 32 : index
      %get3A_1065 = tpu.vector_load %arg23[%get3A_1063, %get3A_1064] {strides = array<i32>} : memref<64x128xf32, #tpu.memory_space<vmem>>, vector<1x16xf32>,
      %get3A_1066 = vector.shape_cast %get3A_1065 : vector<1x16xf32> to vector<16xf32>
      %add3A_1067 = arith.addf %get3A_1062, %get3A_1066 : vector<16xf32>
      %get3A_1068 = arith.index_cast %scan3A_979 : i32 to index
      %get3A_1069 = arith.constant 32 : index
      %get3A_1070 = tpu.vector_load %arg24[%get3A_1068, %get3A_1069] {strides = array<i32>} : memref<64x128xf32, #tpu.memory_space<vmem>>, vector<1x16xf32>,
      %get3A_1071 = vector.shape_cast %get3A_1070 : vector<1x16xf32> to vector<16xf32>
      %sub3A_1072 = arith.subf %add3A_1067, %get3A_1071 : vector<16xf32>
      %abs3A_1073 = math.absf %sub3A_1072 : vector<16xf32>
      %sub3A_1074 = arith.subf %abs3A_1073, %abs3A_1058 : vector<16xf32>
      %add3A_1075 = arith.addf %add3A_1043, %sub3A_1074 : vector<16xf32>
      %get3A_1076 = arith.index_cast %scan3A_979 : i32 to index
      %get3A_1077 = arith.constant 48 : index
      %get3A_1078 = tpu.vector_load %arg19[%get3A_1076, %get3A_1077] {strides = array<i32>} : memref<64x128xf32, #tpu.memory_space<vmem>>, vector<1x16xf32>,
      %get3A_1079 = vector.shape_cast %get3A_1078 : vector<1x16xf32> to vector<16xf32>
      %get3A_1080 = arith.index_cast %scan3A_979 : i32 to index
      %get3A_1081 = arith.constant 48 : index
      %get3A_1082 = tpu.vector_load %arg20[%get3A_1080, %get3A_1081] {strides = array<i32>} : memref<64x128xf32, #tpu.memory_space<vmem>>, vector<1x16xf32>,
      %get3A_1083 = vector.shape_cast %get3A_1082 : vector<1x16xf32> to vector<16xf32>
      %add3A_1084 = arith.addf %get3A_1079, %get3A_1083 : vector<16xf32>
      %get3A_1085 = arith.index_cast %scan3A_979 : i32 to index
      %get3A_1086 = arith.constant 48 : index
      %get3A_1087 = tpu.vector_load %arg21[%get3A_1085, %get3A_1086] {strides = array<i32>} : memref<64x128xf32, #tpu.memory_space<vmem>>, vector<1x16xf32>,
      %get3A_1088 = vector.shape_cast %get3A_1087 : vector<1x16xf32> to vector<16xf32>
      %sub3A_1089 = arith.subf %add3A_1084, %get3A_1088 : vector<16xf32>
      %abs3A_1090 = math.absf %sub3A_1089 : vector<16xf32>
      %get3A_1091 = arith.index_cast %scan3A_979 : i32 to index
      %get3A_1092 = arith.constant 48 : index
      %get3A_1093 = tpu.vector_load %arg22[%get3A_1091, %get3A_1092] {strides = array<i32>} : memref<64x128xf32, #tpu.memory_space<vmem>>, vector<1x16xf32>,
      %get3A_1094 = vector.shape_cast %get3A_1093 : vector<1x16xf32> to vector<16xf32>
      %get3A_1095 = arith.index_cast %scan3A_979 : i32 to index
      %get3A_1096 = arith.constant 48 : index
      %get3A_1097 = tpu.vector_load %arg23[%get3A_1095, %get3A_1096] {strides = array<i32>} : memref<64x128xf32, #tpu.memory_space<vmem>>, vector<1x16xf32>,
      %get3A_1098 = vector.shape_cast %get3A_1097 : vector<1x16xf32> to vector<16xf32>
      %add3A_1099 = arith.addf %get3A_1094, %get3A_1098 : vector<16xf32>
      %get3A_1100 = arith.index_cast %scan3A_979 : i32 to index
      %get3A_1101 = arith.constant 48 : index
      %get3A_1102 = tpu.vector_load %arg24[%get3A_1100, %get3A_1101] {strides = array<i32>} : memref<64x128xf32, #tpu.memory_space<vmem>>, vector<1x16xf32>,
      %get3A_1103 = vector.shape_cast %get3A_1102 : vector<1x16xf32> to vector<16xf32>
      %sub3A_1104 = arith.subf %add3A_1099, %get3A_1103 : vector<16xf32>
      %abs3A_1105 = math.absf %sub3A_1104 : vector<16xf32>
      %sub3A_1106 = arith.subf %abs3A_1105, %abs3A_1090 : vector<16xf32>
      %add3A_1107 = arith.addf %add3A_1075, %sub3A_1106 : vector<16xf32>
      %get3A_1108 = arith.index_cast %scan3A_979 : i32 to index
      %get3A_1109 = arith.constant 64 : index
      %get3A_1110 = tpu.vector_load %arg19[%get3A_1108, %get3A_1109] {strides = array<i32>} : memref<64x128xf32, #tpu.memory_space<vmem>>, vector<1x16xf32>,
      %get3A_1111 = vector.shape_cast %get3A_1110 : vector<1x16xf32> to vector<16xf32>
      %get3A_1112 = arith.index_cast %scan3A_979 : i32 to index
      %get3A_1113 = arith.constant 64 : index
      %get3A_1114 = tpu.vector_load %arg20[%get3A_1112, %get3A_1113] {strides = array<i32>} : memref<64x128xf32, #tpu.memory_space<vmem>>, vector<1x16xf32>,
      %get3A_1115 = vector.shape_cast %get3A_1114 : vector<1x16xf32> to vector<16xf32>
      %add3A_1116 = arith.addf %get3A_1111, %get3A_1115 : vector<16xf32>
      %get3A_1117 = arith.index_cast %scan3A_979 : i32 to index
      %get3A_1118 = arith.constant 64 : index
      %get3A_1119 = tpu.vector_load %arg21[%get3A_1117, %get3A_1118] {strides = array<i32>} : memref<64x128xf32, #tpu.memory_space<vmem>>, vector<1x16xf32>,
      %get3A_1120 = vector.shape_cast %get3A_1119 : vector<1x16xf32> to vector<16xf32>
      %sub3A_1121 = arith.subf %add3A_1116, %get3A_1120 : vector<16xf32>
      %abs3A_1122 = math.absf %sub3A_1121 : vector<16xf32>
      %get3A_1123 = arith.index_cast %scan3A_979 : i32 to index
      %get3A_1124 = arith.constant 64 : index
      %get3A_1125 = tpu.vector_load %arg22[%get3A_1123, %get3A_1124] {strides = array<i32>} : memref<64x128xf32, #tpu.memory_space<vmem>>, vector<1x16xf32>,
      %get3A_1126 = vector.shape_cast %get3A_1125 : vector<1x16xf32> to vector<16xf32>
      %get3A_1127 = arith.index_cast %scan3A_979 : i32 to index
      %get3A_1128 = arith.constant 64 : index
      %get3A_1129 = tpu.vector_load %arg23[%get3A_1127, %get3A_1128] {strides = array<i32>} : memref<64x128xf32, #tpu.memory_space<vmem>>, vector<1x16xf32>,
      %get3A_1130 = vector.shape_cast %get3A_1129 : vector<1x16xf32> to vector<16xf32>
      %add3A_1131 = arith.addf %get3A_1126, %get3A_1130 : vector<16xf32>
      %get3A_1132 = arith.index_cast %scan3A_979 : i32 to index
      %get3A_1133 = arith.constant 64 : index
      %get3A_1134 = tpu.vector_load %arg24[%get3A_1132, %get3A_1133] {strides = array<i32>} : memref<64x128xf32, #tpu.memory_space<vmem>>, vector<1x16xf32>,
      %get3A_1135 = vector.shape_cast %get3A_1134 : vector<1x16xf32> to vector<16xf32>
      %sub3A_1136 = arith.subf %add3A_1131, %get3A_1135 : vector<16xf32>
      %abs3A_1137 = math.absf %sub3A_1136 : vector<16xf32>
      %sub3A_1138 = arith.subf %abs3A_1137, %abs3A_1122 : vector<16xf32>
      %add3A_1139 = arith.addf %add3A_1107, %sub3A_1138 : vector<16xf32>
      %get3A_1140 = arith.index_cast %scan3A_979 : i32 to index
      %get3A_1141 = arith.constant 80 : index
      %get3A_1142 = tpu.vector_load %arg19[%get3A_1140, %get3A_1141] {strides = array<i32>} : memref<64x128xf32, #tpu.memory_space<vmem>>, vector<1x16xf32>,
      %get3A_1143 = vector.shape_cast %get3A_1142 : vector<1x16xf32> to vector<16xf32>
      %get3A_1144 = arith.index_cast %scan3A_979 : i32 to index
      %get3A_1145 = arith.constant 80 : index
      %get3A_1146 = tpu.vector_load %arg20[%get3A_1144, %get3A_1145] {strides = array<i32>} : memref<64x128xf32, #tpu.memory_space<vmem>>, vector<1x16xf32>,
      %get3A_1147 = vector.shape_cast %get3A_1146 : vector<1x16xf32> to vector<16xf32>
      %add3A_1148 = arith.addf %get3A_1143, %get3A_1147 : vector<16xf32>
      %get3A_1149 = arith.index_cast %scan3A_979 : i32 to index
      %get3A_1150 = arith.constant 80 : index
      %get3A_1151 = tpu.vector_load %arg21[%get3A_1149, %get3A_1150] {strides = array<i32>} : memref<64x128xf32, #tpu.memory_space<vmem>>, vector<1x16xf32>,
      %get3A_1152 = vector.shape_cast %get3A_1151 : vector<1x16xf32> to vector<16xf32>
      %sub3A_1153 = arith.subf %add3A_1148, %get3A_1152 : vector<16xf32>
      %abs3A_1154 = math.absf %sub3A_1153 : vector<16xf32>
      %get3A_1155 = arith.index_cast %scan3A_979 : i32 to index
      %get3A_1156 = arith.constant 80 : index
      %get3A_1157 = tpu.vector_load %arg22[%get3A_1155, %get3A_1156] {strides = array<i32>} : memref<64x128xf32, #tpu.memory_space<vmem>>, vector<1x16xf32>,
      %get3A_1158 = vector.shape_cast %get3A_1157 : vector<1x16xf32> to vector<16xf32>
      %get3A_1159 = arith.index_cast %scan3A_979 : i32 to index
      %get3A_1160 = arith.constant 80 : index
      %get3A_1161 = tpu.vector_load %arg23[%get3A_1159, %get3A_1160] {strides = array<i32>} : memref<64x128xf32, #tpu.memory_space<vmem>>, vector<1x16xf32>,
      %get3A_1162 = vector.shape_cast %get3A_1161 : vector<1x16xf32> to vector<16xf32>
      %add3A_1163 = arith.addf %get3A_1158, %get3A_1162 : vector<16xf32>
      %get3A_1164 = arith.index_cast %scan3A_979 : i32 to index
      %get3A_1165 = arith.constant 80 : index
      %get3A_1166 = tpu.vector_load %arg24[%get3A_1164, %get3A_1165] {strides = array<i32>} : memref<64x128xf32, #tpu.memory_space<vmem>>, vector<1x16xf32>,
      %get3A_1167 = vector.shape_cast %get3A_1166 : vector<1x16xf32> to vector<16xf32>
      %sub3A_1168 = arith.subf %add3A_1163, %get3A_1167 : vector<16xf32>
      %abs3A_1169 = math.absf %sub3A_1168 : vector<16xf32>
      %sub3A_1170 = arith.subf %abs3A_1169, %abs3A_1154 : vector<16xf32>
      %add3A_1171 = arith.addf %add3A_1139, %sub3A_1170 : vector<16xf32>
      %get3A_1172 = arith.index_cast %scan3A_979 : i32 to index
      %get3A_1173 = arith.constant 96 : index
      %get3A_1174 = tpu.vector_load %arg19[%get3A_1172, %get3A_1173] {strides = array<i32>} : memref<64x128xf32, #tpu.memory_space<vmem>>, vector<1x16xf32>,
      %get3A_1175 = vector.shape_cast %get3A_1174 : vector<1x16xf32> to vector<16xf32>
      %get3A_1176 = arith.index_cast %scan3A_979 : i32 to index
      %get3A_1177 = arith.constant 96 : index
      %get3A_1178 = tpu.vector_load %arg20[%get3A_1176, %get3A_1177] {strides = array<i32>} : memref<64x128xf32, #tpu.memory_space<vmem>>, vector<1x16xf32>,
      %get3A_1179 = vector.shape_cast %get3A_1178 : vector<1x16xf32> to vector<16xf32>
      %add3A_1180 = arith.addf %get3A_1175, %get3A_1179 : vector<16xf32>
      %get3A_1181 = arith.index_cast %scan3A_979 : i32 to index
      %get3A_1182 = arith.constant 96 : index
      %get3A_1183 = tpu.vector_load %arg21[%get3A_1181, %get3A_1182] {strides = array<i32>} : memref<64x128xf32, #tpu.memory_space<vmem>>, vector<1x16xf32>,
      %get3A_1184 = vector.shape_cast %get3A_1183 : vector<1x16xf32> to vector<16xf32>
      %sub3A_1185 = arith.subf %add3A_1180, %get3A_1184 : vector<16xf32>
      %abs3A_1186 = math.absf %sub3A_1185 : vector<16xf32>
      %get3A_1187 = arith.index_cast %scan3A_979 : i32 to index
      %get3A_1188 = arith.constant 96 : index
      %get3A_1189 = tpu.vector_load %arg22[%get3A_1187, %get3A_1188] {strides = array<i32>} : memref<64x128xf32, #tpu.memory_space<vmem>>, vector<1x16xf32>,
      %get3A_1190 = vector.shape_cast %get3A_1189 : vector<1x16xf32> to vector<16xf32>
      %get3A_1191 = arith.index_cast %scan3A_979 : i32 to index
      %get3A_1192 = arith.constant 96 : index
      %get3A_1193 = tpu.vector_load %arg23[%get3A_1191, %get3A_1192] {strides = array<i32>} : memref<64x128xf32, #tpu.memory_space<vmem>>, vector<1x16xf32>,
      %get3A_1194 = vector.shape_cast %get3A_1193 : vector<1x16xf32> to vector<16xf32>
      %add3A_1195 = arith.addf %get3A_1190, %get3A_1194 : vector<16xf32>
      %get3A_1196 = arith.index_cast %scan3A_979 : i32 to index
      %get3A_1197 = arith.constant 96 : index
      %get3A_1198 = tpu.vector_load %arg24[%get3A_1196, %get3A_1197] {strides = array<i32>} : memref<64x128xf32, #tpu.memory_space<vmem>>, vector<1x16xf32>,
      %get3A_1199 = vector.shape_cast %get3A_1198 : vector<1x16xf32> to vector<16xf32>
      %sub3A_1200 = arith.subf %add3A_1195, %get3A_1199 : vector<16xf32>
      %abs3A_1201 = math.absf %sub3A_1200 : vector<16xf32>
      %sub3A_1202 = arith.subf %abs3A_1201, %abs3A_1186 : vector<16xf32>
      %add3A_1203 = arith.addf %add3A_1171, %sub3A_1202 : vector<16xf32>
      %get3A_1204 = arith.index_cast %scan3A_979 : i32 to index
      %get3A_1205 = arith.constant 112 : index
      %get3A_1206 = tpu.vector_load %arg19[%get3A_1204, %get3A_1205] {strides = array<i32>} : memref<64x128xf32, #tpu.memory_space<vmem>>, vector<1x16xf32>,
      %get3A_1207 = vector.shape_cast %get3A_1206 : vector<1x16xf32> to vector<16xf32>
      %get3A_1208 = arith.index_cast %scan3A_979 : i32 to index
      %get3A_1209 = arith.constant 112 : index
      %get3A_1210 = tpu.vector_load %arg20[%get3A_1208, %get3A_1209] {strides = array<i32>} : memref<64x128xf32, #tpu.memory_space<vmem>>, vector<1x16xf32>,
      %get3A_1211 = vector.shape_cast %get3A_1210 : vector<1x16xf32> to vector<16xf32>
      %add3A_1212 = arith.addf %get3A_1207, %get3A_1211 : vector<16xf32>
      %get3A_1213 = arith.index_cast %scan3A_979 : i32 to index
      %get3A_1214 = arith.constant 112 : index
      %get3A_1215 = tpu.vector_load %arg21[%get3A_1213, %get3A_1214] {strides = array<i32>} : memref<64x128xf32, #tpu.memory_space<vmem>>, vector<1x16xf32>,
      %get3A_1216 = vector.shape_cast %get3A_1215 : vector<1x16xf32> to vector<16xf32>
      %sub3A_1217 = arith.subf %add3A_1212, %get3A_1216 : vector<16xf32>
      %abs3A_1218 = math.absf %sub3A_1217 : vector<16xf32>
      %get3A_1219 = arith.index_cast %scan3A_979 : i32 to index
      %get3A_1220 = arith.constant 112 : index
      %get3A_1221 = tpu.vector_load %arg22[%get3A_1219, %get3A_1220] {strides = array<i32>} : memref<64x128xf32, #tpu.memory_space<vmem>>, vector<1x16xf32>,
      %get3A_1222 = vector.shape_cast %get3A_1221 : vector<1x16xf32> to vector<16xf32>
      %get3A_1223 = arith.index_cast %scan3A_979 : i32 to index
      %get3A_1224 = arith.constant 112 : index
      %get3A_1225 = tpu.vector_load %arg23[%get3A_1223, %get3A_1224] {strides = array<i32>} : memref<64x128xf32, #tpu.memory_space<vmem>>, vector<1x16xf32>,
      %get3A_1226 = vector.shape_cast %get3A_1225 : vector<1x16xf32> to vector<16xf32>
      %add3A_1227 = arith.addf %get3A_1222, %get3A_1226 : vector<16xf32>
      %get3A_1228 = arith.index_cast %scan3A_979 : i32 to index
      %get3A_1229 = arith.constant 112 : index
      %get3A_1230 = tpu.vector_load %arg24[%get3A_1228, %get3A_1229] {strides = array<i32>} : memref<64x128xf32, #tpu.memory_space<vmem>>, vector<1x16xf32>,
      %get3A_1231 = vector.shape_cast %get3A_1230 : vector<1x16xf32> to vector<16xf32>
      %sub3A_1232 = arith.subf %add3A_1227, %get3A_1231 : vector<16xf32>
      %abs3A_1233 = math.absf %sub3A_1232 : vector<16xf32>
      %sub3A_1234 = arith.subf %abs3A_1233, %abs3A_1218 : vector<16xf32>
      %add3A_1235 = arith.addf %add3A_1203, %sub3A_1234 : vector<16xf32>
      %xor3A = arith.constant 1 : i32
      %xor3A_1236 = vector.broadcast %xor3A : i32 to vector<16xi32>
      %xor3A_1237 = arith.xori %iota3A, %xor3A_1236 : vector<16xi32>
      %lt3A = arith.constant 0 : i32
      %lt3A_1238 = vector.broadcast %lt3A : i32 to vector<16xi32>
      %lt3A_1239 = arith.cmpi slt, %xor3A_1237, %lt3A_1238 : vector<16xi32>
      %add3A_1240 = arith.constant 16 : i32
      %add3A_1241 = vector.broadcast %add3A_1240 : i32 to vector<16xi32>
      %add3A_1242 = arith.addi %xor3A_1237, %add3A_1241 : vector<16xi32>
      %select_n3A = arith.select %lt3A_1239, %add3A_1242, %xor3A_1237 : vector<16xi1>, vector<16xi32>
      %broadcast_in_dim3A_1243 = vector.shape_cast %select_n3A : vector<16xi32> to vector<16x1xi32>
      %gather3A = vector.shape_cast %broadcast_in_dim3A_1243 : vector<16x1xi32> to vector<16xi32>
      %gather3A_1244 = tpu.dynamic_gather %add3A_1235[%gather3A] in [0] : vector<16xf32>, vector<16xi32> -> vector<16xf32>
      %add3A_1245 = arith.addf %add3A_1235, %gather3A_1244 : vector<16xf32>
      %xor3A_1246 = arith.constant 2 : i32
      %xor3A_1247 = vector.broadcast %xor3A_1246 : i32 to vector<16xi32>
      %xor3A_1248 = arith.xori %iota3A, %xor3A_1247 : vector<16xi32>
      %lt3A_1249 = arith.constant 0 : i32
      %lt3A_1250 = vector.broadcast %lt3A_1249 : i32 to vector<16xi32>
      %lt3A_1251 = arith.cmpi slt, %xor3A_1248, %lt3A_1250 : vector<16xi32>
      %add3A_1252 = arith.constant 16 : i32
      %add3A_1253 = vector.broadcast %add3A_1252 : i32 to vector<16xi32>
      %add3A_1254 = arith.addi %xor3A_1248, %add3A_1253 : vector<16xi32>
      %select_n3A_1255 = arith.select %lt3A_1251, %add3A_1254, %xor3A_1248 : vector<16xi1>, vector<16xi32>
      %broadcast_in_dim3A_1256 = vector.shape_cast %select_n3A_1255 : vector<16xi32> to vector<16x1xi32>
      %gather3A_1257 = vector.shape_cast %broadcast_in_dim3A_1256 : vector<16x1xi32> to vector<16xi32>
      %gather3A_1258 = tpu.dynamic_gather %add3A_1245[%gather3A_1257] in [0] : vector<16xf32>, vector<16xi32> -> vector<16xf32>
      %add3A_1259 = arith.addf %add3A_1245, %gather3A_1258 : vector<16xf32>
      %xor3A_1260 = arith.constant 4 : i32
      %xor3A_1261 = vector.broadcast %xor3A_1260 : i32 to vector<16xi32>
      %xor3A_1262 = arith.xori %iota3A, %xor3A_1261 : vector<16xi32>
      %lt3A_1263 = arith.constant 0 : i32
      %lt3A_1264 = vector.broadcast %lt3A_1263 : i32 to vector<16xi32>
      %lt3A_1265 = arith.cmpi slt, %xor3A_1262, %lt3A_1264 : vector<16xi32>
      %add3A_1266 = arith.constant 16 : i32
      %add3A_1267 = vector.broadcast %add3A_1266 : i32 to vector<16xi32>
      %add3A_1268 = arith.addi %xor3A_1262, %add3A_1267 : vector<16xi32>
      %select_n3A_1269 = arith.select %lt3A_1265, %add3A_1268, %xor3A_1262 : vector<16xi1>, vector<16xi32>
      %broadcast_in_dim3A_1270 = vector.shape_cast %select_n3A_1269 : vector<16xi32> to vector<16x1xi32>
      %gather3A_1271 = vector.shape_cast %broadcast_in_dim3A_1270 : vector<16x1xi32> to vector<16xi32>
      %gather3A_1272 = tpu.dynamic_gather %add3A_1259[%gather3A_1271] in [0] : vector<16xf32>, vector<16xi32> -> vector<16xf32>
      %add3A_1273 = arith.addf %add3A_1259, %gather3A_1272 : vector<16xf32>
      %xor3A_1274 = arith.constant 8 : i32
      %xor3A_1275 = vector.broadcast %xor3A_1274 : i32 to vector<16xi32>
      %xor3A_1276 = arith.xori %iota3A, %xor3A_1275 : vector<16xi32>
      %lt3A_1277 = arith.constant 0 : i32
      %lt3A_1278 = vector.broadcast %lt3A_1277 : i32 to vector<16xi32>
      %lt3A_1279 = arith.cmpi slt, %xor3A_1276, %lt3A_1278 : vector<16xi32>
      %add3A_1280 = arith.constant 16 : i32
      %add3A_1281 = vector.broadcast %add3A_1280 : i32 to vector<16xi32>
      %add3A_1282 = arith.addi %xor3A_1276, %add3A_1281 : vector<16xi32>
      %select_n3A_1283 = arith.select %lt3A_1279, %add3A_1282, %xor3A_1276 : vector<16xi1>, vector<16xi32>
      %broadcast_in_dim3A_1284 = vector.shape_cast %select_n3A_1283 : vector<16xi32> to vector<16x1xi32>
      %gather3A_1285 = vector.shape_cast %broadcast_in_dim3A_1284 : vector<16x1xi32> to vector<16xi32>
      %gather3A_1286 = tpu.dynamic_gather %add3A_1273[%gather3A_1285] in [0] : vector<16xf32>, vector<16xi32> -> vector<16xf32>
      %add3A_1287 = arith.addf %add3A_1273, %gather3A_1286 : vector<16xf32>
      %add3A_1288 = arith.constant 1.000000e+00 : f32
      %add3A_1289 = vector.broadcast %add3A_1288 : f32 to vector<16xf32>
      %add3A_1290 = arith.addf %add3A_1287, %add3A_1289 : vector<16xf32>
      %max3A = arith.constant 0.000000e+00 : f32
      %max3A_1291 = vector.broadcast %max3A : f32 to vector<16xf32>
      %max3A_1292 = arith.maximumf %add3A_1290, %max3A_1291 : vector<16xf32>
      %add3A_1293 = arith.addf %scan3A_980, %max3A_1292 : vector<16xf32>
      scf.yield %add3A_1293 : vector<16xf32>
    }
    %scan3A_474 = arith.constant 64 : i32
    %dma_start3A_475 = arith.constant 0 : i32
    %dma_start3A_476 = arith.constant 192 : i32
    %dma_start3A_477 = tpu.memref_slice %arg7[%dma_start3A_475, %dma_start3A_476] : memref<1x512xi32, #tpu.memory_space<vmem>> -> memref<1x64xi32, #tpu.memory_space<vmem>>
    %dma_start3A_478 = tpu.memref_squeeze %dma_start3A_477 : memref<1x64xi32, #tpu.memory_space<vmem>> -> memref<64xi32, #tpu.memory_space<vmem>>
    %dma_start3A_479 = arith.constant 0 : i32
    %dma_start3A_480 = arith.constant 0 : i32
    %dma_start3A_481 = tpu.memref_slice %arg4[%dma_start3A_479, %dma_start3A_480] : memref<100000x128xf32, #tpu.memory_space<hbm>> -> memref<100000x128xf32, #tpu.memory_space<hbm>>
    tpu.enqueue_indirect_dma source(%dma_start3A_481 : memref<100000x128xf32, #tpu.memory_space<hbm>>) target(%arg19 : memref<64x128xf32, #tpu.memory_space<vmem>>) offsets(%dma_start3A_478 : memref<64xi32, #tpu.memory_space<vmem>>) semaphore(%arg26 : memref<!tpu.dma_semaphore, #tpu.memory_space<semaphore_mem>>)
    %dma_start3A_482 = arith.constant 0 : i32
    %dma_start3A_483 = arith.constant 192 : i32
    %dma_start3A_484 = tpu.memref_slice %arg8[%dma_start3A_482, %dma_start3A_483] : memref<1x512xi32, #tpu.memory_space<vmem>> -> memref<1x64xi32, #tpu.memory_space<vmem>>
    %dma_start3A_485 = tpu.memref_squeeze %dma_start3A_484 : memref<1x64xi32, #tpu.memory_space<vmem>> -> memref<64xi32, #tpu.memory_space<vmem>>
    %dma_start3A_486 = arith.constant 0 : i32
    %dma_start3A_487 = arith.constant 0 : i32
    %dma_start3A_488 = tpu.memref_slice %arg5[%dma_start3A_486, %dma_start3A_487] : memref<100000x128xf32, #tpu.memory_space<hbm>> -> memref<100000x128xf32, #tpu.memory_space<hbm>>
    tpu.enqueue_indirect_dma source(%dma_start3A_488 : memref<100000x128xf32, #tpu.memory_space<hbm>>) target(%arg20 : memref<64x128xf32, #tpu.memory_space<vmem>>) offsets(%dma_start3A_485 : memref<64xi32, #tpu.memory_space<vmem>>) semaphore(%arg26 : memref<!tpu.dma_semaphore, #tpu.memory_space<semaphore_mem>>)
    %dma_start3A_489 = arith.constant 0 : i32
    %dma_start3A_490 = arith.constant 192 : i32
    %dma_start3A_491 = tpu.memref_slice %arg9[%dma_start3A_489, %dma_start3A_490] : memref<1x512xi32, #tpu.memory_space<vmem>> -> memref<1x64xi32, #tpu.memory_space<vmem>>
    %dma_start3A_492 = tpu.memref_squeeze %dma_start3A_491 : memref<1x64xi32, #tpu.memory_space<vmem>> -> memref<64xi32, #tpu.memory_space<vmem>>
    %dma_start3A_493 = arith.constant 0 : i32
    %dma_start3A_494 = arith.constant 0 : i32
    %dma_start3A_495 = tpu.memref_slice %arg4[%dma_start3A_493, %dma_start3A_494] : memref<100000x128xf32, #tpu.memory_space<hbm>> -> memref<100000x128xf32, #tpu.memory_space<hbm>>
    tpu.enqueue_indirect_dma source(%dma_start3A_495 : memref<100000x128xf32, #tpu.memory_space<hbm>>) target(%arg21 : memref<64x128xf32, #tpu.memory_space<vmem>>) offsets(%dma_start3A_492 : memref<64xi32, #tpu.memory_space<vmem>>) semaphore(%arg26 : memref<!tpu.dma_semaphore, #tpu.memory_space<semaphore_mem>>)
    %dma_start3A_496 = arith.constant 0 : i32
    %dma_start3A_497 = arith.constant 192 : i32
    %dma_start3A_498 = tpu.memref_slice %arg10[%dma_start3A_496, %dma_start3A_497] : memref<1x512xi32, #tpu.memory_space<vmem>> -> memref<1x64xi32, #tpu.memory_space<vmem>>
    %dma_start3A_499 = tpu.memref_squeeze %dma_start3A_498 : memref<1x64xi32, #tpu.memory_space<vmem>> -> memref<64xi32, #tpu.memory_space<vmem>>
    %dma_start3A_500 = arith.constant 0 : i32
    %dma_start3A_501 = arith.constant 0 : i32
    %dma_start3A_502 = tpu.memref_slice %arg4[%dma_start3A_500, %dma_start3A_501] : memref<100000x128xf32, #tpu.memory_space<hbm>> -> memref<100000x128xf32, #tpu.memory_space<hbm>>
    tpu.enqueue_indirect_dma source(%dma_start3A_502 : memref<100000x128xf32, #tpu.memory_space<hbm>>) target(%arg22 : memref<64x128xf32, #tpu.memory_space<vmem>>) offsets(%dma_start3A_499 : memref<64xi32, #tpu.memory_space<vmem>>) semaphore(%arg26 : memref<!tpu.dma_semaphore, #tpu.memory_space<semaphore_mem>>)
    %dma_start3A_503 = arith.constant 0 : i32
    %dma_start3A_504 = arith.constant 192 : i32
    %dma_start3A_505 = tpu.memref_slice %arg11[%dma_start3A_503, %dma_start3A_504] : memref<1x512xi32, #tpu.memory_space<vmem>> -> memref<1x64xi32, #tpu.memory_space<vmem>>
    %dma_start3A_506 = tpu.memref_squeeze %dma_start3A_505 : memref<1x64xi32, #tpu.memory_space<vmem>> -> memref<64xi32, #tpu.memory_space<vmem>>
    %dma_start3A_507 = arith.constant 0 : i32
    %dma_start3A_508 = arith.constant 0 : i32
    %dma_start3A_509 = tpu.memref_slice %arg5[%dma_start3A_507, %dma_start3A_508] : memref<100000x128xf32, #tpu.memory_space<hbm>> -> memref<100000x128xf32, #tpu.memory_space<hbm>>
    tpu.enqueue_indirect_dma source(%dma_start3A_509 : memref<100000x128xf32, #tpu.memory_space<hbm>>) target(%arg23 : memref<64x128xf32, #tpu.memory_space<vmem>>) offsets(%dma_start3A_506 : memref<64xi32, #tpu.memory_space<vmem>>) semaphore(%arg26 : memref<!tpu.dma_semaphore, #tpu.memory_space<semaphore_mem>>)
    %dma_start3A_510 = arith.constant 0 : i32
    %dma_start3A_511 = arith.constant 192 : i32
    %dma_start3A_512 = tpu.memref_slice %arg12[%dma_start3A_510, %dma_start3A_511] : memref<1x512xi32, #tpu.memory_space<vmem>> -> memref<1x64xi32, #tpu.memory_space<vmem>>
    %dma_start3A_513 = tpu.memref_squeeze %dma_start3A_512 : memref<1x64xi32, #tpu.memory_space<vmem>> -> memref<64xi32, #tpu.memory_space<vmem>>
    %dma_start3A_514 = arith.constant 0 : i32
    %dma_start3A_515 = arith.constant 0 : i32
    %dma_start3A_516 = tpu.memref_slice %arg4[%dma_start3A_514, %dma_start3A_515] : memref<100000x128xf32, #tpu.memory_space<hbm>> -> memref<100000x128xf32, #tpu.memory_space<hbm>>
    tpu.enqueue_indirect_dma source(%dma_start3A_516 : memref<100000x128xf32, #tpu.memory_space<hbm>>) target(%arg24 : memref<64x128xf32, #tpu.memory_space<vmem>>) offsets(%dma_start3A_513 : memref<64xi32, #tpu.memory_space<vmem>>) semaphore(%arg26 : memref<!tpu.dma_semaphore, #tpu.memory_space<semaphore_mem>>)
    %dma_wait3A_517 = arith.constant 0 : i32
    %dma_wait3A_518 = arith.constant 128 : i32
    %dma_wait3A_519 = tpu.memref_slice %arg7[%dma_wait3A_517, %dma_wait3A_518] : memref<1x512xi32, #tpu.memory_space<vmem>> -> memref<1x64xi32, #tpu.memory_space<vmem>>
    %dma_wait3A_520 = tpu.memref_squeeze %dma_wait3A_519 : memref<1x64xi32, #tpu.memory_space<vmem>> -> memref<64xi32, #tpu.memory_space<vmem>>
    %dma_wait3A_521 = arith.constant 0 : i32
    %dma_wait3A_522 = arith.constant 0 : i32
    %dma_wait3A_523 = tpu.memref_slice %arg4[%dma_wait3A_521, %dma_wait3A_522] : memref<100000x128xf32, #tpu.memory_space<hbm>> -> memref<100000x128xf32, #tpu.memory_space<hbm>>
    tpu.wait_indirect_dma semaphore(%arg26 : memref<!tpu.dma_semaphore, #tpu.memory_space<semaphore_mem>>) src(%dma_wait3A_523 : memref<100000x128xf32, #tpu.memory_space<hbm>>) dst(%arg13 : memref<64x128xf32, #tpu.memory_space<vmem>>)
    %dma_wait3A_524 = arith.constant 0 : i32
    %dma_wait3A_525 = arith.constant 128 : i32
    %dma_wait3A_526 = tpu.memref_slice %arg8[%dma_wait3A_524, %dma_wait3A_525] : memref<1x512xi32, #tpu.memory_space<vmem>> -> memref<1x64xi32, #tpu.memory_space<vmem>>
    %dma_wait3A_527 = tpu.memref_squeeze %dma_wait3A_526 : memref<1x64xi32, #tpu.memory_space<vmem>> -> memref<64xi32, #tpu.memory_space<vmem>>
    %dma_wait3A_528 = arith.constant 0 : i32
    %dma_wait3A_529 = arith.constant 0 : i32
    %dma_wait3A_530 = tpu.memref_slice %arg5[%dma_wait3A_528, %dma_wait3A_529] : memref<100000x128xf32, #tpu.memory_space<hbm>> -> memref<100000x128xf32, #tpu.memory_space<hbm>>
    tpu.wait_indirect_dma semaphore(%arg26 : memref<!tpu.dma_semaphore, #tpu.memory_space<semaphore_mem>>) src(%dma_wait3A_530 : memref<100000x128xf32, #tpu.memory_space<hbm>>) dst(%arg14 : memref<64x128xf32, #tpu.memory_space<vmem>>)
    %dma_wait3A_531 = arith.constant 0 : i32
    %dma_wait3A_532 = arith.constant 128 : i32
    %dma_wait3A_533 = tpu.memref_slice %arg9[%dma_wait3A_531, %dma_wait3A_532] : memref<1x512xi32, #tpu.memory_space<vmem>> -> memref<1x64xi32, #tpu.memory_space<vmem>>
    %dma_wait3A_534 = tpu.memref_squeeze %dma_wait3A_533 : memref<1x64xi32, #tpu.memory_space<vmem>> -> memref<64xi32, #tpu.memory_space<vmem>>
    %dma_wait3A_535 = arith.constant 0 : i32
    %dma_wait3A_536 = arith.constant 0 : i32
    %dma_wait3A_537 = tpu.memref_slice %arg4[%dma_wait3A_535, %dma_wait3A_536] : memref<100000x128xf32, #tpu.memory_space<hbm>> -> memref<100000x128xf32, #tpu.memory_space<hbm>>
    tpu.wait_indirect_dma semaphore(%arg26 : memref<!tpu.dma_semaphore, #tpu.memory_space<semaphore_mem>>) src(%dma_wait3A_537 : memref<100000x128xf32, #tpu.memory_space<hbm>>) dst(%arg15 : memref<64x128xf32, #tpu.memory_space<vmem>>)
    %dma_wait3A_538 = arith.constant 0 : i32
    %dma_wait3A_539 = arith.constant 128 : i32
    %dma_wait3A_540 = tpu.memref_slice %arg10[%dma_wait3A_538, %dma_wait3A_539] : memref<1x512xi32, #tpu.memory_space<vmem>> -> memref<1x64xi32, #tpu.memory_space<vmem>>
    %dma_wait3A_541 = tpu.memref_squeeze %dma_wait3A_540 : memref<1x64xi32, #tpu.memory_space<vmem>> -> memref<64xi32, #tpu.memory_space<vmem>>
    %dma_wait3A_542 = arith.constant 0 : i32
    %dma_wait3A_543 = arith.constant 0 : i32
    %dma_wait3A_544 = tpu.memref_slice %arg4[%dma_wait3A_542, %dma_wait3A_543] : memref<100000x128xf32, #tpu.memory_space<hbm>> -> memref<100000x128xf32, #tpu.memory_space<hbm>>
    tpu.wait_indirect_dma semaphore(%arg26 : memref<!tpu.dma_semaphore, #tpu.memory_space<semaphore_mem>>) src(%dma_wait3A_544 : memref<100000x128xf32, #tpu.memory_space<hbm>>) dst(%arg16 : memref<64x128xf32, #tpu.memory_space<vmem>>)
    %dma_wait3A_545 = arith.constant 0 : i32
    %dma_wait3A_546 = arith.constant 128 : i32
    %dma_wait3A_547 = tpu.memref_slice %arg11[%dma_wait3A_545, %dma_wait3A_546] : memref<1x512xi32, #tpu.memory_space<vmem>> -> memref<1x64xi32, #tpu.memory_space<vmem>>
    %dma_wait3A_548 = tpu.memref_squeeze %dma_wait3A_547 : memref<1x64xi32, #tpu.memory_space<vmem>> -> memref<64xi32, #tpu.memory_space<vmem>>
    %dma_wait3A_549 = arith.constant 0 : i32
    %dma_wait3A_550 = arith.constant 0 : i32
    %dma_wait3A_551 = tpu.memref_slice %arg5[%dma_wait3A_549, %dma_wait3A_550] : memref<100000x128xf32, #tpu.memory_space<hbm>> -> memref<100000x128xf32, #tpu.memory_space<hbm>>
    tpu.wait_indirect_dma semaphore(%arg26 : memref<!tpu.dma_semaphore, #tpu.memory_space<semaphore_mem>>) src(%dma_wait3A_551 : memref<100000x128xf32, #tpu.memory_space<hbm>>) dst(%arg17 : memref<64x128xf32, #tpu.memory_space<vmem>>)
    %dma_wait3A_552 = arith.constant 0 : i32
    %dma_wait3A_553 = arith.constant 128 : i32
    %dma_wait3A_554 = tpu.memref_slice %arg12[%dma_wait3A_552, %dma_wait3A_553] : memref<1x512xi32, #tpu.memory_space<vmem>> -> memref<1x64xi32, #tpu.memory_space<vmem>>
    %dma_wait3A_555 = tpu.memref_squeeze %dma_wait3A_554 : memref<1x64xi32, #tpu.memory_space<vmem>> -> memref<64xi32, #tpu.memory_space<vmem>>
    %dma_wait3A_556 = arith.constant 0 : i32
    %dma_wait3A_557 = arith.constant 0 : i32
    %dma_wait3A_558 = tpu.memref_slice %arg4[%dma_wait3A_556, %dma_wait3A_557] : memref<100000x128xf32, #tpu.memory_space<hbm>> -> memref<100000x128xf32, #tpu.memory_space<hbm>>
    tpu.wait_indirect_dma semaphore(%arg26 : memref<!tpu.dma_semaphore, #tpu.memory_space<semaphore_mem>>) src(%dma_wait3A_558 : memref<100000x128xf32, #tpu.memory_space<hbm>>) dst(%arg18 : memref<64x128xf32, #tpu.memory_space<vmem>>)
    %scan3A_559 = arith.constant 0 : i32
    %scan3A_560 = arith.constant 64 : i32
    %scan3A_561 = arith.addi %scan3A_559, %scan3A_560 : i32
    %scan3A_562 = arith.constant 1 : i32
    %scan3A_563 = scf.for %scan3A_979 = %scan3A_559 to %scan3A_561 step %scan3A_562 iter_args(%scan3A_980 = %scan3A_473) -> (vector<16xf32>)  : i32 {
      %broadcast_in_dim3A_981 = arith.constant 0.000000e+00 : f32
      %broadcast_in_dim3A_982 = vector.broadcast %broadcast_in_dim3A_981 : f32 to vector<16xf32>
      %get3A = arith.index_cast %scan3A_979 : i32 to index
      %get3A_983 = arith.constant 0 : index
      %get3A_984 = tpu.vector_load %arg13[%get3A, %get3A_983] {strides = array<i32>} : memref<64x128xf32, #tpu.memory_space<vmem>>, vector<1x16xf32>,
      %get3A_985 = vector.shape_cast %get3A_984 : vector<1x16xf32> to vector<16xf32>
      %get3A_986 = arith.index_cast %scan3A_979 : i32 to index
      %get3A_987 = arith.constant 0 : index
      %get3A_988 = tpu.vector_load %arg14[%get3A_986, %get3A_987] {strides = array<i32>} : memref<64x128xf32, #tpu.memory_space<vmem>>, vector<1x16xf32>,
      %get3A_989 = vector.shape_cast %get3A_988 : vector<1x16xf32> to vector<16xf32>
      %add3A_990 = arith.addf %get3A_985, %get3A_989 : vector<16xf32>
      %get3A_991 = arith.index_cast %scan3A_979 : i32 to index
      %get3A_992 = arith.constant 0 : index
      %get3A_993 = tpu.vector_load %arg15[%get3A_991, %get3A_992] {strides = array<i32>} : memref<64x128xf32, #tpu.memory_space<vmem>>, vector<1x16xf32>,
      %get3A_994 = vector.shape_cast %get3A_993 : vector<1x16xf32> to vector<16xf32>
      %sub3A = arith.subf %add3A_990, %get3A_994 : vector<16xf32>
      %abs3A = math.absf %sub3A : vector<16xf32>
      %get3A_995 = arith.index_cast %scan3A_979 : i32 to index
      %get3A_996 = arith.constant 0 : index
      %get3A_997 = tpu.vector_load %arg16[%get3A_995, %get3A_996] {strides = array<i32>} : memref<64x128xf32, #tpu.memory_space<vmem>>, vector<1x16xf32>,
      %get3A_998 = vector.shape_cast %get3A_997 : vector<1x16xf32> to vector<16xf32>
      %get3A_999 = arith.index_cast %scan3A_979 : i32 to index
      %get3A_1000 = arith.constant 0 : index
      %get3A_1001 = tpu.vector_load %arg17[%get3A_999, %get3A_1000] {strides = array<i32>} : memref<64x128xf32, #tpu.memory_space<vmem>>, vector<1x16xf32>,
      %get3A_1002 = vector.shape_cast %get3A_1001 : vector<1x16xf32> to vector<16xf32>
      %add3A_1003 = arith.addf %get3A_998, %get3A_1002 : vector<16xf32>
      %get3A_1004 = arith.index_cast %scan3A_979 : i32 to index
      %get3A_1005 = arith.constant 0 : index
      %get3A_1006 = tpu.vector_load %arg18[%get3A_1004, %get3A_1005] {strides = array<i32>} : memref<64x128xf32, #tpu.memory_space<vmem>>, vector<1x16xf32>,
      %get3A_1007 = vector.shape_cast %get3A_1006 : vector<1x16xf32> to vector<16xf32>
      %sub3A_1008 = arith.subf %add3A_1003, %get3A_1007 : vector<16xf32>
      %abs3A_1009 = math.absf %sub3A_1008 : vector<16xf32>
      %sub3A_1010 = arith.subf %abs3A_1009, %abs3A : vector<16xf32>
      %add3A_1011 = arith.addf %broadcast_in_dim3A_982, %sub3A_1010 : vector<16xf32>
      %get3A_1012 = arith.index_cast %scan3A_979 : i32 to index
      %get3A_1013 = arith.constant 16 : index
      %get3A_1014 = tpu.vector_load %arg13[%get3A_1012, %get3A_1013] {strides = array<i32>} : memref<64x128xf32, #tpu.memory_space<vmem>>, vector<1x16xf32>,
      %get3A_1015 = vector.shape_cast %get3A_1014 : vector<1x16xf32> to vector<16xf32>
      %get3A_1016 = arith.index_cast %scan3A_979 : i32 to index
      %get3A_1017 = arith.constant 16 : index
      %get3A_1018 = tpu.vector_load %arg14[%get3A_1016, %get3A_1017] {strides = array<i32>} : memref<64x128xf32, #tpu.memory_space<vmem>>, vector<1x16xf32>,
      %get3A_1019 = vector.shape_cast %get3A_1018 : vector<1x16xf32> to vector<16xf32>
      %add3A_1020 = arith.addf %get3A_1015, %get3A_1019 : vector<16xf32>
      %get3A_1021 = arith.index_cast %scan3A_979 : i32 to index
      %get3A_1022 = arith.constant 16 : index
      %get3A_1023 = tpu.vector_load %arg15[%get3A_1021, %get3A_1022] {strides = array<i32>} : memref<64x128xf32, #tpu.memory_space<vmem>>, vector<1x16xf32>,
      %get3A_1024 = vector.shape_cast %get3A_1023 : vector<1x16xf32> to vector<16xf32>
      %sub3A_1025 = arith.subf %add3A_1020, %get3A_1024 : vector<16xf32>
      %abs3A_1026 = math.absf %sub3A_1025 : vector<16xf32>
      %get3A_1027 = arith.index_cast %scan3A_979 : i32 to index
      %get3A_1028 = arith.constant 16 : index
      %get3A_1029 = tpu.vector_load %arg16[%get3A_1027, %get3A_1028] {strides = array<i32>} : memref<64x128xf32, #tpu.memory_space<vmem>>, vector<1x16xf32>,
      %get3A_1030 = vector.shape_cast %get3A_1029 : vector<1x16xf32> to vector<16xf32>
      %get3A_1031 = arith.index_cast %scan3A_979 : i32 to index
      %get3A_1032 = arith.constant 16 : index
      %get3A_1033 = tpu.vector_load %arg17[%get3A_1031, %get3A_1032] {strides = array<i32>} : memref<64x128xf32, #tpu.memory_space<vmem>>, vector<1x16xf32>,
      %get3A_1034 = vector.shape_cast %get3A_1033 : vector<1x16xf32> to vector<16xf32>
      %add3A_1035 = arith.addf %get3A_1030, %get3A_1034 : vector<16xf32>
      %get3A_1036 = arith.index_cast %scan3A_979 : i32 to index
      %get3A_1037 = arith.constant 16 : index
      %get3A_1038 = tpu.vector_load %arg18[%get3A_1036, %get3A_1037] {strides = array<i32>} : memref<64x128xf32, #tpu.memory_space<vmem>>, vector<1x16xf32>,
      %get3A_1039 = vector.shape_cast %get3A_1038 : vector<1x16xf32> to vector<16xf32>
      %sub3A_1040 = arith.subf %add3A_1035, %get3A_1039 : vector<16xf32>
      %abs3A_1041 = math.absf %sub3A_1040 : vector<16xf32>
      %sub3A_1042 = arith.subf %abs3A_1041, %abs3A_1026 : vector<16xf32>
      %add3A_1043 = arith.addf %add3A_1011, %sub3A_1042 : vector<16xf32>
      %get3A_1044 = arith.index_cast %scan3A_979 : i32 to index
      %get3A_1045 = arith.constant 32 : index
      %get3A_1046 = tpu.vector_load %arg13[%get3A_1044, %get3A_1045] {strides = array<i32>} : memref<64x128xf32, #tpu.memory_space<vmem>>, vector<1x16xf32>,
      %get3A_1047 = vector.shape_cast %get3A_1046 : vector<1x16xf32> to vector<16xf32>
      %get3A_1048 = arith.index_cast %scan3A_979 : i32 to index
      %get3A_1049 = arith.constant 32 : index
      %get3A_1050 = tpu.vector_load %arg14[%get3A_1048, %get3A_1049] {strides = array<i32>} : memref<64x128xf32, #tpu.memory_space<vmem>>, vector<1x16xf32>,
      %get3A_1051 = vector.shape_cast %get3A_1050 : vector<1x16xf32> to vector<16xf32>
      %add3A_1052 = arith.addf %get3A_1047, %get3A_1051 : vector<16xf32>
      %get3A_1053 = arith.index_cast %scan3A_979 : i32 to index
      %get3A_1054 = arith.constant 32 : index
      %get3A_1055 = tpu.vector_load %arg15[%get3A_1053, %get3A_1054] {strides = array<i32>} : memref<64x128xf32, #tpu.memory_space<vmem>>, vector<1x16xf32>,
      %get3A_1056 = vector.shape_cast %get3A_1055 : vector<1x16xf32> to vector<16xf32>
      %sub3A_1057 = arith.subf %add3A_1052, %get3A_1056 : vector<16xf32>
      %abs3A_1058 = math.absf %sub3A_1057 : vector<16xf32>
      %get3A_1059 = arith.index_cast %scan3A_979 : i32 to index
      %get3A_1060 = arith.constant 32 : index
      %get3A_1061 = tpu.vector_load %arg16[%get3A_1059, %get3A_1060] {strides = array<i32>} : memref<64x128xf32, #tpu.memory_space<vmem>>, vector<1x16xf32>,
      %get3A_1062 = vector.shape_cast %get3A_1061 : vector<1x16xf32> to vector<16xf32>
      %get3A_1063 = arith.index_cast %scan3A_979 : i32 to index
      %get3A_1064 = arith.constant 32 : index
      %get3A_1065 = tpu.vector_load %arg17[%get3A_1063, %get3A_1064] {strides = array<i32>} : memref<64x128xf32, #tpu.memory_space<vmem>>, vector<1x16xf32>,
      %get3A_1066 = vector.shape_cast %get3A_1065 : vector<1x16xf32> to vector<16xf32>
      %add3A_1067 = arith.addf %get3A_1062, %get3A_1066 : vector<16xf32>
      %get3A_1068 = arith.index_cast %scan3A_979 : i32 to index
      %get3A_1069 = arith.constant 32 : index
      %get3A_1070 = tpu.vector_load %arg18[%get3A_1068, %get3A_1069] {strides = array<i32>} : memref<64x128xf32, #tpu.memory_space<vmem>>, vector<1x16xf32>,
      %get3A_1071 = vector.shape_cast %get3A_1070 : vector<1x16xf32> to vector<16xf32>
      %sub3A_1072 = arith.subf %add3A_1067, %get3A_1071 : vector<16xf32>
      %abs3A_1073 = math.absf %sub3A_1072 : vector<16xf32>
      %sub3A_1074 = arith.subf %abs3A_1073, %abs3A_1058 : vector<16xf32>
      %add3A_1075 = arith.addf %add3A_1043, %sub3A_1074 : vector<16xf32>
      %get3A_1076 = arith.index_cast %scan3A_979 : i32 to index
      %get3A_1077 = arith.constant 48 : index
      %get3A_1078 = tpu.vector_load %arg13[%get3A_1076, %get3A_1077] {strides = array<i32>} : memref<64x128xf32, #tpu.memory_space<vmem>>, vector<1x16xf32>,
      %get3A_1079 = vector.shape_cast %get3A_1078 : vector<1x16xf32> to vector<16xf32>
      %get3A_1080 = arith.index_cast %scan3A_979 : i32 to index
      %get3A_1081 = arith.constant 48 : index
      %get3A_1082 = tpu.vector_load %arg14[%get3A_1080, %get3A_1081] {strides = array<i32>} : memref<64x128xf32, #tpu.memory_space<vmem>>, vector<1x16xf32>,
      %get3A_1083 = vector.shape_cast %get3A_1082 : vector<1x16xf32> to vector<16xf32>
      %add3A_1084 = arith.addf %get3A_1079, %get3A_1083 : vector<16xf32>
      %get3A_1085 = arith.index_cast %scan3A_979 : i32 to index
      %get3A_1086 = arith.constant 48 : index
      %get3A_1087 = tpu.vector_load %arg15[%get3A_1085, %get3A_1086] {strides = array<i32>} : memref<64x128xf32, #tpu.memory_space<vmem>>, vector<1x16xf32>,
      %get3A_1088 = vector.shape_cast %get3A_1087 : vector<1x16xf32> to vector<16xf32>
      %sub3A_1089 = arith.subf %add3A_1084, %get3A_1088 : vector<16xf32>
      %abs3A_1090 = math.absf %sub3A_1089 : vector<16xf32>
      %get3A_1091 = arith.index_cast %scan3A_979 : i32 to index
      %get3A_1092 = arith.constant 48 : index
      %get3A_1093 = tpu.vector_load %arg16[%get3A_1091, %get3A_1092] {strides = array<i32>} : memref<64x128xf32, #tpu.memory_space<vmem>>, vector<1x16xf32>,
      %get3A_1094 = vector.shape_cast %get3A_1093 : vector<1x16xf32> to vector<16xf32>
      %get3A_1095 = arith.index_cast %scan3A_979 : i32 to index
      %get3A_1096 = arith.constant 48 : index
      %get3A_1097 = tpu.vector_load %arg17[%get3A_1095, %get3A_1096] {strides = array<i32>} : memref<64x128xf32, #tpu.memory_space<vmem>>, vector<1x16xf32>,
      %get3A_1098 = vector.shape_cast %get3A_1097 : vector<1x16xf32> to vector<16xf32>
      %add3A_1099 = arith.addf %get3A_1094, %get3A_1098 : vector<16xf32>
      %get3A_1100 = arith.index_cast %scan3A_979 : i32 to index
      %get3A_1101 = arith.constant 48 : index
      %get3A_1102 = tpu.vector_load %arg18[%get3A_1100, %get3A_1101] {strides = array<i32>} : memref<64x128xf32, #tpu.memory_space<vmem>>, vector<1x16xf32>,
      %get3A_1103 = vector.shape_cast %get3A_1102 : vector<1x16xf32> to vector<16xf32>
      %sub3A_1104 = arith.subf %add3A_1099, %get3A_1103 : vector<16xf32>
      %abs3A_1105 = math.absf %sub3A_1104 : vector<16xf32>
      %sub3A_1106 = arith.subf %abs3A_1105, %abs3A_1090 : vector<16xf32>
      %add3A_1107 = arith.addf %add3A_1075, %sub3A_1106 : vector<16xf32>
      %get3A_1108 = arith.index_cast %scan3A_979 : i32 to index
      %get3A_1109 = arith.constant 64 : index
      %get3A_1110 = tpu.vector_load %arg13[%get3A_1108, %get3A_1109] {strides = array<i32>} : memref<64x128xf32, #tpu.memory_space<vmem>>, vector<1x16xf32>,
      %get3A_1111 = vector.shape_cast %get3A_1110 : vector<1x16xf32> to vector<16xf32>
      %get3A_1112 = arith.index_cast %scan3A_979 : i32 to index
      %get3A_1113 = arith.constant 64 : index
      %get3A_1114 = tpu.vector_load %arg14[%get3A_1112, %get3A_1113] {strides = array<i32>} : memref<64x128xf32, #tpu.memory_space<vmem>>, vector<1x16xf32>,
      %get3A_1115 = vector.shape_cast %get3A_1114 : vector<1x16xf32> to vector<16xf32>
      %add3A_1116 = arith.addf %get3A_1111, %get3A_1115 : vector<16xf32>
      %get3A_1117 = arith.index_cast %scan3A_979 : i32 to index
      %get3A_1118 = arith.constant 64 : index
      %get3A_1119 = tpu.vector_load %arg15[%get3A_1117, %get3A_1118] {strides = array<i32>} : memref<64x128xf32, #tpu.memory_space<vmem>>, vector<1x16xf32>,
      %get3A_1120 = vector.shape_cast %get3A_1119 : vector<1x16xf32> to vector<16xf32>
      %sub3A_1121 = arith.subf %add3A_1116, %get3A_1120 : vector<16xf32>
      %abs3A_1122 = math.absf %sub3A_1121 : vector<16xf32>
      %get3A_1123 = arith.index_cast %scan3A_979 : i32 to index
      %get3A_1124 = arith.constant 64 : index
      %get3A_1125 = tpu.vector_load %arg16[%get3A_1123, %get3A_1124] {strides = array<i32>} : memref<64x128xf32, #tpu.memory_space<vmem>>, vector<1x16xf32>,
      %get3A_1126 = vector.shape_cast %get3A_1125 : vector<1x16xf32> to vector<16xf32>
      %get3A_1127 = arith.index_cast %scan3A_979 : i32 to index
      %get3A_1128 = arith.constant 64 : index
      %get3A_1129 = tpu.vector_load %arg17[%get3A_1127, %get3A_1128] {strides = array<i32>} : memref<64x128xf32, #tpu.memory_space<vmem>>, vector<1x16xf32>,
      %get3A_1130 = vector.shape_cast %get3A_1129 : vector<1x16xf32> to vector<16xf32>
      %add3A_1131 = arith.addf %get3A_1126, %get3A_1130 : vector<16xf32>
      %get3A_1132 = arith.index_cast %scan3A_979 : i32 to index
      %get3A_1133 = arith.constant 64 : index
      %get3A_1134 = tpu.vector_load %arg18[%get3A_1132, %get3A_1133] {strides = array<i32>} : memref<64x128xf32, #tpu.memory_space<vmem>>, vector<1x16xf32>,
      %get3A_1135 = vector.shape_cast %get3A_1134 : vector<1x16xf32> to vector<16xf32>
      %sub3A_1136 = arith.subf %add3A_1131, %get3A_1135 : vector<16xf32>
      %abs3A_1137 = math.absf %sub3A_1136 : vector<16xf32>
      %sub3A_1138 = arith.subf %abs3A_1137, %abs3A_1122 : vector<16xf32>
      %add3A_1139 = arith.addf %add3A_1107, %sub3A_1138 : vector<16xf32>
      %get3A_1140 = arith.index_cast %scan3A_979 : i32 to index
      %get3A_1141 = arith.constant 80 : index
      %get3A_1142 = tpu.vector_load %arg13[%get3A_1140, %get3A_1141] {strides = array<i32>} : memref<64x128xf32, #tpu.memory_space<vmem>>, vector<1x16xf32>,
      %get3A_1143 = vector.shape_cast %get3A_1142 : vector<1x16xf32> to vector<16xf32>
      %get3A_1144 = arith.index_cast %scan3A_979 : i32 to index
      %get3A_1145 = arith.constant 80 : index
      %get3A_1146 = tpu.vector_load %arg14[%get3A_1144, %get3A_1145] {strides = array<i32>} : memref<64x128xf32, #tpu.memory_space<vmem>>, vector<1x16xf32>,
      %get3A_1147 = vector.shape_cast %get3A_1146 : vector<1x16xf32> to vector<16xf32>
      %add3A_1148 = arith.addf %get3A_1143, %get3A_1147 : vector<16xf32>
      %get3A_1149 = arith.index_cast %scan3A_979 : i32 to index
      %get3A_1150 = arith.constant 80 : index
      %get3A_1151 = tpu.vector_load %arg15[%get3A_1149, %get3A_1150] {strides = array<i32>} : memref<64x128xf32, #tpu.memory_space<vmem>>, vector<1x16xf32>,
      %get3A_1152 = vector.shape_cast %get3A_1151 : vector<1x16xf32> to vector<16xf32>
      %sub3A_1153 = arith.subf %add3A_1148, %get3A_1152 : vector<16xf32>
      %abs3A_1154 = math.absf %sub3A_1153 : vector<16xf32>
      %get3A_1155 = arith.index_cast %scan3A_979 : i32 to index
      %get3A_1156 = arith.constant 80 : index
      %get3A_1157 = tpu.vector_load %arg16[%get3A_1155, %get3A_1156] {strides = array<i32>} : memref<64x128xf32, #tpu.memory_space<vmem>>, vector<1x16xf32>,
      %get3A_1158 = vector.shape_cast %get3A_1157 : vector<1x16xf32> to vector<16xf32>
      %get3A_1159 = arith.index_cast %scan3A_979 : i32 to index
      %get3A_1160 = arith.constant 80 : index
      %get3A_1161 = tpu.vector_load %arg17[%get3A_1159, %get3A_1160] {strides = array<i32>} : memref<64x128xf32, #tpu.memory_space<vmem>>, vector<1x16xf32>,
      %get3A_1162 = vector.shape_cast %get3A_1161 : vector<1x16xf32> to vector<16xf32>
      %add3A_1163 = arith.addf %get3A_1158, %get3A_1162 : vector<16xf32>
      %get3A_1164 = arith.index_cast %scan3A_979 : i32 to index
      %get3A_1165 = arith.constant 80 : index
      %get3A_1166 = tpu.vector_load %arg18[%get3A_1164, %get3A_1165] {strides = array<i32>} : memref<64x128xf32, #tpu.memory_space<vmem>>, vector<1x16xf32>,
      %get3A_1167 = vector.shape_cast %get3A_1166 : vector<1x16xf32> to vector<16xf32>
      %sub3A_1168 = arith.subf %add3A_1163, %get3A_1167 : vector<16xf32>
      %abs3A_1169 = math.absf %sub3A_1168 : vector<16xf32>
      %sub3A_1170 = arith.subf %abs3A_1169, %abs3A_1154 : vector<16xf32>
      %add3A_1171 = arith.addf %add3A_1139, %sub3A_1170 : vector<16xf32>
      %get3A_1172 = arith.index_cast %scan3A_979 : i32 to index
      %get3A_1173 = arith.constant 96 : index
      %get3A_1174 = tpu.vector_load %arg13[%get3A_1172, %get3A_1173] {strides = array<i32>} : memref<64x128xf32, #tpu.memory_space<vmem>>, vector<1x16xf32>,
      %get3A_1175 = vector.shape_cast %get3A_1174 : vector<1x16xf32> to vector<16xf32>
      %get3A_1176 = arith.index_cast %scan3A_979 : i32 to index
      %get3A_1177 = arith.constant 96 : index
      %get3A_1178 = tpu.vector_load %arg14[%get3A_1176, %get3A_1177] {strides = array<i32>} : memref<64x128xf32, #tpu.memory_space<vmem>>, vector<1x16xf32>,
      %get3A_1179 = vector.shape_cast %get3A_1178 : vector<1x16xf32> to vector<16xf32>
      %add3A_1180 = arith.addf %get3A_1175, %get3A_1179 : vector<16xf32>
      %get3A_1181 = arith.index_cast %scan3A_979 : i32 to index
      %get3A_1182 = arith.constant 96 : index
      %get3A_1183 = tpu.vector_load %arg15[%get3A_1181, %get3A_1182] {strides = array<i32>} : memref<64x128xf32, #tpu.memory_space<vmem>>, vector<1x16xf32>,
      %get3A_1184 = vector.shape_cast %get3A_1183 : vector<1x16xf32> to vector<16xf32>
      %sub3A_1185 = arith.subf %add3A_1180, %get3A_1184 : vector<16xf32>
      %abs3A_1186 = math.absf %sub3A_1185 : vector<16xf32>
      %get3A_1187 = arith.index_cast %scan3A_979 : i32 to index
      %get3A_1188 = arith.constant 96 : index
      %get3A_1189 = tpu.vector_load %arg16[%get3A_1187, %get3A_1188] {strides = array<i32>} : memref<64x128xf32, #tpu.memory_space<vmem>>, vector<1x16xf32>,
      %get3A_1190 = vector.shape_cast %get3A_1189 : vector<1x16xf32> to vector<16xf32>
      %get3A_1191 = arith.index_cast %scan3A_979 : i32 to index
      %get3A_1192 = arith.constant 96 : index
      %get3A_1193 = tpu.vector_load %arg17[%get3A_1191, %get3A_1192] {strides = array<i32>} : memref<64x128xf32, #tpu.memory_space<vmem>>, vector<1x16xf32>,
      %get3A_1194 = vector.shape_cast %get3A_1193 : vector<1x16xf32> to vector<16xf32>
      %add3A_1195 = arith.addf %get3A_1190, %get3A_1194 : vector<16xf32>
      %get3A_1196 = arith.index_cast %scan3A_979 : i32 to index
      %get3A_1197 = arith.constant 96 : index
      %get3A_1198 = tpu.vector_load %arg18[%get3A_1196, %get3A_1197] {strides = array<i32>} : memref<64x128xf32, #tpu.memory_space<vmem>>, vector<1x16xf32>,
      %get3A_1199 = vector.shape_cast %get3A_1198 : vector<1x16xf32> to vector<16xf32>
      %sub3A_1200 = arith.subf %add3A_1195, %get3A_1199 : vector<16xf32>
      %abs3A_1201 = math.absf %sub3A_1200 : vector<16xf32>
      %sub3A_1202 = arith.subf %abs3A_1201, %abs3A_1186 : vector<16xf32>
      %add3A_1203 = arith.addf %add3A_1171, %sub3A_1202 : vector<16xf32>
      %get3A_1204 = arith.index_cast %scan3A_979 : i32 to index
      %get3A_1205 = arith.constant 112 : index
      %get3A_1206 = tpu.vector_load %arg13[%get3A_1204, %get3A_1205] {strides = array<i32>} : memref<64x128xf32, #tpu.memory_space<vmem>>, vector<1x16xf32>,
      %get3A_1207 = vector.shape_cast %get3A_1206 : vector<1x16xf32> to vector<16xf32>
      %get3A_1208 = arith.index_cast %scan3A_979 : i32 to index
      %get3A_1209 = arith.constant 112 : index
      %get3A_1210 = tpu.vector_load %arg14[%get3A_1208, %get3A_1209] {strides = array<i32>} : memref<64x128xf32, #tpu.memory_space<vmem>>, vector<1x16xf32>,
      %get3A_1211 = vector.shape_cast %get3A_1210 : vector<1x16xf32> to vector<16xf32>
      %add3A_1212 = arith.addf %get3A_1207, %get3A_1211 : vector<16xf32>
      %get3A_1213 = arith.index_cast %scan3A_979 : i32 to index
      %get3A_1214 = arith.constant 112 : index
      %get3A_1215 = tpu.vector_load %arg15[%get3A_1213, %get3A_1214] {strides = array<i32>} : memref<64x128xf32, #tpu.memory_space<vmem>>, vector<1x16xf32>,
      %get3A_1216 = vector.shape_cast %get3A_1215 : vector<1x16xf32> to vector<16xf32>
      %sub3A_1217 = arith.subf %add3A_1212, %get3A_1216 : vector<16xf32>
      %abs3A_1218 = math.absf %sub3A_1217 : vector<16xf32>
      %get3A_1219 = arith.index_cast %scan3A_979 : i32 to index
      %get3A_1220 = arith.constant 112 : index
      %get3A_1221 = tpu.vector_load %arg16[%get3A_1219, %get3A_1220] {strides = array<i32>} : memref<64x128xf32, #tpu.memory_space<vmem>>, vector<1x16xf32>,
      %get3A_1222 = vector.shape_cast %get3A_1221 : vector<1x16xf32> to vector<16xf32>
      %get3A_1223 = arith.index_cast %scan3A_979 : i32 to index
      %get3A_1224 = arith.constant 112 : index
      %get3A_1225 = tpu.vector_load %arg17[%get3A_1223, %get3A_1224] {strides = array<i32>} : memref<64x128xf32, #tpu.memory_space<vmem>>, vector<1x16xf32>,
      %get3A_1226 = vector.shape_cast %get3A_1225 : vector<1x16xf32> to vector<16xf32>
      %add3A_1227 = arith.addf %get3A_1222, %get3A_1226 : vector<16xf32>
      %get3A_1228 = arith.index_cast %scan3A_979 : i32 to index
      %get3A_1229 = arith.constant 112 : index
      %get3A_1230 = tpu.vector_load %arg18[%get3A_1228, %get3A_1229] {strides = array<i32>} : memref<64x128xf32, #tpu.memory_space<vmem>>, vector<1x16xf32>,
      %get3A_1231 = vector.shape_cast %get3A_1230 : vector<1x16xf32> to vector<16xf32>
      %sub3A_1232 = arith.subf %add3A_1227, %get3A_1231 : vector<16xf32>
      %abs3A_1233 = math.absf %sub3A_1232 : vector<16xf32>
      %sub3A_1234 = arith.subf %abs3A_1233, %abs3A_1218 : vector<16xf32>
      %add3A_1235 = arith.addf %add3A_1203, %sub3A_1234 : vector<16xf32>
      %xor3A = arith.constant 1 : i32
      %xor3A_1236 = vector.broadcast %xor3A : i32 to vector<16xi32>
      %xor3A_1237 = arith.xori %iota3A, %xor3A_1236 : vector<16xi32>
      %lt3A = arith.constant 0 : i32
      %lt3A_1238 = vector.broadcast %lt3A : i32 to vector<16xi32>
      %lt3A_1239 = arith.cmpi slt, %xor3A_1237, %lt3A_1238 : vector<16xi32>
      %add3A_1240 = arith.constant 16 : i32
      %add3A_1241 = vector.broadcast %add3A_1240 : i32 to vector<16xi32>
      %add3A_1242 = arith.addi %xor3A_1237, %add3A_1241 : vector<16xi32>
      %select_n3A = arith.select %lt3A_1239, %add3A_1242, %xor3A_1237 : vector<16xi1>, vector<16xi32>
      %broadcast_in_dim3A_1243 = vector.shape_cast %select_n3A : vector<16xi32> to vector<16x1xi32>
      %gather3A = vector.shape_cast %broadcast_in_dim3A_1243 : vector<16x1xi32> to vector<16xi32>
      %gather3A_1244 = tpu.dynamic_gather %add3A_1235[%gather3A] in [0] : vector<16xf32>, vector<16xi32> -> vector<16xf32>
      %add3A_1245 = arith.addf %add3A_1235, %gather3A_1244 : vector<16xf32>
      %xor3A_1246 = arith.constant 2 : i32
      %xor3A_1247 = vector.broadcast %xor3A_1246 : i32 to vector<16xi32>
      %xor3A_1248 = arith.xori %iota3A, %xor3A_1247 : vector<16xi32>
      %lt3A_1249 = arith.constant 0 : i32
      %lt3A_1250 = vector.broadcast %lt3A_1249 : i32 to vector<16xi32>
      %lt3A_1251 = arith.cmpi slt, %xor3A_1248, %lt3A_1250 : vector<16xi32>
      %add3A_1252 = arith.constant 16 : i32
      %add3A_1253 = vector.broadcast %add3A_1252 : i32 to vector<16xi32>
      %add3A_1254 = arith.addi %xor3A_1248, %add3A_1253 : vector<16xi32>
      %select_n3A_1255 = arith.select %lt3A_1251, %add3A_1254, %xor3A_1248 : vector<16xi1>, vector<16xi32>
      %broadcast_in_dim3A_1256 = vector.shape_cast %select_n3A_1255 : vector<16xi32> to vector<16x1xi32>
      %gather3A_1257 = vector.shape_cast %broadcast_in_dim3A_1256 : vector<16x1xi32> to vector<16xi32>
      %gather3A_1258 = tpu.dynamic_gather %add3A_1245[%gather3A_1257] in [0] : vector<16xf32>, vector<16xi32> -> vector<16xf32>
      %add3A_1259 = arith.addf %add3A_1245, %gather3A_1258 : vector<16xf32>
      %xor3A_1260 = arith.constant 4 : i32
      %xor3A_1261 = vector.broadcast %xor3A_1260 : i32 to vector<16xi32>
      %xor3A_1262 = arith.xori %iota3A, %xor3A_1261 : vector<16xi32>
      %lt3A_1263 = arith.constant 0 : i32
      %lt3A_1264 = vector.broadcast %lt3A_1263 : i32 to vector<16xi32>
      %lt3A_1265 = arith.cmpi slt, %xor3A_1262, %lt3A_1264 : vector<16xi32>
      %add3A_1266 = arith.constant 16 : i32
      %add3A_1267 = vector.broadcast %add3A_1266 : i32 to vector<16xi32>
      %add3A_1268 = arith.addi %xor3A_1262, %add3A_1267 : vector<16xi32>
      %select_n3A_1269 = arith.select %lt3A_1265, %add3A_1268, %xor3A_1262 : vector<16xi1>, vector<16xi32>
      %broadcast_in_dim3A_1270 = vector.shape_cast %select_n3A_1269 : vector<16xi32> to vector<16x1xi32>
      %gather3A_1271 = vector.shape_cast %broadcast_in_dim3A_1270 : vector<16x1xi32> to vector<16xi32>
      %gather3A_1272 = tpu.dynamic_gather %add3A_1259[%gather3A_1271] in [0] : vector<16xf32>, vector<16xi32> -> vector<16xf32>
      %add3A_1273 = arith.addf %add3A_1259, %gather3A_1272 : vector<16xf32>
      %xor3A_1274 = arith.constant 8 : i32
      %xor3A_1275 = vector.broadcast %xor3A_1274 : i32 to vector<16xi32>
      %xor3A_1276 = arith.xori %iota3A, %xor3A_1275 : vector<16xi32>
      %lt3A_1277 = arith.constant 0 : i32
      %lt3A_1278 = vector.broadcast %lt3A_1277 : i32 to vector<16xi32>
      %lt3A_1279 = arith.cmpi slt, %xor3A_1276, %lt3A_1278 : vector<16xi32>
      %add3A_1280 = arith.constant 16 : i32
      %add3A_1281 = vector.broadcast %add3A_1280 : i32 to vector<16xi32>
      %add3A_1282 = arith.addi %xor3A_1276, %add3A_1281 : vector<16xi32>
      %select_n3A_1283 = arith.select %lt3A_1279, %add3A_1282, %xor3A_1276 : vector<16xi1>, vector<16xi32>
      %broadcast_in_dim3A_1284 = vector.shape_cast %select_n3A_1283 : vector<16xi32> to vector<16x1xi32>
      %gather3A_1285 = vector.shape_cast %broadcast_in_dim3A_1284 : vector<16x1xi32> to vector<16xi32>
      %gather3A_1286 = tpu.dynamic_gather %add3A_1273[%gather3A_1285] in [0] : vector<16xf32>, vector<16xi32> -> vector<16xf32>
      %add3A_1287 = arith.addf %add3A_1273, %gather3A_1286 : vector<16xf32>
      %add3A_1288 = arith.constant 1.000000e+00 : f32
      %add3A_1289 = vector.broadcast %add3A_1288 : f32 to vector<16xf32>
      %add3A_1290 = arith.addf %add3A_1287, %add3A_1289 : vector<16xf32>
      %max3A = arith.constant 0.000000e+00 : f32
      %max3A_1291 = vector.broadcast %max3A : f32 to vector<16xf32>
      %max3A_1292 = arith.maximumf %add3A_1290, %max3A_1291 : vector<16xf32>
      %add3A_1293 = arith.addf %scan3A_980, %max3A_1292 : vector<16xf32>
      scf.yield %add3A_1293 : vector<16xf32>
    }
    %scan3A_564 = arith.constant 64 : i32
    %dma_start3A_565 = arith.constant 0 : i32
    %dma_start3A_566 = arith.constant 256 : i32
    %dma_start3A_567 = tpu.memref_slice %arg7[%dma_start3A_565, %dma_start3A_566] : memref<1x512xi32, #tpu.memory_space<vmem>> -> memref<1x64xi32, #tpu.memory_space<vmem>>
    %dma_start3A_568 = tpu.memref_squeeze %dma_start3A_567 : memref<1x64xi32, #tpu.memory_space<vmem>> -> memref<64xi32, #tpu.memory_space<vmem>>
    %dma_start3A_569 = arith.constant 0 : i32
    %dma_start3A_570 = arith.constant 0 : i32
    %dma_start3A_571 = tpu.memref_slice %arg4[%dma_start3A_569, %dma_start3A_570] : memref<100000x128xf32, #tpu.memory_space<hbm>> -> memref<100000x128xf32, #tpu.memory_space<hbm>>
    tpu.enqueue_indirect_dma source(%dma_start3A_571 : memref<100000x128xf32, #tpu.memory_space<hbm>>) target(%arg13 : memref<64x128xf32, #tpu.memory_space<vmem>>) offsets(%dma_start3A_568 : memref<64xi32, #tpu.memory_space<vmem>>) semaphore(%arg26 : memref<!tpu.dma_semaphore, #tpu.memory_space<semaphore_mem>>)
    %dma_start3A_572 = arith.constant 0 : i32
    %dma_start3A_573 = arith.constant 256 : i32
    %dma_start3A_574 = tpu.memref_slice %arg8[%dma_start3A_572, %dma_start3A_573] : memref<1x512xi32, #tpu.memory_space<vmem>> -> memref<1x64xi32, #tpu.memory_space<vmem>>
    %dma_start3A_575 = tpu.memref_squeeze %dma_start3A_574 : memref<1x64xi32, #tpu.memory_space<vmem>> -> memref<64xi32, #tpu.memory_space<vmem>>
    %dma_start3A_576 = arith.constant 0 : i32
    %dma_start3A_577 = arith.constant 0 : i32
    %dma_start3A_578 = tpu.memref_slice %arg5[%dma_start3A_576, %dma_start3A_577] : memref<100000x128xf32, #tpu.memory_space<hbm>> -> memref<100000x128xf32, #tpu.memory_space<hbm>>
    tpu.enqueue_indirect_dma source(%dma_start3A_578 : memref<100000x128xf32, #tpu.memory_space<hbm>>) target(%arg14 : memref<64x128xf32, #tpu.memory_space<vmem>>) offsets(%dma_start3A_575 : memref<64xi32, #tpu.memory_space<vmem>>) semaphore(%arg26 : memref<!tpu.dma_semaphore, #tpu.memory_space<semaphore_mem>>)
    %dma_start3A_579 = arith.constant 0 : i32
    %dma_start3A_580 = arith.constant 256 : i32
    %dma_start3A_581 = tpu.memref_slice %arg9[%dma_start3A_579, %dma_start3A_580] : memref<1x512xi32, #tpu.memory_space<vmem>> -> memref<1x64xi32, #tpu.memory_space<vmem>>
    %dma_start3A_582 = tpu.memref_squeeze %dma_start3A_581 : memref<1x64xi32, #tpu.memory_space<vmem>> -> memref<64xi32, #tpu.memory_space<vmem>>
    %dma_start3A_583 = arith.constant 0 : i32
    %dma_start3A_584 = arith.constant 0 : i32
    %dma_start3A_585 = tpu.memref_slice %arg4[%dma_start3A_583, %dma_start3A_584] : memref<100000x128xf32, #tpu.memory_space<hbm>> -> memref<100000x128xf32, #tpu.memory_space<hbm>>
    tpu.enqueue_indirect_dma source(%dma_start3A_585 : memref<100000x128xf32, #tpu.memory_space<hbm>>) target(%arg15 : memref<64x128xf32, #tpu.memory_space<vmem>>) offsets(%dma_start3A_582 : memref<64xi32, #tpu.memory_space<vmem>>) semaphore(%arg26 : memref<!tpu.dma_semaphore, #tpu.memory_space<semaphore_mem>>)
    %dma_start3A_586 = arith.constant 0 : i32
    %dma_start3A_587 = arith.constant 256 : i32
    %dma_start3A_588 = tpu.memref_slice %arg10[%dma_start3A_586, %dma_start3A_587] : memref<1x512xi32, #tpu.memory_space<vmem>> -> memref<1x64xi32, #tpu.memory_space<vmem>>
    %dma_start3A_589 = tpu.memref_squeeze %dma_start3A_588 : memref<1x64xi32, #tpu.memory_space<vmem>> -> memref<64xi32, #tpu.memory_space<vmem>>
    %dma_start3A_590 = arith.constant 0 : i32
    %dma_start3A_591 = arith.constant 0 : i32
    %dma_start3A_592 = tpu.memref_slice %arg4[%dma_start3A_590, %dma_start3A_591] : memref<100000x128xf32, #tpu.memory_space<hbm>> -> memref<100000x128xf32, #tpu.memory_space<hbm>>
    tpu.enqueue_indirect_dma source(%dma_start3A_592 : memref<100000x128xf32, #tpu.memory_space<hbm>>) target(%arg16 : memref<64x128xf32, #tpu.memory_space<vmem>>) offsets(%dma_start3A_589 : memref<64xi32, #tpu.memory_space<vmem>>) semaphore(%arg26 : memref<!tpu.dma_semaphore, #tpu.memory_space<semaphore_mem>>)
    %dma_start3A_593 = arith.constant 0 : i32
    %dma_start3A_594 = arith.constant 256 : i32
    %dma_start3A_595 = tpu.memref_slice %arg11[%dma_start3A_593, %dma_start3A_594] : memref<1x512xi32, #tpu.memory_space<vmem>> -> memref<1x64xi32, #tpu.memory_space<vmem>>
    %dma_start3A_596 = tpu.memref_squeeze %dma_start3A_595 : memref<1x64xi32, #tpu.memory_space<vmem>> -> memref<64xi32, #tpu.memory_space<vmem>>
    %dma_start3A_597 = arith.constant 0 : i32
    %dma_start3A_598 = arith.constant 0 : i32
    %dma_start3A_599 = tpu.memref_slice %arg5[%dma_start3A_597, %dma_start3A_598] : memref<100000x128xf32, #tpu.memory_space<hbm>> -> memref<100000x128xf32, #tpu.memory_space<hbm>>
    tpu.enqueue_indirect_dma source(%dma_start3A_599 : memref<100000x128xf32, #tpu.memory_space<hbm>>) target(%arg17 : memref<64x128xf32, #tpu.memory_space<vmem>>) offsets(%dma_start3A_596 : memref<64xi32, #tpu.memory_space<vmem>>) semaphore(%arg26 : memref<!tpu.dma_semaphore, #tpu.memory_space<semaphore_mem>>)
    %dma_start3A_600 = arith.constant 0 : i32
    %dma_start3A_601 = arith.constant 256 : i32
    %dma_start3A_602 = tpu.memref_slice %arg12[%dma_start3A_600, %dma_start3A_601] : memref<1x512xi32, #tpu.memory_space<vmem>> -> memref<1x64xi32, #tpu.memory_space<vmem>>
    %dma_start3A_603 = tpu.memref_squeeze %dma_start3A_602 : memref<1x64xi32, #tpu.memory_space<vmem>> -> memref<64xi32, #tpu.memory_space<vmem>>
    %dma_start3A_604 = arith.constant 0 : i32
    %dma_start3A_605 = arith.constant 0 : i32
    %dma_start3A_606 = tpu.memref_slice %arg4[%dma_start3A_604, %dma_start3A_605] : memref<100000x128xf32, #tpu.memory_space<hbm>> -> memref<100000x128xf32, #tpu.memory_space<hbm>>
    tpu.enqueue_indirect_dma source(%dma_start3A_606 : memref<100000x128xf32, #tpu.memory_space<hbm>>) target(%arg18 : memref<64x128xf32, #tpu.memory_space<vmem>>) offsets(%dma_start3A_603 : memref<64xi32, #tpu.memory_space<vmem>>) semaphore(%arg26 : memref<!tpu.dma_semaphore, #tpu.memory_space<semaphore_mem>>)
    %dma_wait3A_607 = arith.constant 0 : i32
    %dma_wait3A_608 = arith.constant 192 : i32
    %dma_wait3A_609 = tpu.memref_slice %arg7[%dma_wait3A_607, %dma_wait3A_608] : memref<1x512xi32, #tpu.memory_space<vmem>> -> memref<1x64xi32, #tpu.memory_space<vmem>>
    %dma_wait3A_610 = tpu.memref_squeeze %dma_wait3A_609 : memref<1x64xi32, #tpu.memory_space<vmem>> -> memref<64xi32, #tpu.memory_space<vmem>>
    %dma_wait3A_611 = arith.constant 0 : i32
    %dma_wait3A_612 = arith.constant 0 : i32
    %dma_wait3A_613 = tpu.memref_slice %arg4[%dma_wait3A_611, %dma_wait3A_612] : memref<100000x128xf32, #tpu.memory_space<hbm>> -> memref<100000x128xf32, #tpu.memory_space<hbm>>
    tpu.wait_indirect_dma semaphore(%arg26 : memref<!tpu.dma_semaphore, #tpu.memory_space<semaphore_mem>>) src(%dma_wait3A_613 : memref<100000x128xf32, #tpu.memory_space<hbm>>) dst(%arg19 : memref<64x128xf32, #tpu.memory_space<vmem>>)
    %dma_wait3A_614 = arith.constant 0 : i32
    %dma_wait3A_615 = arith.constant 192 : i32
    %dma_wait3A_616 = tpu.memref_slice %arg8[%dma_wait3A_614, %dma_wait3A_615] : memref<1x512xi32, #tpu.memory_space<vmem>> -> memref<1x64xi32, #tpu.memory_space<vmem>>
    %dma_wait3A_617 = tpu.memref_squeeze %dma_wait3A_616 : memref<1x64xi32, #tpu.memory_space<vmem>> -> memref<64xi32, #tpu.memory_space<vmem>>
    %dma_wait3A_618 = arith.constant 0 : i32
    %dma_wait3A_619 = arith.constant 0 : i32
    %dma_wait3A_620 = tpu.memref_slice %arg5[%dma_wait3A_618, %dma_wait3A_619] : memref<100000x128xf32, #tpu.memory_space<hbm>> -> memref<100000x128xf32, #tpu.memory_space<hbm>>
    tpu.wait_indirect_dma semaphore(%arg26 : memref<!tpu.dma_semaphore, #tpu.memory_space<semaphore_mem>>) src(%dma_wait3A_620 : memref<100000x128xf32, #tpu.memory_space<hbm>>) dst(%arg20 : memref<64x128xf32, #tpu.memory_space<vmem>>)
    %dma_wait3A_621 = arith.constant 0 : i32
    %dma_wait3A_622 = arith.constant 192 : i32
    %dma_wait3A_623 = tpu.memref_slice %arg9[%dma_wait3A_621, %dma_wait3A_622] : memref<1x512xi32, #tpu.memory_space<vmem>> -> memref<1x64xi32, #tpu.memory_space<vmem>>
    %dma_wait3A_624 = tpu.memref_squeeze %dma_wait3A_623 : memref<1x64xi32, #tpu.memory_space<vmem>> -> memref<64xi32, #tpu.memory_space<vmem>>
    %dma_wait3A_625 = arith.constant 0 : i32
    %dma_wait3A_626 = arith.constant 0 : i32
    %dma_wait3A_627 = tpu.memref_slice %arg4[%dma_wait3A_625, %dma_wait3A_626] : memref<100000x128xf32, #tpu.memory_space<hbm>> -> memref<100000x128xf32, #tpu.memory_space<hbm>>
    tpu.wait_indirect_dma semaphore(%arg26 : memref<!tpu.dma_semaphore, #tpu.memory_space<semaphore_mem>>) src(%dma_wait3A_627 : memref<100000x128xf32, #tpu.memory_space<hbm>>) dst(%arg21 : memref<64x128xf32, #tpu.memory_space<vmem>>)
    %dma_wait3A_628 = arith.constant 0 : i32
    %dma_wait3A_629 = arith.constant 192 : i32
    %dma_wait3A_630 = tpu.memref_slice %arg10[%dma_wait3A_628, %dma_wait3A_629] : memref<1x512xi32, #tpu.memory_space<vmem>> -> memref<1x64xi32, #tpu.memory_space<vmem>>
    %dma_wait3A_631 = tpu.memref_squeeze %dma_wait3A_630 : memref<1x64xi32, #tpu.memory_space<vmem>> -> memref<64xi32, #tpu.memory_space<vmem>>
    %dma_wait3A_632 = arith.constant 0 : i32
    %dma_wait3A_633 = arith.constant 0 : i32
    %dma_wait3A_634 = tpu.memref_slice %arg4[%dma_wait3A_632, %dma_wait3A_633] : memref<100000x128xf32, #tpu.memory_space<hbm>> -> memref<100000x128xf32, #tpu.memory_space<hbm>>
    tpu.wait_indirect_dma semaphore(%arg26 : memref<!tpu.dma_semaphore, #tpu.memory_space<semaphore_mem>>) src(%dma_wait3A_634 : memref<100000x128xf32, #tpu.memory_space<hbm>>) dst(%arg22 : memref<64x128xf32, #tpu.memory_space<vmem>>)
    %dma_wait3A_635 = arith.constant 0 : i32
    %dma_wait3A_636 = arith.constant 192 : i32
    %dma_wait3A_637 = tpu.memref_slice %arg11[%dma_wait3A_635, %dma_wait3A_636] : memref<1x512xi32, #tpu.memory_space<vmem>> -> memref<1x64xi32, #tpu.memory_space<vmem>>
    %dma_wait3A_638 = tpu.memref_squeeze %dma_wait3A_637 : memref<1x64xi32, #tpu.memory_space<vmem>> -> memref<64xi32, #tpu.memory_space<vmem>>
    %dma_wait3A_639 = arith.constant 0 : i32
    %dma_wait3A_640 = arith.constant 0 : i32
    %dma_wait3A_641 = tpu.memref_slice %arg5[%dma_wait3A_639, %dma_wait3A_640] : memref<100000x128xf32, #tpu.memory_space<hbm>> -> memref<100000x128xf32, #tpu.memory_space<hbm>>
    tpu.wait_indirect_dma semaphore(%arg26 : memref<!tpu.dma_semaphore, #tpu.memory_space<semaphore_mem>>) src(%dma_wait3A_641 : memref<100000x128xf32, #tpu.memory_space<hbm>>) dst(%arg23 : memref<64x128xf32, #tpu.memory_space<vmem>>)
    %dma_wait3A_642 = arith.constant 0 : i32
    %dma_wait3A_643 = arith.constant 192 : i32
    %dma_wait3A_644 = tpu.memref_slice %arg12[%dma_wait3A_642, %dma_wait3A_643] : memref<1x512xi32, #tpu.memory_space<vmem>> -> memref<1x64xi32, #tpu.memory_space<vmem>>
    %dma_wait3A_645 = tpu.memref_squeeze %dma_wait3A_644 : memref<1x64xi32, #tpu.memory_space<vmem>> -> memref<64xi32, #tpu.memory_space<vmem>>
    %dma_wait3A_646 = arith.constant 0 : i32
    %dma_wait3A_647 = arith.constant 0 : i32
    %dma_wait3A_648 = tpu.memref_slice %arg4[%dma_wait3A_646, %dma_wait3A_647] : memref<100000x128xf32, #tpu.memory_space<hbm>> -> memref<100000x128xf32, #tpu.memory_space<hbm>>
    tpu.wait_indirect_dma semaphore(%arg26 : memref<!tpu.dma_semaphore, #tpu.memory_space<semaphore_mem>>) src(%dma_wait3A_648 : memref<100000x128xf32, #tpu.memory_space<hbm>>) dst(%arg24 : memref<64x128xf32, #tpu.memory_space<vmem>>)
    %scan3A_649 = arith.constant 0 : i32
    %scan3A_650 = arith.constant 64 : i32
    %scan3A_651 = arith.addi %scan3A_649, %scan3A_650 : i32
    %scan3A_652 = arith.constant 1 : i32
    %scan3A_653 = scf.for %scan3A_979 = %scan3A_649 to %scan3A_651 step %scan3A_652 iter_args(%scan3A_980 = %scan3A_563) -> (vector<16xf32>)  : i32 {
      %broadcast_in_dim3A_981 = arith.constant 0.000000e+00 : f32
      %broadcast_in_dim3A_982 = vector.broadcast %broadcast_in_dim3A_981 : f32 to vector<16xf32>
      %get3A = arith.index_cast %scan3A_979 : i32 to index
      %get3A_983 = arith.constant 0 : index
      %get3A_984 = tpu.vector_load %arg19[%get3A, %get3A_983] {strides = array<i32>} : memref<64x128xf32, #tpu.memory_space<vmem>>, vector<1x16xf32>,
      %get3A_985 = vector.shape_cast %get3A_984 : vector<1x16xf32> to vector<16xf32>
      %get3A_986 = arith.index_cast %scan3A_979 : i32 to index
      %get3A_987 = arith.constant 0 : index
      %get3A_988 = tpu.vector_load %arg20[%get3A_986, %get3A_987] {strides = array<i32>} : memref<64x128xf32, #tpu.memory_space<vmem>>, vector<1x16xf32>,
      %get3A_989 = vector.shape_cast %get3A_988 : vector<1x16xf32> to vector<16xf32>
      %add3A_990 = arith.addf %get3A_985, %get3A_989 : vector<16xf32>
      %get3A_991 = arith.index_cast %scan3A_979 : i32 to index
      %get3A_992 = arith.constant 0 : index
      %get3A_993 = tpu.vector_load %arg21[%get3A_991, %get3A_992] {strides = array<i32>} : memref<64x128xf32, #tpu.memory_space<vmem>>, vector<1x16xf32>,
      %get3A_994 = vector.shape_cast %get3A_993 : vector<1x16xf32> to vector<16xf32>
      %sub3A = arith.subf %add3A_990, %get3A_994 : vector<16xf32>
      %abs3A = math.absf %sub3A : vector<16xf32>
      %get3A_995 = arith.index_cast %scan3A_979 : i32 to index
      %get3A_996 = arith.constant 0 : index
      %get3A_997 = tpu.vector_load %arg22[%get3A_995, %get3A_996] {strides = array<i32>} : memref<64x128xf32, #tpu.memory_space<vmem>>, vector<1x16xf32>,
      %get3A_998 = vector.shape_cast %get3A_997 : vector<1x16xf32> to vector<16xf32>
      %get3A_999 = arith.index_cast %scan3A_979 : i32 to index
      %get3A_1000 = arith.constant 0 : index
      %get3A_1001 = tpu.vector_load %arg23[%get3A_999, %get3A_1000] {strides = array<i32>} : memref<64x128xf32, #tpu.memory_space<vmem>>, vector<1x16xf32>,
      %get3A_1002 = vector.shape_cast %get3A_1001 : vector<1x16xf32> to vector<16xf32>
      %add3A_1003 = arith.addf %get3A_998, %get3A_1002 : vector<16xf32>
      %get3A_1004 = arith.index_cast %scan3A_979 : i32 to index
      %get3A_1005 = arith.constant 0 : index
      %get3A_1006 = tpu.vector_load %arg24[%get3A_1004, %get3A_1005] {strides = array<i32>} : memref<64x128xf32, #tpu.memory_space<vmem>>, vector<1x16xf32>,
      %get3A_1007 = vector.shape_cast %get3A_1006 : vector<1x16xf32> to vector<16xf32>
      %sub3A_1008 = arith.subf %add3A_1003, %get3A_1007 : vector<16xf32>
      %abs3A_1009 = math.absf %sub3A_1008 : vector<16xf32>
      %sub3A_1010 = arith.subf %abs3A_1009, %abs3A : vector<16xf32>
      %add3A_1011 = arith.addf %broadcast_in_dim3A_982, %sub3A_1010 : vector<16xf32>
      %get3A_1012 = arith.index_cast %scan3A_979 : i32 to index
      %get3A_1013 = arith.constant 16 : index
      %get3A_1014 = tpu.vector_load %arg19[%get3A_1012, %get3A_1013] {strides = array<i32>} : memref<64x128xf32, #tpu.memory_space<vmem>>, vector<1x16xf32>,
      %get3A_1015 = vector.shape_cast %get3A_1014 : vector<1x16xf32> to vector<16xf32>
      %get3A_1016 = arith.index_cast %scan3A_979 : i32 to index
      %get3A_1017 = arith.constant 16 : index
      %get3A_1018 = tpu.vector_load %arg20[%get3A_1016, %get3A_1017] {strides = array<i32>} : memref<64x128xf32, #tpu.memory_space<vmem>>, vector<1x16xf32>,
      %get3A_1019 = vector.shape_cast %get3A_1018 : vector<1x16xf32> to vector<16xf32>
      %add3A_1020 = arith.addf %get3A_1015, %get3A_1019 : vector<16xf32>
      %get3A_1021 = arith.index_cast %scan3A_979 : i32 to index
      %get3A_1022 = arith.constant 16 : index
      %get3A_1023 = tpu.vector_load %arg21[%get3A_1021, %get3A_1022] {strides = array<i32>} : memref<64x128xf32, #tpu.memory_space<vmem>>, vector<1x16xf32>,
      %get3A_1024 = vector.shape_cast %get3A_1023 : vector<1x16xf32> to vector<16xf32>
      %sub3A_1025 = arith.subf %add3A_1020, %get3A_1024 : vector<16xf32>
      %abs3A_1026 = math.absf %sub3A_1025 : vector<16xf32>
      %get3A_1027 = arith.index_cast %scan3A_979 : i32 to index
      %get3A_1028 = arith.constant 16 : index
      %get3A_1029 = tpu.vector_load %arg22[%get3A_1027, %get3A_1028] {strides = array<i32>} : memref<64x128xf32, #tpu.memory_space<vmem>>, vector<1x16xf32>,
      %get3A_1030 = vector.shape_cast %get3A_1029 : vector<1x16xf32> to vector<16xf32>
      %get3A_1031 = arith.index_cast %scan3A_979 : i32 to index
      %get3A_1032 = arith.constant 16 : index
      %get3A_1033 = tpu.vector_load %arg23[%get3A_1031, %get3A_1032] {strides = array<i32>} : memref<64x128xf32, #tpu.memory_space<vmem>>, vector<1x16xf32>,
      %get3A_1034 = vector.shape_cast %get3A_1033 : vector<1x16xf32> to vector<16xf32>
      %add3A_1035 = arith.addf %get3A_1030, %get3A_1034 : vector<16xf32>
      %get3A_1036 = arith.index_cast %scan3A_979 : i32 to index
      %get3A_1037 = arith.constant 16 : index
      %get3A_1038 = tpu.vector_load %arg24[%get3A_1036, %get3A_1037] {strides = array<i32>} : memref<64x128xf32, #tpu.memory_space<vmem>>, vector<1x16xf32>,
      %get3A_1039 = vector.shape_cast %get3A_1038 : vector<1x16xf32> to vector<16xf32>
      %sub3A_1040 = arith.subf %add3A_1035, %get3A_1039 : vector<16xf32>
      %abs3A_1041 = math.absf %sub3A_1040 : vector<16xf32>
      %sub3A_1042 = arith.subf %abs3A_1041, %abs3A_1026 : vector<16xf32>
      %add3A_1043 = arith.addf %add3A_1011, %sub3A_1042 : vector<16xf32>
      %get3A_1044 = arith.index_cast %scan3A_979 : i32 to index
      %get3A_1045 = arith.constant 32 : index
      %get3A_1046 = tpu.vector_load %arg19[%get3A_1044, %get3A_1045] {strides = array<i32>} : memref<64x128xf32, #tpu.memory_space<vmem>>, vector<1x16xf32>,
      %get3A_1047 = vector.shape_cast %get3A_1046 : vector<1x16xf32> to vector<16xf32>
      %get3A_1048 = arith.index_cast %scan3A_979 : i32 to index
      %get3A_1049 = arith.constant 32 : index
      %get3A_1050 = tpu.vector_load %arg20[%get3A_1048, %get3A_1049] {strides = array<i32>} : memref<64x128xf32, #tpu.memory_space<vmem>>, vector<1x16xf32>,
      %get3A_1051 = vector.shape_cast %get3A_1050 : vector<1x16xf32> to vector<16xf32>
      %add3A_1052 = arith.addf %get3A_1047, %get3A_1051 : vector<16xf32>
      %get3A_1053 = arith.index_cast %scan3A_979 : i32 to index
      %get3A_1054 = arith.constant 32 : index
      %get3A_1055 = tpu.vector_load %arg21[%get3A_1053, %get3A_1054] {strides = array<i32>} : memref<64x128xf32, #tpu.memory_space<vmem>>, vector<1x16xf32>,
      %get3A_1056 = vector.shape_cast %get3A_1055 : vector<1x16xf32> to vector<16xf32>
      %sub3A_1057 = arith.subf %add3A_1052, %get3A_1056 : vector<16xf32>
      %abs3A_1058 = math.absf %sub3A_1057 : vector<16xf32>
      %get3A_1059 = arith.index_cast %scan3A_979 : i32 to index
      %get3A_1060 = arith.constant 32 : index
      %get3A_1061 = tpu.vector_load %arg22[%get3A_1059, %get3A_1060] {strides = array<i32>} : memref<64x128xf32, #tpu.memory_space<vmem>>, vector<1x16xf32>,
      %get3A_1062 = vector.shape_cast %get3A_1061 : vector<1x16xf32> to vector<16xf32>
      %get3A_1063 = arith.index_cast %scan3A_979 : i32 to index
      %get3A_1064 = arith.constant 32 : index
      %get3A_1065 = tpu.vector_load %arg23[%get3A_1063, %get3A_1064] {strides = array<i32>} : memref<64x128xf32, #tpu.memory_space<vmem>>, vector<1x16xf32>,
      %get3A_1066 = vector.shape_cast %get3A_1065 : vector<1x16xf32> to vector<16xf32>
      %add3A_1067 = arith.addf %get3A_1062, %get3A_1066 : vector<16xf32>
      %get3A_1068 = arith.index_cast %scan3A_979 : i32 to index
      %get3A_1069 = arith.constant 32 : index
      %get3A_1070 = tpu.vector_load %arg24[%get3A_1068, %get3A_1069] {strides = array<i32>} : memref<64x128xf32, #tpu.memory_space<vmem>>, vector<1x16xf32>,
      %get3A_1071 = vector.shape_cast %get3A_1070 : vector<1x16xf32> to vector<16xf32>
      %sub3A_1072 = arith.subf %add3A_1067, %get3A_1071 : vector<16xf32>
      %abs3A_1073 = math.absf %sub3A_1072 : vector<16xf32>
      %sub3A_1074 = arith.subf %abs3A_1073, %abs3A_1058 : vector<16xf32>
      %add3A_1075 = arith.addf %add3A_1043, %sub3A_1074 : vector<16xf32>
      %get3A_1076 = arith.index_cast %scan3A_979 : i32 to index
      %get3A_1077 = arith.constant 48 : index
      %get3A_1078 = tpu.vector_load %arg19[%get3A_1076, %get3A_1077] {strides = array<i32>} : memref<64x128xf32, #tpu.memory_space<vmem>>, vector<1x16xf32>,
      %get3A_1079 = vector.shape_cast %get3A_1078 : vector<1x16xf32> to vector<16xf32>
      %get3A_1080 = arith.index_cast %scan3A_979 : i32 to index
      %get3A_1081 = arith.constant 48 : index
      %get3A_1082 = tpu.vector_load %arg20[%get3A_1080, %get3A_1081] {strides = array<i32>} : memref<64x128xf32, #tpu.memory_space<vmem>>, vector<1x16xf32>,
      %get3A_1083 = vector.shape_cast %get3A_1082 : vector<1x16xf32> to vector<16xf32>
      %add3A_1084 = arith.addf %get3A_1079, %get3A_1083 : vector<16xf32>
      %get3A_1085 = arith.index_cast %scan3A_979 : i32 to index
      %get3A_1086 = arith.constant 48 : index
      %get3A_1087 = tpu.vector_load %arg21[%get3A_1085, %get3A_1086] {strides = array<i32>} : memref<64x128xf32, #tpu.memory_space<vmem>>, vector<1x16xf32>,
      %get3A_1088 = vector.shape_cast %get3A_1087 : vector<1x16xf32> to vector<16xf32>
      %sub3A_1089 = arith.subf %add3A_1084, %get3A_1088 : vector<16xf32>
      %abs3A_1090 = math.absf %sub3A_1089 : vector<16xf32>
      %get3A_1091 = arith.index_cast %scan3A_979 : i32 to index
      %get3A_1092 = arith.constant 48 : index
      %get3A_1093 = tpu.vector_load %arg22[%get3A_1091, %get3A_1092] {strides = array<i32>} : memref<64x128xf32, #tpu.memory_space<vmem>>, vector<1x16xf32>,
      %get3A_1094 = vector.shape_cast %get3A_1093 : vector<1x16xf32> to vector<16xf32>
      %get3A_1095 = arith.index_cast %scan3A_979 : i32 to index
      %get3A_1096 = arith.constant 48 : index
      %get3A_1097 = tpu.vector_load %arg23[%get3A_1095, %get3A_1096] {strides = array<i32>} : memref<64x128xf32, #tpu.memory_space<vmem>>, vector<1x16xf32>,
      %get3A_1098 = vector.shape_cast %get3A_1097 : vector<1x16xf32> to vector<16xf32>
      %add3A_1099 = arith.addf %get3A_1094, %get3A_1098 : vector<16xf32>
      %get3A_1100 = arith.index_cast %scan3A_979 : i32 to index
      %get3A_1101 = arith.constant 48 : index
      %get3A_1102 = tpu.vector_load %arg24[%get3A_1100, %get3A_1101] {strides = array<i32>} : memref<64x128xf32, #tpu.memory_space<vmem>>, vector<1x16xf32>,
      %get3A_1103 = vector.shape_cast %get3A_1102 : vector<1x16xf32> to vector<16xf32>
      %sub3A_1104 = arith.subf %add3A_1099, %get3A_1103 : vector<16xf32>
      %abs3A_1105 = math.absf %sub3A_1104 : vector<16xf32>
      %sub3A_1106 = arith.subf %abs3A_1105, %abs3A_1090 : vector<16xf32>
      %add3A_1107 = arith.addf %add3A_1075, %sub3A_1106 : vector<16xf32>
      %get3A_1108 = arith.index_cast %scan3A_979 : i32 to index
      %get3A_1109 = arith.constant 64 : index
      %get3A_1110 = tpu.vector_load %arg19[%get3A_1108, %get3A_1109] {strides = array<i32>} : memref<64x128xf32, #tpu.memory_space<vmem>>, vector<1x16xf32>,
      %get3A_1111 = vector.shape_cast %get3A_1110 : vector<1x16xf32> to vector<16xf32>
      %get3A_1112 = arith.index_cast %scan3A_979 : i32 to index
      %get3A_1113 = arith.constant 64 : index
      %get3A_1114 = tpu.vector_load %arg20[%get3A_1112, %get3A_1113] {strides = array<i32>} : memref<64x128xf32, #tpu.memory_space<vmem>>, vector<1x16xf32>,
      %get3A_1115 = vector.shape_cast %get3A_1114 : vector<1x16xf32> to vector<16xf32>
      %add3A_1116 = arith.addf %get3A_1111, %get3A_1115 : vector<16xf32>
      %get3A_1117 = arith.index_cast %scan3A_979 : i32 to index
      %get3A_1118 = arith.constant 64 : index
      %get3A_1119 = tpu.vector_load %arg21[%get3A_1117, %get3A_1118] {strides = array<i32>} : memref<64x128xf32, #tpu.memory_space<vmem>>, vector<1x16xf32>,
      %get3A_1120 = vector.shape_cast %get3A_1119 : vector<1x16xf32> to vector<16xf32>
      %sub3A_1121 = arith.subf %add3A_1116, %get3A_1120 : vector<16xf32>
      %abs3A_1122 = math.absf %sub3A_1121 : vector<16xf32>
      %get3A_1123 = arith.index_cast %scan3A_979 : i32 to index
      %get3A_1124 = arith.constant 64 : index
      %get3A_1125 = tpu.vector_load %arg22[%get3A_1123, %get3A_1124] {strides = array<i32>} : memref<64x128xf32, #tpu.memory_space<vmem>>, vector<1x16xf32>,
      %get3A_1126 = vector.shape_cast %get3A_1125 : vector<1x16xf32> to vector<16xf32>
      %get3A_1127 = arith.index_cast %scan3A_979 : i32 to index
      %get3A_1128 = arith.constant 64 : index
      %get3A_1129 = tpu.vector_load %arg23[%get3A_1127, %get3A_1128] {strides = array<i32>} : memref<64x128xf32, #tpu.memory_space<vmem>>, vector<1x16xf32>,
      %get3A_1130 = vector.shape_cast %get3A_1129 : vector<1x16xf32> to vector<16xf32>
      %add3A_1131 = arith.addf %get3A_1126, %get3A_1130 : vector<16xf32>
      %get3A_1132 = arith.index_cast %scan3A_979 : i32 to index
      %get3A_1133 = arith.constant 64 : index
      %get3A_1134 = tpu.vector_load %arg24[%get3A_1132, %get3A_1133] {strides = array<i32>} : memref<64x128xf32, #tpu.memory_space<vmem>>, vector<1x16xf32>,
      %get3A_1135 = vector.shape_cast %get3A_1134 : vector<1x16xf32> to vector<16xf32>
      %sub3A_1136 = arith.subf %add3A_1131, %get3A_1135 : vector<16xf32>
      %abs3A_1137 = math.absf %sub3A_1136 : vector<16xf32>
      %sub3A_1138 = arith.subf %abs3A_1137, %abs3A_1122 : vector<16xf32>
      %add3A_1139 = arith.addf %add3A_1107, %sub3A_1138 : vector<16xf32>
      %get3A_1140 = arith.index_cast %scan3A_979 : i32 to index
      %get3A_1141 = arith.constant 80 : index
      %get3A_1142 = tpu.vector_load %arg19[%get3A_1140, %get3A_1141] {strides = array<i32>} : memref<64x128xf32, #tpu.memory_space<vmem>>, vector<1x16xf32>,
      %get3A_1143 = vector.shape_cast %get3A_1142 : vector<1x16xf32> to vector<16xf32>
      %get3A_1144 = arith.index_cast %scan3A_979 : i32 to index
      %get3A_1145 = arith.constant 80 : index
      %get3A_1146 = tpu.vector_load %arg20[%get3A_1144, %get3A_1145] {strides = array<i32>} : memref<64x128xf32, #tpu.memory_space<vmem>>, vector<1x16xf32>,
      %get3A_1147 = vector.shape_cast %get3A_1146 : vector<1x16xf32> to vector<16xf32>
      %add3A_1148 = arith.addf %get3A_1143, %get3A_1147 : vector<16xf32>
      %get3A_1149 = arith.index_cast %scan3A_979 : i32 to index
      %get3A_1150 = arith.constant 80 : index
      %get3A_1151 = tpu.vector_load %arg21[%get3A_1149, %get3A_1150] {strides = array<i32>} : memref<64x128xf32, #tpu.memory_space<vmem>>, vector<1x16xf32>,
      %get3A_1152 = vector.shape_cast %get3A_1151 : vector<1x16xf32> to vector<16xf32>
      %sub3A_1153 = arith.subf %add3A_1148, %get3A_1152 : vector<16xf32>
      %abs3A_1154 = math.absf %sub3A_1153 : vector<16xf32>
      %get3A_1155 = arith.index_cast %scan3A_979 : i32 to index
      %get3A_1156 = arith.constant 80 : index
      %get3A_1157 = tpu.vector_load %arg22[%get3A_1155, %get3A_1156] {strides = array<i32>} : memref<64x128xf32, #tpu.memory_space<vmem>>, vector<1x16xf32>,
      %get3A_1158 = vector.shape_cast %get3A_1157 : vector<1x16xf32> to vector<16xf32>
      %get3A_1159 = arith.index_cast %scan3A_979 : i32 to index
      %get3A_1160 = arith.constant 80 : index
      %get3A_1161 = tpu.vector_load %arg23[%get3A_1159, %get3A_1160] {strides = array<i32>} : memref<64x128xf32, #tpu.memory_space<vmem>>, vector<1x16xf32>,
      %get3A_1162 = vector.shape_cast %get3A_1161 : vector<1x16xf32> to vector<16xf32>
      %add3A_1163 = arith.addf %get3A_1158, %get3A_1162 : vector<16xf32>
      %get3A_1164 = arith.index_cast %scan3A_979 : i32 to index
      %get3A_1165 = arith.constant 80 : index
      %get3A_1166 = tpu.vector_load %arg24[%get3A_1164, %get3A_1165] {strides = array<i32>} : memref<64x128xf32, #tpu.memory_space<vmem>>, vector<1x16xf32>,
      %get3A_1167 = vector.shape_cast %get3A_1166 : vector<1x16xf32> to vector<16xf32>
      %sub3A_1168 = arith.subf %add3A_1163, %get3A_1167 : vector<16xf32>
      %abs3A_1169 = math.absf %sub3A_1168 : vector<16xf32>
      %sub3A_1170 = arith.subf %abs3A_1169, %abs3A_1154 : vector<16xf32>
      %add3A_1171 = arith.addf %add3A_1139, %sub3A_1170 : vector<16xf32>
      %get3A_1172 = arith.index_cast %scan3A_979 : i32 to index
      %get3A_1173 = arith.constant 96 : index
      %get3A_1174 = tpu.vector_load %arg19[%get3A_1172, %get3A_1173] {strides = array<i32>} : memref<64x128xf32, #tpu.memory_space<vmem>>, vector<1x16xf32>,
      %get3A_1175 = vector.shape_cast %get3A_1174 : vector<1x16xf32> to vector<16xf32>
      %get3A_1176 = arith.index_cast %scan3A_979 : i32 to index
      %get3A_1177 = arith.constant 96 : index
      %get3A_1178 = tpu.vector_load %arg20[%get3A_1176, %get3A_1177] {strides = array<i32>} : memref<64x128xf32, #tpu.memory_space<vmem>>, vector<1x16xf32>,
      %get3A_1179 = vector.shape_cast %get3A_1178 : vector<1x16xf32> to vector<16xf32>
      %add3A_1180 = arith.addf %get3A_1175, %get3A_1179 : vector<16xf32>
      %get3A_1181 = arith.index_cast %scan3A_979 : i32 to index
      %get3A_1182 = arith.constant 96 : index
      %get3A_1183 = tpu.vector_load %arg21[%get3A_1181, %get3A_1182] {strides = array<i32>} : memref<64x128xf32, #tpu.memory_space<vmem>>, vector<1x16xf32>,
      %get3A_1184 = vector.shape_cast %get3A_1183 : vector<1x16xf32> to vector<16xf32>
      %sub3A_1185 = arith.subf %add3A_1180, %get3A_1184 : vector<16xf32>
      %abs3A_1186 = math.absf %sub3A_1185 : vector<16xf32>
      %get3A_1187 = arith.index_cast %scan3A_979 : i32 to index
      %get3A_1188 = arith.constant 96 : index
      %get3A_1189 = tpu.vector_load %arg22[%get3A_1187, %get3A_1188] {strides = array<i32>} : memref<64x128xf32, #tpu.memory_space<vmem>>, vector<1x16xf32>,
      %get3A_1190 = vector.shape_cast %get3A_1189 : vector<1x16xf32> to vector<16xf32>
      %get3A_1191 = arith.index_cast %scan3A_979 : i32 to index
      %get3A_1192 = arith.constant 96 : index
      %get3A_1193 = tpu.vector_load %arg23[%get3A_1191, %get3A_1192] {strides = array<i32>} : memref<64x128xf32, #tpu.memory_space<vmem>>, vector<1x16xf32>,
      %get3A_1194 = vector.shape_cast %get3A_1193 : vector<1x16xf32> to vector<16xf32>
      %add3A_1195 = arith.addf %get3A_1190, %get3A_1194 : vector<16xf32>
      %get3A_1196 = arith.index_cast %scan3A_979 : i32 to index
      %get3A_1197 = arith.constant 96 : index
      %get3A_1198 = tpu.vector_load %arg24[%get3A_1196, %get3A_1197] {strides = array<i32>} : memref<64x128xf32, #tpu.memory_space<vmem>>, vector<1x16xf32>,
      %get3A_1199 = vector.shape_cast %get3A_1198 : vector<1x16xf32> to vector<16xf32>
      %sub3A_1200 = arith.subf %add3A_1195, %get3A_1199 : vector<16xf32>
      %abs3A_1201 = math.absf %sub3A_1200 : vector<16xf32>
      %sub3A_1202 = arith.subf %abs3A_1201, %abs3A_1186 : vector<16xf32>
      %add3A_1203 = arith.addf %add3A_1171, %sub3A_1202 : vector<16xf32>
      %get3A_1204 = arith.index_cast %scan3A_979 : i32 to index
      %get3A_1205 = arith.constant 112 : index
      %get3A_1206 = tpu.vector_load %arg19[%get3A_1204, %get3A_1205] {strides = array<i32>} : memref<64x128xf32, #tpu.memory_space<vmem>>, vector<1x16xf32>,
      %get3A_1207 = vector.shape_cast %get3A_1206 : vector<1x16xf32> to vector<16xf32>
      %get3A_1208 = arith.index_cast %scan3A_979 : i32 to index
      %get3A_1209 = arith.constant 112 : index
      %get3A_1210 = tpu.vector_load %arg20[%get3A_1208, %get3A_1209] {strides = array<i32>} : memref<64x128xf32, #tpu.memory_space<vmem>>, vector<1x16xf32>,
      %get3A_1211 = vector.shape_cast %get3A_1210 : vector<1x16xf32> to vector<16xf32>
      %add3A_1212 = arith.addf %get3A_1207, %get3A_1211 : vector<16xf32>
      %get3A_1213 = arith.index_cast %scan3A_979 : i32 to index
      %get3A_1214 = arith.constant 112 : index
      %get3A_1215 = tpu.vector_load %arg21[%get3A_1213, %get3A_1214] {strides = array<i32>} : memref<64x128xf32, #tpu.memory_space<vmem>>, vector<1x16xf32>,
      %get3A_1216 = vector.shape_cast %get3A_1215 : vector<1x16xf32> to vector<16xf32>
      %sub3A_1217 = arith.subf %add3A_1212, %get3A_1216 : vector<16xf32>
      %abs3A_1218 = math.absf %sub3A_1217 : vector<16xf32>
      %get3A_1219 = arith.index_cast %scan3A_979 : i32 to index
      %get3A_1220 = arith.constant 112 : index
      %get3A_1221 = tpu.vector_load %arg22[%get3A_1219, %get3A_1220] {strides = array<i32>} : memref<64x128xf32, #tpu.memory_space<vmem>>, vector<1x16xf32>,
      %get3A_1222 = vector.shape_cast %get3A_1221 : vector<1x16xf32> to vector<16xf32>
      %get3A_1223 = arith.index_cast %scan3A_979 : i32 to index
      %get3A_1224 = arith.constant 112 : index
      %get3A_1225 = tpu.vector_load %arg23[%get3A_1223, %get3A_1224] {strides = array<i32>} : memref<64x128xf32, #tpu.memory_space<vmem>>, vector<1x16xf32>,
      %get3A_1226 = vector.shape_cast %get3A_1225 : vector<1x16xf32> to vector<16xf32>
      %add3A_1227 = arith.addf %get3A_1222, %get3A_1226 : vector<16xf32>
      %get3A_1228 = arith.index_cast %scan3A_979 : i32 to index
      %get3A_1229 = arith.constant 112 : index
      %get3A_1230 = tpu.vector_load %arg24[%get3A_1228, %get3A_1229] {strides = array<i32>} : memref<64x128xf32, #tpu.memory_space<vmem>>, vector<1x16xf32>,
      %get3A_1231 = vector.shape_cast %get3A_1230 : vector<1x16xf32> to vector<16xf32>
      %sub3A_1232 = arith.subf %add3A_1227, %get3A_1231 : vector<16xf32>
      %abs3A_1233 = math.absf %sub3A_1232 : vector<16xf32>
      %sub3A_1234 = arith.subf %abs3A_1233, %abs3A_1218 : vector<16xf32>
      %add3A_1235 = arith.addf %add3A_1203, %sub3A_1234 : vector<16xf32>
      %xor3A = arith.constant 1 : i32
      %xor3A_1236 = vector.broadcast %xor3A : i32 to vector<16xi32>
      %xor3A_1237 = arith.xori %iota3A, %xor3A_1236 : vector<16xi32>
      %lt3A = arith.constant 0 : i32
      %lt3A_1238 = vector.broadcast %lt3A : i32 to vector<16xi32>
      %lt3A_1239 = arith.cmpi slt, %xor3A_1237, %lt3A_1238 : vector<16xi32>
      %add3A_1240 = arith.constant 16 : i32
      %add3A_1241 = vector.broadcast %add3A_1240 : i32 to vector<16xi32>
      %add3A_1242 = arith.addi %xor3A_1237, %add3A_1241 : vector<16xi32>
      %select_n3A = arith.select %lt3A_1239, %add3A_1242, %xor3A_1237 : vector<16xi1>, vector<16xi32>
      %broadcast_in_dim3A_1243 = vector.shape_cast %select_n3A : vector<16xi32> to vector<16x1xi32>
      %gather3A = vector.shape_cast %broadcast_in_dim3A_1243 : vector<16x1xi32> to vector<16xi32>
      %gather3A_1244 = tpu.dynamic_gather %add3A_1235[%gather3A] in [0] : vector<16xf32>, vector<16xi32> -> vector<16xf32>
      %add3A_1245 = arith.addf %add3A_1235, %gather3A_1244 : vector<16xf32>
      %xor3A_1246 = arith.constant 2 : i32
      %xor3A_1247 = vector.broadcast %xor3A_1246 : i32 to vector<16xi32>
      %xor3A_1248 = arith.xori %iota3A, %xor3A_1247 : vector<16xi32>
      %lt3A_1249 = arith.constant 0 : i32
      %lt3A_1250 = vector.broadcast %lt3A_1249 : i32 to vector<16xi32>
      %lt3A_1251 = arith.cmpi slt, %xor3A_1248, %lt3A_1250 : vector<16xi32>
      %add3A_1252 = arith.constant 16 : i32
      %add3A_1253 = vector.broadcast %add3A_1252 : i32 to vector<16xi32>
      %add3A_1254 = arith.addi %xor3A_1248, %add3A_1253 : vector<16xi32>
      %select_n3A_1255 = arith.select %lt3A_1251, %add3A_1254, %xor3A_1248 : vector<16xi1>, vector<16xi32>
      %broadcast_in_dim3A_1256 = vector.shape_cast %select_n3A_1255 : vector<16xi32> to vector<16x1xi32>
      %gather3A_1257 = vector.shape_cast %broadcast_in_dim3A_1256 : vector<16x1xi32> to vector<16xi32>
      %gather3A_1258 = tpu.dynamic_gather %add3A_1245[%gather3A_1257] in [0] : vector<16xf32>, vector<16xi32> -> vector<16xf32>
      %add3A_1259 = arith.addf %add3A_1245, %gather3A_1258 : vector<16xf32>
      %xor3A_1260 = arith.constant 4 : i32
      %xor3A_1261 = vector.broadcast %xor3A_1260 : i32 to vector<16xi32>
      %xor3A_1262 = arith.xori %iota3A, %xor3A_1261 : vector<16xi32>
      %lt3A_1263 = arith.constant 0 : i32
      %lt3A_1264 = vector.broadcast %lt3A_1263 : i32 to vector<16xi32>
      %lt3A_1265 = arith.cmpi slt, %xor3A_1262, %lt3A_1264 : vector<16xi32>
      %add3A_1266 = arith.constant 16 : i32
      %add3A_1267 = vector.broadcast %add3A_1266 : i32 to vector<16xi32>
      %add3A_1268 = arith.addi %xor3A_1262, %add3A_1267 : vector<16xi32>
      %select_n3A_1269 = arith.select %lt3A_1265, %add3A_1268, %xor3A_1262 : vector<16xi1>, vector<16xi32>
      %broadcast_in_dim3A_1270 = vector.shape_cast %select_n3A_1269 : vector<16xi32> to vector<16x1xi32>
      %gather3A_1271 = vector.shape_cast %broadcast_in_dim3A_1270 : vector<16x1xi32> to vector<16xi32>
      %gather3A_1272 = tpu.dynamic_gather %add3A_1259[%gather3A_1271] in [0] : vector<16xf32>, vector<16xi32> -> vector<16xf32>
      %add3A_1273 = arith.addf %add3A_1259, %gather3A_1272 : vector<16xf32>
      %xor3A_1274 = arith.constant 8 : i32
      %xor3A_1275 = vector.broadcast %xor3A_1274 : i32 to vector<16xi32>
      %xor3A_1276 = arith.xori %iota3A, %xor3A_1275 : vector<16xi32>
      %lt3A_1277 = arith.constant 0 : i32
      %lt3A_1278 = vector.broadcast %lt3A_1277 : i32 to vector<16xi32>
      %lt3A_1279 = arith.cmpi slt, %xor3A_1276, %lt3A_1278 : vector<16xi32>
      %add3A_1280 = arith.constant 16 : i32
      %add3A_1281 = vector.broadcast %add3A_1280 : i32 to vector<16xi32>
      %add3A_1282 = arith.addi %xor3A_1276, %add3A_1281 : vector<16xi32>
      %select_n3A_1283 = arith.select %lt3A_1279, %add3A_1282, %xor3A_1276 : vector<16xi1>, vector<16xi32>
      %broadcast_in_dim3A_1284 = vector.shape_cast %select_n3A_1283 : vector<16xi32> to vector<16x1xi32>
      %gather3A_1285 = vector.shape_cast %broadcast_in_dim3A_1284 : vector<16x1xi32> to vector<16xi32>
      %gather3A_1286 = tpu.dynamic_gather %add3A_1273[%gather3A_1285] in [0] : vector<16xf32>, vector<16xi32> -> vector<16xf32>
      %add3A_1287 = arith.addf %add3A_1273, %gather3A_1286 : vector<16xf32>
      %add3A_1288 = arith.constant 1.000000e+00 : f32
      %add3A_1289 = vector.broadcast %add3A_1288 : f32 to vector<16xf32>
      %add3A_1290 = arith.addf %add3A_1287, %add3A_1289 : vector<16xf32>
      %max3A = arith.constant 0.000000e+00 : f32
      %max3A_1291 = vector.broadcast %max3A : f32 to vector<16xf32>
      %max3A_1292 = arith.maximumf %add3A_1290, %max3A_1291 : vector<16xf32>
      %add3A_1293 = arith.addf %scan3A_980, %max3A_1292 : vector<16xf32>
      scf.yield %add3A_1293 : vector<16xf32>
    }
    %scan3A_654 = arith.constant 64 : i32
    %dma_start3A_655 = arith.constant 0 : i32
    %dma_start3A_656 = arith.constant 320 : i32
    %dma_start3A_657 = tpu.memref_slice %arg7[%dma_start3A_655, %dma_start3A_656] : memref<1x512xi32, #tpu.memory_space<vmem>> -> memref<1x64xi32, #tpu.memory_space<vmem>>
    %dma_start3A_658 = tpu.memref_squeeze %dma_start3A_657 : memref<1x64xi32, #tpu.memory_space<vmem>> -> memref<64xi32, #tpu.memory_space<vmem>>
    %dma_start3A_659 = arith.constant 0 : i32
    %dma_start3A_660 = arith.constant 0 : i32
    %dma_start3A_661 = tpu.memref_slice %arg4[%dma_start3A_659, %dma_start3A_660] : memref<100000x128xf32, #tpu.memory_space<hbm>> -> memref<100000x128xf32, #tpu.memory_space<hbm>>
    tpu.enqueue_indirect_dma source(%dma_start3A_661 : memref<100000x128xf32, #tpu.memory_space<hbm>>) target(%arg19 : memref<64x128xf32, #tpu.memory_space<vmem>>) offsets(%dma_start3A_658 : memref<64xi32, #tpu.memory_space<vmem>>) semaphore(%arg26 : memref<!tpu.dma_semaphore, #tpu.memory_space<semaphore_mem>>)
    %dma_start3A_662 = arith.constant 0 : i32
    %dma_start3A_663 = arith.constant 320 : i32
    %dma_start3A_664 = tpu.memref_slice %arg8[%dma_start3A_662, %dma_start3A_663] : memref<1x512xi32, #tpu.memory_space<vmem>> -> memref<1x64xi32, #tpu.memory_space<vmem>>
    %dma_start3A_665 = tpu.memref_squeeze %dma_start3A_664 : memref<1x64xi32, #tpu.memory_space<vmem>> -> memref<64xi32, #tpu.memory_space<vmem>>
    %dma_start3A_666 = arith.constant 0 : i32
    %dma_start3A_667 = arith.constant 0 : i32
    %dma_start3A_668 = tpu.memref_slice %arg5[%dma_start3A_666, %dma_start3A_667] : memref<100000x128xf32, #tpu.memory_space<hbm>> -> memref<100000x128xf32, #tpu.memory_space<hbm>>
    tpu.enqueue_indirect_dma source(%dma_start3A_668 : memref<100000x128xf32, #tpu.memory_space<hbm>>) target(%arg20 : memref<64x128xf32, #tpu.memory_space<vmem>>) offsets(%dma_start3A_665 : memref<64xi32, #tpu.memory_space<vmem>>) semaphore(%arg26 : memref<!tpu.dma_semaphore, #tpu.memory_space<semaphore_mem>>)
    %dma_start3A_669 = arith.constant 0 : i32
    %dma_start3A_670 = arith.constant 320 : i32
    %dma_start3A_671 = tpu.memref_slice %arg9[%dma_start3A_669, %dma_start3A_670] : memref<1x512xi32, #tpu.memory_space<vmem>> -> memref<1x64xi32, #tpu.memory_space<vmem>>
    %dma_start3A_672 = tpu.memref_squeeze %dma_start3A_671 : memref<1x64xi32, #tpu.memory_space<vmem>> -> memref<64xi32, #tpu.memory_space<vmem>>
    %dma_start3A_673 = arith.constant 0 : i32
    %dma_start3A_674 = arith.constant 0 : i32
    %dma_start3A_675 = tpu.memref_slice %arg4[%dma_start3A_673, %dma_start3A_674] : memref<100000x128xf32, #tpu.memory_space<hbm>> -> memref<100000x128xf32, #tpu.memory_space<hbm>>
    tpu.enqueue_indirect_dma source(%dma_start3A_675 : memref<100000x128xf32, #tpu.memory_space<hbm>>) target(%arg21 : memref<64x128xf32, #tpu.memory_space<vmem>>) offsets(%dma_start3A_672 : memref<64xi32, #tpu.memory_space<vmem>>) semaphore(%arg26 : memref<!tpu.dma_semaphore, #tpu.memory_space<semaphore_mem>>)
    %dma_start3A_676 = arith.constant 0 : i32
    %dma_start3A_677 = arith.constant 320 : i32
    %dma_start3A_678 = tpu.memref_slice %arg10[%dma_start3A_676, %dma_start3A_677] : memref<1x512xi32, #tpu.memory_space<vmem>> -> memref<1x64xi32, #tpu.memory_space<vmem>>
    %dma_start3A_679 = tpu.memref_squeeze %dma_start3A_678 : memref<1x64xi32, #tpu.memory_space<vmem>> -> memref<64xi32, #tpu.memory_space<vmem>>
    %dma_start3A_680 = arith.constant 0 : i32
    %dma_start3A_681 = arith.constant 0 : i32
    %dma_start3A_682 = tpu.memref_slice %arg4[%dma_start3A_680, %dma_start3A_681] : memref<100000x128xf32, #tpu.memory_space<hbm>> -> memref<100000x128xf32, #tpu.memory_space<hbm>>
    tpu.enqueue_indirect_dma source(%dma_start3A_682 : memref<100000x128xf32, #tpu.memory_space<hbm>>) target(%arg22 : memref<64x128xf32, #tpu.memory_space<vmem>>) offsets(%dma_start3A_679 : memref<64xi32, #tpu.memory_space<vmem>>) semaphore(%arg26 : memref<!tpu.dma_semaphore, #tpu.memory_space<semaphore_mem>>)
    %dma_start3A_683 = arith.constant 0 : i32
    %dma_start3A_684 = arith.constant 320 : i32
    %dma_start3A_685 = tpu.memref_slice %arg11[%dma_start3A_683, %dma_start3A_684] : memref<1x512xi32, #tpu.memory_space<vmem>> -> memref<1x64xi32, #tpu.memory_space<vmem>>
    %dma_start3A_686 = tpu.memref_squeeze %dma_start3A_685 : memref<1x64xi32, #tpu.memory_space<vmem>> -> memref<64xi32, #tpu.memory_space<vmem>>
    %dma_start3A_687 = arith.constant 0 : i32
    %dma_start3A_688 = arith.constant 0 : i32
    %dma_start3A_689 = tpu.memref_slice %arg5[%dma_start3A_687, %dma_start3A_688] : memref<100000x128xf32, #tpu.memory_space<hbm>> -> memref<100000x128xf32, #tpu.memory_space<hbm>>
    tpu.enqueue_indirect_dma source(%dma_start3A_689 : memref<100000x128xf32, #tpu.memory_space<hbm>>) target(%arg23 : memref<64x128xf32, #tpu.memory_space<vmem>>) offsets(%dma_start3A_686 : memref<64xi32, #tpu.memory_space<vmem>>) semaphore(%arg26 : memref<!tpu.dma_semaphore, #tpu.memory_space<semaphore_mem>>)
    %dma_start3A_690 = arith.constant 0 : i32
    %dma_start3A_691 = arith.constant 320 : i32
    %dma_start3A_692 = tpu.memref_slice %arg12[%dma_start3A_690, %dma_start3A_691] : memref<1x512xi32, #tpu.memory_space<vmem>> -> memref<1x64xi32, #tpu.memory_space<vmem>>
    %dma_start3A_693 = tpu.memref_squeeze %dma_start3A_692 : memref<1x64xi32, #tpu.memory_space<vmem>> -> memref<64xi32, #tpu.memory_space<vmem>>
    %dma_start3A_694 = arith.constant 0 : i32
    %dma_start3A_695 = arith.constant 0 : i32
    %dma_start3A_696 = tpu.memref_slice %arg4[%dma_start3A_694, %dma_start3A_695] : memref<100000x128xf32, #tpu.memory_space<hbm>> -> memref<100000x128xf32, #tpu.memory_space<hbm>>
    tpu.enqueue_indirect_dma source(%dma_start3A_696 : memref<100000x128xf32, #tpu.memory_space<hbm>>) target(%arg24 : memref<64x128xf32, #tpu.memory_space<vmem>>) offsets(%dma_start3A_693 : memref<64xi32, #tpu.memory_space<vmem>>) semaphore(%arg26 : memref<!tpu.dma_semaphore, #tpu.memory_space<semaphore_mem>>)
    %dma_wait3A_697 = arith.constant 0 : i32
    %dma_wait3A_698 = arith.constant 256 : i32
    %dma_wait3A_699 = tpu.memref_slice %arg7[%dma_wait3A_697, %dma_wait3A_698] : memref<1x512xi32, #tpu.memory_space<vmem>> -> memref<1x64xi32, #tpu.memory_space<vmem>>
    %dma_wait3A_700 = tpu.memref_squeeze %dma_wait3A_699 : memref<1x64xi32, #tpu.memory_space<vmem>> -> memref<64xi32, #tpu.memory_space<vmem>>
    %dma_wait3A_701 = arith.constant 0 : i32
    %dma_wait3A_702 = arith.constant 0 : i32
    %dma_wait3A_703 = tpu.memref_slice %arg4[%dma_wait3A_701, %dma_wait3A_702] : memref<100000x128xf32, #tpu.memory_space<hbm>> -> memref<100000x128xf32, #tpu.memory_space<hbm>>
    tpu.wait_indirect_dma semaphore(%arg26 : memref<!tpu.dma_semaphore, #tpu.memory_space<semaphore_mem>>) src(%dma_wait3A_703 : memref<100000x128xf32, #tpu.memory_space<hbm>>) dst(%arg13 : memref<64x128xf32, #tpu.memory_space<vmem>>)
    %dma_wait3A_704 = arith.constant 0 : i32
    %dma_wait3A_705 = arith.constant 256 : i32
    %dma_wait3A_706 = tpu.memref_slice %arg8[%dma_wait3A_704, %dma_wait3A_705] : memref<1x512xi32, #tpu.memory_space<vmem>> -> memref<1x64xi32, #tpu.memory_space<vmem>>
    %dma_wait3A_707 = tpu.memref_squeeze %dma_wait3A_706 : memref<1x64xi32, #tpu.memory_space<vmem>> -> memref<64xi32, #tpu.memory_space<vmem>>
    %dma_wait3A_708 = arith.constant 0 : i32
    %dma_wait3A_709 = arith.constant 0 : i32
    %dma_wait3A_710 = tpu.memref_slice %arg5[%dma_wait3A_708, %dma_wait3A_709] : memref<100000x128xf32, #tpu.memory_space<hbm>> -> memref<100000x128xf32, #tpu.memory_space<hbm>>
    tpu.wait_indirect_dma semaphore(%arg26 : memref<!tpu.dma_semaphore, #tpu.memory_space<semaphore_mem>>) src(%dma_wait3A_710 : memref<100000x128xf32, #tpu.memory_space<hbm>>) dst(%arg14 : memref<64x128xf32, #tpu.memory_space<vmem>>)
    %dma_wait3A_711 = arith.constant 0 : i32
    %dma_wait3A_712 = arith.constant 256 : i32
    %dma_wait3A_713 = tpu.memref_slice %arg9[%dma_wait3A_711, %dma_wait3A_712] : memref<1x512xi32, #tpu.memory_space<vmem>> -> memref<1x64xi32, #tpu.memory_space<vmem>>
    %dma_wait3A_714 = tpu.memref_squeeze %dma_wait3A_713 : memref<1x64xi32, #tpu.memory_space<vmem>> -> memref<64xi32, #tpu.memory_space<vmem>>
    %dma_wait3A_715 = arith.constant 0 : i32
    %dma_wait3A_716 = arith.constant 0 : i32
    %dma_wait3A_717 = tpu.memref_slice %arg4[%dma_wait3A_715, %dma_wait3A_716] : memref<100000x128xf32, #tpu.memory_space<hbm>> -> memref<100000x128xf32, #tpu.memory_space<hbm>>
    tpu.wait_indirect_dma semaphore(%arg26 : memref<!tpu.dma_semaphore, #tpu.memory_space<semaphore_mem>>) src(%dma_wait3A_717 : memref<100000x128xf32, #tpu.memory_space<hbm>>) dst(%arg15 : memref<64x128xf32, #tpu.memory_space<vmem>>)
    %dma_wait3A_718 = arith.constant 0 : i32
    %dma_wait3A_719 = arith.constant 256 : i32
    %dma_wait3A_720 = tpu.memref_slice %arg10[%dma_wait3A_718, %dma_wait3A_719] : memref<1x512xi32, #tpu.memory_space<vmem>> -> memref<1x64xi32, #tpu.memory_space<vmem>>
    %dma_wait3A_721 = tpu.memref_squeeze %dma_wait3A_720 : memref<1x64xi32, #tpu.memory_space<vmem>> -> memref<64xi32, #tpu.memory_space<vmem>>
    %dma_wait3A_722 = arith.constant 0 : i32
    %dma_wait3A_723 = arith.constant 0 : i32
    %dma_wait3A_724 = tpu.memref_slice %arg4[%dma_wait3A_722, %dma_wait3A_723] : memref<100000x128xf32, #tpu.memory_space<hbm>> -> memref<100000x128xf32, #tpu.memory_space<hbm>>
    tpu.wait_indirect_dma semaphore(%arg26 : memref<!tpu.dma_semaphore, #tpu.memory_space<semaphore_mem>>) src(%dma_wait3A_724 : memref<100000x128xf32, #tpu.memory_space<hbm>>) dst(%arg16 : memref<64x128xf32, #tpu.memory_space<vmem>>)
    %dma_wait3A_725 = arith.constant 0 : i32
    %dma_wait3A_726 = arith.constant 256 : i32
    %dma_wait3A_727 = tpu.memref_slice %arg11[%dma_wait3A_725, %dma_wait3A_726] : memref<1x512xi32, #tpu.memory_space<vmem>> -> memref<1x64xi32, #tpu.memory_space<vmem>>
    %dma_wait3A_728 = tpu.memref_squeeze %dma_wait3A_727 : memref<1x64xi32, #tpu.memory_space<vmem>> -> memref<64xi32, #tpu.memory_space<vmem>>
    %dma_wait3A_729 = arith.constant 0 : i32
    %dma_wait3A_730 = arith.constant 0 : i32
    %dma_wait3A_731 = tpu.memref_slice %arg5[%dma_wait3A_729, %dma_wait3A_730] : memref<100000x128xf32, #tpu.memory_space<hbm>> -> memref<100000x128xf32, #tpu.memory_space<hbm>>
    tpu.wait_indirect_dma semaphore(%arg26 : memref<!tpu.dma_semaphore, #tpu.memory_space<semaphore_mem>>) src(%dma_wait3A_731 : memref<100000x128xf32, #tpu.memory_space<hbm>>) dst(%arg17 : memref<64x128xf32, #tpu.memory_space<vmem>>)
    %dma_wait3A_732 = arith.constant 0 : i32
    %dma_wait3A_733 = arith.constant 256 : i32
    %dma_wait3A_734 = tpu.memref_slice %arg12[%dma_wait3A_732, %dma_wait3A_733] : memref<1x512xi32, #tpu.memory_space<vmem>> -> memref<1x64xi32, #tpu.memory_space<vmem>>
    %dma_wait3A_735 = tpu.memref_squeeze %dma_wait3A_734 : memref<1x64xi32, #tpu.memory_space<vmem>> -> memref<64xi32, #tpu.memory_space<vmem>>
    %dma_wait3A_736 = arith.constant 0 : i32
    %dma_wait3A_737 = arith.constant 0 : i32
    %dma_wait3A_738 = tpu.memref_slice %arg4[%dma_wait3A_736, %dma_wait3A_737] : memref<100000x128xf32, #tpu.memory_space<hbm>> -> memref<100000x128xf32, #tpu.memory_space<hbm>>
    tpu.wait_indirect_dma semaphore(%arg26 : memref<!tpu.dma_semaphore, #tpu.memory_space<semaphore_mem>>) src(%dma_wait3A_738 : memref<100000x128xf32, #tpu.memory_space<hbm>>) dst(%arg18 : memref<64x128xf32, #tpu.memory_space<vmem>>)
    %scan3A_739 = arith.constant 0 : i32
    %scan3A_740 = arith.constant 64 : i32
    %scan3A_741 = arith.addi %scan3A_739, %scan3A_740 : i32
    %scan3A_742 = arith.constant 1 : i32
    %scan3A_743 = scf.for %scan3A_979 = %scan3A_739 to %scan3A_741 step %scan3A_742 iter_args(%scan3A_980 = %scan3A_653) -> (vector<16xf32>)  : i32 {
      %broadcast_in_dim3A_981 = arith.constant 0.000000e+00 : f32
      %broadcast_in_dim3A_982 = vector.broadcast %broadcast_in_dim3A_981 : f32 to vector<16xf32>
      %get3A = arith.index_cast %scan3A_979 : i32 to index
      %get3A_983 = arith.constant 0 : index
      %get3A_984 = tpu.vector_load %arg13[%get3A, %get3A_983] {strides = array<i32>} : memref<64x128xf32, #tpu.memory_space<vmem>>, vector<1x16xf32>,
      %get3A_985 = vector.shape_cast %get3A_984 : vector<1x16xf32> to vector<16xf32>
      %get3A_986 = arith.index_cast %scan3A_979 : i32 to index
      %get3A_987 = arith.constant 0 : index
      %get3A_988 = tpu.vector_load %arg14[%get3A_986, %get3A_987] {strides = array<i32>} : memref<64x128xf32, #tpu.memory_space<vmem>>, vector<1x16xf32>,
      %get3A_989 = vector.shape_cast %get3A_988 : vector<1x16xf32> to vector<16xf32>
      %add3A_990 = arith.addf %get3A_985, %get3A_989 : vector<16xf32>
      %get3A_991 = arith.index_cast %scan3A_979 : i32 to index
      %get3A_992 = arith.constant 0 : index
      %get3A_993 = tpu.vector_load %arg15[%get3A_991, %get3A_992] {strides = array<i32>} : memref<64x128xf32, #tpu.memory_space<vmem>>, vector<1x16xf32>,
      %get3A_994 = vector.shape_cast %get3A_993 : vector<1x16xf32> to vector<16xf32>
      %sub3A = arith.subf %add3A_990, %get3A_994 : vector<16xf32>
      %abs3A = math.absf %sub3A : vector<16xf32>
      %get3A_995 = arith.index_cast %scan3A_979 : i32 to index
      %get3A_996 = arith.constant 0 : index
      %get3A_997 = tpu.vector_load %arg16[%get3A_995, %get3A_996] {strides = array<i32>} : memref<64x128xf32, #tpu.memory_space<vmem>>, vector<1x16xf32>,
      %get3A_998 = vector.shape_cast %get3A_997 : vector<1x16xf32> to vector<16xf32>
      %get3A_999 = arith.index_cast %scan3A_979 : i32 to index
      %get3A_1000 = arith.constant 0 : index
      %get3A_1001 = tpu.vector_load %arg17[%get3A_999, %get3A_1000] {strides = array<i32>} : memref<64x128xf32, #tpu.memory_space<vmem>>, vector<1x16xf32>,
      %get3A_1002 = vector.shape_cast %get3A_1001 : vector<1x16xf32> to vector<16xf32>
      %add3A_1003 = arith.addf %get3A_998, %get3A_1002 : vector<16xf32>
      %get3A_1004 = arith.index_cast %scan3A_979 : i32 to index
      %get3A_1005 = arith.constant 0 : index
      %get3A_1006 = tpu.vector_load %arg18[%get3A_1004, %get3A_1005] {strides = array<i32>} : memref<64x128xf32, #tpu.memory_space<vmem>>, vector<1x16xf32>,
      %get3A_1007 = vector.shape_cast %get3A_1006 : vector<1x16xf32> to vector<16xf32>
      %sub3A_1008 = arith.subf %add3A_1003, %get3A_1007 : vector<16xf32>
      %abs3A_1009 = math.absf %sub3A_1008 : vector<16xf32>
      %sub3A_1010 = arith.subf %abs3A_1009, %abs3A : vector<16xf32>
      %add3A_1011 = arith.addf %broadcast_in_dim3A_982, %sub3A_1010 : vector<16xf32>
      %get3A_1012 = arith.index_cast %scan3A_979 : i32 to index
      %get3A_1013 = arith.constant 16 : index
      %get3A_1014 = tpu.vector_load %arg13[%get3A_1012, %get3A_1013] {strides = array<i32>} : memref<64x128xf32, #tpu.memory_space<vmem>>, vector<1x16xf32>,
      %get3A_1015 = vector.shape_cast %get3A_1014 : vector<1x16xf32> to vector<16xf32>
      %get3A_1016 = arith.index_cast %scan3A_979 : i32 to index
      %get3A_1017 = arith.constant 16 : index
      %get3A_1018 = tpu.vector_load %arg14[%get3A_1016, %get3A_1017] {strides = array<i32>} : memref<64x128xf32, #tpu.memory_space<vmem>>, vector<1x16xf32>,
      %get3A_1019 = vector.shape_cast %get3A_1018 : vector<1x16xf32> to vector<16xf32>
      %add3A_1020 = arith.addf %get3A_1015, %get3A_1019 : vector<16xf32>
      %get3A_1021 = arith.index_cast %scan3A_979 : i32 to index
      %get3A_1022 = arith.constant 16 : index
      %get3A_1023 = tpu.vector_load %arg15[%get3A_1021, %get3A_1022] {strides = array<i32>} : memref<64x128xf32, #tpu.memory_space<vmem>>, vector<1x16xf32>,
      %get3A_1024 = vector.shape_cast %get3A_1023 : vector<1x16xf32> to vector<16xf32>
      %sub3A_1025 = arith.subf %add3A_1020, %get3A_1024 : vector<16xf32>
      %abs3A_1026 = math.absf %sub3A_1025 : vector<16xf32>
      %get3A_1027 = arith.index_cast %scan3A_979 : i32 to index
      %get3A_1028 = arith.constant 16 : index
      %get3A_1029 = tpu.vector_load %arg16[%get3A_1027, %get3A_1028] {strides = array<i32>} : memref<64x128xf32, #tpu.memory_space<vmem>>, vector<1x16xf32>,
      %get3A_1030 = vector.shape_cast %get3A_1029 : vector<1x16xf32> to vector<16xf32>
      %get3A_1031 = arith.index_cast %scan3A_979 : i32 to index
      %get3A_1032 = arith.constant 16 : index
      %get3A_1033 = tpu.vector_load %arg17[%get3A_1031, %get3A_1032] {strides = array<i32>} : memref<64x128xf32, #tpu.memory_space<vmem>>, vector<1x16xf32>,
      %get3A_1034 = vector.shape_cast %get3A_1033 : vector<1x16xf32> to vector<16xf32>
      %add3A_1035 = arith.addf %get3A_1030, %get3A_1034 : vector<16xf32>
      %get3A_1036 = arith.index_cast %scan3A_979 : i32 to index
      %get3A_1037 = arith.constant 16 : index
      %get3A_1038 = tpu.vector_load %arg18[%get3A_1036, %get3A_1037] {strides = array<i32>} : memref<64x128xf32, #tpu.memory_space<vmem>>, vector<1x16xf32>,
      %get3A_1039 = vector.shape_cast %get3A_1038 : vector<1x16xf32> to vector<16xf32>
      %sub3A_1040 = arith.subf %add3A_1035, %get3A_1039 : vector<16xf32>
      %abs3A_1041 = math.absf %sub3A_1040 : vector<16xf32>
      %sub3A_1042 = arith.subf %abs3A_1041, %abs3A_1026 : vector<16xf32>
      %add3A_1043 = arith.addf %add3A_1011, %sub3A_1042 : vector<16xf32>
      %get3A_1044 = arith.index_cast %scan3A_979 : i32 to index
      %get3A_1045 = arith.constant 32 : index
      %get3A_1046 = tpu.vector_load %arg13[%get3A_1044, %get3A_1045] {strides = array<i32>} : memref<64x128xf32, #tpu.memory_space<vmem>>, vector<1x16xf32>,
      %get3A_1047 = vector.shape_cast %get3A_1046 : vector<1x16xf32> to vector<16xf32>
      %get3A_1048 = arith.index_cast %scan3A_979 : i32 to index
      %get3A_1049 = arith.constant 32 : index
      %get3A_1050 = tpu.vector_load %arg14[%get3A_1048, %get3A_1049] {strides = array<i32>} : memref<64x128xf32, #tpu.memory_space<vmem>>, vector<1x16xf32>,
      %get3A_1051 = vector.shape_cast %get3A_1050 : vector<1x16xf32> to vector<16xf32>
      %add3A_1052 = arith.addf %get3A_1047, %get3A_1051 : vector<16xf32>
      %get3A_1053 = arith.index_cast %scan3A_979 : i32 to index
      %get3A_1054 = arith.constant 32 : index
      %get3A_1055 = tpu.vector_load %arg15[%get3A_1053, %get3A_1054] {strides = array<i32>} : memref<64x128xf32, #tpu.memory_space<vmem>>, vector<1x16xf32>,
      %get3A_1056 = vector.shape_cast %get3A_1055 : vector<1x16xf32> to vector<16xf32>
      %sub3A_1057 = arith.subf %add3A_1052, %get3A_1056 : vector<16xf32>
      %abs3A_1058 = math.absf %sub3A_1057 : vector<16xf32>
      %get3A_1059 = arith.index_cast %scan3A_979 : i32 to index
      %get3A_1060 = arith.constant 32 : index
      %get3A_1061 = tpu.vector_load %arg16[%get3A_1059, %get3A_1060] {strides = array<i32>} : memref<64x128xf32, #tpu.memory_space<vmem>>, vector<1x16xf32>,
      %get3A_1062 = vector.shape_cast %get3A_1061 : vector<1x16xf32> to vector<16xf32>
      %get3A_1063 = arith.index_cast %scan3A_979 : i32 to index
      %get3A_1064 = arith.constant 32 : index
      %get3A_1065 = tpu.vector_load %arg17[%get3A_1063, %get3A_1064] {strides = array<i32>} : memref<64x128xf32, #tpu.memory_space<vmem>>, vector<1x16xf32>,
      %get3A_1066 = vector.shape_cast %get3A_1065 : vector<1x16xf32> to vector<16xf32>
      %add3A_1067 = arith.addf %get3A_1062, %get3A_1066 : vector<16xf32>
      %get3A_1068 = arith.index_cast %scan3A_979 : i32 to index
      %get3A_1069 = arith.constant 32 : index
      %get3A_1070 = tpu.vector_load %arg18[%get3A_1068, %get3A_1069] {strides = array<i32>} : memref<64x128xf32, #tpu.memory_space<vmem>>, vector<1x16xf32>,
      %get3A_1071 = vector.shape_cast %get3A_1070 : vector<1x16xf32> to vector<16xf32>
      %sub3A_1072 = arith.subf %add3A_1067, %get3A_1071 : vector<16xf32>
      %abs3A_1073 = math.absf %sub3A_1072 : vector<16xf32>
      %sub3A_1074 = arith.subf %abs3A_1073, %abs3A_1058 : vector<16xf32>
      %add3A_1075 = arith.addf %add3A_1043, %sub3A_1074 : vector<16xf32>
      %get3A_1076 = arith.index_cast %scan3A_979 : i32 to index
      %get3A_1077 = arith.constant 48 : index
      %get3A_1078 = tpu.vector_load %arg13[%get3A_1076, %get3A_1077] {strides = array<i32>} : memref<64x128xf32, #tpu.memory_space<vmem>>, vector<1x16xf32>,
      %get3A_1079 = vector.shape_cast %get3A_1078 : vector<1x16xf32> to vector<16xf32>
      %get3A_1080 = arith.index_cast %scan3A_979 : i32 to index
      %get3A_1081 = arith.constant 48 : index
      %get3A_1082 = tpu.vector_load %arg14[%get3A_1080, %get3A_1081] {strides = array<i32>} : memref<64x128xf32, #tpu.memory_space<vmem>>, vector<1x16xf32>,
      %get3A_1083 = vector.shape_cast %get3A_1082 : vector<1x16xf32> to vector<16xf32>
      %add3A_1084 = arith.addf %get3A_1079, %get3A_1083 : vector<16xf32>
      %get3A_1085 = arith.index_cast %scan3A_979 : i32 to index
      %get3A_1086 = arith.constant 48 : index
      %get3A_1087 = tpu.vector_load %arg15[%get3A_1085, %get3A_1086] {strides = array<i32>} : memref<64x128xf32, #tpu.memory_space<vmem>>, vector<1x16xf32>,
      %get3A_1088 = vector.shape_cast %get3A_1087 : vector<1x16xf32> to vector<16xf32>
      %sub3A_1089 = arith.subf %add3A_1084, %get3A_1088 : vector<16xf32>
      %abs3A_1090 = math.absf %sub3A_1089 : vector<16xf32>
      %get3A_1091 = arith.index_cast %scan3A_979 : i32 to index
      %get3A_1092 = arith.constant 48 : index
      %get3A_1093 = tpu.vector_load %arg16[%get3A_1091, %get3A_1092] {strides = array<i32>} : memref<64x128xf32, #tpu.memory_space<vmem>>, vector<1x16xf32>,
      %get3A_1094 = vector.shape_cast %get3A_1093 : vector<1x16xf32> to vector<16xf32>
      %get3A_1095 = arith.index_cast %scan3A_979 : i32 to index
      %get3A_1096 = arith.constant 48 : index
      %get3A_1097 = tpu.vector_load %arg17[%get3A_1095, %get3A_1096] {strides = array<i32>} : memref<64x128xf32, #tpu.memory_space<vmem>>, vector<1x16xf32>,
      %get3A_1098 = vector.shape_cast %get3A_1097 : vector<1x16xf32> to vector<16xf32>
      %add3A_1099 = arith.addf %get3A_1094, %get3A_1098 : vector<16xf32>
      %get3A_1100 = arith.index_cast %scan3A_979 : i32 to index
      %get3A_1101 = arith.constant 48 : index
      %get3A_1102 = tpu.vector_load %arg18[%get3A_1100, %get3A_1101] {strides = array<i32>} : memref<64x128xf32, #tpu.memory_space<vmem>>, vector<1x16xf32>,
      %get3A_1103 = vector.shape_cast %get3A_1102 : vector<1x16xf32> to vector<16xf32>
      %sub3A_1104 = arith.subf %add3A_1099, %get3A_1103 : vector<16xf32>
      %abs3A_1105 = math.absf %sub3A_1104 : vector<16xf32>
      %sub3A_1106 = arith.subf %abs3A_1105, %abs3A_1090 : vector<16xf32>
      %add3A_1107 = arith.addf %add3A_1075, %sub3A_1106 : vector<16xf32>
      %get3A_1108 = arith.index_cast %scan3A_979 : i32 to index
      %get3A_1109 = arith.constant 64 : index
      %get3A_1110 = tpu.vector_load %arg13[%get3A_1108, %get3A_1109] {strides = array<i32>} : memref<64x128xf32, #tpu.memory_space<vmem>>, vector<1x16xf32>,
      %get3A_1111 = vector.shape_cast %get3A_1110 : vector<1x16xf32> to vector<16xf32>
      %get3A_1112 = arith.index_cast %scan3A_979 : i32 to index
      %get3A_1113 = arith.constant 64 : index
      %get3A_1114 = tpu.vector_load %arg14[%get3A_1112, %get3A_1113] {strides = array<i32>} : memref<64x128xf32, #tpu.memory_space<vmem>>, vector<1x16xf32>,
      %get3A_1115 = vector.shape_cast %get3A_1114 : vector<1x16xf32> to vector<16xf32>
      %add3A_1116 = arith.addf %get3A_1111, %get3A_1115 : vector<16xf32>
      %get3A_1117 = arith.index_cast %scan3A_979 : i32 to index
      %get3A_1118 = arith.constant 64 : index
      %get3A_1119 = tpu.vector_load %arg15[%get3A_1117, %get3A_1118] {strides = array<i32>} : memref<64x128xf32, #tpu.memory_space<vmem>>, vector<1x16xf32>,
      %get3A_1120 = vector.shape_cast %get3A_1119 : vector<1x16xf32> to vector<16xf32>
      %sub3A_1121 = arith.subf %add3A_1116, %get3A_1120 : vector<16xf32>
      %abs3A_1122 = math.absf %sub3A_1121 : vector<16xf32>
      %get3A_1123 = arith.index_cast %scan3A_979 : i32 to index
      %get3A_1124 = arith.constant 64 : index
      %get3A_1125 = tpu.vector_load %arg16[%get3A_1123, %get3A_1124] {strides = array<i32>} : memref<64x128xf32, #tpu.memory_space<vmem>>, vector<1x16xf32>,
      %get3A_1126 = vector.shape_cast %get3A_1125 : vector<1x16xf32> to vector<16xf32>
      %get3A_1127 = arith.index_cast %scan3A_979 : i32 to index
      %get3A_1128 = arith.constant 64 : index
      %get3A_1129 = tpu.vector_load %arg17[%get3A_1127, %get3A_1128] {strides = array<i32>} : memref<64x128xf32, #tpu.memory_space<vmem>>, vector<1x16xf32>,
      %get3A_1130 = vector.shape_cast %get3A_1129 : vector<1x16xf32> to vector<16xf32>
      %add3A_1131 = arith.addf %get3A_1126, %get3A_1130 : vector<16xf32>
      %get3A_1132 = arith.index_cast %scan3A_979 : i32 to index
      %get3A_1133 = arith.constant 64 : index
      %get3A_1134 = tpu.vector_load %arg18[%get3A_1132, %get3A_1133] {strides = array<i32>} : memref<64x128xf32, #tpu.memory_space<vmem>>, vector<1x16xf32>,
      %get3A_1135 = vector.shape_cast %get3A_1134 : vector<1x16xf32> to vector<16xf32>
      %sub3A_1136 = arith.subf %add3A_1131, %get3A_1135 : vector<16xf32>
      %abs3A_1137 = math.absf %sub3A_1136 : vector<16xf32>
      %sub3A_1138 = arith.subf %abs3A_1137, %abs3A_1122 : vector<16xf32>
      %add3A_1139 = arith.addf %add3A_1107, %sub3A_1138 : vector<16xf32>
      %get3A_1140 = arith.index_cast %scan3A_979 : i32 to index
      %get3A_1141 = arith.constant 80 : index
      %get3A_1142 = tpu.vector_load %arg13[%get3A_1140, %get3A_1141] {strides = array<i32>} : memref<64x128xf32, #tpu.memory_space<vmem>>, vector<1x16xf32>,
      %get3A_1143 = vector.shape_cast %get3A_1142 : vector<1x16xf32> to vector<16xf32>
      %get3A_1144 = arith.index_cast %scan3A_979 : i32 to index
      %get3A_1145 = arith.constant 80 : index
      %get3A_1146 = tpu.vector_load %arg14[%get3A_1144, %get3A_1145] {strides = array<i32>} : memref<64x128xf32, #tpu.memory_space<vmem>>, vector<1x16xf32>,
      %get3A_1147 = vector.shape_cast %get3A_1146 : vector<1x16xf32> to vector<16xf32>
      %add3A_1148 = arith.addf %get3A_1143, %get3A_1147 : vector<16xf32>
      %get3A_1149 = arith.index_cast %scan3A_979 : i32 to index
      %get3A_1150 = arith.constant 80 : index
      %get3A_1151 = tpu.vector_load %arg15[%get3A_1149, %get3A_1150] {strides = array<i32>} : memref<64x128xf32, #tpu.memory_space<vmem>>, vector<1x16xf32>,
      %get3A_1152 = vector.shape_cast %get3A_1151 : vector<1x16xf32> to vector<16xf32>
      %sub3A_1153 = arith.subf %add3A_1148, %get3A_1152 : vector<16xf32>
      %abs3A_1154 = math.absf %sub3A_1153 : vector<16xf32>
      %get3A_1155 = arith.index_cast %scan3A_979 : i32 to index
      %get3A_1156 = arith.constant 80 : index
      %get3A_1157 = tpu.vector_load %arg16[%get3A_1155, %get3A_1156] {strides = array<i32>} : memref<64x128xf32, #tpu.memory_space<vmem>>, vector<1x16xf32>,
      %get3A_1158 = vector.shape_cast %get3A_1157 : vector<1x16xf32> to vector<16xf32>
      %get3A_1159 = arith.index_cast %scan3A_979 : i32 to index
      %get3A_1160 = arith.constant 80 : index
      %get3A_1161 = tpu.vector_load %arg17[%get3A_1159, %get3A_1160] {strides = array<i32>} : memref<64x128xf32, #tpu.memory_space<vmem>>, vector<1x16xf32>,
      %get3A_1162 = vector.shape_cast %get3A_1161 : vector<1x16xf32> to vector<16xf32>
      %add3A_1163 = arith.addf %get3A_1158, %get3A_1162 : vector<16xf32>
      %get3A_1164 = arith.index_cast %scan3A_979 : i32 to index
      %get3A_1165 = arith.constant 80 : index
      %get3A_1166 = tpu.vector_load %arg18[%get3A_1164, %get3A_1165] {strides = array<i32>} : memref<64x128xf32, #tpu.memory_space<vmem>>, vector<1x16xf32>,
      %get3A_1167 = vector.shape_cast %get3A_1166 : vector<1x16xf32> to vector<16xf32>
      %sub3A_1168 = arith.subf %add3A_1163, %get3A_1167 : vector<16xf32>
      %abs3A_1169 = math.absf %sub3A_1168 : vector<16xf32>
      %sub3A_1170 = arith.subf %abs3A_1169, %abs3A_1154 : vector<16xf32>
      %add3A_1171 = arith.addf %add3A_1139, %sub3A_1170 : vector<16xf32>
      %get3A_1172 = arith.index_cast %scan3A_979 : i32 to index
      %get3A_1173 = arith.constant 96 : index
      %get3A_1174 = tpu.vector_load %arg13[%get3A_1172, %get3A_1173] {strides = array<i32>} : memref<64x128xf32, #tpu.memory_space<vmem>>, vector<1x16xf32>,
      %get3A_1175 = vector.shape_cast %get3A_1174 : vector<1x16xf32> to vector<16xf32>
      %get3A_1176 = arith.index_cast %scan3A_979 : i32 to index
      %get3A_1177 = arith.constant 96 : index
      %get3A_1178 = tpu.vector_load %arg14[%get3A_1176, %get3A_1177] {strides = array<i32>} : memref<64x128xf32, #tpu.memory_space<vmem>>, vector<1x16xf32>,
      %get3A_1179 = vector.shape_cast %get3A_1178 : vector<1x16xf32> to vector<16xf32>
      %add3A_1180 = arith.addf %get3A_1175, %get3A_1179 : vector<16xf32>
      %get3A_1181 = arith.index_cast %scan3A_979 : i32 to index
      %get3A_1182 = arith.constant 96 : index
      %get3A_1183 = tpu.vector_load %arg15[%get3A_1181, %get3A_1182] {strides = array<i32>} : memref<64x128xf32, #tpu.memory_space<vmem>>, vector<1x16xf32>,
      %get3A_1184 = vector.shape_cast %get3A_1183 : vector<1x16xf32> to vector<16xf32>
      %sub3A_1185 = arith.subf %add3A_1180, %get3A_1184 : vector<16xf32>
      %abs3A_1186 = math.absf %sub3A_1185 : vector<16xf32>
      %get3A_1187 = arith.index_cast %scan3A_979 : i32 to index
      %get3A_1188 = arith.constant 96 : index
      %get3A_1189 = tpu.vector_load %arg16[%get3A_1187, %get3A_1188] {strides = array<i32>} : memref<64x128xf32, #tpu.memory_space<vmem>>, vector<1x16xf32>,
      %get3A_1190 = vector.shape_cast %get3A_1189 : vector<1x16xf32> to vector<16xf32>
      %get3A_1191 = arith.index_cast %scan3A_979 : i32 to index
      %get3A_1192 = arith.constant 96 : index
      %get3A_1193 = tpu.vector_load %arg17[%get3A_1191, %get3A_1192] {strides = array<i32>} : memref<64x128xf32, #tpu.memory_space<vmem>>, vector<1x16xf32>,
      %get3A_1194 = vector.shape_cast %get3A_1193 : vector<1x16xf32> to vector<16xf32>
      %add3A_1195 = arith.addf %get3A_1190, %get3A_1194 : vector<16xf32>
      %get3A_1196 = arith.index_cast %scan3A_979 : i32 to index
      %get3A_1197 = arith.constant 96 : index
      %get3A_1198 = tpu.vector_load %arg18[%get3A_1196, %get3A_1197] {strides = array<i32>} : memref<64x128xf32, #tpu.memory_space<vmem>>, vector<1x16xf32>,
      %get3A_1199 = vector.shape_cast %get3A_1198 : vector<1x16xf32> to vector<16xf32>
      %sub3A_1200 = arith.subf %add3A_1195, %get3A_1199 : vector<16xf32>
      %abs3A_1201 = math.absf %sub3A_1200 : vector<16xf32>
      %sub3A_1202 = arith.subf %abs3A_1201, %abs3A_1186 : vector<16xf32>
      %add3A_1203 = arith.addf %add3A_1171, %sub3A_1202 : vector<16xf32>
      %get3A_1204 = arith.index_cast %scan3A_979 : i32 to index
      %get3A_1205 = arith.constant 112 : index
      %get3A_1206 = tpu.vector_load %arg13[%get3A_1204, %get3A_1205] {strides = array<i32>} : memref<64x128xf32, #tpu.memory_space<vmem>>, vector<1x16xf32>,
      %get3A_1207 = vector.shape_cast %get3A_1206 : vector<1x16xf32> to vector<16xf32>
      %get3A_1208 = arith.index_cast %scan3A_979 : i32 to index
      %get3A_1209 = arith.constant 112 : index
      %get3A_1210 = tpu.vector_load %arg14[%get3A_1208, %get3A_1209] {strides = array<i32>} : memref<64x128xf32, #tpu.memory_space<vmem>>, vector<1x16xf32>,
      %get3A_1211 = vector.shape_cast %get3A_1210 : vector<1x16xf32> to vector<16xf32>
      %add3A_1212 = arith.addf %get3A_1207, %get3A_1211 : vector<16xf32>
      %get3A_1213 = arith.index_cast %scan3A_979 : i32 to index
      %get3A_1214 = arith.constant 112 : index
      %get3A_1215 = tpu.vector_load %arg15[%get3A_1213, %get3A_1214] {strides = array<i32>} : memref<64x128xf32, #tpu.memory_space<vmem>>, vector<1x16xf32>,
      %get3A_1216 = vector.shape_cast %get3A_1215 : vector<1x16xf32> to vector<16xf32>
      %sub3A_1217 = arith.subf %add3A_1212, %get3A_1216 : vector<16xf32>
      %abs3A_1218 = math.absf %sub3A_1217 : vector<16xf32>
      %get3A_1219 = arith.index_cast %scan3A_979 : i32 to index
      %get3A_1220 = arith.constant 112 : index
      %get3A_1221 = tpu.vector_load %arg16[%get3A_1219, %get3A_1220] {strides = array<i32>} : memref<64x128xf32, #tpu.memory_space<vmem>>, vector<1x16xf32>,
      %get3A_1222 = vector.shape_cast %get3A_1221 : vector<1x16xf32> to vector<16xf32>
      %get3A_1223 = arith.index_cast %scan3A_979 : i32 to index
      %get3A_1224 = arith.constant 112 : index
      %get3A_1225 = tpu.vector_load %arg17[%get3A_1223, %get3A_1224] {strides = array<i32>} : memref<64x128xf32, #tpu.memory_space<vmem>>, vector<1x16xf32>,
      %get3A_1226 = vector.shape_cast %get3A_1225 : vector<1x16xf32> to vector<16xf32>
      %add3A_1227 = arith.addf %get3A_1222, %get3A_1226 : vector<16xf32>
      %get3A_1228 = arith.index_cast %scan3A_979 : i32 to index
      %get3A_1229 = arith.constant 112 : index
      %get3A_1230 = tpu.vector_load %arg18[%get3A_1228, %get3A_1229] {strides = array<i32>} : memref<64x128xf32, #tpu.memory_space<vmem>>, vector<1x16xf32>,
      %get3A_1231 = vector.shape_cast %get3A_1230 : vector<1x16xf32> to vector<16xf32>
      %sub3A_1232 = arith.subf %add3A_1227, %get3A_1231 : vector<16xf32>
      %abs3A_1233 = math.absf %sub3A_1232 : vector<16xf32>
      %sub3A_1234 = arith.subf %abs3A_1233, %abs3A_1218 : vector<16xf32>
      %add3A_1235 = arith.addf %add3A_1203, %sub3A_1234 : vector<16xf32>
      %xor3A = arith.constant 1 : i32
      %xor3A_1236 = vector.broadcast %xor3A : i32 to vector<16xi32>
      %xor3A_1237 = arith.xori %iota3A, %xor3A_1236 : vector<16xi32>
      %lt3A = arith.constant 0 : i32
      %lt3A_1238 = vector.broadcast %lt3A : i32 to vector<16xi32>
      %lt3A_1239 = arith.cmpi slt, %xor3A_1237, %lt3A_1238 : vector<16xi32>
      %add3A_1240 = arith.constant 16 : i32
      %add3A_1241 = vector.broadcast %add3A_1240 : i32 to vector<16xi32>
      %add3A_1242 = arith.addi %xor3A_1237, %add3A_1241 : vector<16xi32>
      %select_n3A = arith.select %lt3A_1239, %add3A_1242, %xor3A_1237 : vector<16xi1>, vector<16xi32>
      %broadcast_in_dim3A_1243 = vector.shape_cast %select_n3A : vector<16xi32> to vector<16x1xi32>
      %gather3A = vector.shape_cast %broadcast_in_dim3A_1243 : vector<16x1xi32> to vector<16xi32>
      %gather3A_1244 = tpu.dynamic_gather %add3A_1235[%gather3A] in [0] : vector<16xf32>, vector<16xi32> -> vector<16xf32>
      %add3A_1245 = arith.addf %add3A_1235, %gather3A_1244 : vector<16xf32>
      %xor3A_1246 = arith.constant 2 : i32
      %xor3A_1247 = vector.broadcast %xor3A_1246 : i32 to vector<16xi32>
      %xor3A_1248 = arith.xori %iota3A, %xor3A_1247 : vector<16xi32>
      %lt3A_1249 = arith.constant 0 : i32
      %lt3A_1250 = vector.broadcast %lt3A_1249 : i32 to vector<16xi32>
      %lt3A_1251 = arith.cmpi slt, %xor3A_1248, %lt3A_1250 : vector<16xi32>
      %add3A_1252 = arith.constant 16 : i32
      %add3A_1253 = vector.broadcast %add3A_1252 : i32 to vector<16xi32>
      %add3A_1254 = arith.addi %xor3A_1248, %add3A_1253 : vector<16xi32>
      %select_n3A_1255 = arith.select %lt3A_1251, %add3A_1254, %xor3A_1248 : vector<16xi1>, vector<16xi32>
      %broadcast_in_dim3A_1256 = vector.shape_cast %select_n3A_1255 : vector<16xi32> to vector<16x1xi32>
      %gather3A_1257 = vector.shape_cast %broadcast_in_dim3A_1256 : vector<16x1xi32> to vector<16xi32>
      %gather3A_1258 = tpu.dynamic_gather %add3A_1245[%gather3A_1257] in [0] : vector<16xf32>, vector<16xi32> -> vector<16xf32>
      %add3A_1259 = arith.addf %add3A_1245, %gather3A_1258 : vector<16xf32>
      %xor3A_1260 = arith.constant 4 : i32
      %xor3A_1261 = vector.broadcast %xor3A_1260 : i32 to vector<16xi32>
      %xor3A_1262 = arith.xori %iota3A, %xor3A_1261 : vector<16xi32>
      %lt3A_1263 = arith.constant 0 : i32
      %lt3A_1264 = vector.broadcast %lt3A_1263 : i32 to vector<16xi32>
      %lt3A_1265 = arith.cmpi slt, %xor3A_1262, %lt3A_1264 : vector<16xi32>
      %add3A_1266 = arith.constant 16 : i32
      %add3A_1267 = vector.broadcast %add3A_1266 : i32 to vector<16xi32>
      %add3A_1268 = arith.addi %xor3A_1262, %add3A_1267 : vector<16xi32>
      %select_n3A_1269 = arith.select %lt3A_1265, %add3A_1268, %xor3A_1262 : vector<16xi1>, vector<16xi32>
      %broadcast_in_dim3A_1270 = vector.shape_cast %select_n3A_1269 : vector<16xi32> to vector<16x1xi32>
      %gather3A_1271 = vector.shape_cast %broadcast_in_dim3A_1270 : vector<16x1xi32> to vector<16xi32>
      %gather3A_1272 = tpu.dynamic_gather %add3A_1259[%gather3A_1271] in [0] : vector<16xf32>, vector<16xi32> -> vector<16xf32>
      %add3A_1273 = arith.addf %add3A_1259, %gather3A_1272 : vector<16xf32>
      %xor3A_1274 = arith.constant 8 : i32
      %xor3A_1275 = vector.broadcast %xor3A_1274 : i32 to vector<16xi32>
      %xor3A_1276 = arith.xori %iota3A, %xor3A_1275 : vector<16xi32>
      %lt3A_1277 = arith.constant 0 : i32
      %lt3A_1278 = vector.broadcast %lt3A_1277 : i32 to vector<16xi32>
      %lt3A_1279 = arith.cmpi slt, %xor3A_1276, %lt3A_1278 : vector<16xi32>
      %add3A_1280 = arith.constant 16 : i32
      %add3A_1281 = vector.broadcast %add3A_1280 : i32 to vector<16xi32>
      %add3A_1282 = arith.addi %xor3A_1276, %add3A_1281 : vector<16xi32>
      %select_n3A_1283 = arith.select %lt3A_1279, %add3A_1282, %xor3A_1276 : vector<16xi1>, vector<16xi32>
      %broadcast_in_dim3A_1284 = vector.shape_cast %select_n3A_1283 : vector<16xi32> to vector<16x1xi32>
      %gather3A_1285 = vector.shape_cast %broadcast_in_dim3A_1284 : vector<16x1xi32> to vector<16xi32>
      %gather3A_1286 = tpu.dynamic_gather %add3A_1273[%gather3A_1285] in [0] : vector<16xf32>, vector<16xi32> -> vector<16xf32>
      %add3A_1287 = arith.addf %add3A_1273, %gather3A_1286 : vector<16xf32>
      %add3A_1288 = arith.constant 1.000000e+00 : f32
      %add3A_1289 = vector.broadcast %add3A_1288 : f32 to vector<16xf32>
      %add3A_1290 = arith.addf %add3A_1287, %add3A_1289 : vector<16xf32>
      %max3A = arith.constant 0.000000e+00 : f32
      %max3A_1291 = vector.broadcast %max3A : f32 to vector<16xf32>
      %max3A_1292 = arith.maximumf %add3A_1290, %max3A_1291 : vector<16xf32>
      %add3A_1293 = arith.addf %scan3A_980, %max3A_1292 : vector<16xf32>
      scf.yield %add3A_1293 : vector<16xf32>
    }
    %scan3A_744 = arith.constant 64 : i32
    %dma_start3A_745 = arith.constant 0 : i32
    %dma_start3A_746 = arith.constant 384 : i32
    %dma_start3A_747 = tpu.memref_slice %arg7[%dma_start3A_745, %dma_start3A_746] : memref<1x512xi32, #tpu.memory_space<vmem>> -> memref<1x64xi32, #tpu.memory_space<vmem>>
    %dma_start3A_748 = tpu.memref_squeeze %dma_start3A_747 : memref<1x64xi32, #tpu.memory_space<vmem>> -> memref<64xi32, #tpu.memory_space<vmem>>
    %dma_start3A_749 = arith.constant 0 : i32
    %dma_start3A_750 = arith.constant 0 : i32
    %dma_start3A_751 = tpu.memref_slice %arg4[%dma_start3A_749, %dma_start3A_750] : memref<100000x128xf32, #tpu.memory_space<hbm>> -> memref<100000x128xf32, #tpu.memory_space<hbm>>
    tpu.enqueue_indirect_dma source(%dma_start3A_751 : memref<100000x128xf32, #tpu.memory_space<hbm>>) target(%arg13 : memref<64x128xf32, #tpu.memory_space<vmem>>) offsets(%dma_start3A_748 : memref<64xi32, #tpu.memory_space<vmem>>) semaphore(%arg26 : memref<!tpu.dma_semaphore, #tpu.memory_space<semaphore_mem>>)
    %dma_start3A_752 = arith.constant 0 : i32
    %dma_start3A_753 = arith.constant 384 : i32
    %dma_start3A_754 = tpu.memref_slice %arg8[%dma_start3A_752, %dma_start3A_753] : memref<1x512xi32, #tpu.memory_space<vmem>> -> memref<1x64xi32, #tpu.memory_space<vmem>>
    %dma_start3A_755 = tpu.memref_squeeze %dma_start3A_754 : memref<1x64xi32, #tpu.memory_space<vmem>> -> memref<64xi32, #tpu.memory_space<vmem>>
    %dma_start3A_756 = arith.constant 0 : i32
    %dma_start3A_757 = arith.constant 0 : i32
    %dma_start3A_758 = tpu.memref_slice %arg5[%dma_start3A_756, %dma_start3A_757] : memref<100000x128xf32, #tpu.memory_space<hbm>> -> memref<100000x128xf32, #tpu.memory_space<hbm>>
    tpu.enqueue_indirect_dma source(%dma_start3A_758 : memref<100000x128xf32, #tpu.memory_space<hbm>>) target(%arg14 : memref<64x128xf32, #tpu.memory_space<vmem>>) offsets(%dma_start3A_755 : memref<64xi32, #tpu.memory_space<vmem>>) semaphore(%arg26 : memref<!tpu.dma_semaphore, #tpu.memory_space<semaphore_mem>>)
    %dma_start3A_759 = arith.constant 0 : i32
    %dma_start3A_760 = arith.constant 384 : i32
    %dma_start3A_761 = tpu.memref_slice %arg9[%dma_start3A_759, %dma_start3A_760] : memref<1x512xi32, #tpu.memory_space<vmem>> -> memref<1x64xi32, #tpu.memory_space<vmem>>
    %dma_start3A_762 = tpu.memref_squeeze %dma_start3A_761 : memref<1x64xi32, #tpu.memory_space<vmem>> -> memref<64xi32, #tpu.memory_space<vmem>>
    %dma_start3A_763 = arith.constant 0 : i32
    %dma_start3A_764 = arith.constant 0 : i32
    %dma_start3A_765 = tpu.memref_slice %arg4[%dma_start3A_763, %dma_start3A_764] : memref<100000x128xf32, #tpu.memory_space<hbm>> -> memref<100000x128xf32, #tpu.memory_space<hbm>>
    tpu.enqueue_indirect_dma source(%dma_start3A_765 : memref<100000x128xf32, #tpu.memory_space<hbm>>) target(%arg15 : memref<64x128xf32, #tpu.memory_space<vmem>>) offsets(%dma_start3A_762 : memref<64xi32, #tpu.memory_space<vmem>>) semaphore(%arg26 : memref<!tpu.dma_semaphore, #tpu.memory_space<semaphore_mem>>)
    %dma_start3A_766 = arith.constant 0 : i32
    %dma_start3A_767 = arith.constant 384 : i32
    %dma_start3A_768 = tpu.memref_slice %arg10[%dma_start3A_766, %dma_start3A_767] : memref<1x512xi32, #tpu.memory_space<vmem>> -> memref<1x64xi32, #tpu.memory_space<vmem>>
    %dma_start3A_769 = tpu.memref_squeeze %dma_start3A_768 : memref<1x64xi32, #tpu.memory_space<vmem>> -> memref<64xi32, #tpu.memory_space<vmem>>
    %dma_start3A_770 = arith.constant 0 : i32
    %dma_start3A_771 = arith.constant 0 : i32
    %dma_start3A_772 = tpu.memref_slice %arg4[%dma_start3A_770, %dma_start3A_771] : memref<100000x128xf32, #tpu.memory_space<hbm>> -> memref<100000x128xf32, #tpu.memory_space<hbm>>
    tpu.enqueue_indirect_dma source(%dma_start3A_772 : memref<100000x128xf32, #tpu.memory_space<hbm>>) target(%arg16 : memref<64x128xf32, #tpu.memory_space<vmem>>) offsets(%dma_start3A_769 : memref<64xi32, #tpu.memory_space<vmem>>) semaphore(%arg26 : memref<!tpu.dma_semaphore, #tpu.memory_space<semaphore_mem>>)
    %dma_start3A_773 = arith.constant 0 : i32
    %dma_start3A_774 = arith.constant 384 : i32
    %dma_start3A_775 = tpu.memref_slice %arg11[%dma_start3A_773, %dma_start3A_774] : memref<1x512xi32, #tpu.memory_space<vmem>> -> memref<1x64xi32, #tpu.memory_space<vmem>>
    %dma_start3A_776 = tpu.memref_squeeze %dma_start3A_775 : memref<1x64xi32, #tpu.memory_space<vmem>> -> memref<64xi32, #tpu.memory_space<vmem>>
    %dma_start3A_777 = arith.constant 0 : i32
    %dma_start3A_778 = arith.constant 0 : i32
    %dma_start3A_779 = tpu.memref_slice %arg5[%dma_start3A_777, %dma_start3A_778] : memref<100000x128xf32, #tpu.memory_space<hbm>> -> memref<100000x128xf32, #tpu.memory_space<hbm>>
    tpu.enqueue_indirect_dma source(%dma_start3A_779 : memref<100000x128xf32, #tpu.memory_space<hbm>>) target(%arg17 : memref<64x128xf32, #tpu.memory_space<vmem>>) offsets(%dma_start3A_776 : memref<64xi32, #tpu.memory_space<vmem>>) semaphore(%arg26 : memref<!tpu.dma_semaphore, #tpu.memory_space<semaphore_mem>>)
    %dma_start3A_780 = arith.constant 0 : i32
    %dma_start3A_781 = arith.constant 384 : i32
    %dma_start3A_782 = tpu.memref_slice %arg12[%dma_start3A_780, %dma_start3A_781] : memref<1x512xi32, #tpu.memory_space<vmem>> -> memref<1x64xi32, #tpu.memory_space<vmem>>
    %dma_start3A_783 = tpu.memref_squeeze %dma_start3A_782 : memref<1x64xi32, #tpu.memory_space<vmem>> -> memref<64xi32, #tpu.memory_space<vmem>>
    %dma_start3A_784 = arith.constant 0 : i32
    %dma_start3A_785 = arith.constant 0 : i32
    %dma_start3A_786 = tpu.memref_slice %arg4[%dma_start3A_784, %dma_start3A_785] : memref<100000x128xf32, #tpu.memory_space<hbm>> -> memref<100000x128xf32, #tpu.memory_space<hbm>>
    tpu.enqueue_indirect_dma source(%dma_start3A_786 : memref<100000x128xf32, #tpu.memory_space<hbm>>) target(%arg18 : memref<64x128xf32, #tpu.memory_space<vmem>>) offsets(%dma_start3A_783 : memref<64xi32, #tpu.memory_space<vmem>>) semaphore(%arg26 : memref<!tpu.dma_semaphore, #tpu.memory_space<semaphore_mem>>)
    %dma_wait3A_787 = arith.constant 0 : i32
    %dma_wait3A_788 = arith.constant 320 : i32
    %dma_wait3A_789 = tpu.memref_slice %arg7[%dma_wait3A_787, %dma_wait3A_788] : memref<1x512xi32, #tpu.memory_space<vmem>> -> memref<1x64xi32, #tpu.memory_space<vmem>>
    %dma_wait3A_790 = tpu.memref_squeeze %dma_wait3A_789 : memref<1x64xi32, #tpu.memory_space<vmem>> -> memref<64xi32, #tpu.memory_space<vmem>>
    %dma_wait3A_791 = arith.constant 0 : i32
    %dma_wait3A_792 = arith.constant 0 : i32
    %dma_wait3A_793 = tpu.memref_slice %arg4[%dma_wait3A_791, %dma_wait3A_792] : memref<100000x128xf32, #tpu.memory_space<hbm>> -> memref<100000x128xf32, #tpu.memory_space<hbm>>
    tpu.wait_indirect_dma semaphore(%arg26 : memref<!tpu.dma_semaphore, #tpu.memory_space<semaphore_mem>>) src(%dma_wait3A_793 : memref<100000x128xf32, #tpu.memory_space<hbm>>) dst(%arg19 : memref<64x128xf32, #tpu.memory_space<vmem>>)
    %dma_wait3A_794 = arith.constant 0 : i32
    %dma_wait3A_795 = arith.constant 320 : i32
    %dma_wait3A_796 = tpu.memref_slice %arg8[%dma_wait3A_794, %dma_wait3A_795] : memref<1x512xi32, #tpu.memory_space<vmem>> -> memref<1x64xi32, #tpu.memory_space<vmem>>
    %dma_wait3A_797 = tpu.memref_squeeze %dma_wait3A_796 : memref<1x64xi32, #tpu.memory_space<vmem>> -> memref<64xi32, #tpu.memory_space<vmem>>
    %dma_wait3A_798 = arith.constant 0 : i32
    %dma_wait3A_799 = arith.constant 0 : i32
    %dma_wait3A_800 = tpu.memref_slice %arg5[%dma_wait3A_798, %dma_wait3A_799] : memref<100000x128xf32, #tpu.memory_space<hbm>> -> memref<100000x128xf32, #tpu.memory_space<hbm>>
    tpu.wait_indirect_dma semaphore(%arg26 : memref<!tpu.dma_semaphore, #tpu.memory_space<semaphore_mem>>) src(%dma_wait3A_800 : memref<100000x128xf32, #tpu.memory_space<hbm>>) dst(%arg20 : memref<64x128xf32, #tpu.memory_space<vmem>>)
    %dma_wait3A_801 = arith.constant 0 : i32
    %dma_wait3A_802 = arith.constant 320 : i32
    %dma_wait3A_803 = tpu.memref_slice %arg9[%dma_wait3A_801, %dma_wait3A_802] : memref<1x512xi32, #tpu.memory_space<vmem>> -> memref<1x64xi32, #tpu.memory_space<vmem>>
    %dma_wait3A_804 = tpu.memref_squeeze %dma_wait3A_803 : memref<1x64xi32, #tpu.memory_space<vmem>> -> memref<64xi32, #tpu.memory_space<vmem>>
    %dma_wait3A_805 = arith.constant 0 : i32
    %dma_wait3A_806 = arith.constant 0 : i32
    %dma_wait3A_807 = tpu.memref_slice %arg4[%dma_wait3A_805, %dma_wait3A_806] : memref<100000x128xf32, #tpu.memory_space<hbm>> -> memref<100000x128xf32, #tpu.memory_space<hbm>>
    tpu.wait_indirect_dma semaphore(%arg26 : memref<!tpu.dma_semaphore, #tpu.memory_space<semaphore_mem>>) src(%dma_wait3A_807 : memref<100000x128xf32, #tpu.memory_space<hbm>>) dst(%arg21 : memref<64x128xf32, #tpu.memory_space<vmem>>)
    %dma_wait3A_808 = arith.constant 0 : i32
    %dma_wait3A_809 = arith.constant 320 : i32
    %dma_wait3A_810 = tpu.memref_slice %arg10[%dma_wait3A_808, %dma_wait3A_809] : memref<1x512xi32, #tpu.memory_space<vmem>> -> memref<1x64xi32, #tpu.memory_space<vmem>>
    %dma_wait3A_811 = tpu.memref_squeeze %dma_wait3A_810 : memref<1x64xi32, #tpu.memory_space<vmem>> -> memref<64xi32, #tpu.memory_space<vmem>>
    %dma_wait3A_812 = arith.constant 0 : i32
    %dma_wait3A_813 = arith.constant 0 : i32
    %dma_wait3A_814 = tpu.memref_slice %arg4[%dma_wait3A_812, %dma_wait3A_813] : memref<100000x128xf32, #tpu.memory_space<hbm>> -> memref<100000x128xf32, #tpu.memory_space<hbm>>
    tpu.wait_indirect_dma semaphore(%arg26 : memref<!tpu.dma_semaphore, #tpu.memory_space<semaphore_mem>>) src(%dma_wait3A_814 : memref<100000x128xf32, #tpu.memory_space<hbm>>) dst(%arg22 : memref<64x128xf32, #tpu.memory_space<vmem>>)
    %dma_wait3A_815 = arith.constant 0 : i32
    %dma_wait3A_816 = arith.constant 320 : i32
    %dma_wait3A_817 = tpu.memref_slice %arg11[%dma_wait3A_815, %dma_wait3A_816] : memref<1x512xi32, #tpu.memory_space<vmem>> -> memref<1x64xi32, #tpu.memory_space<vmem>>
    %dma_wait3A_818 = tpu.memref_squeeze %dma_wait3A_817 : memref<1x64xi32, #tpu.memory_space<vmem>> -> memref<64xi32, #tpu.memory_space<vmem>>
    %dma_wait3A_819 = arith.constant 0 : i32
    %dma_wait3A_820 = arith.constant 0 : i32
    %dma_wait3A_821 = tpu.memref_slice %arg5[%dma_wait3A_819, %dma_wait3A_820] : memref<100000x128xf32, #tpu.memory_space<hbm>> -> memref<100000x128xf32, #tpu.memory_space<hbm>>
    tpu.wait_indirect_dma semaphore(%arg26 : memref<!tpu.dma_semaphore, #tpu.memory_space<semaphore_mem>>) src(%dma_wait3A_821 : memref<100000x128xf32, #tpu.memory_space<hbm>>) dst(%arg23 : memref<64x128xf32, #tpu.memory_space<vmem>>)
    %dma_wait3A_822 = arith.constant 0 : i32
    %dma_wait3A_823 = arith.constant 320 : i32
    %dma_wait3A_824 = tpu.memref_slice %arg12[%dma_wait3A_822, %dma_wait3A_823] : memref<1x512xi32, #tpu.memory_space<vmem>> -> memref<1x64xi32, #tpu.memory_space<vmem>>
    %dma_wait3A_825 = tpu.memref_squeeze %dma_wait3A_824 : memref<1x64xi32, #tpu.memory_space<vmem>> -> memref<64xi32, #tpu.memory_space<vmem>>
    %dma_wait3A_826 = arith.constant 0 : i32
    %dma_wait3A_827 = arith.constant 0 : i32
    %dma_wait3A_828 = tpu.memref_slice %arg4[%dma_wait3A_826, %dma_wait3A_827] : memref<100000x128xf32, #tpu.memory_space<hbm>> -> memref<100000x128xf32, #tpu.memory_space<hbm>>
    tpu.wait_indirect_dma semaphore(%arg26 : memref<!tpu.dma_semaphore, #tpu.memory_space<semaphore_mem>>) src(%dma_wait3A_828 : memref<100000x128xf32, #tpu.memory_space<hbm>>) dst(%arg24 : memref<64x128xf32, #tpu.memory_space<vmem>>)
    %scan3A_829 = arith.constant 0 : i32
    %scan3A_830 = arith.constant 64 : i32
    %scan3A_831 = arith.addi %scan3A_829, %scan3A_830 : i32
    %scan3A_832 = arith.constant 1 : i32
    %scan3A_833 = scf.for %scan3A_979 = %scan3A_829 to %scan3A_831 step %scan3A_832 iter_args(%scan3A_980 = %scan3A_743) -> (vector<16xf32>)  : i32 {
      %broadcast_in_dim3A_981 = arith.constant 0.000000e+00 : f32
      %broadcast_in_dim3A_982 = vector.broadcast %broadcast_in_dim3A_981 : f32 to vector<16xf32>
      %get3A = arith.index_cast %scan3A_979 : i32 to index
      %get3A_983 = arith.constant 0 : index
      %get3A_984 = tpu.vector_load %arg19[%get3A, %get3A_983] {strides = array<i32>} : memref<64x128xf32, #tpu.memory_space<vmem>>, vector<1x16xf32>,
      %get3A_985 = vector.shape_cast %get3A_984 : vector<1x16xf32> to vector<16xf32>
      %get3A_986 = arith.index_cast %scan3A_979 : i32 to index
      %get3A_987 = arith.constant 0 : index
      %get3A_988 = tpu.vector_load %arg20[%get3A_986, %get3A_987] {strides = array<i32>} : memref<64x128xf32, #tpu.memory_space<vmem>>, vector<1x16xf32>,
      %get3A_989 = vector.shape_cast %get3A_988 : vector<1x16xf32> to vector<16xf32>
      %add3A_990 = arith.addf %get3A_985, %get3A_989 : vector<16xf32>
      %get3A_991 = arith.index_cast %scan3A_979 : i32 to index
      %get3A_992 = arith.constant 0 : index
      %get3A_993 = tpu.vector_load %arg21[%get3A_991, %get3A_992] {strides = array<i32>} : memref<64x128xf32, #tpu.memory_space<vmem>>, vector<1x16xf32>,
      %get3A_994 = vector.shape_cast %get3A_993 : vector<1x16xf32> to vector<16xf32>
      %sub3A = arith.subf %add3A_990, %get3A_994 : vector<16xf32>
      %abs3A = math.absf %sub3A : vector<16xf32>
      %get3A_995 = arith.index_cast %scan3A_979 : i32 to index
      %get3A_996 = arith.constant 0 : index
      %get3A_997 = tpu.vector_load %arg22[%get3A_995, %get3A_996] {strides = array<i32>} : memref<64x128xf32, #tpu.memory_space<vmem>>, vector<1x16xf32>,
      %get3A_998 = vector.shape_cast %get3A_997 : vector<1x16xf32> to vector<16xf32>
      %get3A_999 = arith.index_cast %scan3A_979 : i32 to index
      %get3A_1000 = arith.constant 0 : index
      %get3A_1001 = tpu.vector_load %arg23[%get3A_999, %get3A_1000] {strides = array<i32>} : memref<64x128xf32, #tpu.memory_space<vmem>>, vector<1x16xf32>,
      %get3A_1002 = vector.shape_cast %get3A_1001 : vector<1x16xf32> to vector<16xf32>
      %add3A_1003 = arith.addf %get3A_998, %get3A_1002 : vector<16xf32>
      %get3A_1004 = arith.index_cast %scan3A_979 : i32 to index
      %get3A_1005 = arith.constant 0 : index
      %get3A_1006 = tpu.vector_load %arg24[%get3A_1004, %get3A_1005] {strides = array<i32>} : memref<64x128xf32, #tpu.memory_space<vmem>>, vector<1x16xf32>,
      %get3A_1007 = vector.shape_cast %get3A_1006 : vector<1x16xf32> to vector<16xf32>
      %sub3A_1008 = arith.subf %add3A_1003, %get3A_1007 : vector<16xf32>
      %abs3A_1009 = math.absf %sub3A_1008 : vector<16xf32>
      %sub3A_1010 = arith.subf %abs3A_1009, %abs3A : vector<16xf32>
      %add3A_1011 = arith.addf %broadcast_in_dim3A_982, %sub3A_1010 : vector<16xf32>
      %get3A_1012 = arith.index_cast %scan3A_979 : i32 to index
      %get3A_1013 = arith.constant 16 : index
      %get3A_1014 = tpu.vector_load %arg19[%get3A_1012, %get3A_1013] {strides = array<i32>} : memref<64x128xf32, #tpu.memory_space<vmem>>, vector<1x16xf32>,
      %get3A_1015 = vector.shape_cast %get3A_1014 : vector<1x16xf32> to vector<16xf32>
      %get3A_1016 = arith.index_cast %scan3A_979 : i32 to index
      %get3A_1017 = arith.constant 16 : index
      %get3A_1018 = tpu.vector_load %arg20[%get3A_1016, %get3A_1017] {strides = array<i32>} : memref<64x128xf32, #tpu.memory_space<vmem>>, vector<1x16xf32>,
      %get3A_1019 = vector.shape_cast %get3A_1018 : vector<1x16xf32> to vector<16xf32>
      %add3A_1020 = arith.addf %get3A_1015, %get3A_1019 : vector<16xf32>
      %get3A_1021 = arith.index_cast %scan3A_979 : i32 to index
      %get3A_1022 = arith.constant 16 : index
      %get3A_1023 = tpu.vector_load %arg21[%get3A_1021, %get3A_1022] {strides = array<i32>} : memref<64x128xf32, #tpu.memory_space<vmem>>, vector<1x16xf32>,
      %get3A_1024 = vector.shape_cast %get3A_1023 : vector<1x16xf32> to vector<16xf32>
      %sub3A_1025 = arith.subf %add3A_1020, %get3A_1024 : vector<16xf32>
      %abs3A_1026 = math.absf %sub3A_1025 : vector<16xf32>
      %get3A_1027 = arith.index_cast %scan3A_979 : i32 to index
      %get3A_1028 = arith.constant 16 : index
      %get3A_1029 = tpu.vector_load %arg22[%get3A_1027, %get3A_1028] {strides = array<i32>} : memref<64x128xf32, #tpu.memory_space<vmem>>, vector<1x16xf32>,
      %get3A_1030 = vector.shape_cast %get3A_1029 : vector<1x16xf32> to vector<16xf32>
      %get3A_1031 = arith.index_cast %scan3A_979 : i32 to index
      %get3A_1032 = arith.constant 16 : index
      %get3A_1033 = tpu.vector_load %arg23[%get3A_1031, %get3A_1032] {strides = array<i32>} : memref<64x128xf32, #tpu.memory_space<vmem>>, vector<1x16xf32>,
      %get3A_1034 = vector.shape_cast %get3A_1033 : vector<1x16xf32> to vector<16xf32>
      %add3A_1035 = arith.addf %get3A_1030, %get3A_1034 : vector<16xf32>
      %get3A_1036 = arith.index_cast %scan3A_979 : i32 to index
      %get3A_1037 = arith.constant 16 : index
      %get3A_1038 = tpu.vector_load %arg24[%get3A_1036, %get3A_1037] {strides = array<i32>} : memref<64x128xf32, #tpu.memory_space<vmem>>, vector<1x16xf32>,
      %get3A_1039 = vector.shape_cast %get3A_1038 : vector<1x16xf32> to vector<16xf32>
      %sub3A_1040 = arith.subf %add3A_1035, %get3A_1039 : vector<16xf32>
      %abs3A_1041 = math.absf %sub3A_1040 : vector<16xf32>
      %sub3A_1042 = arith.subf %abs3A_1041, %abs3A_1026 : vector<16xf32>
      %add3A_1043 = arith.addf %add3A_1011, %sub3A_1042 : vector<16xf32>
      %get3A_1044 = arith.index_cast %scan3A_979 : i32 to index
      %get3A_1045 = arith.constant 32 : index
      %get3A_1046 = tpu.vector_load %arg19[%get3A_1044, %get3A_1045] {strides = array<i32>} : memref<64x128xf32, #tpu.memory_space<vmem>>, vector<1x16xf32>,
      %get3A_1047 = vector.shape_cast %get3A_1046 : vector<1x16xf32> to vector<16xf32>
      %get3A_1048 = arith.index_cast %scan3A_979 : i32 to index
      %get3A_1049 = arith.constant 32 : index
      %get3A_1050 = tpu.vector_load %arg20[%get3A_1048, %get3A_1049] {strides = array<i32>} : memref<64x128xf32, #tpu.memory_space<vmem>>, vector<1x16xf32>,
      %get3A_1051 = vector.shape_cast %get3A_1050 : vector<1x16xf32> to vector<16xf32>
      %add3A_1052 = arith.addf %get3A_1047, %get3A_1051 : vector<16xf32>
      %get3A_1053 = arith.index_cast %scan3A_979 : i32 to index
      %get3A_1054 = arith.constant 32 : index
      %get3A_1055 = tpu.vector_load %arg21[%get3A_1053, %get3A_1054] {strides = array<i32>} : memref<64x128xf32, #tpu.memory_space<vmem>>, vector<1x16xf32>,
      %get3A_1056 = vector.shape_cast %get3A_1055 : vector<1x16xf32> to vector<16xf32>
      %sub3A_1057 = arith.subf %add3A_1052, %get3A_1056 : vector<16xf32>
      %abs3A_1058 = math.absf %sub3A_1057 : vector<16xf32>
      %get3A_1059 = arith.index_cast %scan3A_979 : i32 to index
      %get3A_1060 = arith.constant 32 : index
      %get3A_1061 = tpu.vector_load %arg22[%get3A_1059, %get3A_1060] {strides = array<i32>} : memref<64x128xf32, #tpu.memory_space<vmem>>, vector<1x16xf32>,
      %get3A_1062 = vector.shape_cast %get3A_1061 : vector<1x16xf32> to vector<16xf32>
      %get3A_1063 = arith.index_cast %scan3A_979 : i32 to index
      %get3A_1064 = arith.constant 32 : index
      %get3A_1065 = tpu.vector_load %arg23[%get3A_1063, %get3A_1064] {strides = array<i32>} : memref<64x128xf32, #tpu.memory_space<vmem>>, vector<1x16xf32>,
      %get3A_1066 = vector.shape_cast %get3A_1065 : vector<1x16xf32> to vector<16xf32>
      %add3A_1067 = arith.addf %get3A_1062, %get3A_1066 : vector<16xf32>
      %get3A_1068 = arith.index_cast %scan3A_979 : i32 to index
      %get3A_1069 = arith.constant 32 : index
      %get3A_1070 = tpu.vector_load %arg24[%get3A_1068, %get3A_1069] {strides = array<i32>} : memref<64x128xf32, #tpu.memory_space<vmem>>, vector<1x16xf32>,
      %get3A_1071 = vector.shape_cast %get3A_1070 : vector<1x16xf32> to vector<16xf32>
      %sub3A_1072 = arith.subf %add3A_1067, %get3A_1071 : vector<16xf32>
      %abs3A_1073 = math.absf %sub3A_1072 : vector<16xf32>
      %sub3A_1074 = arith.subf %abs3A_1073, %abs3A_1058 : vector<16xf32>
      %add3A_1075 = arith.addf %add3A_1043, %sub3A_1074 : vector<16xf32>
      %get3A_1076 = arith.index_cast %scan3A_979 : i32 to index
      %get3A_1077 = arith.constant 48 : index
      %get3A_1078 = tpu.vector_load %arg19[%get3A_1076, %get3A_1077] {strides = array<i32>} : memref<64x128xf32, #tpu.memory_space<vmem>>, vector<1x16xf32>,
      %get3A_1079 = vector.shape_cast %get3A_1078 : vector<1x16xf32> to vector<16xf32>
      %get3A_1080 = arith.index_cast %scan3A_979 : i32 to index
      %get3A_1081 = arith.constant 48 : index
      %get3A_1082 = tpu.vector_load %arg20[%get3A_1080, %get3A_1081] {strides = array<i32>} : memref<64x128xf32, #tpu.memory_space<vmem>>, vector<1x16xf32>,
      %get3A_1083 = vector.shape_cast %get3A_1082 : vector<1x16xf32> to vector<16xf32>
      %add3A_1084 = arith.addf %get3A_1079, %get3A_1083 : vector<16xf32>
      %get3A_1085 = arith.index_cast %scan3A_979 : i32 to index
      %get3A_1086 = arith.constant 48 : index
      %get3A_1087 = tpu.vector_load %arg21[%get3A_1085, %get3A_1086] {strides = array<i32>} : memref<64x128xf32, #tpu.memory_space<vmem>>, vector<1x16xf32>,
      %get3A_1088 = vector.shape_cast %get3A_1087 : vector<1x16xf32> to vector<16xf32>
      %sub3A_1089 = arith.subf %add3A_1084, %get3A_1088 : vector<16xf32>
      %abs3A_1090 = math.absf %sub3A_1089 : vector<16xf32>
      %get3A_1091 = arith.index_cast %scan3A_979 : i32 to index
      %get3A_1092 = arith.constant 48 : index
      %get3A_1093 = tpu.vector_load %arg22[%get3A_1091, %get3A_1092] {strides = array<i32>} : memref<64x128xf32, #tpu.memory_space<vmem>>, vector<1x16xf32>,
      %get3A_1094 = vector.shape_cast %get3A_1093 : vector<1x16xf32> to vector<16xf32>
      %get3A_1095 = arith.index_cast %scan3A_979 : i32 to index
      %get3A_1096 = arith.constant 48 : index
      %get3A_1097 = tpu.vector_load %arg23[%get3A_1095, %get3A_1096] {strides = array<i32>} : memref<64x128xf32, #tpu.memory_space<vmem>>, vector<1x16xf32>,
      %get3A_1098 = vector.shape_cast %get3A_1097 : vector<1x16xf32> to vector<16xf32>
      %add3A_1099 = arith.addf %get3A_1094, %get3A_1098 : vector<16xf32>
      %get3A_1100 = arith.index_cast %scan3A_979 : i32 to index
      %get3A_1101 = arith.constant 48 : index
      %get3A_1102 = tpu.vector_load %arg24[%get3A_1100, %get3A_1101] {strides = array<i32>} : memref<64x128xf32, #tpu.memory_space<vmem>>, vector<1x16xf32>,
      %get3A_1103 = vector.shape_cast %get3A_1102 : vector<1x16xf32> to vector<16xf32>
      %sub3A_1104 = arith.subf %add3A_1099, %get3A_1103 : vector<16xf32>
      %abs3A_1105 = math.absf %sub3A_1104 : vector<16xf32>
      %sub3A_1106 = arith.subf %abs3A_1105, %abs3A_1090 : vector<16xf32>
      %add3A_1107 = arith.addf %add3A_1075, %sub3A_1106 : vector<16xf32>
      %get3A_1108 = arith.index_cast %scan3A_979 : i32 to index
      %get3A_1109 = arith.constant 64 : index
      %get3A_1110 = tpu.vector_load %arg19[%get3A_1108, %get3A_1109] {strides = array<i32>} : memref<64x128xf32, #tpu.memory_space<vmem>>, vector<1x16xf32>,
      %get3A_1111 = vector.shape_cast %get3A_1110 : vector<1x16xf32> to vector<16xf32>
      %get3A_1112 = arith.index_cast %scan3A_979 : i32 to index
      %get3A_1113 = arith.constant 64 : index
      %get3A_1114 = tpu.vector_load %arg20[%get3A_1112, %get3A_1113] {strides = array<i32>} : memref<64x128xf32, #tpu.memory_space<vmem>>, vector<1x16xf32>,
      %get3A_1115 = vector.shape_cast %get3A_1114 : vector<1x16xf32> to vector<16xf32>
      %add3A_1116 = arith.addf %get3A_1111, %get3A_1115 : vector<16xf32>
      %get3A_1117 = arith.index_cast %scan3A_979 : i32 to index
      %get3A_1118 = arith.constant 64 : index
      %get3A_1119 = tpu.vector_load %arg21[%get3A_1117, %get3A_1118] {strides = array<i32>} : memref<64x128xf32, #tpu.memory_space<vmem>>, vector<1x16xf32>,
      %get3A_1120 = vector.shape_cast %get3A_1119 : vector<1x16xf32> to vector<16xf32>
      %sub3A_1121 = arith.subf %add3A_1116, %get3A_1120 : vector<16xf32>
      %abs3A_1122 = math.absf %sub3A_1121 : vector<16xf32>
      %get3A_1123 = arith.index_cast %scan3A_979 : i32 to index
      %get3A_1124 = arith.constant 64 : index
      %get3A_1125 = tpu.vector_load %arg22[%get3A_1123, %get3A_1124] {strides = array<i32>} : memref<64x128xf32, #tpu.memory_space<vmem>>, vector<1x16xf32>,
      %get3A_1126 = vector.shape_cast %get3A_1125 : vector<1x16xf32> to vector<16xf32>
      %get3A_1127 = arith.index_cast %scan3A_979 : i32 to index
      %get3A_1128 = arith.constant 64 : index
      %get3A_1129 = tpu.vector_load %arg23[%get3A_1127, %get3A_1128] {strides = array<i32>} : memref<64x128xf32, #tpu.memory_space<vmem>>, vector<1x16xf32>,
      %get3A_1130 = vector.shape_cast %get3A_1129 : vector<1x16xf32> to vector<16xf32>
      %add3A_1131 = arith.addf %get3A_1126, %get3A_1130 : vector<16xf32>
      %get3A_1132 = arith.index_cast %scan3A_979 : i32 to index
      %get3A_1133 = arith.constant 64 : index
      %get3A_1134 = tpu.vector_load %arg24[%get3A_1132, %get3A_1133] {strides = array<i32>} : memref<64x128xf32, #tpu.memory_space<vmem>>, vector<1x16xf32>,
      %get3A_1135 = vector.shape_cast %get3A_1134 : vector<1x16xf32> to vector<16xf32>
      %sub3A_1136 = arith.subf %add3A_1131, %get3A_1135 : vector<16xf32>
      %abs3A_1137 = math.absf %sub3A_1136 : vector<16xf32>
      %sub3A_1138 = arith.subf %abs3A_1137, %abs3A_1122 : vector<16xf32>
      %add3A_1139 = arith.addf %add3A_1107, %sub3A_1138 : vector<16xf32>
      %get3A_1140 = arith.index_cast %scan3A_979 : i32 to index
      %get3A_1141 = arith.constant 80 : index
      %get3A_1142 = tpu.vector_load %arg19[%get3A_1140, %get3A_1141] {strides = array<i32>} : memref<64x128xf32, #tpu.memory_space<vmem>>, vector<1x16xf32>,
      %get3A_1143 = vector.shape_cast %get3A_1142 : vector<1x16xf32> to vector<16xf32>
      %get3A_1144 = arith.index_cast %scan3A_979 : i32 to index
      %get3A_1145 = arith.constant 80 : index
      %get3A_1146 = tpu.vector_load %arg20[%get3A_1144, %get3A_1145] {strides = array<i32>} : memref<64x128xf32, #tpu.memory_space<vmem>>, vector<1x16xf32>,
      %get3A_1147 = vector.shape_cast %get3A_1146 : vector<1x16xf32> to vector<16xf32>
      %add3A_1148 = arith.addf %get3A_1143, %get3A_1147 : vector<16xf32>
      %get3A_1149 = arith.index_cast %scan3A_979 : i32 to index
      %get3A_1150 = arith.constant 80 : index
      %get3A_1151 = tpu.vector_load %arg21[%get3A_1149, %get3A_1150] {strides = array<i32>} : memref<64x128xf32, #tpu.memory_space<vmem>>, vector<1x16xf32>,
      %get3A_1152 = vector.shape_cast %get3A_1151 : vector<1x16xf32> to vector<16xf32>
      %sub3A_1153 = arith.subf %add3A_1148, %get3A_1152 : vector<16xf32>
      %abs3A_1154 = math.absf %sub3A_1153 : vector<16xf32>
      %get3A_1155 = arith.index_cast %scan3A_979 : i32 to index
      %get3A_1156 = arith.constant 80 : index
      %get3A_1157 = tpu.vector_load %arg22[%get3A_1155, %get3A_1156] {strides = array<i32>} : memref<64x128xf32, #tpu.memory_space<vmem>>, vector<1x16xf32>,
      %get3A_1158 = vector.shape_cast %get3A_1157 : vector<1x16xf32> to vector<16xf32>
      %get3A_1159 = arith.index_cast %scan3A_979 : i32 to index
      %get3A_1160 = arith.constant 80 : index
      %get3A_1161 = tpu.vector_load %arg23[%get3A_1159, %get3A_1160] {strides = array<i32>} : memref<64x128xf32, #tpu.memory_space<vmem>>, vector<1x16xf32>,
      %get3A_1162 = vector.shape_cast %get3A_1161 : vector<1x16xf32> to vector<16xf32>
      %add3A_1163 = arith.addf %get3A_1158, %get3A_1162 : vector<16xf32>
      %get3A_1164 = arith.index_cast %scan3A_979 : i32 to index
      %get3A_1165 = arith.constant 80 : index
      %get3A_1166 = tpu.vector_load %arg24[%get3A_1164, %get3A_1165] {strides = array<i32>} : memref<64x128xf32, #tpu.memory_space<vmem>>, vector<1x16xf32>,
      %get3A_1167 = vector.shape_cast %get3A_1166 : vector<1x16xf32> to vector<16xf32>
      %sub3A_1168 = arith.subf %add3A_1163, %get3A_1167 : vector<16xf32>
      %abs3A_1169 = math.absf %sub3A_1168 : vector<16xf32>
      %sub3A_1170 = arith.subf %abs3A_1169, %abs3A_1154 : vector<16xf32>
      %add3A_1171 = arith.addf %add3A_1139, %sub3A_1170 : vector<16xf32>
      %get3A_1172 = arith.index_cast %scan3A_979 : i32 to index
      %get3A_1173 = arith.constant 96 : index
      %get3A_1174 = tpu.vector_load %arg19[%get3A_1172, %get3A_1173] {strides = array<i32>} : memref<64x128xf32, #tpu.memory_space<vmem>>, vector<1x16xf32>,
      %get3A_1175 = vector.shape_cast %get3A_1174 : vector<1x16xf32> to vector<16xf32>
      %get3A_1176 = arith.index_cast %scan3A_979 : i32 to index
      %get3A_1177 = arith.constant 96 : index
      %get3A_1178 = tpu.vector_load %arg20[%get3A_1176, %get3A_1177] {strides = array<i32>} : memref<64x128xf32, #tpu.memory_space<vmem>>, vector<1x16xf32>,
      %get3A_1179 = vector.shape_cast %get3A_1178 : vector<1x16xf32> to vector<16xf32>
      %add3A_1180 = arith.addf %get3A_1175, %get3A_1179 : vector<16xf32>
      %get3A_1181 = arith.index_cast %scan3A_979 : i32 to index
      %get3A_1182 = arith.constant 96 : index
      %get3A_1183 = tpu.vector_load %arg21[%get3A_1181, %get3A_1182] {strides = array<i32>} : memref<64x128xf32, #tpu.memory_space<vmem>>, vector<1x16xf32>,
      %get3A_1184 = vector.shape_cast %get3A_1183 : vector<1x16xf32> to vector<16xf32>
      %sub3A_1185 = arith.subf %add3A_1180, %get3A_1184 : vector<16xf32>
      %abs3A_1186 = math.absf %sub3A_1185 : vector<16xf32>
      %get3A_1187 = arith.index_cast %scan3A_979 : i32 to index
      %get3A_1188 = arith.constant 96 : index
      %get3A_1189 = tpu.vector_load %arg22[%get3A_1187, %get3A_1188] {strides = array<i32>} : memref<64x128xf32, #tpu.memory_space<vmem>>, vector<1x16xf32>,
      %get3A_1190 = vector.shape_cast %get3A_1189 : vector<1x16xf32> to vector<16xf32>
      %get3A_1191 = arith.index_cast %scan3A_979 : i32 to index
      %get3A_1192 = arith.constant 96 : index
      %get3A_1193 = tpu.vector_load %arg23[%get3A_1191, %get3A_1192] {strides = array<i32>} : memref<64x128xf32, #tpu.memory_space<vmem>>, vector<1x16xf32>,
      %get3A_1194 = vector.shape_cast %get3A_1193 : vector<1x16xf32> to vector<16xf32>
      %add3A_1195 = arith.addf %get3A_1190, %get3A_1194 : vector<16xf32>
      %get3A_1196 = arith.index_cast %scan3A_979 : i32 to index
      %get3A_1197 = arith.constant 96 : index
      %get3A_1198 = tpu.vector_load %arg24[%get3A_1196, %get3A_1197] {strides = array<i32>} : memref<64x128xf32, #tpu.memory_space<vmem>>, vector<1x16xf32>,
      %get3A_1199 = vector.shape_cast %get3A_1198 : vector<1x16xf32> to vector<16xf32>
      %sub3A_1200 = arith.subf %add3A_1195, %get3A_1199 : vector<16xf32>
      %abs3A_1201 = math.absf %sub3A_1200 : vector<16xf32>
      %sub3A_1202 = arith.subf %abs3A_1201, %abs3A_1186 : vector<16xf32>
      %add3A_1203 = arith.addf %add3A_1171, %sub3A_1202 : vector<16xf32>
      %get3A_1204 = arith.index_cast %scan3A_979 : i32 to index
      %get3A_1205 = arith.constant 112 : index
      %get3A_1206 = tpu.vector_load %arg19[%get3A_1204, %get3A_1205] {strides = array<i32>} : memref<64x128xf32, #tpu.memory_space<vmem>>, vector<1x16xf32>,
      %get3A_1207 = vector.shape_cast %get3A_1206 : vector<1x16xf32> to vector<16xf32>
      %get3A_1208 = arith.index_cast %scan3A_979 : i32 to index
      %get3A_1209 = arith.constant 112 : index
      %get3A_1210 = tpu.vector_load %arg20[%get3A_1208, %get3A_1209] {strides = array<i32>} : memref<64x128xf32, #tpu.memory_space<vmem>>, vector<1x16xf32>,
      %get3A_1211 = vector.shape_cast %get3A_1210 : vector<1x16xf32> to vector<16xf32>
      %add3A_1212 = arith.addf %get3A_1207, %get3A_1211 : vector<16xf32>
      %get3A_1213 = arith.index_cast %scan3A_979 : i32 to index
      %get3A_1214 = arith.constant 112 : index
      %get3A_1215 = tpu.vector_load %arg21[%get3A_1213, %get3A_1214] {strides = array<i32>} : memref<64x128xf32, #tpu.memory_space<vmem>>, vector<1x16xf32>,
      %get3A_1216 = vector.shape_cast %get3A_1215 : vector<1x16xf32> to vector<16xf32>
      %sub3A_1217 = arith.subf %add3A_1212, %get3A_1216 : vector<16xf32>
      %abs3A_1218 = math.absf %sub3A_1217 : vector<16xf32>
      %get3A_1219 = arith.index_cast %scan3A_979 : i32 to index
      %get3A_1220 = arith.constant 112 : index
      %get3A_1221 = tpu.vector_load %arg22[%get3A_1219, %get3A_1220] {strides = array<i32>} : memref<64x128xf32, #tpu.memory_space<vmem>>, vector<1x16xf32>,
      %get3A_1222 = vector.shape_cast %get3A_1221 : vector<1x16xf32> to vector<16xf32>
      %get3A_1223 = arith.index_cast %scan3A_979 : i32 to index
      %get3A_1224 = arith.constant 112 : index
      %get3A_1225 = tpu.vector_load %arg23[%get3A_1223, %get3A_1224] {strides = array<i32>} : memref<64x128xf32, #tpu.memory_space<vmem>>, vector<1x16xf32>,
      %get3A_1226 = vector.shape_cast %get3A_1225 : vector<1x16xf32> to vector<16xf32>
      %add3A_1227 = arith.addf %get3A_1222, %get3A_1226 : vector<16xf32>
      %get3A_1228 = arith.index_cast %scan3A_979 : i32 to index
      %get3A_1229 = arith.constant 112 : index
      %get3A_1230 = tpu.vector_load %arg24[%get3A_1228, %get3A_1229] {strides = array<i32>} : memref<64x128xf32, #tpu.memory_space<vmem>>, vector<1x16xf32>,
      %get3A_1231 = vector.shape_cast %get3A_1230 : vector<1x16xf32> to vector<16xf32>
      %sub3A_1232 = arith.subf %add3A_1227, %get3A_1231 : vector<16xf32>
      %abs3A_1233 = math.absf %sub3A_1232 : vector<16xf32>
      %sub3A_1234 = arith.subf %abs3A_1233, %abs3A_1218 : vector<16xf32>
      %add3A_1235 = arith.addf %add3A_1203, %sub3A_1234 : vector<16xf32>
      %xor3A = arith.constant 1 : i32
      %xor3A_1236 = vector.broadcast %xor3A : i32 to vector<16xi32>
      %xor3A_1237 = arith.xori %iota3A, %xor3A_1236 : vector<16xi32>
      %lt3A = arith.constant 0 : i32
      %lt3A_1238 = vector.broadcast %lt3A : i32 to vector<16xi32>
      %lt3A_1239 = arith.cmpi slt, %xor3A_1237, %lt3A_1238 : vector<16xi32>
      %add3A_1240 = arith.constant 16 : i32
      %add3A_1241 = vector.broadcast %add3A_1240 : i32 to vector<16xi32>
      %add3A_1242 = arith.addi %xor3A_1237, %add3A_1241 : vector<16xi32>
      %select_n3A = arith.select %lt3A_1239, %add3A_1242, %xor3A_1237 : vector<16xi1>, vector<16xi32>
      %broadcast_in_dim3A_1243 = vector.shape_cast %select_n3A : vector<16xi32> to vector<16x1xi32>
      %gather3A = vector.shape_cast %broadcast_in_dim3A_1243 : vector<16x1xi32> to vector<16xi32>
      %gather3A_1244 = tpu.dynamic_gather %add3A_1235[%gather3A] in [0] : vector<16xf32>, vector<16xi32> -> vector<16xf32>
      %add3A_1245 = arith.addf %add3A_1235, %gather3A_1244 : vector<16xf32>
      %xor3A_1246 = arith.constant 2 : i32
      %xor3A_1247 = vector.broadcast %xor3A_1246 : i32 to vector<16xi32>
      %xor3A_1248 = arith.xori %iota3A, %xor3A_1247 : vector<16xi32>
      %lt3A_1249 = arith.constant 0 : i32
      %lt3A_1250 = vector.broadcast %lt3A_1249 : i32 to vector<16xi32>
      %lt3A_1251 = arith.cmpi slt, %xor3A_1248, %lt3A_1250 : vector<16xi32>
      %add3A_1252 = arith.constant 16 : i32
      %add3A_1253 = vector.broadcast %add3A_1252 : i32 to vector<16xi32>
      %add3A_1254 = arith.addi %xor3A_1248, %add3A_1253 : vector<16xi32>
      %select_n3A_1255 = arith.select %lt3A_1251, %add3A_1254, %xor3A_1248 : vector<16xi1>, vector<16xi32>
      %broadcast_in_dim3A_1256 = vector.shape_cast %select_n3A_1255 : vector<16xi32> to vector<16x1xi32>
      %gather3A_1257 = vector.shape_cast %broadcast_in_dim3A_1256 : vector<16x1xi32> to vector<16xi32>
      %gather3A_1258 = tpu.dynamic_gather %add3A_1245[%gather3A_1257] in [0] : vector<16xf32>, vector<16xi32> -> vector<16xf32>
      %add3A_1259 = arith.addf %add3A_1245, %gather3A_1258 : vector<16xf32>
      %xor3A_1260 = arith.constant 4 : i32
      %xor3A_1261 = vector.broadcast %xor3A_1260 : i32 to vector<16xi32>
      %xor3A_1262 = arith.xori %iota3A, %xor3A_1261 : vector<16xi32>
      %lt3A_1263 = arith.constant 0 : i32
      %lt3A_1264 = vector.broadcast %lt3A_1263 : i32 to vector<16xi32>
      %lt3A_1265 = arith.cmpi slt, %xor3A_1262, %lt3A_1264 : vector<16xi32>
      %add3A_1266 = arith.constant 16 : i32
      %add3A_1267 = vector.broadcast %add3A_1266 : i32 to vector<16xi32>
      %add3A_1268 = arith.addi %xor3A_1262, %add3A_1267 : vector<16xi32>
      %select_n3A_1269 = arith.select %lt3A_1265, %add3A_1268, %xor3A_1262 : vector<16xi1>, vector<16xi32>
      %broadcast_in_dim3A_1270 = vector.shape_cast %select_n3A_1269 : vector<16xi32> to vector<16x1xi32>
      %gather3A_1271 = vector.shape_cast %broadcast_in_dim3A_1270 : vector<16x1xi32> to vector<16xi32>
      %gather3A_1272 = tpu.dynamic_gather %add3A_1259[%gather3A_1271] in [0] : vector<16xf32>, vector<16xi32> -> vector<16xf32>
      %add3A_1273 = arith.addf %add3A_1259, %gather3A_1272 : vector<16xf32>
      %xor3A_1274 = arith.constant 8 : i32
      %xor3A_1275 = vector.broadcast %xor3A_1274 : i32 to vector<16xi32>
      %xor3A_1276 = arith.xori %iota3A, %xor3A_1275 : vector<16xi32>
      %lt3A_1277 = arith.constant 0 : i32
      %lt3A_1278 = vector.broadcast %lt3A_1277 : i32 to vector<16xi32>
      %lt3A_1279 = arith.cmpi slt, %xor3A_1276, %lt3A_1278 : vector<16xi32>
      %add3A_1280 = arith.constant 16 : i32
      %add3A_1281 = vector.broadcast %add3A_1280 : i32 to vector<16xi32>
      %add3A_1282 = arith.addi %xor3A_1276, %add3A_1281 : vector<16xi32>
      %select_n3A_1283 = arith.select %lt3A_1279, %add3A_1282, %xor3A_1276 : vector<16xi1>, vector<16xi32>
      %broadcast_in_dim3A_1284 = vector.shape_cast %select_n3A_1283 : vector<16xi32> to vector<16x1xi32>
      %gather3A_1285 = vector.shape_cast %broadcast_in_dim3A_1284 : vector<16x1xi32> to vector<16xi32>
      %gather3A_1286 = tpu.dynamic_gather %add3A_1273[%gather3A_1285] in [0] : vector<16xf32>, vector<16xi32> -> vector<16xf32>
      %add3A_1287 = arith.addf %add3A_1273, %gather3A_1286 : vector<16xf32>
      %add3A_1288 = arith.constant 1.000000e+00 : f32
      %add3A_1289 = vector.broadcast %add3A_1288 : f32 to vector<16xf32>
      %add3A_1290 = arith.addf %add3A_1287, %add3A_1289 : vector<16xf32>
      %max3A = arith.constant 0.000000e+00 : f32
      %max3A_1291 = vector.broadcast %max3A : f32 to vector<16xf32>
      %max3A_1292 = arith.maximumf %add3A_1290, %max3A_1291 : vector<16xf32>
      %add3A_1293 = arith.addf %scan3A_980, %max3A_1292 : vector<16xf32>
      scf.yield %add3A_1293 : vector<16xf32>
    }
    %scan3A_834 = arith.constant 64 : i32
    %dma_start3A_835 = arith.constant 0 : i32
    %dma_start3A_836 = arith.constant 448 : i32
    %dma_start3A_837 = tpu.memref_slice %arg7[%dma_start3A_835, %dma_start3A_836] : memref<1x512xi32, #tpu.memory_space<vmem>> -> memref<1x64xi32, #tpu.memory_space<vmem>>
    %dma_start3A_838 = tpu.memref_squeeze %dma_start3A_837 : memref<1x64xi32, #tpu.memory_space<vmem>> -> memref<64xi32, #tpu.memory_space<vmem>>
    %dma_start3A_839 = arith.constant 0 : i32
    %dma_start3A_840 = arith.constant 0 : i32
    %dma_start3A_841 = tpu.memref_slice %arg4[%dma_start3A_839, %dma_start3A_840] : memref<100000x128xf32, #tpu.memory_space<hbm>> -> memref<100000x128xf32, #tpu.memory_space<hbm>>
    tpu.enqueue_indirect_dma source(%dma_start3A_841 : memref<100000x128xf32, #tpu.memory_space<hbm>>) target(%arg19 : memref<64x128xf32, #tpu.memory_space<vmem>>) offsets(%dma_start3A_838 : memref<64xi32, #tpu.memory_space<vmem>>) semaphore(%arg26 : memref<!tpu.dma_semaphore, #tpu.memory_space<semaphore_mem>>)
    %dma_start3A_842 = arith.constant 0 : i32
    %dma_start3A_843 = arith.constant 448 : i32
    %dma_start3A_844 = tpu.memref_slice %arg8[%dma_start3A_842, %dma_start3A_843] : memref<1x512xi32, #tpu.memory_space<vmem>> -> memref<1x64xi32, #tpu.memory_space<vmem>>
    %dma_start3A_845 = tpu.memref_squeeze %dma_start3A_844 : memref<1x64xi32, #tpu.memory_space<vmem>> -> memref<64xi32, #tpu.memory_space<vmem>>
    %dma_start3A_846 = arith.constant 0 : i32
    %dma_start3A_847 = arith.constant 0 : i32
    %dma_start3A_848 = tpu.memref_slice %arg5[%dma_start3A_846, %dma_start3A_847] : memref<100000x128xf32, #tpu.memory_space<hbm>> -> memref<100000x128xf32, #tpu.memory_space<hbm>>
    tpu.enqueue_indirect_dma source(%dma_start3A_848 : memref<100000x128xf32, #tpu.memory_space<hbm>>) target(%arg20 : memref<64x128xf32, #tpu.memory_space<vmem>>) offsets(%dma_start3A_845 : memref<64xi32, #tpu.memory_space<vmem>>) semaphore(%arg26 : memref<!tpu.dma_semaphore, #tpu.memory_space<semaphore_mem>>)
    %dma_start3A_849 = arith.constant 0 : i32
    %dma_start3A_850 = arith.constant 448 : i32
    %dma_start3A_851 = tpu.memref_slice %arg9[%dma_start3A_849, %dma_start3A_850] : memref<1x512xi32, #tpu.memory_space<vmem>> -> memref<1x64xi32, #tpu.memory_space<vmem>>
    %dma_start3A_852 = tpu.memref_squeeze %dma_start3A_851 : memref<1x64xi32, #tpu.memory_space<vmem>> -> memref<64xi32, #tpu.memory_space<vmem>>
    %dma_start3A_853 = arith.constant 0 : i32
    %dma_start3A_854 = arith.constant 0 : i32
    %dma_start3A_855 = tpu.memref_slice %arg4[%dma_start3A_853, %dma_start3A_854] : memref<100000x128xf32, #tpu.memory_space<hbm>> -> memref<100000x128xf32, #tpu.memory_space<hbm>>
    tpu.enqueue_indirect_dma source(%dma_start3A_855 : memref<100000x128xf32, #tpu.memory_space<hbm>>) target(%arg21 : memref<64x128xf32, #tpu.memory_space<vmem>>) offsets(%dma_start3A_852 : memref<64xi32, #tpu.memory_space<vmem>>) semaphore(%arg26 : memref<!tpu.dma_semaphore, #tpu.memory_space<semaphore_mem>>)
    %dma_start3A_856 = arith.constant 0 : i32
    %dma_start3A_857 = arith.constant 448 : i32
    %dma_start3A_858 = tpu.memref_slice %arg10[%dma_start3A_856, %dma_start3A_857] : memref<1x512xi32, #tpu.memory_space<vmem>> -> memref<1x64xi32, #tpu.memory_space<vmem>>
    %dma_start3A_859 = tpu.memref_squeeze %dma_start3A_858 : memref<1x64xi32, #tpu.memory_space<vmem>> -> memref<64xi32, #tpu.memory_space<vmem>>
    %dma_start3A_860 = arith.constant 0 : i32
    %dma_start3A_861 = arith.constant 0 : i32
    %dma_start3A_862 = tpu.memref_slice %arg4[%dma_start3A_860, %dma_start3A_861] : memref<100000x128xf32, #tpu.memory_space<hbm>> -> memref<100000x128xf32, #tpu.memory_space<hbm>>
    tpu.enqueue_indirect_dma source(%dma_start3A_862 : memref<100000x128xf32, #tpu.memory_space<hbm>>) target(%arg22 : memref<64x128xf32, #tpu.memory_space<vmem>>) offsets(%dma_start3A_859 : memref<64xi32, #tpu.memory_space<vmem>>) semaphore(%arg26 : memref<!tpu.dma_semaphore, #tpu.memory_space<semaphore_mem>>)
    %dma_start3A_863 = arith.constant 0 : i32
    %dma_start3A_864 = arith.constant 448 : i32
    %dma_start3A_865 = tpu.memref_slice %arg11[%dma_start3A_863, %dma_start3A_864] : memref<1x512xi32, #tpu.memory_space<vmem>> -> memref<1x64xi32, #tpu.memory_space<vmem>>
    %dma_start3A_866 = tpu.memref_squeeze %dma_start3A_865 : memref<1x64xi32, #tpu.memory_space<vmem>> -> memref<64xi32, #tpu.memory_space<vmem>>
    %dma_start3A_867 = arith.constant 0 : i32
    %dma_start3A_868 = arith.constant 0 : i32
    %dma_start3A_869 = tpu.memref_slice %arg5[%dma_start3A_867, %dma_start3A_868] : memref<100000x128xf32, #tpu.memory_space<hbm>> -> memref<100000x128xf32, #tpu.memory_space<hbm>>
    tpu.enqueue_indirect_dma source(%dma_start3A_869 : memref<100000x128xf32, #tpu.memory_space<hbm>>) target(%arg23 : memref<64x128xf32, #tpu.memory_space<vmem>>) offsets(%dma_start3A_866 : memref<64xi32, #tpu.memory_space<vmem>>) semaphore(%arg26 : memref<!tpu.dma_semaphore, #tpu.memory_space<semaphore_mem>>)
    %dma_start3A_870 = arith.constant 0 : i32
    %dma_start3A_871 = arith.constant 448 : i32
    %dma_start3A_872 = tpu.memref_slice %arg12[%dma_start3A_870, %dma_start3A_871] : memref<1x512xi32, #tpu.memory_space<vmem>> -> memref<1x64xi32, #tpu.memory_space<vmem>>
    %dma_start3A_873 = tpu.memref_squeeze %dma_start3A_872 : memref<1x64xi32, #tpu.memory_space<vmem>> -> memref<64xi32, #tpu.memory_space<vmem>>
    %dma_start3A_874 = arith.constant 0 : i32
    %dma_start3A_875 = arith.constant 0 : i32
    %dma_start3A_876 = tpu.memref_slice %arg4[%dma_start3A_874, %dma_start3A_875] : memref<100000x128xf32, #tpu.memory_space<hbm>> -> memref<100000x128xf32, #tpu.memory_space<hbm>>
    tpu.enqueue_indirect_dma source(%dma_start3A_876 : memref<100000x128xf32, #tpu.memory_space<hbm>>) target(%arg24 : memref<64x128xf32, #tpu.memory_space<vmem>>) offsets(%dma_start3A_873 : memref<64xi32, #tpu.memory_space<vmem>>) semaphore(%arg26 : memref<!tpu.dma_semaphore, #tpu.memory_space<semaphore_mem>>)
    %dma_wait3A_877 = arith.constant 0 : i32
    %dma_wait3A_878 = arith.constant 384 : i32
    %dma_wait3A_879 = tpu.memref_slice %arg7[%dma_wait3A_877, %dma_wait3A_878] : memref<1x512xi32, #tpu.memory_space<vmem>> -> memref<1x64xi32, #tpu.memory_space<vmem>>
    %dma_wait3A_880 = tpu.memref_squeeze %dma_wait3A_879 : memref<1x64xi32, #tpu.memory_space<vmem>> -> memref<64xi32, #tpu.memory_space<vmem>>
    %dma_wait3A_881 = arith.constant 0 : i32
    %dma_wait3A_882 = arith.constant 0 : i32
    %dma_wait3A_883 = tpu.memref_slice %arg4[%dma_wait3A_881, %dma_wait3A_882] : memref<100000x128xf32, #tpu.memory_space<hbm>> -> memref<100000x128xf32, #tpu.memory_space<hbm>>
    tpu.wait_indirect_dma semaphore(%arg26 : memref<!tpu.dma_semaphore, #tpu.memory_space<semaphore_mem>>) src(%dma_wait3A_883 : memref<100000x128xf32, #tpu.memory_space<hbm>>) dst(%arg13 : memref<64x128xf32, #tpu.memory_space<vmem>>)
    %dma_wait3A_884 = arith.constant 0 : i32
    %dma_wait3A_885 = arith.constant 384 : i32
    %dma_wait3A_886 = tpu.memref_slice %arg8[%dma_wait3A_884, %dma_wait3A_885] : memref<1x512xi32, #tpu.memory_space<vmem>> -> memref<1x64xi32, #tpu.memory_space<vmem>>
    %dma_wait3A_887 = tpu.memref_squeeze %dma_wait3A_886 : memref<1x64xi32, #tpu.memory_space<vmem>> -> memref<64xi32, #tpu.memory_space<vmem>>
    %dma_wait3A_888 = arith.constant 0 : i32
    %dma_wait3A_889 = arith.constant 0 : i32
    %dma_wait3A_890 = tpu.memref_slice %arg5[%dma_wait3A_888, %dma_wait3A_889] : memref<100000x128xf32, #tpu.memory_space<hbm>> -> memref<100000x128xf32, #tpu.memory_space<hbm>>
    tpu.wait_indirect_dma semaphore(%arg26 : memref<!tpu.dma_semaphore, #tpu.memory_space<semaphore_mem>>) src(%dma_wait3A_890 : memref<100000x128xf32, #tpu.memory_space<hbm>>) dst(%arg14 : memref<64x128xf32, #tpu.memory_space<vmem>>)
    %dma_wait3A_891 = arith.constant 0 : i32
    %dma_wait3A_892 = arith.constant 384 : i32
    %dma_wait3A_893 = tpu.memref_slice %arg9[%dma_wait3A_891, %dma_wait3A_892] : memref<1x512xi32, #tpu.memory_space<vmem>> -> memref<1x64xi32, #tpu.memory_space<vmem>>
    %dma_wait3A_894 = tpu.memref_squeeze %dma_wait3A_893 : memref<1x64xi32, #tpu.memory_space<vmem>> -> memref<64xi32, #tpu.memory_space<vmem>>
    %dma_wait3A_895 = arith.constant 0 : i32
    %dma_wait3A_896 = arith.constant 0 : i32
    %dma_wait3A_897 = tpu.memref_slice %arg4[%dma_wait3A_895, %dma_wait3A_896] : memref<100000x128xf32, #tpu.memory_space<hbm>> -> memref<100000x128xf32, #tpu.memory_space<hbm>>
    tpu.wait_indirect_dma semaphore(%arg26 : memref<!tpu.dma_semaphore, #tpu.memory_space<semaphore_mem>>) src(%dma_wait3A_897 : memref<100000x128xf32, #tpu.memory_space<hbm>>) dst(%arg15 : memref<64x128xf32, #tpu.memory_space<vmem>>)
    %dma_wait3A_898 = arith.constant 0 : i32
    %dma_wait3A_899 = arith.constant 384 : i32
    %dma_wait3A_900 = tpu.memref_slice %arg10[%dma_wait3A_898, %dma_wait3A_899] : memref<1x512xi32, #tpu.memory_space<vmem>> -> memref<1x64xi32, #tpu.memory_space<vmem>>
    %dma_wait3A_901 = tpu.memref_squeeze %dma_wait3A_900 : memref<1x64xi32, #tpu.memory_space<vmem>> -> memref<64xi32, #tpu.memory_space<vmem>>
    %dma_wait3A_902 = arith.constant 0 : i32
    %dma_wait3A_903 = arith.constant 0 : i32
    %dma_wait3A_904 = tpu.memref_slice %arg4[%dma_wait3A_902, %dma_wait3A_903] : memref<100000x128xf32, #tpu.memory_space<hbm>> -> memref<100000x128xf32, #tpu.memory_space<hbm>>
    tpu.wait_indirect_dma semaphore(%arg26 : memref<!tpu.dma_semaphore, #tpu.memory_space<semaphore_mem>>) src(%dma_wait3A_904 : memref<100000x128xf32, #tpu.memory_space<hbm>>) dst(%arg16 : memref<64x128xf32, #tpu.memory_space<vmem>>)
    %dma_wait3A_905 = arith.constant 0 : i32
    %dma_wait3A_906 = arith.constant 384 : i32
    %dma_wait3A_907 = tpu.memref_slice %arg11[%dma_wait3A_905, %dma_wait3A_906] : memref<1x512xi32, #tpu.memory_space<vmem>> -> memref<1x64xi32, #tpu.memory_space<vmem>>
    %dma_wait3A_908 = tpu.memref_squeeze %dma_wait3A_907 : memref<1x64xi32, #tpu.memory_space<vmem>> -> memref<64xi32, #tpu.memory_space<vmem>>
    %dma_wait3A_909 = arith.constant 0 : i32
    %dma_wait3A_910 = arith.constant 0 : i32
    %dma_wait3A_911 = tpu.memref_slice %arg5[%dma_wait3A_909, %dma_wait3A_910] : memref<100000x128xf32, #tpu.memory_space<hbm>> -> memref<100000x128xf32, #tpu.memory_space<hbm>>
    tpu.wait_indirect_dma semaphore(%arg26 : memref<!tpu.dma_semaphore, #tpu.memory_space<semaphore_mem>>) src(%dma_wait3A_911 : memref<100000x128xf32, #tpu.memory_space<hbm>>) dst(%arg17 : memref<64x128xf32, #tpu.memory_space<vmem>>)
    %dma_wait3A_912 = arith.constant 0 : i32
    %dma_wait3A_913 = arith.constant 384 : i32
    %dma_wait3A_914 = tpu.memref_slice %arg12[%dma_wait3A_912, %dma_wait3A_913] : memref<1x512xi32, #tpu.memory_space<vmem>> -> memref<1x64xi32, #tpu.memory_space<vmem>>
    %dma_wait3A_915 = tpu.memref_squeeze %dma_wait3A_914 : memref<1x64xi32, #tpu.memory_space<vmem>> -> memref<64xi32, #tpu.memory_space<vmem>>
    %dma_wait3A_916 = arith.constant 0 : i32
    %dma_wait3A_917 = arith.constant 0 : i32
    %dma_wait3A_918 = tpu.memref_slice %arg4[%dma_wait3A_916, %dma_wait3A_917] : memref<100000x128xf32, #tpu.memory_space<hbm>> -> memref<100000x128xf32, #tpu.memory_space<hbm>>
    tpu.wait_indirect_dma semaphore(%arg26 : memref<!tpu.dma_semaphore, #tpu.memory_space<semaphore_mem>>) src(%dma_wait3A_918 : memref<100000x128xf32, #tpu.memory_space<hbm>>) dst(%arg18 : memref<64x128xf32, #tpu.memory_space<vmem>>)
    %scan3A_919 = arith.constant 0 : i32
    %scan3A_920 = arith.constant 64 : i32
    %scan3A_921 = arith.addi %scan3A_919, %scan3A_920 : i32
    %scan3A_922 = arith.constant 1 : i32
    %scan3A_923 = scf.for %scan3A_979 = %scan3A_919 to %scan3A_921 step %scan3A_922 iter_args(%scan3A_980 = %scan3A_833) -> (vector<16xf32>)  : i32 {
      %broadcast_in_dim3A_981 = arith.constant 0.000000e+00 : f32
      %broadcast_in_dim3A_982 = vector.broadcast %broadcast_in_dim3A_981 : f32 to vector<16xf32>
      %get3A = arith.index_cast %scan3A_979 : i32 to index
      %get3A_983 = arith.constant 0 : index
      %get3A_984 = tpu.vector_load %arg13[%get3A, %get3A_983] {strides = array<i32>} : memref<64x128xf32, #tpu.memory_space<vmem>>, vector<1x16xf32>,
      %get3A_985 = vector.shape_cast %get3A_984 : vector<1x16xf32> to vector<16xf32>
      %get3A_986 = arith.index_cast %scan3A_979 : i32 to index
      %get3A_987 = arith.constant 0 : index
      %get3A_988 = tpu.vector_load %arg14[%get3A_986, %get3A_987] {strides = array<i32>} : memref<64x128xf32, #tpu.memory_space<vmem>>, vector<1x16xf32>,
      %get3A_989 = vector.shape_cast %get3A_988 : vector<1x16xf32> to vector<16xf32>
      %add3A_990 = arith.addf %get3A_985, %get3A_989 : vector<16xf32>
      %get3A_991 = arith.index_cast %scan3A_979 : i32 to index
      %get3A_992 = arith.constant 0 : index
      %get3A_993 = tpu.vector_load %arg15[%get3A_991, %get3A_992] {strides = array<i32>} : memref<64x128xf32, #tpu.memory_space<vmem>>, vector<1x16xf32>,
      %get3A_994 = vector.shape_cast %get3A_993 : vector<1x16xf32> to vector<16xf32>
      %sub3A = arith.subf %add3A_990, %get3A_994 : vector<16xf32>
      %abs3A = math.absf %sub3A : vector<16xf32>
      %get3A_995 = arith.index_cast %scan3A_979 : i32 to index
      %get3A_996 = arith.constant 0 : index
      %get3A_997 = tpu.vector_load %arg16[%get3A_995, %get3A_996] {strides = array<i32>} : memref<64x128xf32, #tpu.memory_space<vmem>>, vector<1x16xf32>,
      %get3A_998 = vector.shape_cast %get3A_997 : vector<1x16xf32> to vector<16xf32>
      %get3A_999 = arith.index_cast %scan3A_979 : i32 to index
      %get3A_1000 = arith.constant 0 : index
      %get3A_1001 = tpu.vector_load %arg17[%get3A_999, %get3A_1000] {strides = array<i32>} : memref<64x128xf32, #tpu.memory_space<vmem>>, vector<1x16xf32>,
      %get3A_1002 = vector.shape_cast %get3A_1001 : vector<1x16xf32> to vector<16xf32>
      %add3A_1003 = arith.addf %get3A_998, %get3A_1002 : vector<16xf32>
      %get3A_1004 = arith.index_cast %scan3A_979 : i32 to index
      %get3A_1005 = arith.constant 0 : index
      %get3A_1006 = tpu.vector_load %arg18[%get3A_1004, %get3A_1005] {strides = array<i32>} : memref<64x128xf32, #tpu.memory_space<vmem>>, vector<1x16xf32>,
      %get3A_1007 = vector.shape_cast %get3A_1006 : vector<1x16xf32> to vector<16xf32>
      %sub3A_1008 = arith.subf %add3A_1003, %get3A_1007 : vector<16xf32>
      %abs3A_1009 = math.absf %sub3A_1008 : vector<16xf32>
      %sub3A_1010 = arith.subf %abs3A_1009, %abs3A : vector<16xf32>
      %add3A_1011 = arith.addf %broadcast_in_dim3A_982, %sub3A_1010 : vector<16xf32>
      %get3A_1012 = arith.index_cast %scan3A_979 : i32 to index
      %get3A_1013 = arith.constant 16 : index
      %get3A_1014 = tpu.vector_load %arg13[%get3A_1012, %get3A_1013] {strides = array<i32>} : memref<64x128xf32, #tpu.memory_space<vmem>>, vector<1x16xf32>,
      %get3A_1015 = vector.shape_cast %get3A_1014 : vector<1x16xf32> to vector<16xf32>
      %get3A_1016 = arith.index_cast %scan3A_979 : i32 to index
      %get3A_1017 = arith.constant 16 : index
      %get3A_1018 = tpu.vector_load %arg14[%get3A_1016, %get3A_1017] {strides = array<i32>} : memref<64x128xf32, #tpu.memory_space<vmem>>, vector<1x16xf32>,
      %get3A_1019 = vector.shape_cast %get3A_1018 : vector<1x16xf32> to vector<16xf32>
      %add3A_1020 = arith.addf %get3A_1015, %get3A_1019 : vector<16xf32>
      %get3A_1021 = arith.index_cast %scan3A_979 : i32 to index
      %get3A_1022 = arith.constant 16 : index
      %get3A_1023 = tpu.vector_load %arg15[%get3A_1021, %get3A_1022] {strides = array<i32>} : memref<64x128xf32, #tpu.memory_space<vmem>>, vector<1x16xf32>,
      %get3A_1024 = vector.shape_cast %get3A_1023 : vector<1x16xf32> to vector<16xf32>
      %sub3A_1025 = arith.subf %add3A_1020, %get3A_1024 : vector<16xf32>
      %abs3A_1026 = math.absf %sub3A_1025 : vector<16xf32>
      %get3A_1027 = arith.index_cast %scan3A_979 : i32 to index
      %get3A_1028 = arith.constant 16 : index
      %get3A_1029 = tpu.vector_load %arg16[%get3A_1027, %get3A_1028] {strides = array<i32>} : memref<64x128xf32, #tpu.memory_space<vmem>>, vector<1x16xf32>,
      %get3A_1030 = vector.shape_cast %get3A_1029 : vector<1x16xf32> to vector<16xf32>
      %get3A_1031 = arith.index_cast %scan3A_979 : i32 to index
      %get3A_1032 = arith.constant 16 : index
      %get3A_1033 = tpu.vector_load %arg17[%get3A_1031, %get3A_1032] {strides = array<i32>} : memref<64x128xf32, #tpu.memory_space<vmem>>, vector<1x16xf32>,
      %get3A_1034 = vector.shape_cast %get3A_1033 : vector<1x16xf32> to vector<16xf32>
      %add3A_1035 = arith.addf %get3A_1030, %get3A_1034 : vector<16xf32>
      %get3A_1036 = arith.index_cast %scan3A_979 : i32 to index
      %get3A_1037 = arith.constant 16 : index
      %get3A_1038 = tpu.vector_load %arg18[%get3A_1036, %get3A_1037] {strides = array<i32>} : memref<64x128xf32, #tpu.memory_space<vmem>>, vector<1x16xf32>,
      %get3A_1039 = vector.shape_cast %get3A_1038 : vector<1x16xf32> to vector<16xf32>
      %sub3A_1040 = arith.subf %add3A_1035, %get3A_1039 : vector<16xf32>
      %abs3A_1041 = math.absf %sub3A_1040 : vector<16xf32>
      %sub3A_1042 = arith.subf %abs3A_1041, %abs3A_1026 : vector<16xf32>
      %add3A_1043 = arith.addf %add3A_1011, %sub3A_1042 : vector<16xf32>
      %get3A_1044 = arith.index_cast %scan3A_979 : i32 to index
      %get3A_1045 = arith.constant 32 : index
      %get3A_1046 = tpu.vector_load %arg13[%get3A_1044, %get3A_1045] {strides = array<i32>} : memref<64x128xf32, #tpu.memory_space<vmem>>, vector<1x16xf32>,
      %get3A_1047 = vector.shape_cast %get3A_1046 : vector<1x16xf32> to vector<16xf32>
      %get3A_1048 = arith.index_cast %scan3A_979 : i32 to index
      %get3A_1049 = arith.constant 32 : index
      %get3A_1050 = tpu.vector_load %arg14[%get3A_1048, %get3A_1049] {strides = array<i32>} : memref<64x128xf32, #tpu.memory_space<vmem>>, vector<1x16xf32>,
      %get3A_1051 = vector.shape_cast %get3A_1050 : vector<1x16xf32> to vector<16xf32>
      %add3A_1052 = arith.addf %get3A_1047, %get3A_1051 : vector<16xf32>
      %get3A_1053 = arith.index_cast %scan3A_979 : i32 to index
      %get3A_1054 = arith.constant 32 : index
      %get3A_1055 = tpu.vector_load %arg15[%get3A_1053, %get3A_1054] {strides = array<i32>} : memref<64x128xf32, #tpu.memory_space<vmem>>, vector<1x16xf32>,
      %get3A_1056 = vector.shape_cast %get3A_1055 : vector<1x16xf32> to vector<16xf32>
      %sub3A_1057 = arith.subf %add3A_1052, %get3A_1056 : vector<16xf32>
      %abs3A_1058 = math.absf %sub3A_1057 : vector<16xf32>
      %get3A_1059 = arith.index_cast %scan3A_979 : i32 to index
      %get3A_1060 = arith.constant 32 : index
      %get3A_1061 = tpu.vector_load %arg16[%get3A_1059, %get3A_1060] {strides = array<i32>} : memref<64x128xf32, #tpu.memory_space<vmem>>, vector<1x16xf32>,
      %get3A_1062 = vector.shape_cast %get3A_1061 : vector<1x16xf32> to vector<16xf32>
      %get3A_1063 = arith.index_cast %scan3A_979 : i32 to index
      %get3A_1064 = arith.constant 32 : index
      %get3A_1065 = tpu.vector_load %arg17[%get3A_1063, %get3A_1064] {strides = array<i32>} : memref<64x128xf32, #tpu.memory_space<vmem>>, vector<1x16xf32>,
      %get3A_1066 = vector.shape_cast %get3A_1065 : vector<1x16xf32> to vector<16xf32>
      %add3A_1067 = arith.addf %get3A_1062, %get3A_1066 : vector<16xf32>
      %get3A_1068 = arith.index_cast %scan3A_979 : i32 to index
      %get3A_1069 = arith.constant 32 : index
      %get3A_1070 = tpu.vector_load %arg18[%get3A_1068, %get3A_1069] {strides = array<i32>} : memref<64x128xf32, #tpu.memory_space<vmem>>, vector<1x16xf32>,
      %get3A_1071 = vector.shape_cast %get3A_1070 : vector<1x16xf32> to vector<16xf32>
      %sub3A_1072 = arith.subf %add3A_1067, %get3A_1071 : vector<16xf32>
      %abs3A_1073 = math.absf %sub3A_1072 : vector<16xf32>
      %sub3A_1074 = arith.subf %abs3A_1073, %abs3A_1058 : vector<16xf32>
      %add3A_1075 = arith.addf %add3A_1043, %sub3A_1074 : vector<16xf32>
      %get3A_1076 = arith.index_cast %scan3A_979 : i32 to index
      %get3A_1077 = arith.constant 48 : index
      %get3A_1078 = tpu.vector_load %arg13[%get3A_1076, %get3A_1077] {strides = array<i32>} : memref<64x128xf32, #tpu.memory_space<vmem>>, vector<1x16xf32>,
      %get3A_1079 = vector.shape_cast %get3A_1078 : vector<1x16xf32> to vector<16xf32>
      %get3A_1080 = arith.index_cast %scan3A_979 : i32 to index
      %get3A_1081 = arith.constant 48 : index
      %get3A_1082 = tpu.vector_load %arg14[%get3A_1080, %get3A_1081] {strides = array<i32>} : memref<64x128xf32, #tpu.memory_space<vmem>>, vector<1x16xf32>,
      %get3A_1083 = vector.shape_cast %get3A_1082 : vector<1x16xf32> to vector<16xf32>
      %add3A_1084 = arith.addf %get3A_1079, %get3A_1083 : vector<16xf32>
      %get3A_1085 = arith.index_cast %scan3A_979 : i32 to index
      %get3A_1086 = arith.constant 48 : index
      %get3A_1087 = tpu.vector_load %arg15[%get3A_1085, %get3A_1086] {strides = array<i32>} : memref<64x128xf32, #tpu.memory_space<vmem>>, vector<1x16xf32>,
      %get3A_1088 = vector.shape_cast %get3A_1087 : vector<1x16xf32> to vector<16xf32>
      %sub3A_1089 = arith.subf %add3A_1084, %get3A_1088 : vector<16xf32>
      %abs3A_1090 = math.absf %sub3A_1089 : vector<16xf32>
      %get3A_1091 = arith.index_cast %scan3A_979 : i32 to index
      %get3A_1092 = arith.constant 48 : index
      %get3A_1093 = tpu.vector_load %arg16[%get3A_1091, %get3A_1092] {strides = array<i32>} : memref<64x128xf32, #tpu.memory_space<vmem>>, vector<1x16xf32>,
      %get3A_1094 = vector.shape_cast %get3A_1093 : vector<1x16xf32> to vector<16xf32>
      %get3A_1095 = arith.index_cast %scan3A_979 : i32 to index
      %get3A_1096 = arith.constant 48 : index
      %get3A_1097 = tpu.vector_load %arg17[%get3A_1095, %get3A_1096] {strides = array<i32>} : memref<64x128xf32, #tpu.memory_space<vmem>>, vector<1x16xf32>,
      %get3A_1098 = vector.shape_cast %get3A_1097 : vector<1x16xf32> to vector<16xf32>
      %add3A_1099 = arith.addf %get3A_1094, %get3A_1098 : vector<16xf32>
      %get3A_1100 = arith.index_cast %scan3A_979 : i32 to index
      %get3A_1101 = arith.constant 48 : index
      %get3A_1102 = tpu.vector_load %arg18[%get3A_1100, %get3A_1101] {strides = array<i32>} : memref<64x128xf32, #tpu.memory_space<vmem>>, vector<1x16xf32>,
      %get3A_1103 = vector.shape_cast %get3A_1102 : vector<1x16xf32> to vector<16xf32>
      %sub3A_1104 = arith.subf %add3A_1099, %get3A_1103 : vector<16xf32>
      %abs3A_1105 = math.absf %sub3A_1104 : vector<16xf32>
      %sub3A_1106 = arith.subf %abs3A_1105, %abs3A_1090 : vector<16xf32>
      %add3A_1107 = arith.addf %add3A_1075, %sub3A_1106 : vector<16xf32>
      %get3A_1108 = arith.index_cast %scan3A_979 : i32 to index
      %get3A_1109 = arith.constant 64 : index
      %get3A_1110 = tpu.vector_load %arg13[%get3A_1108, %get3A_1109] {strides = array<i32>} : memref<64x128xf32, #tpu.memory_space<vmem>>, vector<1x16xf32>,
      %get3A_1111 = vector.shape_cast %get3A_1110 : vector<1x16xf32> to vector<16xf32>
      %get3A_1112 = arith.index_cast %scan3A_979 : i32 to index
      %get3A_1113 = arith.constant 64 : index
      %get3A_1114 = tpu.vector_load %arg14[%get3A_1112, %get3A_1113] {strides = array<i32>} : memref<64x128xf32, #tpu.memory_space<vmem>>, vector<1x16xf32>,
      %get3A_1115 = vector.shape_cast %get3A_1114 : vector<1x16xf32> to vector<16xf32>
      %add3A_1116 = arith.addf %get3A_1111, %get3A_1115 : vector<16xf32>
      %get3A_1117 = arith.index_cast %scan3A_979 : i32 to index
      %get3A_1118 = arith.constant 64 : index
      %get3A_1119 = tpu.vector_load %arg15[%get3A_1117, %get3A_1118] {strides = array<i32>} : memref<64x128xf32, #tpu.memory_space<vmem>>, vector<1x16xf32>,
      %get3A_1120 = vector.shape_cast %get3A_1119 : vector<1x16xf32> to vector<16xf32>
      %sub3A_1121 = arith.subf %add3A_1116, %get3A_1120 : vector<16xf32>
      %abs3A_1122 = math.absf %sub3A_1121 : vector<16xf32>
      %get3A_1123 = arith.index_cast %scan3A_979 : i32 to index
      %get3A_1124 = arith.constant 64 : index
      %get3A_1125 = tpu.vector_load %arg16[%get3A_1123, %get3A_1124] {strides = array<i32>} : memref<64x128xf32, #tpu.memory_space<vmem>>, vector<1x16xf32>,
      %get3A_1126 = vector.shape_cast %get3A_1125 : vector<1x16xf32> to vector<16xf32>
      %get3A_1127 = arith.index_cast %scan3A_979 : i32 to index
      %get3A_1128 = arith.constant 64 : index
      %get3A_1129 = tpu.vector_load %arg17[%get3A_1127, %get3A_1128] {strides = array<i32>} : memref<64x128xf32, #tpu.memory_space<vmem>>, vector<1x16xf32>,
      %get3A_1130 = vector.shape_cast %get3A_1129 : vector<1x16xf32> to vector<16xf32>
      %add3A_1131 = arith.addf %get3A_1126, %get3A_1130 : vector<16xf32>
      %get3A_1132 = arith.index_cast %scan3A_979 : i32 to index
      %get3A_1133 = arith.constant 64 : index
      %get3A_1134 = tpu.vector_load %arg18[%get3A_1132, %get3A_1133] {strides = array<i32>} : memref<64x128xf32, #tpu.memory_space<vmem>>, vector<1x16xf32>,
      %get3A_1135 = vector.shape_cast %get3A_1134 : vector<1x16xf32> to vector<16xf32>
      %sub3A_1136 = arith.subf %add3A_1131, %get3A_1135 : vector<16xf32>
      %abs3A_1137 = math.absf %sub3A_1136 : vector<16xf32>
      %sub3A_1138 = arith.subf %abs3A_1137, %abs3A_1122 : vector<16xf32>
      %add3A_1139 = arith.addf %add3A_1107, %sub3A_1138 : vector<16xf32>
      %get3A_1140 = arith.index_cast %scan3A_979 : i32 to index
      %get3A_1141 = arith.constant 80 : index
      %get3A_1142 = tpu.vector_load %arg13[%get3A_1140, %get3A_1141] {strides = array<i32>} : memref<64x128xf32, #tpu.memory_space<vmem>>, vector<1x16xf32>,
      %get3A_1143 = vector.shape_cast %get3A_1142 : vector<1x16xf32> to vector<16xf32>
      %get3A_1144 = arith.index_cast %scan3A_979 : i32 to index
      %get3A_1145 = arith.constant 80 : index
      %get3A_1146 = tpu.vector_load %arg14[%get3A_1144, %get3A_1145] {strides = array<i32>} : memref<64x128xf32, #tpu.memory_space<vmem>>, vector<1x16xf32>,
      %get3A_1147 = vector.shape_cast %get3A_1146 : vector<1x16xf32> to vector<16xf32>
      %add3A_1148 = arith.addf %get3A_1143, %get3A_1147 : vector<16xf32>
      %get3A_1149 = arith.index_cast %scan3A_979 : i32 to index
      %get3A_1150 = arith.constant 80 : index
      %get3A_1151 = tpu.vector_load %arg15[%get3A_1149, %get3A_1150] {strides = array<i32>} : memref<64x128xf32, #tpu.memory_space<vmem>>, vector<1x16xf32>,
      %get3A_1152 = vector.shape_cast %get3A_1151 : vector<1x16xf32> to vector<16xf32>
      %sub3A_1153 = arith.subf %add3A_1148, %get3A_1152 : vector<16xf32>
      %abs3A_1154 = math.absf %sub3A_1153 : vector<16xf32>
      %get3A_1155 = arith.index_cast %scan3A_979 : i32 to index
      %get3A_1156 = arith.constant 80 : index
      %get3A_1157 = tpu.vector_load %arg16[%get3A_1155, %get3A_1156] {strides = array<i32>} : memref<64x128xf32, #tpu.memory_space<vmem>>, vector<1x16xf32>,
      %get3A_1158 = vector.shape_cast %get3A_1157 : vector<1x16xf32> to vector<16xf32>
      %get3A_1159 = arith.index_cast %scan3A_979 : i32 to index
      %get3A_1160 = arith.constant 80 : index
      %get3A_1161 = tpu.vector_load %arg17[%get3A_1159, %get3A_1160] {strides = array<i32>} : memref<64x128xf32, #tpu.memory_space<vmem>>, vector<1x16xf32>,
      %get3A_1162 = vector.shape_cast %get3A_1161 : vector<1x16xf32> to vector<16xf32>
      %add3A_1163 = arith.addf %get3A_1158, %get3A_1162 : vector<16xf32>
      %get3A_1164 = arith.index_cast %scan3A_979 : i32 to index
      %get3A_1165 = arith.constant 80 : index
      %get3A_1166 = tpu.vector_load %arg18[%get3A_1164, %get3A_1165] {strides = array<i32>} : memref<64x128xf32, #tpu.memory_space<vmem>>, vector<1x16xf32>,
      %get3A_1167 = vector.shape_cast %get3A_1166 : vector<1x16xf32> to vector<16xf32>
      %sub3A_1168 = arith.subf %add3A_1163, %get3A_1167 : vector<16xf32>
      %abs3A_1169 = math.absf %sub3A_1168 : vector<16xf32>
      %sub3A_1170 = arith.subf %abs3A_1169, %abs3A_1154 : vector<16xf32>
      %add3A_1171 = arith.addf %add3A_1139, %sub3A_1170 : vector<16xf32>
      %get3A_1172 = arith.index_cast %scan3A_979 : i32 to index
      %get3A_1173 = arith.constant 96 : index
      %get3A_1174 = tpu.vector_load %arg13[%get3A_1172, %get3A_1173] {strides = array<i32>} : memref<64x128xf32, #tpu.memory_space<vmem>>, vector<1x16xf32>,
      %get3A_1175 = vector.shape_cast %get3A_1174 : vector<1x16xf32> to vector<16xf32>
      %get3A_1176 = arith.index_cast %scan3A_979 : i32 to index
      %get3A_1177 = arith.constant 96 : index
      %get3A_1178 = tpu.vector_load %arg14[%get3A_1176, %get3A_1177] {strides = array<i32>} : memref<64x128xf32, #tpu.memory_space<vmem>>, vector<1x16xf32>,
      %get3A_1179 = vector.shape_cast %get3A_1178 : vector<1x16xf32> to vector<16xf32>
      %add3A_1180 = arith.addf %get3A_1175, %get3A_1179 : vector<16xf32>
      %get3A_1181 = arith.index_cast %scan3A_979 : i32 to index
      %get3A_1182 = arith.constant 96 : index
      %get3A_1183 = tpu.vector_load %arg15[%get3A_1181, %get3A_1182] {strides = array<i32>} : memref<64x128xf32, #tpu.memory_space<vmem>>, vector<1x16xf32>,
      %get3A_1184 = vector.shape_cast %get3A_1183 : vector<1x16xf32> to vector<16xf32>
      %sub3A_1185 = arith.subf %add3A_1180, %get3A_1184 : vector<16xf32>
      %abs3A_1186 = math.absf %sub3A_1185 : vector<16xf32>
      %get3A_1187 = arith.index_cast %scan3A_979 : i32 to index
      %get3A_1188 = arith.constant 96 : index
      %get3A_1189 = tpu.vector_load %arg16[%get3A_1187, %get3A_1188] {strides = array<i32>} : memref<64x128xf32, #tpu.memory_space<vmem>>, vector<1x16xf32>,
      %get3A_1190 = vector.shape_cast %get3A_1189 : vector<1x16xf32> to vector<16xf32>
      %get3A_1191 = arith.index_cast %scan3A_979 : i32 to index
      %get3A_1192 = arith.constant 96 : index
      %get3A_1193 = tpu.vector_load %arg17[%get3A_1191, %get3A_1192] {strides = array<i32>} : memref<64x128xf32, #tpu.memory_space<vmem>>, vector<1x16xf32>,
      %get3A_1194 = vector.shape_cast %get3A_1193 : vector<1x16xf32> to vector<16xf32>
      %add3A_1195 = arith.addf %get3A_1190, %get3A_1194 : vector<16xf32>
      %get3A_1196 = arith.index_cast %scan3A_979 : i32 to index
      %get3A_1197 = arith.constant 96 : index
      %get3A_1198 = tpu.vector_load %arg18[%get3A_1196, %get3A_1197] {strides = array<i32>} : memref<64x128xf32, #tpu.memory_space<vmem>>, vector<1x16xf32>,
      %get3A_1199 = vector.shape_cast %get3A_1198 : vector<1x16xf32> to vector<16xf32>
      %sub3A_1200 = arith.subf %add3A_1195, %get3A_1199 : vector<16xf32>
      %abs3A_1201 = math.absf %sub3A_1200 : vector<16xf32>
      %sub3A_1202 = arith.subf %abs3A_1201, %abs3A_1186 : vector<16xf32>
      %add3A_1203 = arith.addf %add3A_1171, %sub3A_1202 : vector<16xf32>
      %get3A_1204 = arith.index_cast %scan3A_979 : i32 to index
      %get3A_1205 = arith.constant 112 : index
      %get3A_1206 = tpu.vector_load %arg13[%get3A_1204, %get3A_1205] {strides = array<i32>} : memref<64x128xf32, #tpu.memory_space<vmem>>, vector<1x16xf32>,
      %get3A_1207 = vector.shape_cast %get3A_1206 : vector<1x16xf32> to vector<16xf32>
      %get3A_1208 = arith.index_cast %scan3A_979 : i32 to index
      %get3A_1209 = arith.constant 112 : index
      %get3A_1210 = tpu.vector_load %arg14[%get3A_1208, %get3A_1209] {strides = array<i32>} : memref<64x128xf32, #tpu.memory_space<vmem>>, vector<1x16xf32>,
      %get3A_1211 = vector.shape_cast %get3A_1210 : vector<1x16xf32> to vector<16xf32>
      %add3A_1212 = arith.addf %get3A_1207, %get3A_1211 : vector<16xf32>
      %get3A_1213 = arith.index_cast %scan3A_979 : i32 to index
      %get3A_1214 = arith.constant 112 : index
      %get3A_1215 = tpu.vector_load %arg15[%get3A_1213, %get3A_1214] {strides = array<i32>} : memref<64x128xf32, #tpu.memory_space<vmem>>, vector<1x16xf32>,
      %get3A_1216 = vector.shape_cast %get3A_1215 : vector<1x16xf32> to vector<16xf32>
      %sub3A_1217 = arith.subf %add3A_1212, %get3A_1216 : vector<16xf32>
      %abs3A_1218 = math.absf %sub3A_1217 : vector<16xf32>
      %get3A_1219 = arith.index_cast %scan3A_979 : i32 to index
      %get3A_1220 = arith.constant 112 : index
      %get3A_1221 = tpu.vector_load %arg16[%get3A_1219, %get3A_1220] {strides = array<i32>} : memref<64x128xf32, #tpu.memory_space<vmem>>, vector<1x16xf32>,
      %get3A_1222 = vector.shape_cast %get3A_1221 : vector<1x16xf32> to vector<16xf32>
      %get3A_1223 = arith.index_cast %scan3A_979 : i32 to index
      %get3A_1224 = arith.constant 112 : index
      %get3A_1225 = tpu.vector_load %arg17[%get3A_1223, %get3A_1224] {strides = array<i32>} : memref<64x128xf32, #tpu.memory_space<vmem>>, vector<1x16xf32>,
      %get3A_1226 = vector.shape_cast %get3A_1225 : vector<1x16xf32> to vector<16xf32>
      %add3A_1227 = arith.addf %get3A_1222, %get3A_1226 : vector<16xf32>
      %get3A_1228 = arith.index_cast %scan3A_979 : i32 to index
      %get3A_1229 = arith.constant 112 : index
      %get3A_1230 = tpu.vector_load %arg18[%get3A_1228, %get3A_1229] {strides = array<i32>} : memref<64x128xf32, #tpu.memory_space<vmem>>, vector<1x16xf32>,
      %get3A_1231 = vector.shape_cast %get3A_1230 : vector<1x16xf32> to vector<16xf32>
      %sub3A_1232 = arith.subf %add3A_1227, %get3A_1231 : vector<16xf32>
      %abs3A_1233 = math.absf %sub3A_1232 : vector<16xf32>
      %sub3A_1234 = arith.subf %abs3A_1233, %abs3A_1218 : vector<16xf32>
      %add3A_1235 = arith.addf %add3A_1203, %sub3A_1234 : vector<16xf32>
      %xor3A = arith.constant 1 : i32
      %xor3A_1236 = vector.broadcast %xor3A : i32 to vector<16xi32>
      %xor3A_1237 = arith.xori %iota3A, %xor3A_1236 : vector<16xi32>
      %lt3A = arith.constant 0 : i32
      %lt3A_1238 = vector.broadcast %lt3A : i32 to vector<16xi32>
      %lt3A_1239 = arith.cmpi slt, %xor3A_1237, %lt3A_1238 : vector<16xi32>
      %add3A_1240 = arith.constant 16 : i32
      %add3A_1241 = vector.broadcast %add3A_1240 : i32 to vector<16xi32>
      %add3A_1242 = arith.addi %xor3A_1237, %add3A_1241 : vector<16xi32>
      %select_n3A = arith.select %lt3A_1239, %add3A_1242, %xor3A_1237 : vector<16xi1>, vector<16xi32>
      %broadcast_in_dim3A_1243 = vector.shape_cast %select_n3A : vector<16xi32> to vector<16x1xi32>
      %gather3A = vector.shape_cast %broadcast_in_dim3A_1243 : vector<16x1xi32> to vector<16xi32>
      %gather3A_1244 = tpu.dynamic_gather %add3A_1235[%gather3A] in [0] : vector<16xf32>, vector<16xi32> -> vector<16xf32>
      %add3A_1245 = arith.addf %add3A_1235, %gather3A_1244 : vector<16xf32>
      %xor3A_1246 = arith.constant 2 : i32
      %xor3A_1247 = vector.broadcast %xor3A_1246 : i32 to vector<16xi32>
      %xor3A_1248 = arith.xori %iota3A, %xor3A_1247 : vector<16xi32>
      %lt3A_1249 = arith.constant 0 : i32
      %lt3A_1250 = vector.broadcast %lt3A_1249 : i32 to vector<16xi32>
      %lt3A_1251 = arith.cmpi slt, %xor3A_1248, %lt3A_1250 : vector<16xi32>
      %add3A_1252 = arith.constant 16 : i32
      %add3A_1253 = vector.broadcast %add3A_1252 : i32 to vector<16xi32>
      %add3A_1254 = arith.addi %xor3A_1248, %add3A_1253 : vector<16xi32>
      %select_n3A_1255 = arith.select %lt3A_1251, %add3A_1254, %xor3A_1248 : vector<16xi1>, vector<16xi32>
      %broadcast_in_dim3A_1256 = vector.shape_cast %select_n3A_1255 : vector<16xi32> to vector<16x1xi32>
      %gather3A_1257 = vector.shape_cast %broadcast_in_dim3A_1256 : vector<16x1xi32> to vector<16xi32>
      %gather3A_1258 = tpu.dynamic_gather %add3A_1245[%gather3A_1257] in [0] : vector<16xf32>, vector<16xi32> -> vector<16xf32>
      %add3A_1259 = arith.addf %add3A_1245, %gather3A_1258 : vector<16xf32>
      %xor3A_1260 = arith.constant 4 : i32
      %xor3A_1261 = vector.broadcast %xor3A_1260 : i32 to vector<16xi32>
      %xor3A_1262 = arith.xori %iota3A, %xor3A_1261 : vector<16xi32>
      %lt3A_1263 = arith.constant 0 : i32
      %lt3A_1264 = vector.broadcast %lt3A_1263 : i32 to vector<16xi32>
      %lt3A_1265 = arith.cmpi slt, %xor3A_1262, %lt3A_1264 : vector<16xi32>
      %add3A_1266 = arith.constant 16 : i32
      %add3A_1267 = vector.broadcast %add3A_1266 : i32 to vector<16xi32>
      %add3A_1268 = arith.addi %xor3A_1262, %add3A_1267 : vector<16xi32>
      %select_n3A_1269 = arith.select %lt3A_1265, %add3A_1268, %xor3A_1262 : vector<16xi1>, vector<16xi32>
      %broadcast_in_dim3A_1270 = vector.shape_cast %select_n3A_1269 : vector<16xi32> to vector<16x1xi32>
      %gather3A_1271 = vector.shape_cast %broadcast_in_dim3A_1270 : vector<16x1xi32> to vector<16xi32>
      %gather3A_1272 = tpu.dynamic_gather %add3A_1259[%gather3A_1271] in [0] : vector<16xf32>, vector<16xi32> -> vector<16xf32>
      %add3A_1273 = arith.addf %add3A_1259, %gather3A_1272 : vector<16xf32>
      %xor3A_1274 = arith.constant 8 : i32
      %xor3A_1275 = vector.broadcast %xor3A_1274 : i32 to vector<16xi32>
      %xor3A_1276 = arith.xori %iota3A, %xor3A_1275 : vector<16xi32>
      %lt3A_1277 = arith.constant 0 : i32
      %lt3A_1278 = vector.broadcast %lt3A_1277 : i32 to vector<16xi32>
      %lt3A_1279 = arith.cmpi slt, %xor3A_1276, %lt3A_1278 : vector<16xi32>
      %add3A_1280 = arith.constant 16 : i32
      %add3A_1281 = vector.broadcast %add3A_1280 : i32 to vector<16xi32>
      %add3A_1282 = arith.addi %xor3A_1276, %add3A_1281 : vector<16xi32>
      %select_n3A_1283 = arith.select %lt3A_1279, %add3A_1282, %xor3A_1276 : vector<16xi1>, vector<16xi32>
      %broadcast_in_dim3A_1284 = vector.shape_cast %select_n3A_1283 : vector<16xi32> to vector<16x1xi32>
      %gather3A_1285 = vector.shape_cast %broadcast_in_dim3A_1284 : vector<16x1xi32> to vector<16xi32>
      %gather3A_1286 = tpu.dynamic_gather %add3A_1273[%gather3A_1285] in [0] : vector<16xf32>, vector<16xi32> -> vector<16xf32>
      %add3A_1287 = arith.addf %add3A_1273, %gather3A_1286 : vector<16xf32>
      %add3A_1288 = arith.constant 1.000000e+00 : f32
      %add3A_1289 = vector.broadcast %add3A_1288 : f32 to vector<16xf32>
      %add3A_1290 = arith.addf %add3A_1287, %add3A_1289 : vector<16xf32>
      %max3A = arith.constant 0.000000e+00 : f32
      %max3A_1291 = vector.broadcast %max3A : f32 to vector<16xf32>
      %max3A_1292 = arith.maximumf %add3A_1290, %max3A_1291 : vector<16xf32>
      %add3A_1293 = arith.addf %scan3A_980, %max3A_1292 : vector<16xf32>
      scf.yield %add3A_1293 : vector<16xf32>
    }
    %scan3A_924 = arith.constant 64 : i32
    %dma_wait3A_925 = arith.constant 0 : i32
    %dma_wait3A_926 = arith.constant 448 : i32
    %dma_wait3A_927 = tpu.memref_slice %arg7[%dma_wait3A_925, %dma_wait3A_926] : memref<1x512xi32, #tpu.memory_space<vmem>> -> memref<1x64xi32, #tpu.memory_space<vmem>>
    %dma_wait3A_928 = tpu.memref_squeeze %dma_wait3A_927 : memref<1x64xi32, #tpu.memory_space<vmem>> -> memref<64xi32, #tpu.memory_space<vmem>>
    %dma_wait3A_929 = arith.constant 0 : i32
    %dma_wait3A_930 = arith.constant 0 : i32
    %dma_wait3A_931 = tpu.memref_slice %arg4[%dma_wait3A_929, %dma_wait3A_930] : memref<100000x128xf32, #tpu.memory_space<hbm>> -> memref<100000x128xf32, #tpu.memory_space<hbm>>
    tpu.wait_indirect_dma semaphore(%arg26 : memref<!tpu.dma_semaphore, #tpu.memory_space<semaphore_mem>>) src(%dma_wait3A_931 : memref<100000x128xf32, #tpu.memory_space<hbm>>) dst(%arg19 : memref<64x128xf32, #tpu.memory_space<vmem>>)
    %dma_wait3A_932 = arith.constant 0 : i32
    %dma_wait3A_933 = arith.constant 448 : i32
    %dma_wait3A_934 = tpu.memref_slice %arg8[%dma_wait3A_932, %dma_wait3A_933] : memref<1x512xi32, #tpu.memory_space<vmem>> -> memref<1x64xi32, #tpu.memory_space<vmem>>
    %dma_wait3A_935 = tpu.memref_squeeze %dma_wait3A_934 : memref<1x64xi32, #tpu.memory_space<vmem>> -> memref<64xi32, #tpu.memory_space<vmem>>
    %dma_wait3A_936 = arith.constant 0 : i32
    %dma_wait3A_937 = arith.constant 0 : i32
    %dma_wait3A_938 = tpu.memref_slice %arg5[%dma_wait3A_936, %dma_wait3A_937] : memref<100000x128xf32, #tpu.memory_space<hbm>> -> memref<100000x128xf32, #tpu.memory_space<hbm>>
    tpu.wait_indirect_dma semaphore(%arg26 : memref<!tpu.dma_semaphore, #tpu.memory_space<semaphore_mem>>) src(%dma_wait3A_938 : memref<100000x128xf32, #tpu.memory_space<hbm>>) dst(%arg20 : memref<64x128xf32, #tpu.memory_space<vmem>>)
    %dma_wait3A_939 = arith.constant 0 : i32
    %dma_wait3A_940 = arith.constant 448 : i32
    %dma_wait3A_941 = tpu.memref_slice %arg9[%dma_wait3A_939, %dma_wait3A_940] : memref<1x512xi32, #tpu.memory_space<vmem>> -> memref<1x64xi32, #tpu.memory_space<vmem>>
    %dma_wait3A_942 = tpu.memref_squeeze %dma_wait3A_941 : memref<1x64xi32, #tpu.memory_space<vmem>> -> memref<64xi32, #tpu.memory_space<vmem>>
    %dma_wait3A_943 = arith.constant 0 : i32
    %dma_wait3A_944 = arith.constant 0 : i32
    %dma_wait3A_945 = tpu.memref_slice %arg4[%dma_wait3A_943, %dma_wait3A_944] : memref<100000x128xf32, #tpu.memory_space<hbm>> -> memref<100000x128xf32, #tpu.memory_space<hbm>>
    tpu.wait_indirect_dma semaphore(%arg26 : memref<!tpu.dma_semaphore, #tpu.memory_space<semaphore_mem>>) src(%dma_wait3A_945 : memref<100000x128xf32, #tpu.memory_space<hbm>>) dst(%arg21 : memref<64x128xf32, #tpu.memory_space<vmem>>)
    %dma_wait3A_946 = arith.constant 0 : i32
    %dma_wait3A_947 = arith.constant 448 : i32
    %dma_wait3A_948 = tpu.memref_slice %arg10[%dma_wait3A_946, %dma_wait3A_947] : memref<1x512xi32, #tpu.memory_space<vmem>> -> memref<1x64xi32, #tpu.memory_space<vmem>>
    %dma_wait3A_949 = tpu.memref_squeeze %dma_wait3A_948 : memref<1x64xi32, #tpu.memory_space<vmem>> -> memref<64xi32, #tpu.memory_space<vmem>>
    %dma_wait3A_950 = arith.constant 0 : i32
    %dma_wait3A_951 = arith.constant 0 : i32
    %dma_wait3A_952 = tpu.memref_slice %arg4[%dma_wait3A_950, %dma_wait3A_951] : memref<100000x128xf32, #tpu.memory_space<hbm>> -> memref<100000x128xf32, #tpu.memory_space<hbm>>
    tpu.wait_indirect_dma semaphore(%arg26 : memref<!tpu.dma_semaphore, #tpu.memory_space<semaphore_mem>>) src(%dma_wait3A_952 : memref<100000x128xf32, #tpu.memory_space<hbm>>) dst(%arg22 : memref<64x128xf32, #tpu.memory_space<vmem>>)
    %dma_wait3A_953 = arith.constant 0 : i32
    %dma_wait3A_954 = arith.constant 448 : i32
    %dma_wait3A_955 = tpu.memref_slice %arg11[%dma_wait3A_953, %dma_wait3A_954] : memref<1x512xi32, #tpu.memory_space<vmem>> -> memref<1x64xi32, #tpu.memory_space<vmem>>
    %dma_wait3A_956 = tpu.memref_squeeze %dma_wait3A_955 : memref<1x64xi32, #tpu.memory_space<vmem>> -> memref<64xi32, #tpu.memory_space<vmem>>
    %dma_wait3A_957 = arith.constant 0 : i32
    %dma_wait3A_958 = arith.constant 0 : i32
    %dma_wait3A_959 = tpu.memref_slice %arg5[%dma_wait3A_957, %dma_wait3A_958] : memref<100000x128xf32, #tpu.memory_space<hbm>> -> memref<100000x128xf32, #tpu.memory_space<hbm>>
    tpu.wait_indirect_dma semaphore(%arg26 : memref<!tpu.dma_semaphore, #tpu.memory_space<semaphore_mem>>) src(%dma_wait3A_959 : memref<100000x128xf32, #tpu.memory_space<hbm>>) dst(%arg23 : memref<64x128xf32, #tpu.memory_space<vmem>>)
    %dma_wait3A_960 = arith.constant 0 : i32
    %dma_wait3A_961 = arith.constant 448 : i32
    %dma_wait3A_962 = tpu.memref_slice %arg12[%dma_wait3A_960, %dma_wait3A_961] : memref<1x512xi32, #tpu.memory_space<vmem>> -> memref<1x64xi32, #tpu.memory_space<vmem>>
    %dma_wait3A_963 = tpu.memref_squeeze %dma_wait3A_962 : memref<1x64xi32, #tpu.memory_space<vmem>> -> memref<64xi32, #tpu.memory_space<vmem>>
    %dma_wait3A_964 = arith.constant 0 : i32
    %dma_wait3A_965 = arith.constant 0 : i32
    %dma_wait3A_966 = tpu.memref_slice %arg4[%dma_wait3A_964, %dma_wait3A_965] : memref<100000x128xf32, #tpu.memory_space<hbm>> -> memref<100000x128xf32, #tpu.memory_space<hbm>>
    tpu.wait_indirect_dma semaphore(%arg26 : memref<!tpu.dma_semaphore, #tpu.memory_space<semaphore_mem>>) src(%dma_wait3A_966 : memref<100000x128xf32, #tpu.memory_space<hbm>>) dst(%arg24 : memref<64x128xf32, #tpu.memory_space<vmem>>)
    %scan3A_967 = arith.constant 0 : i32
    %scan3A_968 = arith.constant 64 : i32
    %scan3A_969 = arith.addi %scan3A_967, %scan3A_968 : i32
    %scan3A_970 = arith.constant 1 : i32
    %scan3A_971 = scf.for %scan3A_979 = %scan3A_967 to %scan3A_969 step %scan3A_970 iter_args(%scan3A_980 = %scan3A_923) -> (vector<16xf32>)  : i32 {
      %broadcast_in_dim3A_981 = arith.constant 0.000000e+00 : f32
      %broadcast_in_dim3A_982 = vector.broadcast %broadcast_in_dim3A_981 : f32 to vector<16xf32>
      %get3A = arith.index_cast %scan3A_979 : i32 to index
      %get3A_983 = arith.constant 0 : index
      %get3A_984 = tpu.vector_load %arg19[%get3A, %get3A_983] {strides = array<i32>} : memref<64x128xf32, #tpu.memory_space<vmem>>, vector<1x16xf32>,
      %get3A_985 = vector.shape_cast %get3A_984 : vector<1x16xf32> to vector<16xf32>
      %get3A_986 = arith.index_cast %scan3A_979 : i32 to index
      %get3A_987 = arith.constant 0 : index
      %get3A_988 = tpu.vector_load %arg20[%get3A_986, %get3A_987] {strides = array<i32>} : memref<64x128xf32, #tpu.memory_space<vmem>>, vector<1x16xf32>,
      %get3A_989 = vector.shape_cast %get3A_988 : vector<1x16xf32> to vector<16xf32>
      %add3A_990 = arith.addf %get3A_985, %get3A_989 : vector<16xf32>
      %get3A_991 = arith.index_cast %scan3A_979 : i32 to index
      %get3A_992 = arith.constant 0 : index
      %get3A_993 = tpu.vector_load %arg21[%get3A_991, %get3A_992] {strides = array<i32>} : memref<64x128xf32, #tpu.memory_space<vmem>>, vector<1x16xf32>,
      %get3A_994 = vector.shape_cast %get3A_993 : vector<1x16xf32> to vector<16xf32>
      %sub3A = arith.subf %add3A_990, %get3A_994 : vector<16xf32>
      %abs3A = math.absf %sub3A : vector<16xf32>
      %get3A_995 = arith.index_cast %scan3A_979 : i32 to index
      %get3A_996 = arith.constant 0 : index
      %get3A_997 = tpu.vector_load %arg22[%get3A_995, %get3A_996] {strides = array<i32>} : memref<64x128xf32, #tpu.memory_space<vmem>>, vector<1x16xf32>,
      %get3A_998 = vector.shape_cast %get3A_997 : vector<1x16xf32> to vector<16xf32>
      %get3A_999 = arith.index_cast %scan3A_979 : i32 to index
      %get3A_1000 = arith.constant 0 : index
      %get3A_1001 = tpu.vector_load %arg23[%get3A_999, %get3A_1000] {strides = array<i32>} : memref<64x128xf32, #tpu.memory_space<vmem>>, vector<1x16xf32>,
      %get3A_1002 = vector.shape_cast %get3A_1001 : vector<1x16xf32> to vector<16xf32>
      %add3A_1003 = arith.addf %get3A_998, %get3A_1002 : vector<16xf32>
      %get3A_1004 = arith.index_cast %scan3A_979 : i32 to index
      %get3A_1005 = arith.constant 0 : index
      %get3A_1006 = tpu.vector_load %arg24[%get3A_1004, %get3A_1005] {strides = array<i32>} : memref<64x128xf32, #tpu.memory_space<vmem>>, vector<1x16xf32>,
      %get3A_1007 = vector.shape_cast %get3A_1006 : vector<1x16xf32> to vector<16xf32>
      %sub3A_1008 = arith.subf %add3A_1003, %get3A_1007 : vector<16xf32>
      %abs3A_1009 = math.absf %sub3A_1008 : vector<16xf32>
      %sub3A_1010 = arith.subf %abs3A_1009, %abs3A : vector<16xf32>
      %add3A_1011 = arith.addf %broadcast_in_dim3A_982, %sub3A_1010 : vector<16xf32>
      %get3A_1012 = arith.index_cast %scan3A_979 : i32 to index
      %get3A_1013 = arith.constant 16 : index
      %get3A_1014 = tpu.vector_load %arg19[%get3A_1012, %get3A_1013] {strides = array<i32>} : memref<64x128xf32, #tpu.memory_space<vmem>>, vector<1x16xf32>,
      %get3A_1015 = vector.shape_cast %get3A_1014 : vector<1x16xf32> to vector<16xf32>
      %get3A_1016 = arith.index_cast %scan3A_979 : i32 to index
      %get3A_1017 = arith.constant 16 : index
      %get3A_1018 = tpu.vector_load %arg20[%get3A_1016, %get3A_1017] {strides = array<i32>} : memref<64x128xf32, #tpu.memory_space<vmem>>, vector<1x16xf32>,
      %get3A_1019 = vector.shape_cast %get3A_1018 : vector<1x16xf32> to vector<16xf32>
      %add3A_1020 = arith.addf %get3A_1015, %get3A_1019 : vector<16xf32>
      %get3A_1021 = arith.index_cast %scan3A_979 : i32 to index
      %get3A_1022 = arith.constant 16 : index
      %get3A_1023 = tpu.vector_load %arg21[%get3A_1021, %get3A_1022] {strides = array<i32>} : memref<64x128xf32, #tpu.memory_space<vmem>>, vector<1x16xf32>,
      %get3A_1024 = vector.shape_cast %get3A_1023 : vector<1x16xf32> to vector<16xf32>
      %sub3A_1025 = arith.subf %add3A_1020, %get3A_1024 : vector<16xf32>
      %abs3A_1026 = math.absf %sub3A_1025 : vector<16xf32>
      %get3A_1027 = arith.index_cast %scan3A_979 : i32 to index
      %get3A_1028 = arith.constant 16 : index
      %get3A_1029 = tpu.vector_load %arg22[%get3A_1027, %get3A_1028] {strides = array<i32>} : memref<64x128xf32, #tpu.memory_space<vmem>>, vector<1x16xf32>,
      %get3A_1030 = vector.shape_cast %get3A_1029 : vector<1x16xf32> to vector<16xf32>
      %get3A_1031 = arith.index_cast %scan3A_979 : i32 to index
      %get3A_1032 = arith.constant 16 : index
      %get3A_1033 = tpu.vector_load %arg23[%get3A_1031, %get3A_1032] {strides = array<i32>} : memref<64x128xf32, #tpu.memory_space<vmem>>, vector<1x16xf32>,
      %get3A_1034 = vector.shape_cast %get3A_1033 : vector<1x16xf32> to vector<16xf32>
      %add3A_1035 = arith.addf %get3A_1030, %get3A_1034 : vector<16xf32>
      %get3A_1036 = arith.index_cast %scan3A_979 : i32 to index
      %get3A_1037 = arith.constant 16 : index
      %get3A_1038 = tpu.vector_load %arg24[%get3A_1036, %get3A_1037] {strides = array<i32>} : memref<64x128xf32, #tpu.memory_space<vmem>>, vector<1x16xf32>,
      %get3A_1039 = vector.shape_cast %get3A_1038 : vector<1x16xf32> to vector<16xf32>
      %sub3A_1040 = arith.subf %add3A_1035, %get3A_1039 : vector<16xf32>
      %abs3A_1041 = math.absf %sub3A_1040 : vector<16xf32>
      %sub3A_1042 = arith.subf %abs3A_1041, %abs3A_1026 : vector<16xf32>
      %add3A_1043 = arith.addf %add3A_1011, %sub3A_1042 : vector<16xf32>
      %get3A_1044 = arith.index_cast %scan3A_979 : i32 to index
      %get3A_1045 = arith.constant 32 : index
      %get3A_1046 = tpu.vector_load %arg19[%get3A_1044, %get3A_1045] {strides = array<i32>} : memref<64x128xf32, #tpu.memory_space<vmem>>, vector<1x16xf32>,
      %get3A_1047 = vector.shape_cast %get3A_1046 : vector<1x16xf32> to vector<16xf32>
      %get3A_1048 = arith.index_cast %scan3A_979 : i32 to index
      %get3A_1049 = arith.constant 32 : index
      %get3A_1050 = tpu.vector_load %arg20[%get3A_1048, %get3A_1049] {strides = array<i32>} : memref<64x128xf32, #tpu.memory_space<vmem>>, vector<1x16xf32>,
      %get3A_1051 = vector.shape_cast %get3A_1050 : vector<1x16xf32> to vector<16xf32>
      %add3A_1052 = arith.addf %get3A_1047, %get3A_1051 : vector<16xf32>
      %get3A_1053 = arith.index_cast %scan3A_979 : i32 to index
      %get3A_1054 = arith.constant 32 : index
      %get3A_1055 = tpu.vector_load %arg21[%get3A_1053, %get3A_1054] {strides = array<i32>} : memref<64x128xf32, #tpu.memory_space<vmem>>, vector<1x16xf32>,
      %get3A_1056 = vector.shape_cast %get3A_1055 : vector<1x16xf32> to vector<16xf32>
      %sub3A_1057 = arith.subf %add3A_1052, %get3A_1056 : vector<16xf32>
      %abs3A_1058 = math.absf %sub3A_1057 : vector<16xf32>
      %get3A_1059 = arith.index_cast %scan3A_979 : i32 to index
      %get3A_1060 = arith.constant 32 : index
      %get3A_1061 = tpu.vector_load %arg22[%get3A_1059, %get3A_1060] {strides = array<i32>} : memref<64x128xf32, #tpu.memory_space<vmem>>, vector<1x16xf32>,
      %get3A_1062 = vector.shape_cast %get3A_1061 : vector<1x16xf32> to vector<16xf32>
      %get3A_1063 = arith.index_cast %scan3A_979 : i32 to index
      %get3A_1064 = arith.constant 32 : index
      %get3A_1065 = tpu.vector_load %arg23[%get3A_1063, %get3A_1064] {strides = array<i32>} : memref<64x128xf32, #tpu.memory_space<vmem>>, vector<1x16xf32>,
      %get3A_1066 = vector.shape_cast %get3A_1065 : vector<1x16xf32> to vector<16xf32>
      %add3A_1067 = arith.addf %get3A_1062, %get3A_1066 : vector<16xf32>
      %get3A_1068 = arith.index_cast %scan3A_979 : i32 to index
      %get3A_1069 = arith.constant 32 : index
      %get3A_1070 = tpu.vector_load %arg24[%get3A_1068, %get3A_1069] {strides = array<i32>} : memref<64x128xf32, #tpu.memory_space<vmem>>, vector<1x16xf32>,
      %get3A_1071 = vector.shape_cast %get3A_1070 : vector<1x16xf32> to vector<16xf32>
      %sub3A_1072 = arith.subf %add3A_1067, %get3A_1071 : vector<16xf32>
      %abs3A_1073 = math.absf %sub3A_1072 : vector<16xf32>
      %sub3A_1074 = arith.subf %abs3A_1073, %abs3A_1058 : vector<16xf32>
      %add3A_1075 = arith.addf %add3A_1043, %sub3A_1074 : vector<16xf32>
      %get3A_1076 = arith.index_cast %scan3A_979 : i32 to index
      %get3A_1077 = arith.constant 48 : index
      %get3A_1078 = tpu.vector_load %arg19[%get3A_1076, %get3A_1077] {strides = array<i32>} : memref<64x128xf32, #tpu.memory_space<vmem>>, vector<1x16xf32>,
      %get3A_1079 = vector.shape_cast %get3A_1078 : vector<1x16xf32> to vector<16xf32>
      %get3A_1080 = arith.index_cast %scan3A_979 : i32 to index
      %get3A_1081 = arith.constant 48 : index
      %get3A_1082 = tpu.vector_load %arg20[%get3A_1080, %get3A_1081] {strides = array<i32>} : memref<64x128xf32, #tpu.memory_space<vmem>>, vector<1x16xf32>,
      %get3A_1083 = vector.shape_cast %get3A_1082 : vector<1x16xf32> to vector<16xf32>
      %add3A_1084 = arith.addf %get3A_1079, %get3A_1083 : vector<16xf32>
      %get3A_1085 = arith.index_cast %scan3A_979 : i32 to index
      %get3A_1086 = arith.constant 48 : index
      %get3A_1087 = tpu.vector_load %arg21[%get3A_1085, %get3A_1086] {strides = array<i32>} : memref<64x128xf32, #tpu.memory_space<vmem>>, vector<1x16xf32>,
      %get3A_1088 = vector.shape_cast %get3A_1087 : vector<1x16xf32> to vector<16xf32>
      %sub3A_1089 = arith.subf %add3A_1084, %get3A_1088 : vector<16xf32>
      %abs3A_1090 = math.absf %sub3A_1089 : vector<16xf32>
      %get3A_1091 = arith.index_cast %scan3A_979 : i32 to index
      %get3A_1092 = arith.constant 48 : index
      %get3A_1093 = tpu.vector_load %arg22[%get3A_1091, %get3A_1092] {strides = array<i32>} : memref<64x128xf32, #tpu.memory_space<vmem>>, vector<1x16xf32>,
      %get3A_1094 = vector.shape_cast %get3A_1093 : vector<1x16xf32> to vector<16xf32>
      %get3A_1095 = arith.index_cast %scan3A_979 : i32 to index
      %get3A_1096 = arith.constant 48 : index
      %get3A_1097 = tpu.vector_load %arg23[%get3A_1095, %get3A_1096] {strides = array<i32>} : memref<64x128xf32, #tpu.memory_space<vmem>>, vector<1x16xf32>,
      %get3A_1098 = vector.shape_cast %get3A_1097 : vector<1x16xf32> to vector<16xf32>
      %add3A_1099 = arith.addf %get3A_1094, %get3A_1098 : vector<16xf32>
      %get3A_1100 = arith.index_cast %scan3A_979 : i32 to index
      %get3A_1101 = arith.constant 48 : index
      %get3A_1102 = tpu.vector_load %arg24[%get3A_1100, %get3A_1101] {strides = array<i32>} : memref<64x128xf32, #tpu.memory_space<vmem>>, vector<1x16xf32>,
      %get3A_1103 = vector.shape_cast %get3A_1102 : vector<1x16xf32> to vector<16xf32>
      %sub3A_1104 = arith.subf %add3A_1099, %get3A_1103 : vector<16xf32>
      %abs3A_1105 = math.absf %sub3A_1104 : vector<16xf32>
      %sub3A_1106 = arith.subf %abs3A_1105, %abs3A_1090 : vector<16xf32>
      %add3A_1107 = arith.addf %add3A_1075, %sub3A_1106 : vector<16xf32>
      %get3A_1108 = arith.index_cast %scan3A_979 : i32 to index
      %get3A_1109 = arith.constant 64 : index
      %get3A_1110 = tpu.vector_load %arg19[%get3A_1108, %get3A_1109] {strides = array<i32>} : memref<64x128xf32, #tpu.memory_space<vmem>>, vector<1x16xf32>,
      %get3A_1111 = vector.shape_cast %get3A_1110 : vector<1x16xf32> to vector<16xf32>
      %get3A_1112 = arith.index_cast %scan3A_979 : i32 to index
      %get3A_1113 = arith.constant 64 : index
      %get3A_1114 = tpu.vector_load %arg20[%get3A_1112, %get3A_1113] {strides = array<i32>} : memref<64x128xf32, #tpu.memory_space<vmem>>, vector<1x16xf32>,
      %get3A_1115 = vector.shape_cast %get3A_1114 : vector<1x16xf32> to vector<16xf32>
      %add3A_1116 = arith.addf %get3A_1111, %get3A_1115 : vector<16xf32>
      %get3A_1117 = arith.index_cast %scan3A_979 : i32 to index
      %get3A_1118 = arith.constant 64 : index
      %get3A_1119 = tpu.vector_load %arg21[%get3A_1117, %get3A_1118] {strides = array<i32>} : memref<64x128xf32, #tpu.memory_space<vmem>>, vector<1x16xf32>,
      %get3A_1120 = vector.shape_cast %get3A_1119 : vector<1x16xf32> to vector<16xf32>
      %sub3A_1121 = arith.subf %add3A_1116, %get3A_1120 : vector<16xf32>
      %abs3A_1122 = math.absf %sub3A_1121 : vector<16xf32>
      %get3A_1123 = arith.index_cast %scan3A_979 : i32 to index
      %get3A_1124 = arith.constant 64 : index
      %get3A_1125 = tpu.vector_load %arg22[%get3A_1123, %get3A_1124] {strides = array<i32>} : memref<64x128xf32, #tpu.memory_space<vmem>>, vector<1x16xf32>,
      %get3A_1126 = vector.shape_cast %get3A_1125 : vector<1x16xf32> to vector<16xf32>
      %get3A_1127 = arith.index_cast %scan3A_979 : i32 to index
      %get3A_1128 = arith.constant 64 : index
      %get3A_1129 = tpu.vector_load %arg23[%get3A_1127, %get3A_1128] {strides = array<i32>} : memref<64x128xf32, #tpu.memory_space<vmem>>, vector<1x16xf32>,
      %get3A_1130 = vector.shape_cast %get3A_1129 : vector<1x16xf32> to vector<16xf32>
      %add3A_1131 = arith.addf %get3A_1126, %get3A_1130 : vector<16xf32>
      %get3A_1132 = arith.index_cast %scan3A_979 : i32 to index
      %get3A_1133 = arith.constant 64 : index
      %get3A_1134 = tpu.vector_load %arg24[%get3A_1132, %get3A_1133] {strides = array<i32>} : memref<64x128xf32, #tpu.memory_space<vmem>>, vector<1x16xf32>,
      %get3A_1135 = vector.shape_cast %get3A_1134 : vector<1x16xf32> to vector<16xf32>
      %sub3A_1136 = arith.subf %add3A_1131, %get3A_1135 : vector<16xf32>
      %abs3A_1137 = math.absf %sub3A_1136 : vector<16xf32>
      %sub3A_1138 = arith.subf %abs3A_1137, %abs3A_1122 : vector<16xf32>
      %add3A_1139 = arith.addf %add3A_1107, %sub3A_1138 : vector<16xf32>
      %get3A_1140 = arith.index_cast %scan3A_979 : i32 to index
      %get3A_1141 = arith.constant 80 : index
      %get3A_1142 = tpu.vector_load %arg19[%get3A_1140, %get3A_1141] {strides = array<i32>} : memref<64x128xf32, #tpu.memory_space<vmem>>, vector<1x16xf32>,
      %get3A_1143 = vector.shape_cast %get3A_1142 : vector<1x16xf32> to vector<16xf32>
      %get3A_1144 = arith.index_cast %scan3A_979 : i32 to index
      %get3A_1145 = arith.constant 80 : index
      %get3A_1146 = tpu.vector_load %arg20[%get3A_1144, %get3A_1145] {strides = array<i32>} : memref<64x128xf32, #tpu.memory_space<vmem>>, vector<1x16xf32>,
      %get3A_1147 = vector.shape_cast %get3A_1146 : vector<1x16xf32> to vector<16xf32>
      %add3A_1148 = arith.addf %get3A_1143, %get3A_1147 : vector<16xf32>
      %get3A_1149 = arith.index_cast %scan3A_979 : i32 to index
      %get3A_1150 = arith.constant 80 : index
      %get3A_1151 = tpu.vector_load %arg21[%get3A_1149, %get3A_1150] {strides = array<i32>} : memref<64x128xf32, #tpu.memory_space<vmem>>, vector<1x16xf32>,
      %get3A_1152 = vector.shape_cast %get3A_1151 : vector<1x16xf32> to vector<16xf32>
      %sub3A_1153 = arith.subf %add3A_1148, %get3A_1152 : vector<16xf32>
      %abs3A_1154 = math.absf %sub3A_1153 : vector<16xf32>
      %get3A_1155 = arith.index_cast %scan3A_979 : i32 to index
      %get3A_1156 = arith.constant 80 : index
      %get3A_1157 = tpu.vector_load %arg22[%get3A_1155, %get3A_1156] {strides = array<i32>} : memref<64x128xf32, #tpu.memory_space<vmem>>, vector<1x16xf32>,
      %get3A_1158 = vector.shape_cast %get3A_1157 : vector<1x16xf32> to vector<16xf32>
      %get3A_1159 = arith.index_cast %scan3A_979 : i32 to index
      %get3A_1160 = arith.constant 80 : index
      %get3A_1161 = tpu.vector_load %arg23[%get3A_1159, %get3A_1160] {strides = array<i32>} : memref<64x128xf32, #tpu.memory_space<vmem>>, vector<1x16xf32>,
      %get3A_1162 = vector.shape_cast %get3A_1161 : vector<1x16xf32> to vector<16xf32>
      %add3A_1163 = arith.addf %get3A_1158, %get3A_1162 : vector<16xf32>
      %get3A_1164 = arith.index_cast %scan3A_979 : i32 to index
      %get3A_1165 = arith.constant 80 : index
      %get3A_1166 = tpu.vector_load %arg24[%get3A_1164, %get3A_1165] {strides = array<i32>} : memref<64x128xf32, #tpu.memory_space<vmem>>, vector<1x16xf32>,
      %get3A_1167 = vector.shape_cast %get3A_1166 : vector<1x16xf32> to vector<16xf32>
      %sub3A_1168 = arith.subf %add3A_1163, %get3A_1167 : vector<16xf32>
      %abs3A_1169 = math.absf %sub3A_1168 : vector<16xf32>
      %sub3A_1170 = arith.subf %abs3A_1169, %abs3A_1154 : vector<16xf32>
      %add3A_1171 = arith.addf %add3A_1139, %sub3A_1170 : vector<16xf32>
      %get3A_1172 = arith.index_cast %scan3A_979 : i32 to index
      %get3A_1173 = arith.constant 96 : index
      %get3A_1174 = tpu.vector_load %arg19[%get3A_1172, %get3A_1173] {strides = array<i32>} : memref<64x128xf32, #tpu.memory_space<vmem>>, vector<1x16xf32>,
      %get3A_1175 = vector.shape_cast %get3A_1174 : vector<1x16xf32> to vector<16xf32>
      %get3A_1176 = arith.index_cast %scan3A_979 : i32 to index
      %get3A_1177 = arith.constant 96 : index
      %get3A_1178 = tpu.vector_load %arg20[%get3A_1176, %get3A_1177] {strides = array<i32>} : memref<64x128xf32, #tpu.memory_space<vmem>>, vector<1x16xf32>,
      %get3A_1179 = vector.shape_cast %get3A_1178 : vector<1x16xf32> to vector<16xf32>
      %add3A_1180 = arith.addf %get3A_1175, %get3A_1179 : vector<16xf32>
      %get3A_1181 = arith.index_cast %scan3A_979 : i32 to index
      %get3A_1182 = arith.constant 96 : index
      %get3A_1183 = tpu.vector_load %arg21[%get3A_1181, %get3A_1182] {strides = array<i32>} : memref<64x128xf32, #tpu.memory_space<vmem>>, vector<1x16xf32>,
      %get3A_1184 = vector.shape_cast %get3A_1183 : vector<1x16xf32> to vector<16xf32>
      %sub3A_1185 = arith.subf %add3A_1180, %get3A_1184 : vector<16xf32>
      %abs3A_1186 = math.absf %sub3A_1185 : vector<16xf32>
      %get3A_1187 = arith.index_cast %scan3A_979 : i32 to index
      %get3A_1188 = arith.constant 96 : index
      %get3A_1189 = tpu.vector_load %arg22[%get3A_1187, %get3A_1188] {strides = array<i32>} : memref<64x128xf32, #tpu.memory_space<vmem>>, vector<1x16xf32>,
      %get3A_1190 = vector.shape_cast %get3A_1189 : vector<1x16xf32> to vector<16xf32>
      %get3A_1191 = arith.index_cast %scan3A_979 : i32 to index
      %get3A_1192 = arith.constant 96 : index
      %get3A_1193 = tpu.vector_load %arg23[%get3A_1191, %get3A_1192] {strides = array<i32>} : memref<64x128xf32, #tpu.memory_space<vmem>>, vector<1x16xf32>,
      %get3A_1194 = vector.shape_cast %get3A_1193 : vector<1x16xf32> to vector<16xf32>
      %add3A_1195 = arith.addf %get3A_1190, %get3A_1194 : vector<16xf32>
      %get3A_1196 = arith.index_cast %scan3A_979 : i32 to index
      %get3A_1197 = arith.constant 96 : index
      %get3A_1198 = tpu.vector_load %arg24[%get3A_1196, %get3A_1197] {strides = array<i32>} : memref<64x128xf32, #tpu.memory_space<vmem>>, vector<1x16xf32>,
      %get3A_1199 = vector.shape_cast %get3A_1198 : vector<1x16xf32> to vector<16xf32>
      %sub3A_1200 = arith.subf %add3A_1195, %get3A_1199 : vector<16xf32>
      %abs3A_1201 = math.absf %sub3A_1200 : vector<16xf32>
      %sub3A_1202 = arith.subf %abs3A_1201, %abs3A_1186 : vector<16xf32>
      %add3A_1203 = arith.addf %add3A_1171, %sub3A_1202 : vector<16xf32>
      %get3A_1204 = arith.index_cast %scan3A_979 : i32 to index
      %get3A_1205 = arith.constant 112 : index
      %get3A_1206 = tpu.vector_load %arg19[%get3A_1204, %get3A_1205] {strides = array<i32>} : memref<64x128xf32, #tpu.memory_space<vmem>>, vector<1x16xf32>,
      %get3A_1207 = vector.shape_cast %get3A_1206 : vector<1x16xf32> to vector<16xf32>
      %get3A_1208 = arith.index_cast %scan3A_979 : i32 to index
      %get3A_1209 = arith.constant 112 : index
      %get3A_1210 = tpu.vector_load %arg20[%get3A_1208, %get3A_1209] {strides = array<i32>} : memref<64x128xf32, #tpu.memory_space<vmem>>, vector<1x16xf32>,
      %get3A_1211 = vector.shape_cast %get3A_1210 : vector<1x16xf32> to vector<16xf32>
      %add3A_1212 = arith.addf %get3A_1207, %get3A_1211 : vector<16xf32>
      %get3A_1213 = arith.index_cast %scan3A_979 : i32 to index
      %get3A_1214 = arith.constant 112 : index
      %get3A_1215 = tpu.vector_load %arg21[%get3A_1213, %get3A_1214] {strides = array<i32>} : memref<64x128xf32, #tpu.memory_space<vmem>>, vector<1x16xf32>,
      %get3A_1216 = vector.shape_cast %get3A_1215 : vector<1x16xf32> to vector<16xf32>
      %sub3A_1217 = arith.subf %add3A_1212, %get3A_1216 : vector<16xf32>
      %abs3A_1218 = math.absf %sub3A_1217 : vector<16xf32>
      %get3A_1219 = arith.index_cast %scan3A_979 : i32 to index
      %get3A_1220 = arith.constant 112 : index
      %get3A_1221 = tpu.vector_load %arg22[%get3A_1219, %get3A_1220] {strides = array<i32>} : memref<64x128xf32, #tpu.memory_space<vmem>>, vector<1x16xf32>,
      %get3A_1222 = vector.shape_cast %get3A_1221 : vector<1x16xf32> to vector<16xf32>
      %get3A_1223 = arith.index_cast %scan3A_979 : i32 to index
      %get3A_1224 = arith.constant 112 : index
      %get3A_1225 = tpu.vector_load %arg23[%get3A_1223, %get3A_1224] {strides = array<i32>} : memref<64x128xf32, #tpu.memory_space<vmem>>, vector<1x16xf32>,
      %get3A_1226 = vector.shape_cast %get3A_1225 : vector<1x16xf32> to vector<16xf32>
      %add3A_1227 = arith.addf %get3A_1222, %get3A_1226 : vector<16xf32>
      %get3A_1228 = arith.index_cast %scan3A_979 : i32 to index
      %get3A_1229 = arith.constant 112 : index
      %get3A_1230 = tpu.vector_load %arg24[%get3A_1228, %get3A_1229] {strides = array<i32>} : memref<64x128xf32, #tpu.memory_space<vmem>>, vector<1x16xf32>,
      %get3A_1231 = vector.shape_cast %get3A_1230 : vector<1x16xf32> to vector<16xf32>
      %sub3A_1232 = arith.subf %add3A_1227, %get3A_1231 : vector<16xf32>
      %abs3A_1233 = math.absf %sub3A_1232 : vector<16xf32>
      %sub3A_1234 = arith.subf %abs3A_1233, %abs3A_1218 : vector<16xf32>
      %add3A_1235 = arith.addf %add3A_1203, %sub3A_1234 : vector<16xf32>
      %xor3A = arith.constant 1 : i32
      %xor3A_1236 = vector.broadcast %xor3A : i32 to vector<16xi32>
      %xor3A_1237 = arith.xori %iota3A, %xor3A_1236 : vector<16xi32>
      %lt3A = arith.constant 0 : i32
      %lt3A_1238 = vector.broadcast %lt3A : i32 to vector<16xi32>
      %lt3A_1239 = arith.cmpi slt, %xor3A_1237, %lt3A_1238 : vector<16xi32>
      %add3A_1240 = arith.constant 16 : i32
      %add3A_1241 = vector.broadcast %add3A_1240 : i32 to vector<16xi32>
      %add3A_1242 = arith.addi %xor3A_1237, %add3A_1241 : vector<16xi32>
      %select_n3A = arith.select %lt3A_1239, %add3A_1242, %xor3A_1237 : vector<16xi1>, vector<16xi32>
      %broadcast_in_dim3A_1243 = vector.shape_cast %select_n3A : vector<16xi32> to vector<16x1xi32>
      %gather3A = vector.shape_cast %broadcast_in_dim3A_1243 : vector<16x1xi32> to vector<16xi32>
      %gather3A_1244 = tpu.dynamic_gather %add3A_1235[%gather3A] in [0] : vector<16xf32>, vector<16xi32> -> vector<16xf32>
      %add3A_1245 = arith.addf %add3A_1235, %gather3A_1244 : vector<16xf32>
      %xor3A_1246 = arith.constant 2 : i32
      %xor3A_1247 = vector.broadcast %xor3A_1246 : i32 to vector<16xi32>
      %xor3A_1248 = arith.xori %iota3A, %xor3A_1247 : vector<16xi32>
      %lt3A_1249 = arith.constant 0 : i32
      %lt3A_1250 = vector.broadcast %lt3A_1249 : i32 to vector<16xi32>
      %lt3A_1251 = arith.cmpi slt, %xor3A_1248, %lt3A_1250 : vector<16xi32>
      %add3A_1252 = arith.constant 16 : i32
      %add3A_1253 = vector.broadcast %add3A_1252 : i32 to vector<16xi32>
      %add3A_1254 = arith.addi %xor3A_1248, %add3A_1253 : vector<16xi32>
      %select_n3A_1255 = arith.select %lt3A_1251, %add3A_1254, %xor3A_1248 : vector<16xi1>, vector<16xi32>
      %broadcast_in_dim3A_1256 = vector.shape_cast %select_n3A_1255 : vector<16xi32> to vector<16x1xi32>
      %gather3A_1257 = vector.shape_cast %broadcast_in_dim3A_1256 : vector<16x1xi32> to vector<16xi32>
      %gather3A_1258 = tpu.dynamic_gather %add3A_1245[%gather3A_1257] in [0] : vector<16xf32>, vector<16xi32> -> vector<16xf32>
      %add3A_1259 = arith.addf %add3A_1245, %gather3A_1258 : vector<16xf32>
      %xor3A_1260 = arith.constant 4 : i32
      %xor3A_1261 = vector.broadcast %xor3A_1260 : i32 to vector<16xi32>
      %xor3A_1262 = arith.xori %iota3A, %xor3A_1261 : vector<16xi32>
      %lt3A_1263 = arith.constant 0 : i32
      %lt3A_1264 = vector.broadcast %lt3A_1263 : i32 to vector<16xi32>
      %lt3A_1265 = arith.cmpi slt, %xor3A_1262, %lt3A_1264 : vector<16xi32>
      %add3A_1266 = arith.constant 16 : i32
      %add3A_1267 = vector.broadcast %add3A_1266 : i32 to vector<16xi32>
      %add3A_1268 = arith.addi %xor3A_1262, %add3A_1267 : vector<16xi32>
      %select_n3A_1269 = arith.select %lt3A_1265, %add3A_1268, %xor3A_1262 : vector<16xi1>, vector<16xi32>
      %broadcast_in_dim3A_1270 = vector.shape_cast %select_n3A_1269 : vector<16xi32> to vector<16x1xi32>
      %gather3A_1271 = vector.shape_cast %broadcast_in_dim3A_1270 : vector<16x1xi32> to vector<16xi32>
      %gather3A_1272 = tpu.dynamic_gather %add3A_1259[%gather3A_1271] in [0] : vector<16xf32>, vector<16xi32> -> vector<16xf32>
      %add3A_1273 = arith.addf %add3A_1259, %gather3A_1272 : vector<16xf32>
      %xor3A_1274 = arith.constant 8 : i32
      %xor3A_1275 = vector.broadcast %xor3A_1274 : i32 to vector<16xi32>
      %xor3A_1276 = arith.xori %iota3A, %xor3A_1275 : vector<16xi32>
      %lt3A_1277 = arith.constant 0 : i32
      %lt3A_1278 = vector.broadcast %lt3A_1277 : i32 to vector<16xi32>
      %lt3A_1279 = arith.cmpi slt, %xor3A_1276, %lt3A_1278 : vector<16xi32>
      %add3A_1280 = arith.constant 16 : i32
      %add3A_1281 = vector.broadcast %add3A_1280 : i32 to vector<16xi32>
      %add3A_1282 = arith.addi %xor3A_1276, %add3A_1281 : vector<16xi32>
      %select_n3A_1283 = arith.select %lt3A_1279, %add3A_1282, %xor3A_1276 : vector<16xi1>, vector<16xi32>
      %broadcast_in_dim3A_1284 = vector.shape_cast %select_n3A_1283 : vector<16xi32> to vector<16x1xi32>
      %gather3A_1285 = vector.shape_cast %broadcast_in_dim3A_1284 : vector<16x1xi32> to vector<16xi32>
      %gather3A_1286 = tpu.dynamic_gather %add3A_1273[%gather3A_1285] in [0] : vector<16xf32>, vector<16xi32> -> vector<16xf32>
      %add3A_1287 = arith.addf %add3A_1273, %gather3A_1286 : vector<16xf32>
      %add3A_1288 = arith.constant 1.000000e+00 : f32
      %add3A_1289 = vector.broadcast %add3A_1288 : f32 to vector<16xf32>
      %add3A_1290 = arith.addf %add3A_1287, %add3A_1289 : vector<16xf32>
      %max3A = arith.constant 0.000000e+00 : f32
      %max3A_1291 = vector.broadcast %max3A : f32 to vector<16xf32>
      %max3A_1292 = arith.maximumf %add3A_1290, %max3A_1291 : vector<16xf32>
      %add3A_1293 = arith.addf %scan3A_980, %max3A_1292 : vector<16xf32>
      scf.yield %add3A_1293 : vector<16xf32>
    }
    %scan3A_972 = arith.constant 64 : i32
    %mul3A_973 = arith.constant 6.250000e-02 : f32
    %mul3A_974 = vector.broadcast %mul3A_973 : f32 to vector<16xf32>
    %mul3A_975 = arith.mulf %scan3A_971, %mul3A_974 : vector<16xf32>
    %swap3A = arith.constant 0 : index
    %swap3A_976 = tpu.vector_load %arg25[%swap3A] {strides = array<i32>} : memref<16xf32, #tpu.memory_space<vmem>>, vector<16xf32>,
    %swap3A_977 = vector.shape_cast %swap3A_976 : vector<16xf32> to vector<16xf32>
    %swap3A_978 = vector.shape_cast %mul3A_975 : vector<16xf32> to vector<16xf32>
    tpu.vector_store %arg25[%swap3A], %swap3A_978 {strides = array<i32>} : memref<16xf32, #tpu.memory_space<vmem>>, vector<16xf32>,
    "tpu.region"() ({
      %run_scoped3A = tpu.sem_alloc : memref<!tpu.dma_semaphore, #tpu.memory_space<semaphore_mem>>
      %dma_start3A_979 = arith.constant 0 : i32
      %dma_start3A_980 = tpu.memref_slice %arg6[%add3A, %dma_start3A_979] : memref<32x16xf32, #tpu.memory_space<hbm>> -> memref<1x16xf32, #tpu.memory_space<hbm>>
      %dma_start3A_981 = tpu.memref_squeeze %dma_start3A_980 : memref<1x16xf32, #tpu.memory_space<hbm>> -> memref<16xf32, #tpu.memory_space<hbm>>
      %dma_start3A_982 = arith.constant 0 : i32
      %dma_start3A_983 = tpu.memref_slice %arg6[%add3A, %dma_start3A_982] : memref<32x16xf32, #tpu.memory_space<hbm>> -> memref<1x16xf32, #tpu.memory_space<hbm>>
      %dma_start3A_984 = tpu.memref_squeeze %dma_start3A_983 : memref<1x16xf32, #tpu.memory_space<hbm>> -> memref<16xf32, #tpu.memory_space<hbm>>
      tpu.enqueue_dma source(%arg25 : memref<16xf32, #tpu.memory_space<vmem>>) target(%dma_start3A_984 : memref<16xf32, #tpu.memory_space<hbm>>) target_semaphore(%run_scoped3A : memref<!tpu.dma_semaphore, #tpu.memory_space<semaphore_mem>>)
      %dma_wait3A_985 = arith.constant 0 : i32
      %dma_wait3A_986 = tpu.memref_slice %arg6[%add3A, %dma_wait3A_985] : memref<32x16xf32, #tpu.memory_space<hbm>> -> memref<1x16xf32, #tpu.memory_space<hbm>>
      %dma_wait3A_987 = tpu.memref_squeeze %dma_wait3A_986 : memref<1x16xf32, #tpu.memory_space<hbm>> -> memref<16xf32, #tpu.memory_space<hbm>>
      %dma_wait3A_988 = arith.constant 0 : i32
      %dma_wait3A_989 = tpu.memref_slice %arg6[%add3A, %dma_wait3A_988] : memref<32x16xf32, #tpu.memory_space<hbm>> -> memref<1x16xf32, #tpu.memory_space<hbm>>
      %dma_wait3A_990 = tpu.memref_squeeze %dma_wait3A_989 : memref<1x16xf32, #tpu.memory_space<hbm>> -> memref<16xf32, #tpu.memory_space<hbm>>
      tpu.wait_dma2 semaphore(%run_scoped3A : memref<!tpu.dma_semaphore, #tpu.memory_space<semaphore_mem>>) src(%arg25 : memref<16xf32, #tpu.memory_space<vmem>>) dst(%dma_wait3A_990 : memref<16xf32, #tpu.memory_space<hbm>>)
      tpu.yield
    }) : () -> ()
    return
  }
}

</mosaic_0001>

<sc_bundles>
// kernel: kernel.3.cloned.1.call-start
scs
__scs_entry_jumppad:
0x0: {  	(pc) =	sbr.rel $0x88, $3  }
0x1: {  	(tag) =	ssettag $0x0;
	lr =	simm.s32 $0x1  }
0x2: {  	[smem:$0x3F9D] =	sst lr;
	_ =	strace $0xD0000000  }
0x3: {  	_ = 	snop  }
0x4: {  	_ = 	snop  }
0x5: {  	_ = 	snop  }
0x6: {  	_ = 	snop  }
0x7: {  	_ = 	snop  }
__scs_overlays_trampoline_lowered:
0x8: {  	[smem:$0x3FAC] =	sst s0  }
0x9: {  	[smem:$0x3FAD] =	sst s1  }
0xa: {  	[smem:$0x3FAE] =	sst s2  }
0xb: {  	[smem:$0x3FAF] =	sst s3  }
0xc: {  	[smem:$0x3FB0] =	sst s4  }
0xd: {  	[smem:$0x3FB1] =	sst s5  }
0xe: {  	[smem:$0x3FB2] =	sst s6  }
0xf: {  	[smem:$0x3FB3] =	sst s7  }
0x10: {  	[smem:$0x3FB4] =	sst s8  }
0x11: {  	[smem:$0x3FB5] =	sst s9;
	s0 =	simm.s32 @!p0 $0x0  }
0x12: {  	s1 =	sld [smem:$0x3F9B];
	s0 =	simm.s32 @p0 $0x1  }
0x13: {  	[smem:$0x3FB6] =	sst s0;
	s0 =	simm.s32 @!p1 $0x0  }
0x14: {  	s2 =	sld [smem:$0x3F9A];
	s0 =	simm.s32 @p1 $0x1  }
0x15: {  	[smem:$0x3FB7] =	sst s0;
	s0 =	simm.s32 @!p2 $0x0  }
0x16: {  	s3 =	sld [smem:$0x3FDB];
	s0 =	simm.s32 @p2 $0x1  }
0x17: {  	s4 =	simm.s32 $0x1BF5;
	[smem:$0x3FB9] =	sst s0  }
0x18: {  	s0 =	sld [smem:$0x3F9C];
	_ =	swait.ge [sflag:s4], $0x0  }
0x19: {  	s7 =	sld [smem:$0x3F9D]  }
0x1a: {  	s8 =	sadd.s32 $0xFFFFE003, lr  }
0x1b: {  	s9 =	sadd.s32 $0xFFFFFEF7, lr;
	s5 =	simm.s32 $0xFFFFFFFF;
	p2 =	slt.u32 s8, $0xFFFFF086  }
0x1c: {  	p1 =	slt.u32 s9, $0xF7A;
	s5 =	simm.s32 @!p2 $0x0  }
0x1d: {  	s5 =	simm.s32 @p1 $0x1;
	p0 =	seq.s32 s7, s2  }
0x1e: {  	s7 =	smul.u32 @!p0 $0xF7A, s2;
	p2 =	seq.s32 @!p0 s5, $0x0  }
0x1f: {  	s9 =	smul.u32 $0xF7A, s1;
	s8 =	simm.s32 @!p0 $0x1BF5;
	p2 =	por !p2, p0  }
0x20: {  	[sflag:s8] =	ssyncset.s32 @!p0 $0xFFFFF086;
	s6 =	sadd.s32 @!p0 s3, s7;
	s7 =	simm.s32 @!p0 $0x108  }
0x21: {  	s3 =	sadd.s32 s3, s9;
	s6 =	sadd.s32 @!p0 $0x88, s6;
	s7 =	simm.s32 @p2 $0x1082  }
0x22: {  	[simem:s7], [sflag:s8] =	dma.local @!p0 [hbm:s6], $0xF7A  }
0x23: {  	s9 =	sor.u32 $0xD0000000, s2;
	s6 =	simm.s32 $0x108;
	_ =	swait.ge @!p0 [sflag:s8], $0x0  }
0x24: {  	s3 =	sadd.s32 $0x88, s3;
	s6 =	simm.s32 @!p1 $0x1082;
	[sflag:s4] =	ssyncset.s32 $0xFFFFF086  }
0x25: {  	[simem:s6], [sflag:s4] =	dma.local [hbm:s3], $0xF7A  }
0x26: {  	[smem:$0x3F9D] =	sst s1;
	(tag) =	ssettag s2;
	_ =	strace s9  }
0x27: {  	s1 =	sld [smem:$0x3FAD]  }
0x28: {  	s2 =	sld [smem:$0x3FAE]  }
0x29: {  	s4 =	sld [smem:$0x3FB0]  }
0x2a: {  	p0 =	seq.s32 s5, $0x0;
	s5 =	sld [smem:$0x3FB1]  }
0x2b: {  	s6 =	sld [smem:$0x3FB2]  }
0x2c: {  	s7 =	sld [smem:$0x3FB3]  }
0x2d: {  	s3 =	simm.s32 $0x108;
	s8 =	sld [smem:$0x3FB4]  }
0x2e: {  	s3 =	simm.s32 @!p0 $0x1082;
	s9 =	sld [smem:$0x3FB5]  }
0x2f: {  	lr =	sadd.s32 s0, s3;
	s0 =	sld [smem:$0x3FAC]  }
0x30: {  	s3 =	sld [smem:$0x3FAF]  }
0x31: {  	[smem:$0x3FB8] =	sst s10  }
0x32: {  	s10 =	sld [smem:$0x3FB6];
	_ =	sdelay $0x3  }
0x33: {  	p0 =	seq.s32 s10, $0x1;
	s10 =	sld [smem:$0x3FB8];
	_ =	sdelay $0x3  }
0x34: {  	[smem:$0x3FB8] =	sst s10  }
0x35: {  	s10 =	sld [smem:$0x3FB7];
	_ =	sdelay $0x3  }
0x36: {  	p1 =	seq.s32 s10, $0x1;
	s10 =	sld [smem:$0x3FB8];
	_ =	sdelay $0x3  }
0x37: {  	[smem:$0x3FB8] =	sst s10  }
0x38: {  	s10 =	sld [smem:$0x3FB9]  }
0x39: {  	_ = 	snop;
	(pc) =	sbr.ind lr, $3  }
0x3a: {  	_ = 	snop  }
0x3b: {  	_ = 	snop  }
0x3c: {  	p2 =	seq.s32 s10, $0x1;
	s10 =	sld [smem:$0x3FB8]  }
0x3d: {  	_ =	shalt  }
0x3e: {  	_ =	shalt  }
0x3f: {  	_ =	shalt  }
0x40: {  	_ =	shalt  }
0x41: {  	_ =	shalt  }
0x42: {  	_ =	shalt  }
0x43: {  	_ =	shalt  }
0x44: {  	_ =	shalt  }
0x45: {  	_ =	shalt  }
0x46: {  	_ =	shalt  }
0x47: {  	_ =	shalt  }
0x48: {  	_ =	shalt  }
0x49: {  	_ =	shalt  }
0x4a: {  	_ =	shalt  }
0x4b: {  	_ =	shalt  }
0x4c: {  	_ =	shalt  }
0x4d: {  	_ =	shalt  }
0x4e: {  	_ =	shalt  }
0x4f: {  	_ =	shalt  }
0x50: {  	_ =	shalt  }
0x51: {  	_ =	shalt  }
0x52: {  	_ =	shalt  }
0x53: {  	_ =	shalt  }
0x54: {  	_ =	shalt  }
0x55: {  	_ =	shalt  }
0x56: {  	_ =	shalt  }
0x57: {  	_ =	shalt  }
0x58: {  	_ =	shalt  }
0x59: {  	_ =	shalt  }
0x5a: {  	_ =	shalt  }
0x5b: {  	_ =	shalt  }
0x5c: {  	_ =	shalt  }
0x5d: {  	_ =	shalt  }
0x5e: {  	_ =	shalt  }
0x5f: {  	_ =	shalt  }
0x60: {  	_ =	shalt  }
0x61: {  	_ =	shalt  }
0x62: {  	_ =	shalt  }
0x63: {  	_ =	shalt  }
0x64: {  	_ =	shalt  }
0x65: {  	_ =	shalt  }
0x66: {  	_ =	shalt  }
0x67: {  	_ =	shalt  }
0x68: {  	_ =	shalt  }
0x69: {  	_ =	shalt  }
0x6a: {  	_ =	shalt  }
0x6b: {  	_ =	shalt  }
0x6c: {  	_ =	shalt  }
0x6d: {  	_ =	shalt  }
0x6e: {  	_ =	shalt  }
0x6f: {  	_ =	shalt  }
0x70: {  	_ =	shalt  }
0x71: {  	_ =	shalt  }
0x72: {  	_ =	shalt  }
0x73: {  	_ =	shalt  }
0x74: {  	_ =	shalt  }
0x75: {  	_ =	shalt  }
0x76: {  	_ =	shalt  }
0x77: {  	_ =	shalt  }
0x78: {  	_ =	shalt  }
0x79: {  	_ =	shalt  }
0x7a: {  	_ =	shalt  }
0x7b: {  	_ =	shalt  }
0x7c: {  	_ =	shalt  }
0x7d: {  	_ =	shalt  }
0x7e: {  	_ =	shalt  }
0x7f: {  	_ =	shalt  }
0x80: {  	_ =	shalt  }
0x81: {  	_ =	shalt  }
0x82: {  	_ =	shalt  }
0x83: {  	_ =	shalt  }
0x84: {  	_ =	shalt  }
0x85: {  	_ =	shalt  }
0x86: {  	_ =	shalt  }
0x87: {  	_ =	shalt  }
.Lfunc_end0:
.L_simem_size_0:
called_computation_lowered:
.L_overlay_start_0:
0x88: {  	s2 =	sld [smem:$0x3FD9]  }
0x89: {  	s3 =	sld [smem:$0x3FFE];
	_ =	sdelay $0x1  }
0x8a: {  	s1 =	srdreg.scid  }
0x8b: {  	s0 =	sand.u32 $0x1, s1  }
0x8c: {  	s17 =	sshll.u32 s0, $0xA;
	s2 =	sadd.s32 s3, s2  }
0x8d: {  	s2 =	sadd.s32 s2, s17  }
0x8e: {  	[smem:$0x3FC4] =	sst s2  }
0x8f: {  	_ = 	snop  }
0x90: {  	s2 =	sld [smem:$0x3FC9]  }
0x91: {  	s18 =	sld [smem:$0x3FC8]  }
0x92: {  	s4 =	sld [smem:$0x3FC7]  }
0x93: {  	s5 =	sld [smem:$0x3FC6];
	(tm) =	ssettm $0x1  }
0x94: {  	s6 =	sld [smem:$0x3FFB];
	_ =	sdelay $0x3  }
0x95: {  	_ =	strace s6  }
0x96: {  	s6 =	sld [smem:$0x3FFC];
	_ =	sdelay $0x3  }
0x97: {  	_ =	strace s6  }
0x98: {  	s6 =	sld [smem:$0x3FFD];
	_ =	sdelay $0x3  }
0x99: {  	_ =	strace s6  }
0x9a: {  	_ =	strace $0x8FFFFFFF  }
0x9b: {  	s19 =	sld [smem:$0x3FDB];
	_ =	sdelay $0x1  }
0x9c: {  	s7 =	simm.s32 $_scs_section_size  }
0x9d: {  	s8 =	simm.s32 $_size__tile_overlayer_lowered;
	s9 =	simm.s32 $_tile_overlayer_lowered  }
0x9e: {  	s22 =	simm.s32 $0x1BFF;
	s21 =	sshll.u32 s9, $0x1;
	s6 =	sadd.s32 s7, s19  }
0x9f: {  	s10 =	simm.s32 $0x0;
	s20 =	sshll.u32 s8, $0x1;
	s8 =	sadd.s32 s21, s6  }
0xa0: {  	[timem:s10], [sflag:s22] =	dma.local [hbm:s8], s20  }
0xa1: {  	_ =	swait.ge [sflag:s22], s20  }
0xa2: {  	s7 =	ssub.s32 $0x0, s20;
	[sflag:s22] =	ssyncset.done $0x0  }
0xa3: {  	[sflag:s22] =	ssyncadd.s32 s7;
	_ =	sdelay $0x1  }
0xa4: {  	s23 =	simm.s32 $0x1B8B  }
0xa5: {  	_ =	swait.ge [sflag:s23], $0x1  }
0xa6: {  	[sflag:s23] =	ssyncset.done $0x0  }
0xa7: {  	s25 =	simm.s32 $0x1B8E;
	s24 =	sld [smem:$0x3FFE];
	[sflag:s23] =	ssyncadd.s32 $0xFFFFFFFF  }
0xa8: {  	s26 =	simm.s32 $execute0_lowered;
	[smem:$0x3FD2] =	sst s25  }
0xa9: {  	s8 =	sshll.u32 s26, $0x1;
	_ =	strace $0x80000046;
	[dreg:$0x1] =	wrdreg $0xFFFFFFFF  }
0xaa: {  	s28 =	simm.s32 $_size_execute0_lowered;
	s6 =	sadd.s32 s6, s8;
	[dreg:$0x0] =	wrdreg $0x0  }
0xab: {  	s8 =	sshll.u32 s28, $0x1;
	[dreg:$0x2] =	wrdreg s6  }
0xac: {  	[dreg:$0x3] =	wrdreg s8  }
0xad: {  	[dreg:$0x4] =	wrdreg $0xC0  }
0xae: {  	_ =	task [dreg:s10], $0x5FFFF  }
0xaf: {  	[dreg:$0x1] =	wrdreg $0xFFFFFFFF  }
0xb0: {  	[dreg:$0x0] =	wrdreg $0x60  }
0xb1: {  	[dreg:$0x2] =	wrdreg s2  }
0xb2: {  	[dreg:$0x3] =	wrdreg s18  }
0xb3: {  	[dreg:$0x4] =	wrdreg s4  }
0xb4: {  	[dreg:$0x5] =	wrdreg s5  }
0xb5: {  	[dreg:$0x6] =	wrdreg s24  }
0xb6: {  	[dreg:$0x7] =	wrdreg $0x9  }
0xb7: {  	_ =	task.clear_ibuf [dreg:s10], $0x8FFFF;
	_ =	strace $0x90000046  }
0xb8: {  	s29 =	simm.s32 $0x9;
	_ =	strace $0x80000048  }
0xb9: {  	_ =	swait.ge [sflag:s29], $0x1  }
0xba: {  	[sflag:s29] =	ssyncadd.s32 $0xFFFFFFFF  }
0xbb: {  	_ =	strace $0x90000048  }
0xbc: {  	_ =	sfence  }
0xbd: {  	s30 =	sld [smem:$0x0];
	_ =	sdelay $0x2  }
0xbe: {  	s31 =	sshll.u32 s1, $0xD;
	s1 =	sshrl.u32 s1, $0x2  }
0xbf: {  	s3 =	sand.u32 $0x4000, s31;
	s1 =	sadd.s32 s1, s30  }
0xc0: {  	s0 =	sor.u32 s3, s0;
	s1 =	sshll.u32 s1, $0x11  }
0xc1: {  	s0 =	sor.u32 s1, s0  }
0xc2: {  	s0 =	sadd.s32 $0x8F2B, s0  }
0xc3: {  	[sflag:s0] =	ssyncadd.remote.s32 $0x1  }
0xc4: {  	_ =	sfence.sel $0xFFFF  }
0xc5: {  	[dreg:$0x0] =	wrdreg $0xFFFFFFFF;
	(pc) =	sbr.abs _section_cstart, $3  }
0xc6: {  	[dreg:$0x1] =	wrdreg $0xFFFFFFFF  }
0xc7: {  	_ =	task.clear_ibuf [dreg:s10], $0x2FFFF;
	_ =	strace $0x9FFFFFFF  }
0xc8: {  	(tm) =	ssettm $0x7FFFFFFF  }
0xc9: {  	_ =	shalt  }
tec
execute0_lowered:
.L_overlay_start_1:
0x0: {  	(tag) =	ssettag $0x1  }
0x1: {  	s0 =	rddreg [dreg:$0x0]  }
0x2: {  	s2 =	rddreg [dreg:$0x1]  }
0x3: {  	s1 =	rddreg [dreg:$0x2]  }
0x4: {  	s3 =	rddreg [dreg:$0x3]  }
0x5: {  	s5 =	rddreg [dreg:$0x4]  }
0x6: {  	s6 =	srdreg.scid;
	s7 =	stileid.u32;
	s4 =	simm.s32 $0x0  }
0x7: {  	s31 =	simm.s32 $0x1;
	s28 =	simm.s32 $0xEC00;
	s29 =	simm.s32 $0x10C00  }
0x8: {  	s30 =	simm.s32 $0x12C00;
	s6 =	sand.u32 $0x1, s6;
	s7 =	sshll.u32 s7, $0x1  }
0x9: {  	s12 =	simm.s32 $0x800;
	s8 =	ssub.s32 $0x2, s6;
	s6 =	sor.u32 s6, s7  }
0xa: {  	s13 =	simm.s32 $0xA00;
	[smem:$0x7FF] =	sst s4;
	s9 =	sshll.u32 s6, $0x8  }
0xb: {  	_ =	strace $0x80000047;
	s14 =	sshrl.u32 s8, $0x1;
	s11 =	sadd.s32 s0, s9  }
0xc: {  	s15 =	sor.u32 $0x10, s9;
	s18 =	sadd.s32 s2, s9;
	[dreg:$0x6] =	wrdreg s11  }
0xd: {  	s10 =	sor.u32 $0x20, s9;
	s16 =	sadd.s32 s0, s15;
	[dreg:$0x9] =	wrdreg s18  }
0xe: {  	s26 =	sshll.u32 s6, $0x4;
	s17 =	sadd.s32 s0, s10;
	[dreg:$0x7] =	wrdreg s16  }
0xf: {  	s7 =	ssub.s32 s8, s14;
	s8 =	sadd.s32 s2, s15;
	[dreg:$0x8] =	wrdreg s17  }
0x10: {  	v0 =	vimm.s32 $0xEFCDAB89;
	s20 =	sor.u32 $0x40, s9;
	s19 =	sadd.s32 s2, s10;
	[dreg:$0xa] =	wrdreg s8  }
0x11: {  	v1 =	vimm.s32 $0x67452301;
	v2 =	vimm.s32 $0xDCFE98BA;
	s21 =	sor.u32 $0x50, s9;
	s22 =	sadd.s32 s0, s20;
	[dreg:$0xb] =	wrdreg s19  }
0x12: {  	v3 =	vimm.s32 $0x54761032;
	v4 =	vimm.s32 $0xBA98FEDC;
	v5 =	vimm.s32 $0x32107654;
	s9 =	sor.u32 $0x60, s9;
	s23 =	sadd.s32 s0, s21;
	[dreg:$0xc] =	wrdreg s22  }
0x13: {  	v6 =	vimm.s32 $0xFEDCBA98;
	v7 =	vimm.s32 $0x76543210;
	v0 =	vunpack.c.l.s4.s8 v0;
	s6 =	simm.s32 $0x16C00;
	s0 =	sadd.s32 s0, s9;
	[dreg:$0xd] =	wrdreg s23  }
0x14: {  	v1 =	vunpack.c.l.s4.s8 v1;
	v2 =	vunpack.c.l.s4.s8 v2;
	v3 =	vunpack.c.l.s4.s8 v3;
	s24 =	sadd.s32 s2, s20;
	s25 =	sadd.s32 s2, s21;
	[dreg:$0xe] =	wrdreg s0  }
0x15: {  	v6 =	vunpack.c.l.s4.s8 v6;
	v4 =	vunpack.c.l.s4.s8 v4;
	v5 =	vunpack.c.l.s4.s8 v5;
	s18 =	smax.u32 s7, $0x1;
	s20 =	simm.s32 $0x2C00;
	[dreg:$0xf] =	wrdreg s24  }
0x16: {  	v7 =	vunpack.c.l.s4.s8 v7;
	v0 =	vunpack.c.0.s8.s32 v0;
	v1 =	vunpack.c.0.s8.s32 v1;
	s21 =	simm.s32 $0x4C00;
	s7 =	simm.s32 $0x2;
	[dreg:$0x10] =	wrdreg s25  }
0x17: {  	v2 =	vunpack.c.0.s8.s32 v2;
	v3 =	vunpack.c.0.s8.s32 v3;
	v6 =	vunpack.c.0.s8.s32 v6;
	s16 =	sadd.s32 s2, s9;
	s17 =	sadd.s32 s5, s26;
	s19 =	simm.s32 $0x200  }
0x18: {  	v4 =	vunpack.c.0.s8.s32 v4;
	v5 =	vunpack.c.0.s8.s32 v5;
	v7 =	vunpack.c.0.s8.s32 v7;
	s24 =	simm.s32 $0x80;
	s0 =	simm.s32 $0x40;
	s2 =	simm.s32 $0xC00  }
0x19: {  	v0 =	vcombine.low v1, v0;
	v1 =	vcombine.low v3, v2;
	v3 =	vand.u32 $0xF, v6;
	s22 =	simm.s32 $0x6C00;
	s23 =	simm.s32 $0x8C00;
	s25 =	simm.s32 $0xAC00  }
0x1a: {  	v2 =	vcombine.low v5, v4;
	s26 =	simm.s32 $0xCC00;
	s5 =	simm.s32 $0x14C00;
	v3 =	vcombine.low v3, v7;
	s8 =	simm.s32 $0x0  }
.LBB2_1:
0x1b: {  	s9 =	rddreg [dreg:$0x6]  }
0x1c: {  	[tilespmem:s4], [sflag:$0x1] =	stream.linear.gather [hbm4b:s9+s4], $0x80, $0x38;
	[tilespmem:$0x18C80] =	vst v63  }
0x1d: {  	s11 =	rddreg [dreg:$0x7]  }
0x1e: {  	[tilespmem:s19], [sflag:$0x1] =	stream.linear.gather [hbm4b:s11+s4], $0x80, $0x38;
	[tilespmem:$0x18C80] =	vst v63  }
0x1f: {  	s14 =	rddreg [dreg:$0x8];
	s10 =	simm.s32 $0x400  }
0x20: {  	[tilespmem:s10], [sflag:$0x1] =	stream.linear.gather [hbm4b:s14+s4], $0x80, $0x38;
	[tilespmem:$0x18C80] =	vst v63  }
0x21: {  	s15 =	rddreg [dreg:$0x9];
	s11 =	simm.s32 $0x600  }
0x22: {  	[tilespmem:s11], [sflag:$0x1] =	stream.linear.gather [hbm4b:s15+s4], $0x80, $0x38;
	[tilespmem:$0x18C80] =	vst v63  }
0x23: {  	s14 =	rddreg [dreg:$0xa]  }
0x24: {  	[tilespmem:s12], [sflag:$0x1] =	stream.linear.gather [hbm4b:s14+s4], $0x80, $0x38;
	[tilespmem:$0x18C80] =	vst v63  }
0x25: {  	s15 =	rddreg [dreg:$0xb]  }
0x26: {  	[tilespmem:s13], [sflag:$0x1] =	stream.linear.gather [hbm4b:s15+s4], $0x80, $0x38;
	[tilespmem:$0x18C80] =	vst v63  }
0x27: {  	s14 =	rddreg [dreg:$0xc]  }
0x28: {  	[tilespmem:s24], [sflag:$0x1] =	stream.strided.gather [hbm4b:s14+s24], $0x180, s19, s24, $0x38;
	[tilespmem:$0x18C80] =	vst v63  }
0x29: {  	s15 =	rddreg [dreg:$0xd];
	s14 =	simm.s32 $0x280  }
0x2a: {  	[tilespmem:s14], [sflag:$0x1] =	stream.strided.gather [hbm4b:s15+s24], $0x180, s19, s24, $0x38;
	[tilespmem:$0x18C80] =	vst v63  }
0x2b: {  	s14 =	simm.s32 $0x480;
	s15 =	rddreg [dreg:$0xe]  }
0x2c: {  	[tilespmem:s14], [sflag:$0x1] =	stream.strided.gather [hbm4b:s15+s24], $0x180, s19, s24, $0x38;
	[tilespmem:$0x18C80] =	vst v63  }
0x2d: {  	s9 =	rddreg [dreg:$0xf];
	s15 =	simm.s32 $0x680  }
0x2e: {  	[tilespmem:s15], [sflag:$0x1] =	stream.strided.gather [hbm4b:s9+s24], $0x180, s19, s24, $0x38;
	[tilespmem:$0x18C80] =	vst v63  }
0x2f: {  	s15 =	simm.s32 $0x880;
	s9 =	rddreg [dreg:$0x10]  }
0x30: {  	[tilespmem:s15], [sflag:$0x1] =	stream.strided.gather [hbm4b:s9+s24], $0x180, s19, s24, $0x38;
	[tilespmem:$0x18C80] =	vst v63  }
0x31: {  	s9 =	simm.s32 $0xA80  }
0x32: {  	[tilespmem:s9], [sflag:$0x1] =	stream.strided.gather [hbm4b:s16+s24], $0x180, s19, s24, $0x38;
	[tilespmem:$0x18C80] =	vst v63  }
0x33: {  	_ =	swait.ge [sflag:s31], $0x80  }
0x34: {  	[sflag:s31] =	ssyncset.done $0x0  }
0x35: {  	[sflag:s31] =	ssyncadd.s32 $0xFFFFFF80  }
0x36: {  	_ =	swait.ge [sflag:s31], $0x80  }
0x37: {  	[sflag:s31] =	ssyncset.done $0x0  }
0x38: {  	[sflag:s31] =	ssyncadd.s32 $0xFFFFFF80  }
0x39: {  	_ =	swait.ge [sflag:s31], $0x80  }
0x3a: {  	[sflag:s31] =	ssyncset.done $0x0  }
0x3b: {  	[sflag:s31] =	ssyncadd.s32 $0xFFFFFF80  }
0x3c: {  	_ =	swait.ge [sflag:s31], $0x80  }
0x3d: {  	[sflag:s31] =	ssyncset.done $0x0  }
0x3e: {  	[sflag:s31] =	ssyncadd.s32 $0xFFFFFF80  }
0x3f: {  	_ =	swait.ge [sflag:s31], $0x80  }
0x40: {  	[sflag:s31] =	ssyncset.done $0x0  }
0x41: {  	[sflag:s31] =	ssyncadd.s32 $0xFFFFFF80  }
0x42: {  	_ =	swait.ge [sflag:s31], $0x80  }
0x43: {  	[sflag:s31] =	ssyncset.done $0x0  }
0x44: {  	[sflag:s31] =	ssyncadd.s32 $0xFFFFFF80  }
0x45: {  	[tilespmem:s2], [sflag:$0x1] =	stream.indirect.gather [hbm4b:s1+s0], $0x80, s4, s0, $0xb8;
	[tilespmem:$0x18C80] =	vst v63  }
0x46: {  	_ = 	snop  }
0x47: {  	[tilespmem:s20], [sflag:$0x1] =	stream.indirect.gather [hbm4b:s3+s0], $0x80, s19, s0, $0xb8;
	[tilespmem:$0x18C80] =	vst v63  }
0x48: {  	_ = 	snop  }
0x49: {  	[tilespmem:s21], [sflag:$0x1] =	stream.indirect.gather [hbm4b:s1+s0], $0x80, s10, s0, $0xb8;
	[tilespmem:$0x18C80] =	vst v63  }
0x4a: {  	_ = 	snop  }
0x4b: {  	[tilespmem:s22], [sflag:$0x1] =	stream.indirect.gather [hbm4b:s1+s0], $0x80, s11, s0, $0xb8;
	[tilespmem:$0x18C80] =	vst v63  }
0x4c: {  	_ = 	snop  }
0x4d: {  	[tilespmem:s23], [sflag:$0x1] =	stream.indirect.gather [hbm4b:s3+s0], $0x80, s12, s0, $0xb8;
	[tilespmem:$0x18C80] =	vst v63  }
0x4e: {  	_ = 	snop  }
0x4f: {  	[tilespmem:s25], [sflag:$0x1] =	stream.indirect.gather [hbm4b:s1+s0], $0x80, s13, s0, $0xb8;
	[tilespmem:$0x18C80] =	vst v63  }
0x50: {  	_ =	swait.ge [sflag:s31], $0x180  }
0x51: {  	[sflag:s31] =	ssyncset.done $0x0  }
0x52: {  	[sflag:s31] =	ssyncadd.s32 $0xFFFFFE80  }
0x53: {  	_ =	swait.ge [sflag:s31], $0x180  }
0x54: {  	[sflag:s31] =	ssyncset.done $0x0  }
0x55: {  	[sflag:s31] =	ssyncadd.s32 $0xFFFFFE80  }
0x56: {  	_ =	swait.ge [sflag:s31], $0x180  }
0x57: {  	[sflag:s31] =	ssyncset.done $0x0  }
0x58: {  	[sflag:s31] =	ssyncadd.s32 $0xFFFFFE80  }
0x59: {  	_ =	swait.ge [sflag:s31], $0x180  }
0x5a: {  	[sflag:s31] =	ssyncset.done $0x0  }
0x5b: {  	[sflag:s31] =	ssyncadd.s32 $0xFFFFFE80  }
0x5c: {  	_ =	swait.ge [sflag:s31], $0x180  }
0x5d: {  	[sflag:s31] =	ssyncset.done $0x0  }
0x5e: {  	[sflag:s31] =	ssyncadd.s32 $0xFFFFFE80  }
0x5f: {  	_ =	swait.ge [sflag:s31], $0x180  }
0x60: {  	[sflag:s31] =	ssyncset.done $0x0  }
0x61: {  	[sflag:s31] =	ssyncadd.s32 $0xFFFFFE80  }
0x62: {  	[tilespmem:s26], [sflag:$0x1] =	stream.indirect.gather [hbm4b:s1+s0], $0x80, s0, s0, $0xb8;
	[tilespmem:$0x18C80] =	vst v63  }
0x63: {  	s11 =	simm.s32 $0x240  }
0x64: {  	[tilespmem:s28], [sflag:$0x1] =	stream.indirect.gather [hbm4b:s3+s0], $0x80, s11, s0, $0xb8;
	[tilespmem:$0x18C80] =	vst v63  }
0x65: {  	s10 =	simm.s32 $0x440  }
0x66: {  	[tilespmem:s29], [sflag:$0x1] =	stream.indirect.gather [hbm4b:s1+s0], $0x80, s10, s0, $0xb8;
	[tilespmem:$0x18C80] =	vst v63  }
0x67: {  	s11 =	simm.s32 $0x640  }
0x68: {  	[tilespmem:s30], [sflag:$0x1] =	stream.indirect.gather [hbm4b:s1+s0], $0x80, s11, s0, $0xb8;
	[tilespmem:$0x18C80] =	vst v63  }
0x69: {  	s10 =	simm.s32 $0x840  }
0x6a: {  	[tilespmem:s5], [sflag:$0x1] =	stream.indirect.gather [hbm4b:s3+s0], $0x80, s10, s0, $0xb8;
	[tilespmem:$0x18C80] =	vst v63  }
0x6b: {  	s11 =	simm.s32 $0xA40  }
0x6c: {  	[tilespmem:s6], [sflag:$0x1] =	stream.indirect.gather [hbm4b:s1+s0], $0x80, s11, s0, $0xb8;
	[tilespmem:$0x18C80] =	vst v63  }
0x6d: {  	_ =	swait.ge [sflag:s31], $0x2000  }
0x6e: {  	[sflag:s31] =	ssyncset.done $0x0  }
0x6f: {  	[sflag:s31] =	ssyncadd.s32 $0xFFFFE000  }
0x70: {  	_ =	swait.ge [sflag:s31], $0x2000  }
0x71: {  	[sflag:s31] =	ssyncset.done $0x0  }
0x72: {  	[sflag:s31] =	ssyncadd.s32 $0xFFFFE000  }
0x73: {  	_ =	swait.ge [sflag:s31], $0x2000  }
0x74: {  	[sflag:s31] =	ssyncset.done $0x0  }
0x75: {  	[sflag:s31] =	ssyncadd.s32 $0xFFFFE000  }
0x76: {  	_ =	swait.ge [sflag:s31], $0x2000  }
0x77: {  	[sflag:s31] =	ssyncset.done $0x0  }
0x78: {  	[sflag:s31] =	ssyncadd.s32 $0xFFFFE000  }
0x79: {  	_ =	swait.ge [sflag:s31], $0x2000  }
0x7a: {  	[sflag:s31] =	ssyncset.done $0x0  }
0x7b: {  	[sflag:s31] =	ssyncadd.s32 $0xFFFFE000  }
0x7c: {  	_ =	swait.ge [sflag:s31], $0x2000  }
0x7d: {  	[sflag:s31] =	ssyncset.done $0x0  }
0x7e: {  	s9 =	simm.s32 $0x0;
	[sflag:s31] =	ssyncadd.s32 $0xFFFFE000  }
0x7f: {  	v5 =	vld [tilespmem:s9+$0x4C70]  }
0x80: {  	v6 =	vld [tilespmem:s9+$0x4C60]  }
0x81: {  	v4 =	vld [tilespmem:s9+$0xC70]  }
0x82: {  	v8 =	vld [tilespmem:s9+$0x2C70]  }
0x83: {  	v9 =	vld [tilespmem:s9+$0x6C70]  }
0x84: {  	v13 =	vld [tilespmem:s9+$0x8C70]  }
0x85: {  	v7 =	vld [tilespmem:s9+$0x4C50]  }
0x86: {  	v14 =	vld [tilespmem:s9+$0xC60]  }
0x87: {  	v22 =	vld [tilespmem:s9+$0x2C60]  }
0x88: {  	v28 =	vld [tilespmem:s9+$0x6C60]  }
0x89: {  	v29 =	vld [tilespmem:s9+$0x8C60]  }
0x8a: {  	v10 =	vld [tilespmem:s9+$0x4C40]  }
0x8b: {  	v30 =	vld [tilespmem:s9+$0xC50]  }
0x8c: {  	v33 =	vld [tilespmem:s9+$0x2C50]  }
0x8d: {  	v35 =	vld [tilespmem:s9+$0x6C50]  }
0x8e: {  	v36 =	vld [tilespmem:s9+$0x8C50]  }
0x8f: {  	v12 =	vld [tilespmem:s9+$0x4C30]  }
0x90: {  	v37 =	vld [tilespmem:s9+$0xC40]  }
0x91: {  	v38 =	vld [tilespmem:s9+$0x2C40]  }
0x92: {  	v39 =	vld [tilespmem:s9+$0x6C40]  }
0x93: {  	v40 =	vld [tilespmem:s9+$0x8C40]  }
0x94: {  	v11 =	vld [tilespmem:s9+$0x4C20]  }
0x95: {  	v41 =	vld [tilespmem:s9+$0xC30]  }
0x96: {  	v42 =	vld [tilespmem:s9+$0x2C30]  }
0x97: {  	v15 =	vld [tilespmem:s9+$0x6C30]  }
0x98: {  	v16 =	vld [tilespmem:s9+$0x8C30]  }
0x99: {  	v18 =	vld [tilespmem:s9+$0xC20]  }
0x9a: {  	v20 =	vld [tilespmem:s9+$0x2C20]  }
0x9b: {  	v17 =	vld [tilespmem:s9+$0x6C20]  }
0x9c: {  	v19 =	vld [tilespmem:s9+$0x8C20]  }
0x9d: {  	v23 =	vld [tilespmem:s9+$0xC00]  }
0x9e: {  	v25 =	vld [tilespmem:s9+$0x2C00]  }
0x9f: {  	v24 =	vld [tilespmem:s9+$0x6C00]  }
0xa0: {  	v26 =	vld [tilespmem:s9+$0x8C00]  }
0xa1: {  	v27 =	vld [tilespmem:s9+$0xC10];
	v21 =	vadd.f32 v8, v4  }
0xa2: {  	v31 =	vld [tilespmem:s9+$0x2C10];
	v8 =	vadd.f32 v13, v9;
	v22 =	vadd.f32 v22, v14  }
0xa3: {  	v32 =	vld [tilespmem:s9+$0x6C10];
	v9 =	vadd.f32 v29, v28;
	v30 =	vadd.f32 v33, v30  }
0xa4: {  	v34 =	vld [tilespmem:s9+$0x8C10];
	v28 =	vadd.f32 v38, v37;
	v13 =	vadd.f32 v36, v35  }
0xa5: {  	s10 =	simm.s32 $0x200;
	v4 =	vimm.f32 $0.0e+00;
	v29 =	vld [tilespmem:s9+$0x4C00];
	v33 =	vadd.f32 v42, v41;
	v14 =	vadd.f32 v40, v39  }
.LBB2_2:
0xa6: {  	p0 =	sne.s32 s10, $0x7E00;
	v35 =	vld [tilespmem:s9+$0xAC00];
	v18 =	vadd.f32 v20, v18;
	v15 =	vadd.f32 v16, v15  }
0xa7: {  	v16 =	vadd.f32 v25, v23;
	v17 =	vadd.f32 v19, v17;
	v20 =	vld [tilespmem:s9+$0x4C10]  }
0xa8: {  	v19 =	vadd.f32 v26, v24;
	v23 =	vadd.f32 v31, v27;
	v24 =	vld [tilespmem:s9+$0xAC10]  }
0xa9: {  	s11 =	sshra.s32 s10, $0x2;
	v21 =	vsub.f32 v21, v5;
	v25 =	vadd.f32 v34, v32;
	v26 =	vld [tilespmem:s9+$0xAC20]  }
0xaa: {  	v22 =	vsub.f32 v22, v6;
	v27 =	vsub.f32 v30, v7;
	v5 =	vld [tilespmem:s11+$0x4C70]  }
0xab: {  	v10 =	vsub.f32 v28, v10;
	v7 =	vsub.f32 v33, v12;
	v12 =	vld [tilespmem:s9+$0xAC70]  }
0xac: {  	v16 =	vsub.f32 v16, v29;
	v19 =	vsub.f32 v19, v35;
	v28 =	vld [tilespmem:s9+$0xAC30]  }
0xad: {  	v20 =	vsub.f32 v23, v20;
	v6 =	vld [tilespmem:s11+$0x4C60];
	v23 =	vsub.f32 v25, v24  }
0xae: {  	v11 =	vsub.f32 v18, v11;
	v16 =	vand.u32 $0x7FFFFFFF, v16;
	v17 =	vsub.f32 v17, v26;
	v18 =	vld [tilespmem:s9+$0xAC40]  }
0xaf: {  	v19 =	vand.u32 $0x7FFFFFFF, v19;
	v20 =	vand.u32 $0x7FFFFFFF, v20;
	v23 =	vand.u32 $0x7FFFFFFF, v23;
	v24 =	vld [tilespmem:s9+$0xAC60]  }
0xb0: {  	v16 =	vsub.f32 v19, v16;
	v19 =	vsub.f32 v23, v20;
	v20 =	vld [tilespmem:s9+$0xAC50];
	s9 =	smov.u32 s11  }
0xb1: {  	v11 =	vand.u32 $0x7FFFFFFF, v11;
	v17 =	vand.u32 $0x7FFFFFFF, v17;
	v29 =	vld [tilespmem:s9+$0xC70];
	v15 =	vsub.f32 v15, v28  }
0xb2: {  	v11 =	vsub.f32 v17, v11;
	v28 =	vld [tilespmem:s9+$0x2C70];
	v16 =	vadd.f32 v19, v16  }
0xb3: {  	v7 =	vand.u32 $0x7FFFFFFF, v7;
	v30 =	vld [tilespmem:s9+$0x6C70];
	v15 =	vand.u32 $0x7FFFFFFF, v15;
	v14 =	vsub.f32 v14, v18  }
0xb4: {  	v31 =	vld [tilespmem:s9+$0x8C70];
	v11 =	vadd.f32 v11, v16;
	v15 =	vsub.f32 v15, v7  }
0xb5: {  	v10 =	vand.u32 $0x7FFFFFFF, v10;
	v7 =	vld [tilespmem:s9+$0x4C50];
	v14 =	vand.u32 $0x7FFFFFFF, v14;
	v13 =	vsub.f32 v13, v20  }
0xb6: {  	v32 =	vld [tilespmem:s9+$0xC60];
	v11 =	vadd.f32 v15, v11;
	v10 =	vsub.f32 v14, v10  }
0xb7: {  	v9 =	vsub.f32 v9, v24;
	v15 =	vand.u32 $0x7FFFFFFF, v27;
	v14 =	vld [tilespmem:s9+$0x2C60];
	v13 =	vand.u32 $0x7FFFFFFF, v13  }
0xb8: {  	v33 =	vld [tilespmem:s9+$0x6C60];
	v11 =	vadd.f32 v10, v11;
	v13 =	vsub.f32 v13, v15  }
0xb9: {  	v8 =	vsub.f32 v8, v12;
	v9 =	vand.u32 $0x7FFFFFFF, v9;
	v15 =	vand.u32 $0x7FFFFFFF, v22;
	v34 =	vld [tilespmem:s9+$0x8C60]  }
0xba: {  	v9 =	vsub.f32 v9, v15;
	v10 =	vld [tilespmem:s9+$0x4C40];
	v11 =	vadd.f32 v13, v11  }
0xbb: {  	v12 =	vand.u32 $0x7FFFFFFF, v21;
	v8 =	vand.u32 $0x7FFFFFFF, v8;
	v13 =	vld [tilespmem:s9+$0xC50]  }
0xbc: {  	v8 =	vsub.f32 v8, v12;
	v35 =	vld [tilespmem:s9+$0x2C50];
	v9 =	vadd.f32 v9, v11  }
0xbd: {  	v36 =	vld [tilespmem:s9+$0x6C50]  }
0xbe: {  	v37 =	vld [tilespmem:s9+$0x8C50];
	v8 =	vadd.f32 v8, v9  }
0xbf: {  	v12 =	vld [tilespmem:s9+$0x4C30]  }
0xc0: {  	v38 =	vld [tilespmem:s9+$0xC40];
	v9 =	vperm.xlane v8, v0  }
0xc1: {  	v39 =	vld [tilespmem:s9+$0x2C40]  }
0xc2: {  	v40 =	vld [tilespmem:s9+$0x6C40];
	v8 =	vadd.f32 v8, v9  }
0xc3: {  	v41 =	vld [tilespmem:s9+$0x8C40]  }
0xc4: {  	v11 =	vld [tilespmem:s9+$0x4C20];
	v9 =	vperm.xlane v8, v1  }
0xc5: {  	v42 =	vld [tilespmem:s9+$0xC30]  }
0xc6: {  	v43 =	vld [tilespmem:s9+$0x2C30];
	v8 =	vadd.f32 v8, v9  }
0xc7: {  	v15 =	vld [tilespmem:s9+$0x6C30]  }
0xc8: {  	v16 =	vld [tilespmem:s9+$0x8C30];
	v9 =	vperm.xlane v8, v2  }
0xc9: {  	v18 =	vld [tilespmem:s9+$0xC20]  }
0xca: {  	v20 =	vld [tilespmem:s9+$0x2C20];
	v8 =	vadd.f32 v8, v9  }
0xcb: {  	v17 =	vld [tilespmem:s9+$0x6C20]  }
0xcc: {  	v19 =	vld [tilespmem:s9+$0x8C20];
	v9 =	vperm.xlane v8, v3  }
0xcd: {  	v23 =	vld [tilespmem:s9+$0xC00]  }
0xce: {  	v25 =	vld [tilespmem:s9+$0x2C00];
	v8 =	vadd.f32 v8, v9  }
0xcf: {  	v24 =	vld [tilespmem:s9+$0x6C00]  }
0xd0: {  	v26 =	vld [tilespmem:s9+$0x8C00];
	v44 =	vadd.f32 $1.000000000e+00, v8  }
.Ltmp0:
0xd1: {  	v21 =	vadd.f32 v28, v29;
	v8 =	vadd.f32 v31, v30;
	v27 =	vld [tilespmem:s9+$0xC10];
	(pc) =	sbr.rel @p0 .LBB2_2-.Ltmp0, $4  }
0xd2: {  	v22 =	vadd.f32 v14, v32;
	v9 =	vadd.f32 v34, v33;
	v31 =	vld [tilespmem:s9+$0x2C10];
	v14 =	vmax.f32 v44, $0.0e+00  }
0xd3: {  	v30 =	vadd.f32 v35, v13;
	v32 =	vld [tilespmem:s9+$0x6C10];
	v4 =	vadd.f32 v14, v4  }
0xd4: {  	v28 =	vadd.f32 v39, v38;
	v13 =	vadd.f32 v37, v36;
	v34 =	vld [tilespmem:s9+$0x8C10]  }
0xd5: {  	s10 =	sadd.s32 $0x200, s10;
	v33 =	vadd.f32 v43, v42;
	v14 =	vadd.f32 v41, v40;
	v29 =	vld [tilespmem:s9+$0x4C00]  }
0xd6: {  	v35 =	vld [tilespmem:s9+$0xAC00]  }
0xd7: {  	v36 =	vld [tilespmem:s9+$0x4C10]  }
0xd8: {  	v37 =	vld [tilespmem:s9+$0xAC10]  }
0xd9: {  	v38 =	vld [tilespmem:s9+$0xAC20]  }
0xda: {  	v39 =	vld [tilespmem:s9+$0xAC70]  }
0xdb: {  	v40 =	vld [tilespmem:s9+$0xAC30]  }
0xdc: {  	v41 =	vld [tilespmem:s9+$0xAC40]  }
0xdd: {  	v42 =	vld [tilespmem:s9+$0xAC60]  }
0xde: {  	v43 =	vld [tilespmem:s9+$0xAC50];
	[tilespmem:s2], [sflag:$0x1] =	stream.indirect.gather [hbm4b:s1+s0], $0x80, s24, s0, $0xb8  }
0xdf: {  	s11 =	simm.s32 $0x280  }
0xe0: {  	[tilespmem:s20], [sflag:$0x1] =	stream.indirect.gather [hbm4b:s3+s0], $0x80, s11, s0, $0xb8;
	[tilespmem:$0x18C80] =	vst v63  }
0xe1: {  	_ = 	snop  }
0xe2: {  	[tilespmem:s21], [sflag:$0x1] =	stream.indirect.gather [hbm4b:s1+s0], $0x80, s14, s0, $0xb8;
	[tilespmem:$0x18C80] =	vst v63  }
0xe3: {  	s14 =	simm.s32 $0x680  }
0xe4: {  	[tilespmem:s22], [sflag:$0x1] =	stream.indirect.gather [hbm4b:s1+s0], $0x80, s14, s0, $0xb8;
	[tilespmem:$0x18C80] =	vst v63  }
0xe5: {  	_ = 	snop  }
0xe6: {  	[tilespmem:s23], [sflag:$0x1] =	stream.indirect.gather [hbm4b:s3+s0], $0x80, s15, s0, $0xb8;
	[tilespmem:$0x18C80] =	vst v63  }
0xe7: {  	s15 =	simm.s32 $0xA80  }
0xe8: {  	[tilespmem:s25], [sflag:$0x1] =	stream.indirect.gather [hbm4b:s1+s0], $0x80, s15, s0, $0xb8;
	[tilespmem:$0x18C80] =	vst v63  }
0xe9: {  	_ =	swait.ge [sflag:s31], $0x2000  }
0xea: {  	[sflag:s31] =	ssyncset.done $0x0  }
0xeb: {  	[sflag:s31] =	ssyncadd.s32 $0xFFFFE000  }
0xec: {  	_ =	swait.ge [sflag:s31], $0x2000  }
0xed: {  	[sflag:s31] =	ssyncset.done $0x0  }
0xee: {  	[sflag:s31] =	ssyncadd.s32 $0xFFFFE000  }
0xef: {  	_ =	swait.ge [sflag:s31], $0x2000  }
0xf0: {  	v18 =	vadd.f32 v20, v18;
	v15 =	vadd.f32 v16, v15;
	[sflag:s31] =	ssyncset.done $0x0  }
0xf1: {  	v16 =	vadd.f32 v25, v23;
	v17 =	vadd.f32 v19, v17;
	[sflag:s31] =	ssyncadd.s32 $0xFFFFE000  }
0xf2: {  	v19 =	vadd.f32 v26, v24;
	v21 =	vsub.f32 v21, v5;
	_ =	swait.ge [sflag:s31], $0x2000  }
0xf3: {  	v7 =	vsub.f32 v30, v7;
	v22 =	vsub.f32 v22, v6;
	[sflag:s31] =	ssyncset.done $0x0  }
0xf4: {  	v10 =	vsub.f32 v28, v10;
	v20 =	vadd.f32 v31, v27;
	[sflag:s31] =	ssyncadd.s32 $0xFFFFE000  }
0xf5: {  	v12 =	vsub.f32 v33, v12;
	v23 =	vadd.f32 v34, v32;
	_ =	swait.ge [sflag:s31], $0x2000  }
0xf6: {  	v5 =	vsub.f32 v16, v29;
	v6 =	vsub.f32 v19, v35;
	[sflag:s31] =	ssyncset.done $0x0  }
0xf7: {  	v16 =	vsub.f32 v20, v36;
	v19 =	vsub.f32 v23, v37;
	[sflag:s31] =	ssyncadd.s32 $0xFFFFE000  }
0xf8: {  	v11 =	vsub.f32 v18, v11;
	v17 =	vsub.f32 v17, v38;
	v5 =	vand.u32 $0x7FFFFFFF, v5;
	_ =	swait.ge [sflag:s31], $0x2000  }
0xf9: {  	v6 =	vand.u32 $0x7FFFFFFF, v6;
	v16 =	vand.u32 $0x7FFFFFFF, v16;
	v18 =	vand.u32 $0x7FFFFFFF, v19;
	[sflag:s31] =	ssyncset.done $0x0  }
0xfa: {  	s9 =	simm.s32 $0x0;
	v6 =	vsub.f32 v6, v5;
	v16 =	vsub.f32 v18, v16;
	[sflag:s31] =	ssyncadd.s32 $0xFFFFE000  }
0xfb: {  	v11 =	vand.u32 $0x7FFFFFFF, v11;
	v15 =	vsub.f32 v15, v40;
	v17 =	vand.u32 $0x7FFFFFFF, v17;
	v5 =	vld [tilespmem:s9+$0x10C70]  }
0xfc: {  	v11 =	vsub.f32 v17, v11;
	v16 =	vadd.f32 v16, v6;
	v6 =	vld [tilespmem:s9+$0x10C60]  }
0xfd: {  	v12 =	vand.u32 $0x7FFFFFFF, v12;
	v14 =	vsub.f32 v14, v41;
	v15 =	vand.u32 $0x7FFFFFFF, v15;
	v23 =	vld [tilespmem:s9+$0xCC70]  }
0xfe: {  	v12 =	vsub.f32 v15, v12;
	v11 =	vadd.f32 v11, v16;
	v24 =	vld [tilespmem:s9+$0xEC70]  }
0xff: {  	v10 =	vand.u32 $0x7FFFFFFF, v10;
	v13 =	vsub.f32 v13, v43;
	v14 =	vand.u32 $0x7FFFFFFF, v14;
	v28 =	vld [tilespmem:s9+$0x12C70]  }
0x100: {  	v10 =	vsub.f32 v14, v10;
	v11 =	vadd.f32 v12, v11;
	v14 =	vld [tilespmem:s9+$0x14C70]  }
0x101: {  	v9 =	vsub.f32 v9, v42;
	v13 =	vand.u32 $0x7FFFFFFF, v13;
	v12 =	vand.u32 $0x7FFFFFFF, v7;
	v7 =	vld [tilespmem:s9+$0x10C50]  }
0x102: {  	v10 =	vadd.f32 v10, v11;
	v11 =	vsub.f32 v13, v12;
	v13 =	vld [tilespmem:s9+$0xCC60]  }
0x103: {  	v9 =	vand.u32 $0x7FFFFFFF, v9;
	v12 =	vand.u32 $0x7FFFFFFF, v22;
	v29 =	vld [tilespmem:s9+$0xEC60]  }
0x104: {  	v9 =	vsub.f32 v9, v12;
	v10 =	vadd.f32 v11, v10;
	v30 =	vld [tilespmem:s9+$0x12C60]  }
0x105: {  	v53 =	vld [tilespmem:s9+$0x14C60]  }
0x106: {  	v8 =	vsub.f32 v8, v39;
	v10 =	vadd.f32 v9, v10;
	v9 =	vld [tilespmem:s9+$0x10C40]  }
0x107: {  	v54 =	vld [tilespmem:s9+$0xCC50]  }
0x108: {  	v8 =	vand.u32 $0x7FFFFFFF, v8;
	v11 =	vand.u32 $0x7FFFFFFF, v21;
	v55 =	vld [tilespmem:s9+$0xEC50]  }
0x109: {  	v8 =	vsub.f32 v8, v11;
	v56 =	vld [tilespmem:s9+$0x12C50]  }
0x10a: {  	v57 =	vld [tilespmem:s9+$0x14C50]  }
0x10b: {  	v8 =	vadd.f32 v8, v10;
	v12 =	vld [tilespmem:s9+$0x10C30]  }
0x10c: {  	v58 =	vld [tilespmem:s9+$0xCC40]  }
0x10d: {  	v10 =	vperm.xlane v8, v0;
	v59 =	vld [tilespmem:s9+$0xEC40]  }
0x10e: {  	v60 =	vld [tilespmem:s9+$0x12C40]  }
0x10f: {  	v8 =	vadd.f32 v8, v10;
	v61 =	vld [tilespmem:s9+$0x14C40]  }
0x110: {  	v11 =	vld [tilespmem:s9+$0x10C20]  }
0x111: {  	v10 =	vperm.xlane v8, v1;
	v62 =	vld [tilespmem:s9+$0xCC30]  }
0x112: {  	v63 =	vld [tilespmem:s9+$0xEC30]  }
0x113: {  	v15 =	vld [tilespmem:s9+$0x12C30];
	v8 =	vadd.f32 v8, v10  }
0x114: {  	v16 =	vld [tilespmem:s9+$0x14C30]  }
0x115: {  	v18 =	vld [tilespmem:s9+$0xCC20];
	v10 =	vperm.xlane v8, v2  }
0x116: {  	v20 =	vld [tilespmem:s9+$0xEC20]  }
0x117: {  	v17 =	vld [tilespmem:s9+$0x12C20];
	v8 =	vadd.f32 v8, v10  }
0x118: {  	v19 =	vld [tilespmem:s9+$0x14C20]  }
0x119: {  	v21 =	vld [tilespmem:s9+$0xCC00];
	v10 =	vperm.xlane v8, v3  }
0x11a: {  	v25 =	vld [tilespmem:s9+$0xEC00]  }
0x11b: {  	v22 =	vld [tilespmem:s9+$0x12C00];
	v8 =	vadd.f32 v8, v10  }
0x11c: {  	v26 =	vld [tilespmem:s9+$0x14C00];
	v23 =	vadd.f32 v24, v23  }
0x11d: {  	v27 =	vld [tilespmem:s9+$0xCC10];
	v24 =	vadd.f32 v29, v13;
	v8 =	vadd.f32 $1.000000000e+00, v8  }
0x11e: {  	v31 =	vld [tilespmem:s9+$0xEC10];
	v13 =	vadd.f32 v57, v56;
	v33 =	vadd.f32 v63, v62  }
0x11f: {  	v32 =	vld [tilespmem:s9+$0x12C10];
	v10 =	vadd.f32 v53, v30;
	v30 =	vadd.f32 v55, v54;
	v8 =	vmax.f32 v8, $0.0e+00  }
0x120: {  	v34 =	vld [tilespmem:s9+$0x14C10];
	v4 =	vadd.f32 v8, v4;
	v8 =	vadd.f32 v14, v28  }
0x121: {  	s10 =	simm.s32 $0x200;
	v29 =	vld [tilespmem:s9+$0x10C00];
	v28 =	vadd.f32 v59, v58;
	v14 =	vadd.f32 v61, v60  }
.LBB2_4:
0x122: {  	p0 =	sne.s32 s10, $0x7E00;
	v35 =	vld [tilespmem:s9+$0x16C00];
	v18 =	vadd.f32 v20, v18;
	v15 =	vadd.f32 v16, v15  }
0x123: {  	v16 =	vadd.f32 v25, v21;
	v17 =	vadd.f32 v19, v17;
	v20 =	vld [tilespmem:s9+$0x10C10]  }
0x124: {  	v19 =	vadd.f32 v26, v22;
	v21 =	vadd.f32 v31, v27;
	v22 =	vld [tilespmem:s9+$0x16C10]  }
0x125: {  	s11 =	sshra.s32 s10, $0x2;
	v23 =	vsub.f32 v23, v5;
	v25 =	vadd.f32 v34, v32;
	v26 =	vld [tilespmem:s9+$0x16C20]  }
0x126: {  	v24 =	vsub.f32 v24, v6;
	v27 =	vsub.f32 v30, v7;
	v5 =	vld [tilespmem:s11+$0x10C70]  }
0x127: {  	v9 =	vsub.f32 v28, v9;
	v7 =	vsub.f32 v33, v12;
	v12 =	vld [tilespmem:s9+$0x16C70]  }
0x128: {  	v16 =	vsub.f32 v16, v29;
	v19 =	vsub.f32 v19, v35;
	v28 =	vld [tilespmem:s9+$0x16C30]  }
0x129: {  	v20 =	vsub.f32 v21, v20;
	v6 =	vld [tilespmem:s11+$0x10C60];
	v21 =	vsub.f32 v25, v22  }
0x12a: {  	v11 =	vsub.f32 v18, v11;
	v16 =	vand.u32 $0x7FFFFFFF, v16;
	v17 =	vsub.f32 v17, v26;
	v18 =	vld [tilespmem:s9+$0x16C40]  }
0x12b: {  	v19 =	vand.u32 $0x7FFFFFFF, v19;
	v20 =	vand.u32 $0x7FFFFFFF, v20;
	v21 =	vand.u32 $0x7FFFFFFF, v21;
	v22 =	vld [tilespmem:s9+$0x16C60]  }
0x12c: {  	v16 =	vsub.f32 v19, v16;
	v19 =	vsub.f32 v21, v20;
	v20 =	vld [tilespmem:s9+$0x16C50];
	s9 =	smov.u32 s11  }
0x12d: {  	v11 =	vand.u32 $0x7FFFFFFF, v11;
	v17 =	vand.u32 $0x7FFFFFFF, v17;
	v29 =	vld [tilespmem:s9+$0xCC70];
	v15 =	vsub.f32 v15, v28  }
0x12e: {  	v11 =	vsub.f32 v17, v11;
	v28 =	vld [tilespmem:s9+$0xEC70];
	v16 =	vadd.f32 v19, v16  }
0x12f: {  	v7 =	vand.u32 $0x7FFFFFFF, v7;
	v30 =	vld [tilespmem:s9+$0x12C70];
	v15 =	vand.u32 $0x7FFFFFFF, v15;
	v14 =	vsub.f32 v14, v18  }
0x130: {  	v31 =	vld [tilespmem:s9+$0x14C70];
	v11 =	vadd.f32 v11, v16;
	v15 =	vsub.f32 v15, v7  }
0x131: {  	v9 =	vand.u32 $0x7FFFFFFF, v9;
	v7 =	vld [tilespmem:s9+$0x10C50];
	v14 =	vand.u32 $0x7FFFFFFF, v14;
	v13 =	vsub.f32 v13, v20  }
0x132: {  	v32 =	vld [tilespmem:s9+$0xCC60];
	v11 =	vadd.f32 v15, v11;
	v9 =	vsub.f32 v14, v9  }
0x133: {  	v10 =	vsub.f32 v10, v22;
	v15 =	vand.u32 $0x7FFFFFFF, v27;
	v14 =	vld [tilespmem:s9+$0xEC60];
	v13 =	vand.u32 $0x7FFFFFFF, v13  }
0x134: {  	v33 =	vld [tilespmem:s9+$0x12C60];
	v11 =	vadd.f32 v9, v11;
	v13 =	vsub.f32 v13, v15  }
0x135: {  	v8 =	vsub.f32 v8, v12;
	v10 =	vand.u32 $0x7FFFFFFF, v10;
	v15 =	vand.u32 $0x7FFFFFFF, v24;
	v34 =	vld [tilespmem:s9+$0x14C60]  }
0x136: {  	v10 =	vsub.f32 v10, v15;
	v9 =	vld [tilespmem:s9+$0x10C40];
	v11 =	vadd.f32 v13, v11  }
0x137: {  	v12 =	vand.u32 $0x7FFFFFFF, v23;
	v8 =	vand.u32 $0x7FFFFFFF, v8;
	v13 =	vld [tilespmem:s9+$0xCC50]  }
0x138: {  	v8 =	vsub.f32 v8, v12;
	v35 =	vld [tilespmem:s9+$0xEC50];
	v10 =	vadd.f32 v10, v11  }
0x139: {  	v36 =	vld [tilespmem:s9+$0x12C50]  }
0x13a: {  	v37 =	vld [tilespmem:s9+$0x14C50];
	v8 =	vadd.f32 v8, v10  }
0x13b: {  	v12 =	vld [tilespmem:s9+$0x10C30]  }
0x13c: {  	v38 =	vld [tilespmem:s9+$0xCC40];
	v10 =	vperm.xlane v8, v0  }
0x13d: {  	v39 =	vld [tilespmem:s9+$0xEC40]  }
0x13e: {  	v40 =	vld [tilespmem:s9+$0x12C40];
	v8 =	vadd.f32 v8, v10  }
0x13f: {  	v41 =	vld [tilespmem:s9+$0x14C40]  }
0x140: {  	v11 =	vld [tilespmem:s9+$0x10C20];
	v10 =	vperm.xlane v8, v1  }
0x141: {  	v42 =	vld [tilespmem:s9+$0xCC30]  }
0x142: {  	v43 =	vld [tilespmem:s9+$0xEC30];
	v8 =	vadd.f32 v8, v10  }
0x143: {  	v15 =	vld [tilespmem:s9+$0x12C30]  }
0x144: {  	v16 =	vld [tilespmem:s9+$0x14C30];
	v10 =	vperm.xlane v8, v2  }
0x145: {  	v18 =	vld [tilespmem:s9+$0xCC20]  }
0x146: {  	v20 =	vld [tilespmem:s9+$0xEC20];
	v8 =	vadd.f32 v8, v10  }
0x147: {  	v17 =	vld [tilespmem:s9+$0x12C20]  }
0x148: {  	v19 =	vld [tilespmem:s9+$0x14C20];
	v10 =	vperm.xlane v8, v3  }
0x149: {  	v21 =	vld [tilespmem:s9+$0xCC00]  }
0x14a: {  	v25 =	vld [tilespmem:s9+$0xEC00];
	v8 =	vadd.f32 v8, v10  }
0x14b: {  	v22 =	vld [tilespmem:s9+$0x12C00]  }
0x14c: {  	v26 =	vld [tilespmem:s9+$0x14C00];
	v44 =	vadd.f32 $1.000000000e+00, v8  }
.Ltmp1:
0x14d: {  	v23 =	vadd.f32 v28, v29;
	v8 =	vadd.f32 v31, v30;
	v27 =	vld [tilespmem:s9+$0xCC10];
	(pc) =	sbr.rel @p0 .LBB2_4-.Ltmp1, $4  }
0x14e: {  	v24 =	vadd.f32 v14, v32;
	v10 =	vadd.f32 v34, v33;
	v31 =	vld [tilespmem:s9+$0xEC10];
	v14 =	vmax.f32 v44, $0.0e+00  }
0x14f: {  	v30 =	vadd.f32 v35, v13;
	v32 =	vld [tilespmem:s9+$0x12C10];
	v4 =	vadd.f32 v14, v4  }
0x150: {  	v28 =	vadd.f32 v39, v38;
	v13 =	vadd.f32 v37, v36;
	v34 =	vld [tilespmem:s9+$0x14C10]  }
0x151: {  	s10 =	sadd.s32 $0x200, s10;
	v33 =	vadd.f32 v43, v42;
	v14 =	vadd.f32 v41, v40;
	v29 =	vld [tilespmem:s9+$0x10C00]  }
0x152: {  	v35 =	vld [tilespmem:s9+$0x16C00]  }
0x153: {  	v36 =	vld [tilespmem:s9+$0x10C10]  }
0x154: {  	v37 =	vld [tilespmem:s9+$0x16C10]  }
0x155: {  	v38 =	vld [tilespmem:s9+$0x16C20]  }
0x156: {  	v39 =	vld [tilespmem:s9+$0x16C70]  }
0x157: {  	v40 =	vld [tilespmem:s9+$0x16C30]  }
0x158: {  	v41 =	vld [tilespmem:s9+$0x16C40]  }
0x159: {  	v42 =	vld [tilespmem:s9+$0x16C60];
	s14 =	simm.s32 $0xC0  }
0x15a: {  	v43 =	vld [tilespmem:s9+$0x16C50];
	[tilespmem:s26], [sflag:$0x1] =	stream.indirect.gather [hbm4b:s1+s0], $0x80, s14, s0, $0xb8  }
0x15b: {  	s15 =	simm.s32 $0x2C0  }
0x15c: {  	[tilespmem:s28], [sflag:$0x1] =	stream.indirect.gather [hbm4b:s3+s0], $0x80, s15, s0, $0xb8;
	[tilespmem:$0x18C80] =	vst v63  }
0x15d: {  	s10 =	simm.s32 $0x4C0  }
0x15e: {  	[tilespmem:s29], [sflag:$0x1] =	stream.indirect.gather [hbm4b:s1+s0], $0x80, s10, s0, $0xb8;
	[tilespmem:$0x18C80] =	vst v63  }
0x15f: {  	s11 =	simm.s32 $0x6C0  }
0x160: {  	[tilespmem:s30], [sflag:$0x1] =	stream.indirect.gather [hbm4b:s1+s0], $0x80, s11, s0, $0xb8;
	[tilespmem:$0x18C80] =	vst v63  }
0x161: {  	s14 =	simm.s32 $0x8C0  }
0x162: {  	[tilespmem:s5], [sflag:$0x1] =	stream.indirect.gather [hbm4b:s3+s0], $0x80, s14, s0, $0xb8;
	[tilespmem:$0x18C80] =	vst v63  }
0x163: {  	s15 =	simm.s32 $0xAC0  }
0x164: {  	[tilespmem:s6], [sflag:$0x1] =	stream.indirect.gather [hbm4b:s1+s0], $0x80, s15, s0, $0xb8;
	[tilespmem:$0x18C80] =	vst v63  }
0x165: {  	_ =	swait.ge [sflag:s31], $0x2000  }
0x166: {  	[sflag:s31] =	ssyncset.done $0x0  }
0x167: {  	[sflag:s31] =	ssyncadd.s32 $0xFFFFE000  }
0x168: {  	_ =	swait.ge [sflag:s31], $0x2000  }
0x169: {  	[sflag:s31] =	ssyncset.done $0x0  }
0x16a: {  	[sflag:s31] =	ssyncadd.s32 $0xFFFFE000  }
0x16b: {  	_ =	swait.ge [sflag:s31], $0x2000  }
0x16c: {  	v18 =	vadd.f32 v20, v18;
	v15 =	vadd.f32 v16, v15;
	[sflag:s31] =	ssyncset.done $0x0  }
0x16d: {  	v16 =	vadd.f32 v25, v21;
	v17 =	vadd.f32 v19, v17;
	[sflag:s31] =	ssyncadd.s32 $0xFFFFE000  }
0x16e: {  	v19 =	vadd.f32 v26, v22;
	v22 =	vsub.f32 v23, v5;
	_ =	swait.ge [sflag:s31], $0x2000  }
0x16f: {  	v7 =	vsub.f32 v30, v7;
	v23 =	vsub.f32 v24, v6;
	[sflag:s31] =	ssyncset.done $0x0  }
0x170: {  	v9 =	vsub.f32 v28, v9;
	v20 =	vadd.f32 v31, v27;
	[sflag:s31] =	ssyncadd.s32 $0xFFFFE000  }
0x171: {  	v12 =	vsub.f32 v33, v12;
	v21 =	vadd.f32 v34, v32;
	_ =	swait.ge [sflag:s31], $0x2000  }
0x172: {  	v5 =	vsub.f32 v16, v29;
	v6 =	vsub.f32 v19, v35;
	[sflag:s31] =	ssyncset.done $0x0  }
0x173: {  	v16 =	vsub.f32 v20, v36;
	v19 =	vsub.f32 v21, v37;
	[sflag:s31] =	ssyncadd.s32 $0xFFFFE000  }
0x174: {  	v11 =	vsub.f32 v18, v11;
	v17 =	vsub.f32 v17, v38;
	v5 =	vand.u32 $0x7FFFFFFF, v5;
	_ =	swait.ge [sflag:s31], $0x2000  }
0x175: {  	v6 =	vand.u32 $0x7FFFFFFF, v6;
	v16 =	vand.u32 $0x7FFFFFFF, v16;
	v18 =	vand.u32 $0x7FFFFFFF, v19;
	[sflag:s31] =	ssyncset.done $0x0  }
0x176: {  	s9 =	simm.s32 $0x0;
	v6 =	vsub.f32 v6, v5;
	v16 =	vsub.f32 v18, v16;
	[sflag:s31] =	ssyncadd.s32 $0xFFFFE000  }
0x177: {  	v11 =	vand.u32 $0x7FFFFFFF, v11;
	v15 =	vsub.f32 v15, v40;
	v17 =	vand.u32 $0x7FFFFFFF, v17;
	v5 =	vld [tilespmem:s9+$0x4C70]  }
0x178: {  	v11 =	vsub.f32 v17, v11;
	v16 =	vadd.f32 v16, v6;
	v6 =	vld [tilespmem:s9+$0x4C60]  }
0x179: {  	v12 =	vand.u32 $0x7FFFFFFF, v12;
	v14 =	vsub.f32 v14, v41;
	v15 =	vand.u32 $0x7FFFFFFF, v15;
	v24 =	vld [tilespmem:s9+$0xC70]  }
0x17a: {  	v12 =	vsub.f32 v15, v12;
	v11 =	vadd.f32 v11, v16;
	v28 =	vld [tilespmem:s9+$0x2C70]  }
0x17b: {  	v9 =	vand.u32 $0x7FFFFFFF, v9;
	v13 =	vsub.f32 v13, v43;
	v14 =	vand.u32 $0x7FFFFFFF, v14;
	v29 =	vld [tilespmem:s9+$0x6C70]  }
0x17c: {  	v9 =	vsub.f32 v14, v9;
	v11 =	vadd.f32 v12, v11;
	v14 =	vld [tilespmem:s9+$0x8C70]  }
0x17d: {  	v10 =	vsub.f32 v10, v42;
	v13 =	vand.u32 $0x7FFFFFFF, v13;
	v12 =	vand.u32 $0x7FFFFFFF, v7;
	v7 =	vld [tilespmem:s9+$0x4C50]  }
0x17e: {  	v9 =	vadd.f32 v9, v11;
	v11 =	vsub.f32 v13, v12;
	v13 =	vld [tilespmem:s9+$0xC60]  }
0x17f: {  	v10 =	vand.u32 $0x7FFFFFFF, v10;
	v12 =	vand.u32 $0x7FFFFFFF, v23;
	v30 =	vld [tilespmem:s9+$0x2C60]  }
0x180: {  	v10 =	vsub.f32 v10, v12;
	v9 =	vadd.f32 v11, v9;
	v52 =	vld [tilespmem:s9+$0x6C60]  }
0x181: {  	v53 =	vld [tilespmem:s9+$0x8C60]  }
0x182: {  	v8 =	vsub.f32 v8, v39;
	v10 =	vadd.f32 v10, v9;
	v9 =	vld [tilespmem:s9+$0x4C40]  }
0x183: {  	v54 =	vld [tilespmem:s9+$0xC50]  }
0x184: {  	v8 =	vand.u32 $0x7FFFFFFF, v8;
	v11 =	vand.u32 $0x7FFFFFFF, v22;
	v55 =	vld [tilespmem:s9+$0x2C50]  }
0x185: {  	v8 =	vsub.f32 v8, v11;
	v56 =	vld [tilespmem:s9+$0x6C50]  }
0x186: {  	v57 =	vld [tilespmem:s9+$0x8C50]  }
0x187: {  	v8 =	vadd.f32 v8, v10;
	v12 =	vld [tilespmem:s9+$0x4C30]  }
0x188: {  	v58 =	vld [tilespmem:s9+$0xC40]  }
0x189: {  	v10 =	vperm.xlane v8, v0;
	v59 =	vld [tilespmem:s9+$0x2C40]  }
0x18a: {  	v60 =	vld [tilespmem:s9+$0x6C40]  }
0x18b: {  	v8 =	vadd.f32 v8, v10;
	v61 =	vld [tilespmem:s9+$0x8C40]  }
0x18c: {  	v11 =	vld [tilespmem:s9+$0x4C20]  }
0x18d: {  	v10 =	vperm.xlane v8, v1;
	v62 =	vld [tilespmem:s9+$0xC30]  }
0x18e: {  	v63 =	vld [tilespmem:s9+$0x2C30]  }
0x18f: {  	v8 =	vadd.f32 v8, v10;
	v15 =	vld [tilespmem:s9+$0x6C30]  }
0x190: {  	v16 =	vld [tilespmem:s9+$0x8C30]  }
0x191: {  	v18 =	vld [tilespmem:s9+$0xC20];
	v10 =	vperm.xlane v8, v2  }
0x192: {  	v20 =	vld [tilespmem:s9+$0x2C20]  }
0x193: {  	v17 =	vld [tilespmem:s9+$0x6C20];
	v8 =	vadd.f32 v8, v10  }
0x194: {  	v19 =	vld [tilespmem:s9+$0x8C20]  }
0x195: {  	v21 =	vld [tilespmem:s9+$0xC00];
	v10 =	vperm.xlane v8, v3  }
0x196: {  	v25 =	vld [tilespmem:s9+$0x2C00]  }
0x197: {  	v22 =	vld [tilespmem:s9+$0x6C00];
	v8 =	vadd.f32 v8, v10  }
0x198: {  	v26 =	vld [tilespmem:s9+$0x8C00];
	v23 =	vadd.f32 v28, v24  }
0x199: {  	v27 =	vld [tilespmem:s9+$0xC10];
	v24 =	vadd.f32 v30, v13;
	v8 =	vadd.f32 $1.000000000e+00, v8  }
0x19a: {  	v31 =	vld [tilespmem:s9+$0x2C10];
	v30 =	vadd.f32 v55, v54;
	v28 =	vadd.f32 v59, v58  }
0x19b: {  	v32 =	vld [tilespmem:s9+$0x6C10];
	v13 =	vadd.f32 v57, v56;
	v33 =	vadd.f32 v63, v62;
	v8 =	vmax.f32 v8, $0.0e+00  }
0x19c: {  	v34 =	vld [tilespmem:s9+$0x8C10];
	v10 =	vadd.f32 v53, v52;
	v4 =	vadd.f32 v8, v4  }
0x19d: {  	s10 =	simm.s32 $0x200;
	v8 =	vadd.f32 v14, v29;
	v29 =	vld [tilespmem:s9+$0x4C00];
	v14 =	vadd.f32 v61, v60  }
.LBB2_6:
0x19e: {  	p0 =	sne.s32 s10, $0x7E00;
	v35 =	vld [tilespmem:s9+$0xAC00];
	v18 =	vadd.f32 v20, v18;
	v15 =	vadd.f32 v16, v15  }
0x19f: {  	v16 =	vadd.f32 v25, v21;
	v17 =	vadd.f32 v19, v17;
	v20 =	vld [tilespmem:s9+$0x4C10]  }
0x1a0: {  	v19 =	vadd.f32 v26, v22;
	v21 =	vadd.f32 v31, v27;
	v22 =	vld [tilespmem:s9+$0xAC10]  }
0x1a1: {  	s11 =	sshra.s32 s10, $0x2;
	v23 =	vsub.f32 v23, v5;
	v25 =	vadd.f32 v34, v32;
	v26 =	vld [tilespmem:s9+$0xAC20]  }
0x1a2: {  	v24 =	vsub.f32 v24, v6;
	v27 =	vsub.f32 v30, v7;
	v5 =	vld [tilespmem:s11+$0x4C70]  }
0x1a3: {  	v9 =	vsub.f32 v28, v9;
	v7 =	vsub.f32 v33, v12;
	v12 =	vld [tilespmem:s9+$0xAC70]  }
0x1a4: {  	v16 =	vsub.f32 v16, v29;
	v19 =	vsub.f32 v19, v35;
	v28 =	vld [tilespmem:s9+$0xAC30]  }
0x1a5: {  	v20 =	vsub.f32 v21, v20;
	v6 =	vld [tilespmem:s11+$0x4C60];
	v21 =	vsub.f32 v25, v22  }
0x1a6: {  	v11 =	vsub.f32 v18, v11;
	v16 =	vand.u32 $0x7FFFFFFF, v16;
	v17 =	vsub.f32 v17, v26;
	v18 =	vld [tilespmem:s9+$0xAC40]  }
0x1a7: {  	v19 =	vand.u32 $0x7FFFFFFF, v19;
	v20 =	vand.u32 $0x7FFFFFFF, v20;
	v21 =	vand.u32 $0x7FFFFFFF, v21;
	v22 =	vld [tilespmem:s9+$0xAC60]  }
0x1a8: {  	v16 =	vsub.f32 v19, v16;
	v19 =	vsub.f32 v21, v20;
	v20 =	vld [tilespmem:s9+$0xAC50];
	s9 =	smov.u32 s11  }
0x1a9: {  	v11 =	vand.u32 $0x7FFFFFFF, v11;
	v17 =	vand.u32 $0x7FFFFFFF, v17;
	v29 =	vld [tilespmem:s9+$0xC70];
	v15 =	vsub.f32 v15, v28  }
0x1aa: {  	v11 =	vsub.f32 v17, v11;
	v28 =	vld [tilespmem:s9+$0x2C70];
	v16 =	vadd.f32 v19, v16  }
0x1ab: {  	v7 =	vand.u32 $0x7FFFFFFF, v7;
	v30 =	vld [tilespmem:s9+$0x6C70];
	v15 =	vand.u32 $0x7FFFFFFF, v15;
	v14 =	vsub.f32 v14, v18  }
0x1ac: {  	v31 =	vld [tilespmem:s9+$0x8C70];
	v11 =	vadd.f32 v11, v16;
	v15 =	vsub.f32 v15, v7  }
0x1ad: {  	v9 =	vand.u32 $0x7FFFFFFF, v9;
	v7 =	vld [tilespmem:s9+$0x4C50];
	v14 =	vand.u32 $0x7FFFFFFF, v14;
	v13 =	vsub.f32 v13, v20  }
0x1ae: {  	v32 =	vld [tilespmem:s9+$0xC60];
	v11 =	vadd.f32 v15, v11;
	v9 =	vsub.f32 v14, v9  }
0x1af: {  	v10 =	vsub.f32 v10, v22;
	v15 =	vand.u32 $0x7FFFFFFF, v27;
	v14 =	vld [tilespmem:s9+$0x2C60];
	v13 =	vand.u32 $0x7FFFFFFF, v13  }
0x1b0: {  	v33 =	vld [tilespmem:s9+$0x6C60];
	v11 =	vadd.f32 v9, v11;
	v13 =	vsub.f32 v13, v15  }
0x1b1: {  	v8 =	vsub.f32 v8, v12;
	v10 =	vand.u32 $0x7FFFFFFF, v10;
	v15 =	vand.u32 $0x7FFFFFFF, v24;
	v34 =	vld [tilespmem:s9+$0x8C60]  }
0x1b2: {  	v10 =	vsub.f32 v10, v15;
	v9 =	vld [tilespmem:s9+$0x4C40];
	v11 =	vadd.f32 v13, v11  }
0x1b3: {  	v12 =	vand.u32 $0x7FFFFFFF, v23;
	v8 =	vand.u32 $0x7FFFFFFF, v8;
	v13 =	vld [tilespmem:s9+$0xC50]  }
0x1b4: {  	v8 =	vsub.f32 v8, v12;
	v35 =	vld [tilespmem:s9+$0x2C50];
	v10 =	vadd.f32 v10, v11  }
0x1b5: {  	v36 =	vld [tilespmem:s9+$0x6C50]  }
0x1b6: {  	v37 =	vld [tilespmem:s9+$0x8C50];
	v8 =	vadd.f32 v8, v10  }
0x1b7: {  	v12 =	vld [tilespmem:s9+$0x4C30]  }
0x1b8: {  	v38 =	vld [tilespmem:s9+$0xC40];
	v10 =	vperm.xlane v8, v0  }
0x1b9: {  	v39 =	vld [tilespmem:s9+$0x2C40]  }
0x1ba: {  	v40 =	vld [tilespmem:s9+$0x6C40];
	v8 =	vadd.f32 v8, v10  }
0x1bb: {  	v41 =	vld [tilespmem:s9+$0x8C40]  }
0x1bc: {  	v11 =	vld [tilespmem:s9+$0x4C20];
	v10 =	vperm.xlane v8, v1  }
0x1bd: {  	v42 =	vld [tilespmem:s9+$0xC30]  }
0x1be: {  	v43 =	vld [tilespmem:s9+$0x2C30];
	v8 =	vadd.f32 v8, v10  }
0x1bf: {  	v15 =	vld [tilespmem:s9+$0x6C30]  }
0x1c0: {  	v16 =	vld [tilespmem:s9+$0x8C30];
	v10 =	vperm.xlane v8, v2  }
0x1c1: {  	v18 =	vld [tilespmem:s9+$0xC20]  }
0x1c2: {  	v20 =	vld [tilespmem:s9+$0x2C20];
	v8 =	vadd.f32 v8, v10  }
0x1c3: {  	v17 =	vld [tilespmem:s9+$0x6C20]  }
0x1c4: {  	v19 =	vld [tilespmem:s9+$0x8C20];
	v10 =	vperm.xlane v8, v3  }
0x1c5: {  	v21 =	vld [tilespmem:s9+$0xC00]  }
0x1c6: {  	v25 =	vld [tilespmem:s9+$0x2C00];
	v8 =	vadd.f32 v8, v10  }
0x1c7: {  	v22 =	vld [tilespmem:s9+$0x6C00]  }
0x1c8: {  	v26 =	vld [tilespmem:s9+$0x8C00];
	v44 =	vadd.f32 $1.000000000e+00, v8  }
.Ltmp2:
0x1c9: {  	v23 =	vadd.f32 v28, v29;
	v8 =	vadd.f32 v31, v30;
	v27 =	vld [tilespmem:s9+$0xC10];
	(pc) =	sbr.rel @p0 .LBB2_6-.Ltmp2, $4  }
0x1ca: {  	v24 =	vadd.f32 v14, v32;
	v10 =	vadd.f32 v34, v33;
	v31 =	vld [tilespmem:s9+$0x2C10];
	v14 =	vmax.f32 v44, $0.0e+00  }
0x1cb: {  	v30 =	vadd.f32 v35, v13;
	v32 =	vld [tilespmem:s9+$0x6C10];
	v4 =	vadd.f32 v14, v4  }
0x1cc: {  	v28 =	vadd.f32 v39, v38;
	v13 =	vadd.f32 v37, v36;
	v34 =	vld [tilespmem:s9+$0x8C10]  }
0x1cd: {  	s10 =	sadd.s32 $0x200, s10;
	v33 =	vadd.f32 v43, v42;
	v14 =	vadd.f32 v41, v40;
	v29 =	vld [tilespmem:s9+$0x4C00]  }
0x1ce: {  	v35 =	vld [tilespmem:s9+$0xAC00]  }
0x1cf: {  	v36 =	vld [tilespmem:s9+$0x4C10]  }
0x1d0: {  	v37 =	vld [tilespmem:s9+$0xAC10]  }
0x1d1: {  	v38 =	vld [tilespmem:s9+$0xAC20]  }
0x1d2: {  	v39 =	vld [tilespmem:s9+$0xAC70]  }
0x1d3: {  	v40 =	vld [tilespmem:s9+$0xAC30]  }
0x1d4: {  	v41 =	vld [tilespmem:s9+$0xAC40]  }
0x1d5: {  	v42 =	vld [tilespmem:s9+$0xAC60];
	s14 =	simm.s32 $0x100  }
0x1d6: {  	v43 =	vld [tilespmem:s9+$0xAC50];
	[tilespmem:s2], [sflag:$0x1] =	stream.indirect.gather [hbm4b:s1+s0], $0x80, s14, s0, $0xb8  }
0x1d7: {  	s15 =	simm.s32 $0x300  }
0x1d8: {  	[tilespmem:s20], [sflag:$0x1] =	stream.indirect.gather [hbm4b:s3+s0], $0x80, s15, s0, $0xb8;
	[tilespmem:$0x18C80] =	vst v63  }
0x1d9: {  	s10 =	simm.s32 $0x500  }
0x1da: {  	[tilespmem:s21], [sflag:$0x1] =	stream.indirect.gather [hbm4b:s1+s0], $0x80, s10, s0, $0xb8;
	[tilespmem:$0x18C80] =	vst v63  }
0x1db: {  	s11 =	simm.s32 $0x700  }
0x1dc: {  	[tilespmem:s22], [sflag:$0x1] =	stream.indirect.gather [hbm4b:s1+s0], $0x80, s11, s0, $0xb8;
	[tilespmem:$0x18C80] =	vst v63  }
0x1dd: {  	s14 =	simm.s32 $0x900  }
0x1de: {  	[tilespmem:s23], [sflag:$0x1] =	stream.indirect.gather [hbm4b:s3+s0], $0x80, s14, s0, $0xb8;
	[tilespmem:$0x18C80] =	vst v63  }
0x1df: {  	s15 =	simm.s32 $0xB00  }
0x1e0: {  	[tilespmem:s25], [sflag:$0x1] =	stream.indirect.gather [hbm4b:s1+s0], $0x80, s15, s0, $0xb8;
	[tilespmem:$0x18C80] =	vst v63  }
0x1e1: {  	_ =	swait.ge [sflag:s31], $0x2000  }
0x1e2: {  	[sflag:s31] =	ssyncset.done $0x0  }
0x1e3: {  	[sflag:s31] =	ssyncadd.s32 $0xFFFFE000  }
0x1e4: {  	_ =	swait.ge [sflag:s31], $0x2000  }
0x1e5: {  	[sflag:s31] =	ssyncset.done $0x0  }
0x1e6: {  	[sflag:s31] =	ssyncadd.s32 $0xFFFFE000  }
0x1e7: {  	_ =	swait.ge [sflag:s31], $0x2000  }
0x1e8: {  	v18 =	vadd.f32 v20, v18;
	v15 =	vadd.f32 v16, v15;
	[sflag:s31] =	ssyncset.done $0x0  }
0x1e9: {  	v16 =	vadd.f32 v25, v21;
	v17 =	vadd.f32 v19, v17;
	[sflag:s31] =	ssyncadd.s32 $0xFFFFE000  }
0x1ea: {  	v19 =	vadd.f32 v26, v22;
	v22 =	vsub.f32 v23, v5;
	_ =	swait.ge [sflag:s31], $0x2000  }
0x1eb: {  	v7 =	vsub.f32 v30, v7;
	v23 =	vsub.f32 v24, v6;
	[sflag:s31] =	ssyncset.done $0x0  }
0x1ec: {  	v9 =	vsub.f32 v28, v9;
	v20 =	vadd.f32 v31, v27;
	[sflag:s31] =	ssyncadd.s32 $0xFFFFE000  }
0x1ed: {  	v12 =	vsub.f32 v33, v12;
	v21 =	vadd.f32 v34, v32;
	_ =	swait.ge [sflag:s31], $0x2000  }
0x1ee: {  	v5 =	vsub.f32 v16, v29;
	v6 =	vsub.f32 v19, v35;
	[sflag:s31] =	ssyncset.done $0x0  }
0x1ef: {  	v16 =	vsub.f32 v20, v36;
	v19 =	vsub.f32 v21, v37;
	[sflag:s31] =	ssyncadd.s32 $0xFFFFE000  }
0x1f0: {  	v11 =	vsub.f32 v18, v11;
	v17 =	vsub.f32 v17, v38;
	v5 =	vand.u32 $0x7FFFFFFF, v5;
	_ =	swait.ge [sflag:s31], $0x2000  }
0x1f1: {  	v6 =	vand.u32 $0x7FFFFFFF, v6;
	v16 =	vand.u32 $0x7FFFFFFF, v16;
	v18 =	vand.u32 $0x7FFFFFFF, v19;
	[sflag:s31] =	ssyncset.done $0x0  }
0x1f2: {  	s9 =	simm.s32 $0x0;
	v6 =	vsub.f32 v6, v5;
	v16 =	vsub.f32 v18, v16;
	[sflag:s31] =	ssyncadd.s32 $0xFFFFE000  }
0x1f3: {  	v11 =	vand.u32 $0x7FFFFFFF, v11;
	v15 =	vsub.f32 v15, v40;
	v17 =	vand.u32 $0x7FFFFFFF, v17;
	v5 =	vld [tilespmem:s9+$0x10C70]  }
0x1f4: {  	v11 =	vsub.f32 v17, v11;
	v16 =	vadd.f32 v16, v6;
	v6 =	vld [tilespmem:s9+$0x10C60]  }
0x1f5: {  	v12 =	vand.u32 $0x7FFFFFFF, v12;
	v14 =	vsub.f32 v14, v41;
	v15 =	vand.u32 $0x7FFFFFFF, v15;
	v24 =	vld [tilespmem:s9+$0xCC70]  }
0x1f6: {  	v12 =	vsub.f32 v15, v12;
	v11 =	vadd.f32 v11, v16;
	v28 =	vld [tilespmem:s9+$0xEC70]  }
0x1f7: {  	v9 =	vand.u32 $0x7FFFFFFF, v9;
	v13 =	vsub.f32 v13, v43;
	v14 =	vand.u32 $0x7FFFFFFF, v14;
	v29 =	vld [tilespmem:s9+$0x12C70]  }
0x1f8: {  	v9 =	vsub.f32 v14, v9;
	v11 =	vadd.f32 v12, v11;
	v14 =	vld [tilespmem:s9+$0x14C70]  }
0x1f9: {  	v10 =	vsub.f32 v10, v42;
	v13 =	vand.u32 $0x7FFFFFFF, v13;
	v12 =	vand.u32 $0x7FFFFFFF, v7;
	v7 =	vld [tilespmem:s9+$0x10C50]  }
0x1fa: {  	v9 =	vadd.f32 v9, v11;
	v11 =	vsub.f32 v13, v12;
	v13 =	vld [tilespmem:s9+$0xCC60]  }
0x1fb: {  	v10 =	vand.u32 $0x7FFFFFFF, v10;
	v12 =	vand.u32 $0x7FFFFFFF, v23;
	v30 =	vld [tilespmem:s9+$0xEC60]  }
0x1fc: {  	v10 =	vsub.f32 v10, v12;
	v9 =	vadd.f32 v11, v9;
	v52 =	vld [tilespmem:s9+$0x12C60]  }
0x1fd: {  	v53 =	vld [tilespmem:s9+$0x14C60]  }
0x1fe: {  	v8 =	vsub.f32 v8, v39;
	v10 =	vadd.f32 v10, v9;
	v9 =	vld [tilespmem:s9+$0x10C40]  }
0x1ff: {  	v54 =	vld [tilespmem:s9+$0xCC50]  }
0x200: {  	v8 =	vand.u32 $0x7FFFFFFF, v8;
	v11 =	vand.u32 $0x7FFFFFFF, v22;
	v55 =	vld [tilespmem:s9+$0xEC50]  }
0x201: {  	v8 =	vsub.f32 v8, v11;
	v56 =	vld [tilespmem:s9+$0x12C50]  }
0x202: {  	v57 =	vld [tilespmem:s9+$0x14C50]  }
0x203: {  	v8 =	vadd.f32 v8, v10;
	v12 =	vld [tilespmem:s9+$0x10C30]  }
0x204: {  	v58 =	vld [tilespmem:s9+$0xCC40]  }
0x205: {  	v10 =	vperm.xlane v8, v0;
	v59 =	vld [tilespmem:s9+$0xEC40]  }
0x206: {  	v60 =	vld [tilespmem:s9+$0x12C40]  }
0x207: {  	v8 =	vadd.f32 v8, v10;
	v61 =	vld [tilespmem:s9+$0x14C40]  }
0x208: {  	v11 =	vld [tilespmem:s9+$0x10C20]  }
0x209: {  	v10 =	vperm.xlane v8, v1;
	v62 =	vld [tilespmem:s9+$0xCC30]  }
0x20a: {  	v63 =	vld [tilespmem:s9+$0xEC30]  }
0x20b: {  	v8 =	vadd.f32 v8, v10;
	v15 =	vld [tilespmem:s9+$0x12C30]  }
0x20c: {  	v16 =	vld [tilespmem:s9+$0x14C30]  }
0x20d: {  	v18 =	vld [tilespmem:s9+$0xCC20];
	v10 =	vperm.xlane v8, v2  }
0x20e: {  	v20 =	vld [tilespmem:s9+$0xEC20]  }
0x20f: {  	v17 =	vld [tilespmem:s9+$0x12C20];
	v8 =	vadd.f32 v8, v10  }
0x210: {  	v19 =	vld [tilespmem:s9+$0x14C20]  }
0x211: {  	v21 =	vld [tilespmem:s9+$0xCC00];
	v10 =	vperm.xlane v8, v3  }
0x212: {  	v25 =	vld [tilespmem:s9+$0xEC00]  }
0x213: {  	v22 =	vld [tilespmem:s9+$0x12C00];
	v8 =	vadd.f32 v8, v10  }
0x214: {  	v26 =	vld [tilespmem:s9+$0x14C00];
	v23 =	vadd.f32 v28, v24  }
0x215: {  	v27 =	vld [tilespmem:s9+$0xCC10];
	v24 =	vadd.f32 v30, v13;
	v8 =	vadd.f32 $1.000000000e+00, v8  }
0x216: {  	v31 =	vld [tilespmem:s9+$0xEC10];
	v30 =	vadd.f32 v55, v54;
	v28 =	vadd.f32 v59, v58  }
0x217: {  	v32 =	vld [tilespmem:s9+$0x12C10];
	v13 =	vadd.f32 v57, v56;
	v33 =	vadd.f32 v63, v62;
	v8 =	vmax.f32 v8, $0.0e+00  }
0x218: {  	v34 =	vld [tilespmem:s9+$0x14C10];
	v10 =	vadd.f32 v53, v52;
	v4 =	vadd.f32 v8, v4  }
0x219: {  	s10 =	simm.s32 $0x200;
	v8 =	vadd.f32 v14, v29;
	v29 =	vld [tilespmem:s9+$0x10C00];
	v14 =	vadd.f32 v61, v60  }
.LBB2_8:
0x21a: {  	p0 =	sne.s32 s10, $0x7E00;
	v35 =	vld [tilespmem:s9+$0x16C00];
	v18 =	vadd.f32 v20, v18;
	v15 =	vadd.f32 v16, v15  }
0x21b: {  	v16 =	vadd.f32 v25, v21;
	v17 =	vadd.f32 v19, v17;
	v20 =	vld [tilespmem:s9+$0x10C10]  }
0x21c: {  	v19 =	vadd.f32 v26, v22;
	v21 =	vadd.f32 v31, v27;
	v22 =	vld [tilespmem:s9+$0x16C10]  }
0x21d: {  	s11 =	sshra.s32 s10, $0x2;
	v23 =	vsub.f32 v23, v5;
	v25 =	vadd.f32 v34, v32;
	v26 =	vld [tilespmem:s9+$0x16C20]  }
0x21e: {  	v24 =	vsub.f32 v24, v6;
	v27 =	vsub.f32 v30, v7;
	v5 =	vld [tilespmem:s11+$0x10C70]  }
0x21f: {  	v9 =	vsub.f32 v28, v9;
	v7 =	vsub.f32 v33, v12;
	v12 =	vld [tilespmem:s9+$0x16C70]  }
0x220: {  	v16 =	vsub.f32 v16, v29;
	v19 =	vsub.f32 v19, v35;
	v28 =	vld [tilespmem:s9+$0x16C30]  }
0x221: {  	v20 =	vsub.f32 v21, v20;
	v6 =	vld [tilespmem:s11+$0x10C60];
	v21 =	vsub.f32 v25, v22  }
0x222: {  	v11 =	vsub.f32 v18, v11;
	v16 =	vand.u32 $0x7FFFFFFF, v16;
	v17 =	vsub.f32 v17, v26;
	v18 =	vld [tilespmem:s9+$0x16C40]  }
0x223: {  	v19 =	vand.u32 $0x7FFFFFFF, v19;
	v20 =	vand.u32 $0x7FFFFFFF, v20;
	v21 =	vand.u32 $0x7FFFFFFF, v21;
	v22 =	vld [tilespmem:s9+$0x16C60]  }
0x224: {  	v16 =	vsub.f32 v19, v16;
	v19 =	vsub.f32 v21, v20;
	v20 =	vld [tilespmem:s9+$0x16C50];
	s9 =	smov.u32 s11  }
0x225: {  	v11 =	vand.u32 $0x7FFFFFFF, v11;
	v17 =	vand.u32 $0x7FFFFFFF, v17;
	v29 =	vld [tilespmem:s9+$0xCC70];
	v15 =	vsub.f32 v15, v28  }
0x226: {  	v11 =	vsub.f32 v17, v11;
	v28 =	vld [tilespmem:s9+$0xEC70];
	v16 =	vadd.f32 v19, v16  }
0x227: {  	v7 =	vand.u32 $0x7FFFFFFF, v7;
	v30 =	vld [tilespmem:s9+$0x12C70];
	v15 =	vand.u32 $0x7FFFFFFF, v15;
	v14 =	vsub.f32 v14, v18  }
0x228: {  	v31 =	vld [tilespmem:s9+$0x14C70];
	v11 =	vadd.f32 v11, v16;
	v15 =	vsub.f32 v15, v7  }
0x229: {  	v9 =	vand.u32 $0x7FFFFFFF, v9;
	v7 =	vld [tilespmem:s9+$0x10C50];
	v14 =	vand.u32 $0x7FFFFFFF, v14;
	v13 =	vsub.f32 v13, v20  }
0x22a: {  	v32 =	vld [tilespmem:s9+$0xCC60];
	v11 =	vadd.f32 v15, v11;
	v9 =	vsub.f32 v14, v9  }
0x22b: {  	v10 =	vsub.f32 v10, v22;
	v15 =	vand.u32 $0x7FFFFFFF, v27;
	v14 =	vld [tilespmem:s9+$0xEC60];
	v13 =	vand.u32 $0x7FFFFFFF, v13  }
0x22c: {  	v33 =	vld [tilespmem:s9+$0x12C60];
	v11 =	vadd.f32 v9, v11;
	v13 =	vsub.f32 v13, v15  }
0x22d: {  	v8 =	vsub.f32 v8, v12;
	v10 =	vand.u32 $0x7FFFFFFF, v10;
	v15 =	vand.u32 $0x7FFFFFFF, v24;
	v34 =	vld [tilespmem:s9+$0x14C60]  }
0x22e: {  	v10 =	vsub.f32 v10, v15;
	v9 =	vld [tilespmem:s9+$0x10C40];
	v11 =	vadd.f32 v13, v11  }
0x22f: {  	v12 =	vand.u32 $0x7FFFFFFF, v23;
	v8 =	vand.u32 $0x7FFFFFFF, v8;
	v13 =	vld [tilespmem:s9+$0xCC50]  }
0x230: {  	v8 =	vsub.f32 v8, v12;
	v35 =	vld [tilespmem:s9+$0xEC50];
	v10 =	vadd.f32 v10, v11  }
0x231: {  	v36 =	vld [tilespmem:s9+$0x12C50]  }
0x232: {  	v37 =	vld [tilespmem:s9+$0x14C50];
	v8 =	vadd.f32 v8, v10  }
0x233: {  	v12 =	vld [tilespmem:s9+$0x10C30]  }
0x234: {  	v38 =	vld [tilespmem:s9+$0xCC40];
	v10 =	vperm.xlane v8, v0  }
0x235: {  	v39 =	vld [tilespmem:s9+$0xEC40]  }
0x236: {  	v40 =	vld [tilespmem:s9+$0x12C40];
	v8 =	vadd.f32 v8, v10  }
0x237: {  	v41 =	vld [tilespmem:s9+$0x14C40]  }
0x238: {  	v11 =	vld [tilespmem:s9+$0x10C20];
	v10 =	vperm.xlane v8, v1  }
0x239: {  	v42 =	vld [tilespmem:s9+$0xCC30]  }
0x23a: {  	v43 =	vld [tilespmem:s9+$0xEC30];
	v8 =	vadd.f32 v8, v10  }
0x23b: {  	v15 =	vld [tilespmem:s9+$0x12C30]  }
0x23c: {  	v16 =	vld [tilespmem:s9+$0x14C30];
	v10 =	vperm.xlane v8, v2  }
0x23d: {  	v18 =	vld [tilespmem:s9+$0xCC20]  }
0x23e: {  	v20 =	vld [tilespmem:s9+$0xEC20];
	v8 =	vadd.f32 v8, v10  }
0x23f: {  	v17 =	vld [tilespmem:s9+$0x12C20]  }
0x240: {  	v19 =	vld [tilespmem:s9+$0x14C20];
	v10 =	vperm.xlane v8, v3  }
0x241: {  	v21 =	vld [tilespmem:s9+$0xCC00]  }
0x242: {  	v25 =	vld [tilespmem:s9+$0xEC00];
	v8 =	vadd.f32 v8, v10  }
0x243: {  	v22 =	vld [tilespmem:s9+$0x12C00]  }
0x244: {  	v26 =	vld [tilespmem:s9+$0x14C00];
	v44 =	vadd.f32 $1.000000000e+00, v8  }
.Ltmp3:
0x245: {  	v23 =	vadd.f32 v28, v29;
	v8 =	vadd.f32 v31, v30;
	v27 =	vld [tilespmem:s9+$0xCC10];
	(pc) =	sbr.rel @p0 .LBB2_8-.Ltmp3, $4  }
0x246: {  	v24 =	vadd.f32 v14, v32;
	v10 =	vadd.f32 v34, v33;
	v31 =	vld [tilespmem:s9+$0xEC10];
	v14 =	vmax.f32 v44, $0.0e+00  }
0x247: {  	v30 =	vadd.f32 v35, v13;
	v32 =	vld [tilespmem:s9+$0x12C10];
	v4 =	vadd.f32 v14, v4  }
0x248: {  	v28 =	vadd.f32 v39, v38;
	v13 =	vadd.f32 v37, v36;
	v34 =	vld [tilespmem:s9+$0x14C10]  }
0x249: {  	s10 =	sadd.s32 $0x200, s10;
	v33 =	vadd.f32 v43, v42;
	v14 =	vadd.f32 v41, v40;
	v29 =	vld [tilespmem:s9+$0x10C00]  }
0x24a: {  	v35 =	vld [tilespmem:s9+$0x16C00]  }
0x24b: {  	v36 =	vld [tilespmem:s9+$0x10C10]  }
0x24c: {  	v37 =	vld [tilespmem:s9+$0x16C10]  }
0x24d: {  	v38 =	vld [tilespmem:s9+$0x16C20]  }
0x24e: {  	v39 =	vld [tilespmem:s9+$0x16C70]  }
0x24f: {  	v40 =	vld [tilespmem:s9+$0x16C30]  }
0x250: {  	v41 =	vld [tilespmem:s9+$0x16C40]  }
0x251: {  	v42 =	vld [tilespmem:s9+$0x16C60];
	s14 =	simm.s32 $0x140  }
0x252: {  	v43 =	vld [tilespmem:s9+$0x16C50];
	[tilespmem:s26], [sflag:$0x1] =	stream.indirect.gather [hbm4b:s1+s0], $0x80, s14, s0, $0xb8  }
0x253: {  	s15 =	simm.s32 $0x340  }
0x254: {  	[tilespmem:s28], [sflag:$0x1] =	stream.indirect.gather [hbm4b:s3+s0], $0x80, s15, s0, $0xb8;
	[tilespmem:$0x18C80] =	vst v63  }
0x255: {  	s10 =	simm.s32 $0x540  }
0x256: {  	[tilespmem:s29], [sflag:$0x1] =	stream.indirect.gather [hbm4b:s1+s0], $0x80, s10, s0, $0xb8;
	[tilespmem:$0x18C80] =	vst v63  }
0x257: {  	s11 =	simm.s32 $0x740  }
0x258: {  	[tilespmem:s30], [sflag:$0x1] =	stream.indirect.gather [hbm4b:s1+s0], $0x80, s11, s0, $0xb8;
	[tilespmem:$0x18C80] =	vst v63  }
0x259: {  	s14 =	simm.s32 $0x940  }
0x25a: {  	[tilespmem:s5], [sflag:$0x1] =	stream.indirect.gather [hbm4b:s3+s0], $0x80, s14, s0, $0xb8;
	[tilespmem:$0x18C80] =	vst v63  }
0x25b: {  	s15 =	simm.s32 $0xB40  }
0x25c: {  	[tilespmem:s6], [sflag:$0x1] =	stream.indirect.gather [hbm4b:s1+s0], $0x80, s15, s0, $0xb8;
	[tilespmem:$0x18C80] =	vst v63  }
0x25d: {  	_ =	swait.ge [sflag:s31], $0x2000  }
0x25e: {  	[sflag:s31] =	ssyncset.done $0x0  }
0x25f: {  	[sflag:s31] =	ssyncadd.s32 $0xFFFFE000  }
0x260: {  	_ =	swait.ge [sflag:s31], $0x2000  }
0x261: {  	[sflag:s31] =	ssyncset.done $0x0  }
0x262: {  	[sflag:s31] =	ssyncadd.s32 $0xFFFFE000  }
0x263: {  	_ =	swait.ge [sflag:s31], $0x2000  }
0x264: {  	v18 =	vadd.f32 v20, v18;
	v15 =	vadd.f32 v16, v15;
	[sflag:s31] =	ssyncset.done $0x0  }
0x265: {  	v16 =	vadd.f32 v25, v21;
	v17 =	vadd.f32 v19, v17;
	[sflag:s31] =	ssyncadd.s32 $0xFFFFE000  }
0x266: {  	v19 =	vadd.f32 v26, v22;
	v22 =	vsub.f32 v23, v5;
	_ =	swait.ge [sflag:s31], $0x2000  }
0x267: {  	v7 =	vsub.f32 v30, v7;
	v23 =	vsub.f32 v24, v6;
	[sflag:s31] =	ssyncset.done $0x0  }
0x268: {  	v9 =	vsub.f32 v28, v9;
	v20 =	vadd.f32 v31, v27;
	[sflag:s31] =	ssyncadd.s32 $0xFFFFE000  }
0x269: {  	v12 =	vsub.f32 v33, v12;
	v21 =	vadd.f32 v34, v32;
	_ =	swait.ge [sflag:s31], $0x2000  }
0x26a: {  	v5 =	vsub.f32 v16, v29;
	v6 =	vsub.f32 v19, v35;
	[sflag:s31] =	ssyncset.done $0x0  }
0x26b: {  	v16 =	vsub.f32 v20, v36;
	v19 =	vsub.f32 v21, v37;
	[sflag:s31] =	ssyncadd.s32 $0xFFFFE000  }
0x26c: {  	v11 =	vsub.f32 v18, v11;
	v17 =	vsub.f32 v17, v38;
	v5 =	vand.u32 $0x7FFFFFFF, v5;
	_ =	swait.ge [sflag:s31], $0x2000  }
0x26d: {  	v6 =	vand.u32 $0x7FFFFFFF, v6;
	v16 =	vand.u32 $0x7FFFFFFF, v16;
	v18 =	vand.u32 $0x7FFFFFFF, v19;
	[sflag:s31] =	ssyncset.done $0x0  }
0x26e: {  	s9 =	simm.s32 $0x0;
	v6 =	vsub.f32 v6, v5;
	v16 =	vsub.f32 v18, v16;
	[sflag:s31] =	ssyncadd.s32 $0xFFFFE000  }
0x26f: {  	v11 =	vand.u32 $0x7FFFFFFF, v11;
	v15 =	vsub.f32 v15, v40;
	v17 =	vand.u32 $0x7FFFFFFF, v17;
	v5 =	vld [tilespmem:s9+$0x4C70]  }
0x270: {  	v11 =	vsub.f32 v17, v11;
	v16 =	vadd.f32 v16, v6;
	v6 =	vld [tilespmem:s9+$0x4C60]  }
0x271: {  	v12 =	vand.u32 $0x7FFFFFFF, v12;
	v14 =	vsub.f32 v14, v41;
	v15 =	vand.u32 $0x7FFFFFFF, v15;
	v24 =	vld [tilespmem:s9+$0xC70]  }
0x272: {  	v12 =	vsub.f32 v15, v12;
	v11 =	vadd.f32 v11, v16;
	v28 =	vld [tilespmem:s9+$0x2C70]  }
0x273: {  	v9 =	vand.u32 $0x7FFFFFFF, v9;
	v13 =	vsub.f32 v13, v43;
	v14 =	vand.u32 $0x7FFFFFFF, v14;
	v29 =	vld [tilespmem:s9+$0x6C70]  }
0x274: {  	v9 =	vsub.f32 v14, v9;
	v11 =	vadd.f32 v12, v11;
	v14 =	vld [tilespmem:s9+$0x8C70]  }
0x275: {  	v10 =	vsub.f32 v10, v42;
	v13 =	vand.u32 $0x7FFFFFFF, v13;
	v12 =	vand.u32 $0x7FFFFFFF, v7;
	v7 =	vld [tilespmem:s9+$0x4C50]  }
0x276: {  	v9 =	vadd.f32 v9, v11;
	v11 =	vsub.f32 v13, v12;
	v13 =	vld [tilespmem:s9+$0xC60]  }
0x277: {  	v10 =	vand.u32 $0x7FFFFFFF, v10;
	v12 =	vand.u32 $0x7FFFFFFF, v23;
	v30 =	vld [tilespmem:s9+$0x2C60]  }
0x278: {  	v10 =	vsub.f32 v10, v12;
	v9 =	vadd.f32 v11, v9;
	v52 =	vld [tilespmem:s9+$0x6C60]  }
0x279: {  	v53 =	vld [tilespmem:s9+$0x8C60]  }
0x27a: {  	v8 =	vsub.f32 v8, v39;
	v10 =	vadd.f32 v10, v9;
	v9 =	vld [tilespmem:s9+$0x4C40]  }
0x27b: {  	v54 =	vld [tilespmem:s9+$0xC50]  }
0x27c: {  	v8 =	vand.u32 $0x7FFFFFFF, v8;
	v11 =	vand.u32 $0x7FFFFFFF, v22;
	v55 =	vld [tilespmem:s9+$0x2C50]  }
0x27d: {  	v8 =	vsub.f32 v8, v11;
	v56 =	vld [tilespmem:s9+$0x6C50]  }
0x27e: {  	v57 =	vld [tilespmem:s9+$0x8C50]  }
0x27f: {  	v8 =	vadd.f32 v8, v10;
	v12 =	vld [tilespmem:s9+$0x4C30]  }
0x280: {  	v58 =	vld [tilespmem:s9+$0xC40]  }
0x281: {  	v10 =	vperm.xlane v8, v0;
	v59 =	vld [tilespmem:s9+$0x2C40]  }
0x282: {  	v60 =	vld [tilespmem:s9+$0x6C40]  }
0x283: {  	v8 =	vadd.f32 v8, v10;
	v61 =	vld [tilespmem:s9+$0x8C40]  }
0x284: {  	v11 =	vld [tilespmem:s9+$0x4C20]  }
0x285: {  	v10 =	vperm.xlane v8, v1;
	v62 =	vld [tilespmem:s9+$0xC30]  }
0x286: {  	v63 =	vld [tilespmem:s9+$0x2C30]  }
0x287: {  	v8 =	vadd.f32 v8, v10;
	v15 =	vld [tilespmem:s9+$0x6C30]  }
0x288: {  	v16 =	vld [tilespmem:s9+$0x8C30]  }
0x289: {  	v18 =	vld [tilespmem:s9+$0xC20];
	v10 =	vperm.xlane v8, v2  }
0x28a: {  	v20 =	vld [tilespmem:s9+$0x2C20]  }
0x28b: {  	v17 =	vld [tilespmem:s9+$0x6C20];
	v8 =	vadd.f32 v8, v10  }
0x28c: {  	v19 =	vld [tilespmem:s9+$0x8C20]  }
0x28d: {  	v21 =	vld [tilespmem:s9+$0xC00];
	v10 =	vperm.xlane v8, v3  }
0x28e: {  	v25 =	vld [tilespmem:s9+$0x2C00]  }
0x28f: {  	v22 =	vld [tilespmem:s9+$0x6C00];
	v8 =	vadd.f32 v8, v10  }
0x290: {  	v26 =	vld [tilespmem:s9+$0x8C00];
	v23 =	vadd.f32 v28, v24  }
0x291: {  	v27 =	vld [tilespmem:s9+$0xC10];
	v24 =	vadd.f32 v30, v13;
	v8 =	vadd.f32 $1.000000000e+00, v8  }
0x292: {  	v31 =	vld [tilespmem:s9+$0x2C10];
	v30 =	vadd.f32 v55, v54;
	v28 =	vadd.f32 v59, v58  }
0x293: {  	v32 =	vld [tilespmem:s9+$0x6C10];
	v13 =	vadd.f32 v57, v56;
	v33 =	vadd.f32 v63, v62;
	v8 =	vmax.f32 v8, $0.0e+00  }
0x294: {  	v34 =	vld [tilespmem:s9+$0x8C10];
	v10 =	vadd.f32 v53, v52;
	v4 =	vadd.f32 v8, v4  }
0x295: {  	s10 =	simm.s32 $0x200;
	v8 =	vadd.f32 v14, v29;
	v29 =	vld [tilespmem:s9+$0x4C00];
	v14 =	vadd.f32 v61, v60  }
.LBB2_10:
0x296: {  	p0 =	sne.s32 s10, $0x7E00;
	v35 =	vld [tilespmem:s9+$0xAC00];
	v18 =	vadd.f32 v20, v18;
	v15 =	vadd.f32 v16, v15  }
0x297: {  	v16 =	vadd.f32 v25, v21;
	v17 =	vadd.f32 v19, v17;
	v20 =	vld [tilespmem:s9+$0x4C10]  }
0x298: {  	v19 =	vadd.f32 v26, v22;
	v21 =	vadd.f32 v31, v27;
	v22 =	vld [tilespmem:s9+$0xAC10]  }
0x299: {  	s11 =	sshra.s32 s10, $0x2;
	v23 =	vsub.f32 v23, v5;
	v25 =	vadd.f32 v34, v32;
	v26 =	vld [tilespmem:s9+$0xAC20]  }
0x29a: {  	v24 =	vsub.f32 v24, v6;
	v27 =	vsub.f32 v30, v7;
	v5 =	vld [tilespmem:s11+$0x4C70]  }
0x29b: {  	v9 =	vsub.f32 v28, v9;
	v7 =	vsub.f32 v33, v12;
	v12 =	vld [tilespmem:s9+$0xAC70]  }
0x29c: {  	v16 =	vsub.f32 v16, v29;
	v19 =	vsub.f32 v19, v35;
	v28 =	vld [tilespmem:s9+$0xAC30]  }
0x29d: {  	v20 =	vsub.f32 v21, v20;
	v6 =	vld [tilespmem:s11+$0x4C60];
	v21 =	vsub.f32 v25, v22  }
0x29e: {  	v11 =	vsub.f32 v18, v11;
	v16 =	vand.u32 $0x7FFFFFFF, v16;
	v17 =	vsub.f32 v17, v26;
	v18 =	vld [tilespmem:s9+$0xAC40]  }
0x29f: {  	v19 =	vand.u32 $0x7FFFFFFF, v19;
	v20 =	vand.u32 $0x7FFFFFFF, v20;
	v21 =	vand.u32 $0x7FFFFFFF, v21;
	v22 =	vld [tilespmem:s9+$0xAC60]  }
0x2a0: {  	v16 =	vsub.f32 v19, v16;
	v19 =	vsub.f32 v21, v20;
	v20 =	vld [tilespmem:s9+$0xAC50];
	s9 =	smov.u32 s11  }
0x2a1: {  	v11 =	vand.u32 $0x7FFFFFFF, v11;
	v17 =	vand.u32 $0x7FFFFFFF, v17;
	v29 =	vld [tilespmem:s9+$0xC70];
	v15 =	vsub.f32 v15, v28  }
0x2a2: {  	v11 =	vsub.f32 v17, v11;
	v28 =	vld [tilespmem:s9+$0x2C70];
	v16 =	vadd.f32 v19, v16  }
0x2a3: {  	v7 =	vand.u32 $0x7FFFFFFF, v7;
	v30 =	vld [tilespmem:s9+$0x6C70];
	v15 =	vand.u32 $0x7FFFFFFF, v15;
	v14 =	vsub.f32 v14, v18  }
0x2a4: {  	v31 =	vld [tilespmem:s9+$0x8C70];
	v11 =	vadd.f32 v11, v16;
	v15 =	vsub.f32 v15, v7  }
0x2a5: {  	v9 =	vand.u32 $0x7FFFFFFF, v9;
	v7 =	vld [tilespmem:s9+$0x4C50];
	v14 =	vand.u32 $0x7FFFFFFF, v14;
	v13 =	vsub.f32 v13, v20  }
0x2a6: {  	v32 =	vld [tilespmem:s9+$0xC60];
	v11 =	vadd.f32 v15, v11;
	v9 =	vsub.f32 v14, v9  }
0x2a7: {  	v10 =	vsub.f32 v10, v22;
	v15 =	vand.u32 $0x7FFFFFFF, v27;
	v14 =	vld [tilespmem:s9+$0x2C60];
	v13 =	vand.u32 $0x7FFFFFFF, v13  }
0x2a8: {  	v33 =	vld [tilespmem:s9+$0x6C60];
	v11 =	vadd.f32 v9, v11;
	v13 =	vsub.f32 v13, v15  }
0x2a9: {  	v8 =	vsub.f32 v8, v12;
	v10 =	vand.u32 $0x7FFFFFFF, v10;
	v15 =	vand.u32 $0x7FFFFFFF, v24;
	v34 =	vld [tilespmem:s9+$0x8C60]  }
0x2aa: {  	v10 =	vsub.f32 v10, v15;
	v9 =	vld [tilespmem:s9+$0x4C40];
	v11 =	vadd.f32 v13, v11  }
0x2ab: {  	v12 =	vand.u32 $0x7FFFFFFF, v23;
	v8 =	vand.u32 $0x7FFFFFFF, v8;
	v13 =	vld [tilespmem:s9+$0xC50]  }
0x2ac: {  	v8 =	vsub.f32 v8, v12;
	v35 =	vld [tilespmem:s9+$0x2C50];
	v10 =	vadd.f32 v10, v11  }
0x2ad: {  	v36 =	vld [tilespmem:s9+$0x6C50]  }
0x2ae: {  	v37 =	vld [tilespmem:s9+$0x8C50];
	v8 =	vadd.f32 v8, v10  }
0x2af: {  	v12 =	vld [tilespmem:s9+$0x4C30]  }
0x2b0: {  	v38 =	vld [tilespmem:s9+$0xC40];
	v10 =	vperm.xlane v8, v0  }
0x2b1: {  	v39 =	vld [tilespmem:s9+$0x2C40]  }
0x2b2: {  	v40 =	vld [tilespmem:s9+$0x6C40];
	v8 =	vadd.f32 v8, v10  }
0x2b3: {  	v41 =	vld [tilespmem:s9+$0x8C40]  }
0x2b4: {  	v11 =	vld [tilespmem:s9+$0x4C20];
	v10 =	vperm.xlane v8, v1  }
0x2b5: {  	v42 =	vld [tilespmem:s9+$0xC30]  }
0x2b6: {  	v43 =	vld [tilespmem:s9+$0x2C30];
	v8 =	vadd.f32 v8, v10  }
0x2b7: {  	v15 =	vld [tilespmem:s9+$0x6C30]  }
0x2b8: {  	v16 =	vld [tilespmem:s9+$0x8C30];
	v10 =	vperm.xlane v8, v2  }
0x2b9: {  	v18 =	vld [tilespmem:s9+$0xC20]  }
0x2ba: {  	v20 =	vld [tilespmem:s9+$0x2C20];
	v8 =	vadd.f32 v8, v10  }
0x2bb: {  	v17 =	vld [tilespmem:s9+$0x6C20]  }
0x2bc: {  	v19 =	vld [tilespmem:s9+$0x8C20];
	v10 =	vperm.xlane v8, v3  }
0x2bd: {  	v21 =	vld [tilespmem:s9+$0xC00]  }
0x2be: {  	v25 =	vld [tilespmem:s9+$0x2C00];
	v8 =	vadd.f32 v8, v10  }
0x2bf: {  	v22 =	vld [tilespmem:s9+$0x6C00]  }
0x2c0: {  	v26 =	vld [tilespmem:s9+$0x8C00];
	v44 =	vadd.f32 $1.000000000e+00, v8  }
.Ltmp4:
0x2c1: {  	v23 =	vadd.f32 v28, v29;
	v8 =	vadd.f32 v31, v30;
	v27 =	vld [tilespmem:s9+$0xC10];
	(pc) =	sbr.rel @p0 .LBB2_10-.Ltmp4, $4  }
0x2c2: {  	v24 =	vadd.f32 v14, v32;
	v10 =	vadd.f32 v34, v33;
	v31 =	vld [tilespmem:s9+$0x2C10];
	v14 =	vmax.f32 v44, $0.0e+00  }
0x2c3: {  	v30 =	vadd.f32 v35, v13;
	v32 =	vld [tilespmem:s9+$0x6C10];
	v4 =	vadd.f32 v14, v4  }
0x2c4: {  	v28 =	vadd.f32 v39, v38;
	v13 =	vadd.f32 v37, v36;
	v34 =	vld [tilespmem:s9+$0x8C10]  }
0x2c5: {  	s10 =	sadd.s32 $0x200, s10;
	v33 =	vadd.f32 v43, v42;
	v14 =	vadd.f32 v41, v40;
	v29 =	vld [tilespmem:s9+$0x4C00]  }
0x2c6: {  	v35 =	vld [tilespmem:s9+$0xAC00]  }
0x2c7: {  	v36 =	vld [tilespmem:s9+$0x4C10]  }
0x2c8: {  	v37 =	vld [tilespmem:s9+$0xAC10]  }
0x2c9: {  	v38 =	vld [tilespmem:s9+$0xAC20]  }
0x2ca: {  	v39 =	vld [tilespmem:s9+$0xAC70]  }
0x2cb: {  	v40 =	vld [tilespmem:s9+$0xAC30]  }
0x2cc: {  	v41 =	vld [tilespmem:s9+$0xAC40]  }
0x2cd: {  	v42 =	vld [tilespmem:s9+$0xAC60];
	s14 =	simm.s32 $0x180  }
0x2ce: {  	v43 =	vld [tilespmem:s9+$0xAC50];
	[tilespmem:s2], [sflag:$0x1] =	stream.indirect.gather [hbm4b:s1+s0], $0x80, s14, s0, $0xb8  }
0x2cf: {  	s15 =	simm.s32 $0x380  }
0x2d0: {  	[tilespmem:s20], [sflag:$0x1] =	stream.indirect.gather [hbm4b:s3+s0], $0x80, s15, s0, $0xb8;
	[tilespmem:$0x18C80] =	vst v63  }
0x2d1: {  	s10 =	simm.s32 $0x580  }
0x2d2: {  	[tilespmem:s21], [sflag:$0x1] =	stream.indirect.gather [hbm4b:s1+s0], $0x80, s10, s0, $0xb8;
	[tilespmem:$0x18C80] =	vst v63  }
0x2d3: {  	s11 =	simm.s32 $0x780  }
0x2d4: {  	[tilespmem:s22], [sflag:$0x1] =	stream.indirect.gather [hbm4b:s1+s0], $0x80, s11, s0, $0xb8;
	[tilespmem:$0x18C80] =	vst v63  }
0x2d5: {  	s14 =	simm.s32 $0x980  }
0x2d6: {  	[tilespmem:s23], [sflag:$0x1] =	stream.indirect.gather [hbm4b:s3+s0], $0x80, s14, s0, $0xb8;
	[tilespmem:$0x18C80] =	vst v63  }
0x2d7: {  	s15 =	simm.s32 $0xB80  }
0x2d8: {  	[tilespmem:s25], [sflag:$0x1] =	stream.indirect.gather [hbm4b:s1+s0], $0x80, s15, s0, $0xb8;
	[tilespmem:$0x18C80] =	vst v63  }
0x2d9: {  	_ =	swait.ge [sflag:s31], $0x2000  }
0x2da: {  	[sflag:s31] =	ssyncset.done $0x0  }
0x2db: {  	[sflag:s31] =	ssyncadd.s32 $0xFFFFE000  }
0x2dc: {  	_ =	swait.ge [sflag:s31], $0x2000  }
0x2dd: {  	[sflag:s31] =	ssyncset.done $0x0  }
0x2de: {  	[sflag:s31] =	ssyncadd.s32 $0xFFFFE000  }
0x2df: {  	_ =	swait.ge [sflag:s31], $0x2000  }
0x2e0: {  	v18 =	vadd.f32 v20, v18;
	v15 =	vadd.f32 v16, v15;
	[sflag:s31] =	ssyncset.done $0x0  }
0x2e1: {  	v16 =	vadd.f32 v25, v21;
	v17 =	vadd.f32 v19, v17;
	[sflag:s31] =	ssyncadd.s32 $0xFFFFE000  }
0x2e2: {  	v19 =	vadd.f32 v26, v22;
	v22 =	vsub.f32 v23, v5;
	_ =	swait.ge [sflag:s31], $0x2000  }
0x2e3: {  	v7 =	vsub.f32 v30, v7;
	v23 =	vsub.f32 v24, v6;
	[sflag:s31] =	ssyncset.done $0x0  }
0x2e4: {  	v9 =	vsub.f32 v28, v9;
	v20 =	vadd.f32 v31, v27;
	[sflag:s31] =	ssyncadd.s32 $0xFFFFE000  }
0x2e5: {  	v12 =	vsub.f32 v33, v12;
	v21 =	vadd.f32 v34, v32;
	_ =	swait.ge [sflag:s31], $0x2000  }
0x2e6: {  	v5 =	vsub.f32 v16, v29;
	v6 =	vsub.f32 v19, v35;
	[sflag:s31] =	ssyncset.done $0x0  }
0x2e7: {  	v16 =	vsub.f32 v20, v36;
	v19 =	vsub.f32 v21, v37;
	[sflag:s31] =	ssyncadd.s32 $0xFFFFE000  }
0x2e8: {  	v11 =	vsub.f32 v18, v11;
	v17 =	vsub.f32 v17, v38;
	v5 =	vand.u32 $0x7FFFFFFF, v5;
	_ =	swait.ge [sflag:s31], $0x2000  }
0x2e9: {  	v6 =	vand.u32 $0x7FFFFFFF, v6;
	v16 =	vand.u32 $0x7FFFFFFF, v16;
	v18 =	vand.u32 $0x7FFFFFFF, v19;
	[sflag:s31] =	ssyncset.done $0x0  }
0x2ea: {  	s9 =	simm.s32 $0x0;
	v6 =	vsub.f32 v6, v5;
	v16 =	vsub.f32 v18, v16;
	[sflag:s31] =	ssyncadd.s32 $0xFFFFE000  }
0x2eb: {  	v11 =	vand.u32 $0x7FFFFFFF, v11;
	v15 =	vsub.f32 v15, v40;
	v17 =	vand.u32 $0x7FFFFFFF, v17;
	v5 =	vld [tilespmem:s9+$0x10C70]  }
0x2ec: {  	v11 =	vsub.f32 v17, v11;
	v16 =	vadd.f32 v16, v6;
	v6 =	vld [tilespmem:s9+$0x10C60]  }
0x2ed: {  	v12 =	vand.u32 $0x7FFFFFFF, v12;
	v14 =	vsub.f32 v14, v41;
	v15 =	vand.u32 $0x7FFFFFFF, v15;
	v24 =	vld [tilespmem:s9+$0xCC70]  }
0x2ee: {  	v12 =	vsub.f32 v15, v12;
	v11 =	vadd.f32 v11, v16;
	v28 =	vld [tilespmem:s9+$0xEC70]  }
0x2ef: {  	v9 =	vand.u32 $0x7FFFFFFF, v9;
	v13 =	vsub.f32 v13, v43;
	v14 =	vand.u32 $0x7FFFFFFF, v14;
	v29 =	vld [tilespmem:s9+$0x12C70]  }
0x2f0: {  	v9 =	vsub.f32 v14, v9;
	v11 =	vadd.f32 v12, v11;
	v14 =	vld [tilespmem:s9+$0x14C70]  }
0x2f1: {  	v10 =	vsub.f32 v10, v42;
	v13 =	vand.u32 $0x7FFFFFFF, v13;
	v12 =	vand.u32 $0x7FFFFFFF, v7;
	v7 =	vld [tilespmem:s9+$0x10C50]  }
0x2f2: {  	v9 =	vadd.f32 v9, v11;
	v11 =	vsub.f32 v13, v12;
	v13 =	vld [tilespmem:s9+$0xCC60]  }
0x2f3: {  	v10 =	vand.u32 $0x7FFFFFFF, v10;
	v12 =	vand.u32 $0x7FFFFFFF, v23;
	v30 =	vld [tilespmem:s9+$0xEC60]  }
0x2f4: {  	v10 =	vsub.f32 v10, v12;
	v9 =	vadd.f32 v11, v9;
	v52 =	vld [tilespmem:s9+$0x12C60]  }
0x2f5: {  	v53 =	vld [tilespmem:s9+$0x14C60]  }
0x2f6: {  	v8 =	vsub.f32 v8, v39;
	v10 =	vadd.f32 v10, v9;
	v9 =	vld [tilespmem:s9+$0x10C40]  }
0x2f7: {  	v54 =	vld [tilespmem:s9+$0xCC50]  }
0x2f8: {  	v8 =	vand.u32 $0x7FFFFFFF, v8;
	v11 =	vand.u32 $0x7FFFFFFF, v22;
	v55 =	vld [tilespmem:s9+$0xEC50]  }
0x2f9: {  	v8 =	vsub.f32 v8, v11;
	v56 =	vld [tilespmem:s9+$0x12C50]  }
0x2fa: {  	v57 =	vld [tilespmem:s9+$0x14C50]  }
0x2fb: {  	v8 =	vadd.f32 v8, v10;
	v12 =	vld [tilespmem:s9+$0x10C30]  }
0x2fc: {  	v58 =	vld [tilespmem:s9+$0xCC40]  }
0x2fd: {  	v10 =	vperm.xlane v8, v0;
	v59 =	vld [tilespmem:s9+$0xEC40]  }
0x2fe: {  	v60 =	vld [tilespmem:s9+$0x12C40]  }
0x2ff: {  	v8 =	vadd.f32 v8, v10;
	v61 =	vld [tilespmem:s9+$0x14C40]  }
0x300: {  	v11 =	vld [tilespmem:s9+$0x10C20]  }
0x301: {  	v10 =	vperm.xlane v8, v1;
	v62 =	vld [tilespmem:s9+$0xCC30]  }
0x302: {  	v63 =	vld [tilespmem:s9+$0xEC30]  }
0x303: {  	v8 =	vadd.f32 v8, v10;
	v15 =	vld [tilespmem:s9+$0x12C30]  }
0x304: {  	v16 =	vld [tilespmem:s9+$0x14C30]  }
0x305: {  	v18 =	vld [tilespmem:s9+$0xCC20];
	v10 =	vperm.xlane v8, v2  }
0x306: {  	v20 =	vld [tilespmem:s9+$0xEC20]  }
0x307: {  	v17 =	vld [tilespmem:s9+$0x12C20];
	v8 =	vadd.f32 v8, v10  }
0x308: {  	v19 =	vld [tilespmem:s9+$0x14C20]  }
0x309: {  	v21 =	vld [tilespmem:s9+$0xCC00];
	v10 =	vperm.xlane v8, v3  }
0x30a: {  	v25 =	vld [tilespmem:s9+$0xEC00]  }
0x30b: {  	v22 =	vld [tilespmem:s9+$0x12C00];
	v8 =	vadd.f32 v8, v10  }
0x30c: {  	v26 =	vld [tilespmem:s9+$0x14C00];
	v23 =	vadd.f32 v28, v24  }
0x30d: {  	v27 =	vld [tilespmem:s9+$0xCC10];
	v24 =	vadd.f32 v30, v13;
	v8 =	vadd.f32 $1.000000000e+00, v8  }
0x30e: {  	v31 =	vld [tilespmem:s9+$0xEC10];
	v30 =	vadd.f32 v55, v54;
	v28 =	vadd.f32 v59, v58  }
0x30f: {  	v32 =	vld [tilespmem:s9+$0x12C10];
	v13 =	vadd.f32 v57, v56;
	v33 =	vadd.f32 v63, v62;
	v8 =	vmax.f32 v8, $0.0e+00  }
0x310: {  	v34 =	vld [tilespmem:s9+$0x14C10];
	v10 =	vadd.f32 v53, v52;
	v4 =	vadd.f32 v8, v4  }
0x311: {  	s10 =	simm.s32 $0x200;
	v8 =	vadd.f32 v14, v29;
	v29 =	vld [tilespmem:s9+$0x10C00];
	v14 =	vadd.f32 v61, v60  }
.LBB2_12:
0x312: {  	p0 =	sne.s32 s10, $0x7E00;
	v35 =	vld [tilespmem:s9+$0x16C00];
	v18 =	vadd.f32 v20, v18;
	v15 =	vadd.f32 v16, v15  }
0x313: {  	v16 =	vadd.f32 v25, v21;
	v17 =	vadd.f32 v19, v17;
	v20 =	vld [tilespmem:s9+$0x10C10]  }
0x314: {  	v19 =	vadd.f32 v26, v22;
	v21 =	vadd.f32 v31, v27;
	v22 =	vld [tilespmem:s9+$0x16C10]  }
0x315: {  	s11 =	sshra.s32 s10, $0x2;
	v23 =	vsub.f32 v23, v5;
	v25 =	vadd.f32 v34, v32;
	v26 =	vld [tilespmem:s9+$0x16C20]  }
0x316: {  	v24 =	vsub.f32 v24, v6;
	v27 =	vsub.f32 v30, v7;
	v5 =	vld [tilespmem:s11+$0x10C70]  }
0x317: {  	v9 =	vsub.f32 v28, v9;
	v7 =	vsub.f32 v33, v12;
	v12 =	vld [tilespmem:s9+$0x16C70]  }
0x318: {  	v16 =	vsub.f32 v16, v29;
	v19 =	vsub.f32 v19, v35;
	v28 =	vld [tilespmem:s9+$0x16C30]  }
0x319: {  	v20 =	vsub.f32 v21, v20;
	v6 =	vld [tilespmem:s11+$0x10C60];
	v21 =	vsub.f32 v25, v22  }
0x31a: {  	v11 =	vsub.f32 v18, v11;
	v16 =	vand.u32 $0x7FFFFFFF, v16;
	v17 =	vsub.f32 v17, v26;
	v18 =	vld [tilespmem:s9+$0x16C40]  }
0x31b: {  	v19 =	vand.u32 $0x7FFFFFFF, v19;
	v20 =	vand.u32 $0x7FFFFFFF, v20;
	v21 =	vand.u32 $0x7FFFFFFF, v21;
	v22 =	vld [tilespmem:s9+$0x16C60]  }
0x31c: {  	v16 =	vsub.f32 v19, v16;
	v19 =	vsub.f32 v21, v20;
	v20 =	vld [tilespmem:s9+$0x16C50];
	s9 =	smov.u32 s11  }
0x31d: {  	v11 =	vand.u32 $0x7FFFFFFF, v11;
	v17 =	vand.u32 $0x7FFFFFFF, v17;
	v29 =	vld [tilespmem:s9+$0xCC70];
	v15 =	vsub.f32 v15, v28  }
0x31e: {  	v11 =	vsub.f32 v17, v11;
	v28 =	vld [tilespmem:s9+$0xEC70];
	v16 =	vadd.f32 v19, v16  }
0x31f: {  	v7 =	vand.u32 $0x7FFFFFFF, v7;
	v30 =	vld [tilespmem:s9+$0x12C70];
	v15 =	vand.u32 $0x7FFFFFFF, v15;
	v14 =	vsub.f32 v14, v18  }
0x320: {  	v31 =	vld [tilespmem:s9+$0x14C70];
	v11 =	vadd.f32 v11, v16;
	v15 =	vsub.f32 v15, v7  }
0x321: {  	v9 =	vand.u32 $0x7FFFFFFF, v9;
	v7 =	vld [tilespmem:s9+$0x10C50];
	v14 =	vand.u32 $0x7FFFFFFF, v14;
	v13 =	vsub.f32 v13, v20  }
0x322: {  	v32 =	vld [tilespmem:s9+$0xCC60];
	v11 =	vadd.f32 v15, v11;
	v9 =	vsub.f32 v14, v9  }
0x323: {  	v10 =	vsub.f32 v10, v22;
	v15 =	vand.u32 $0x7FFFFFFF, v27;
	v14 =	vld [tilespmem:s9+$0xEC60];
	v13 =	vand.u32 $0x7FFFFFFF, v13  }
0x324: {  	v33 =	vld [tilespmem:s9+$0x12C60];
	v11 =	vadd.f32 v9, v11;
	v13 =	vsub.f32 v13, v15  }
0x325: {  	v8 =	vsub.f32 v8, v12;
	v10 =	vand.u32 $0x7FFFFFFF, v10;
	v15 =	vand.u32 $0x7FFFFFFF, v24;
	v34 =	vld [tilespmem:s9+$0x14C60]  }
0x326: {  	v10 =	vsub.f32 v10, v15;
	v9 =	vld [tilespmem:s9+$0x10C40];
	v11 =	vadd.f32 v13, v11  }
0x327: {  	v12 =	vand.u32 $0x7FFFFFFF, v23;
	v8 =	vand.u32 $0x7FFFFFFF, v8;
	v13 =	vld [tilespmem:s9+$0xCC50]  }
0x328: {  	v8 =	vsub.f32 v8, v12;
	v35 =	vld [tilespmem:s9+$0xEC50];
	v10 =	vadd.f32 v10, v11  }
0x329: {  	v36 =	vld [tilespmem:s9+$0x12C50]  }
0x32a: {  	v37 =	vld [tilespmem:s9+$0x14C50];
	v8 =	vadd.f32 v8, v10  }
0x32b: {  	v12 =	vld [tilespmem:s9+$0x10C30]  }
0x32c: {  	v38 =	vld [tilespmem:s9+$0xCC40];
	v10 =	vperm.xlane v8, v0  }
0x32d: {  	v39 =	vld [tilespmem:s9+$0xEC40]  }
0x32e: {  	v40 =	vld [tilespmem:s9+$0x12C40];
	v8 =	vadd.f32 v8, v10  }
0x32f: {  	v41 =	vld [tilespmem:s9+$0x14C40]  }
0x330: {  	v11 =	vld [tilespmem:s9+$0x10C20];
	v10 =	vperm.xlane v8, v1  }
0x331: {  	v42 =	vld [tilespmem:s9+$0xCC30]  }
0x332: {  	v43 =	vld [tilespmem:s9+$0xEC30];
	v8 =	vadd.f32 v8, v10  }
0x333: {  	v15 =	vld [tilespmem:s9+$0x12C30]  }
0x334: {  	v16 =	vld [tilespmem:s9+$0x14C30];
	v10 =	vperm.xlane v8, v2  }
0x335: {  	v18 =	vld [tilespmem:s9+$0xCC20]  }
0x336: {  	v20 =	vld [tilespmem:s9+$0xEC20];
	v8 =	vadd.f32 v8, v10  }
0x337: {  	v17 =	vld [tilespmem:s9+$0x12C20]  }
0x338: {  	v19 =	vld [tilespmem:s9+$0x14C20];
	v10 =	vperm.xlane v8, v3  }
0x339: {  	v21 =	vld [tilespmem:s9+$0xCC00]  }
0x33a: {  	v25 =	vld [tilespmem:s9+$0xEC00];
	v8 =	vadd.f32 v8, v10  }
0x33b: {  	v22 =	vld [tilespmem:s9+$0x12C00]  }
0x33c: {  	v26 =	vld [tilespmem:s9+$0x14C00];
	v44 =	vadd.f32 $1.000000000e+00, v8  }
.Ltmp5:
0x33d: {  	v23 =	vadd.f32 v28, v29;
	v8 =	vadd.f32 v31, v30;
	v27 =	vld [tilespmem:s9+$0xCC10];
	(pc) =	sbr.rel @p0 .LBB2_12-.Ltmp5, $4  }
0x33e: {  	v24 =	vadd.f32 v14, v32;
	v10 =	vadd.f32 v34, v33;
	v31 =	vld [tilespmem:s9+$0xEC10];
	v14 =	vmax.f32 v44, $0.0e+00  }
0x33f: {  	v30 =	vadd.f32 v35, v13;
	v32 =	vld [tilespmem:s9+$0x12C10];
	v4 =	vadd.f32 v14, v4  }
0x340: {  	v28 =	vadd.f32 v39, v38;
	v13 =	vadd.f32 v37, v36;
	v34 =	vld [tilespmem:s9+$0x14C10]  }
0x341: {  	s10 =	sadd.s32 $0x200, s10;
	v33 =	vadd.f32 v43, v42;
	v14 =	vadd.f32 v41, v40;
	v29 =	vld [tilespmem:s9+$0x10C00]  }
0x342: {  	v35 =	vld [tilespmem:s9+$0x16C00]  }
0x343: {  	v36 =	vld [tilespmem:s9+$0x10C10]  }
0x344: {  	v37 =	vld [tilespmem:s9+$0x16C10]  }
0x345: {  	v38 =	vld [tilespmem:s9+$0x16C20]  }
0x346: {  	v39 =	vld [tilespmem:s9+$0x16C70]  }
0x347: {  	v40 =	vld [tilespmem:s9+$0x16C30]  }
0x348: {  	v41 =	vld [tilespmem:s9+$0x16C40]  }
0x349: {  	v42 =	vld [tilespmem:s9+$0x16C60];
	s14 =	simm.s32 $0x1C0  }
0x34a: {  	v43 =	vld [tilespmem:s9+$0x16C50];
	[tilespmem:s26], [sflag:$0x1] =	stream.indirect.gather [hbm4b:s1+s0], $0x80, s14, s0, $0xb8  }
0x34b: {  	s15 =	simm.s32 $0x3C0  }
0x34c: {  	[tilespmem:s28], [sflag:$0x1] =	stream.indirect.gather [hbm4b:s3+s0], $0x80, s15, s0, $0xb8;
	[tilespmem:$0x18C80] =	vst v63  }
0x34d: {  	s10 =	simm.s32 $0x5C0  }
0x34e: {  	[tilespmem:s29], [sflag:$0x1] =	stream.indirect.gather [hbm4b:s1+s0], $0x80, s10, s0, $0xb8;
	[tilespmem:$0x18C80] =	vst v63  }
0x34f: {  	s11 =	simm.s32 $0x7C0  }
0x350: {  	[tilespmem:s30], [sflag:$0x1] =	stream.indirect.gather [hbm4b:s1+s0], $0x80, s11, s0, $0xb8;
	[tilespmem:$0x18C80] =	vst v63  }
0x351: {  	s14 =	simm.s32 $0x9C0  }
0x352: {  	[tilespmem:s5], [sflag:$0x1] =	stream.indirect.gather [hbm4b:s3+s0], $0x80, s14, s0, $0xb8;
	[tilespmem:$0x18C80] =	vst v63  }
0x353: {  	s15 =	simm.s32 $0xBC0  }
0x354: {  	[tilespmem:s6], [sflag:$0x1] =	stream.indirect.gather [hbm4b:s1+s0], $0x80, s15, s0, $0xb8;
	[tilespmem:$0x18C80] =	vst v63  }
0x355: {  	_ =	swait.ge [sflag:s31], $0x2000  }
0x356: {  	[sflag:s31] =	ssyncset.done $0x0  }
0x357: {  	[sflag:s31] =	ssyncadd.s32 $0xFFFFE000  }
0x358: {  	_ =	swait.ge [sflag:s31], $0x2000  }
0x359: {  	[sflag:s31] =	ssyncset.done $0x0  }
0x35a: {  	[sflag:s31] =	ssyncadd.s32 $0xFFFFE000  }
0x35b: {  	_ =	swait.ge [sflag:s31], $0x2000  }
0x35c: {  	v18 =	vadd.f32 v20, v18;
	v15 =	vadd.f32 v16, v15;
	[sflag:s31] =	ssyncset.done $0x0  }
0x35d: {  	v16 =	vadd.f32 v25, v21;
	v17 =	vadd.f32 v19, v17;
	[sflag:s31] =	ssyncadd.s32 $0xFFFFE000  }
0x35e: {  	v19 =	vadd.f32 v26, v22;
	v22 =	vsub.f32 v23, v5;
	_ =	swait.ge [sflag:s31], $0x2000  }
0x35f: {  	v7 =	vsub.f32 v30, v7;
	v23 =	vsub.f32 v24, v6;
	[sflag:s31] =	ssyncset.done $0x0  }
0x360: {  	v9 =	vsub.f32 v28, v9;
	v20 =	vadd.f32 v31, v27;
	[sflag:s31] =	ssyncadd.s32 $0xFFFFE000  }
0x361: {  	v12 =	vsub.f32 v33, v12;
	v21 =	vadd.f32 v34, v32;
	_ =	swait.ge [sflag:s31], $0x2000  }
0x362: {  	v5 =	vsub.f32 v16, v29;
	v6 =	vsub.f32 v19, v35;
	[sflag:s31] =	ssyncset.done $0x0  }
0x363: {  	v16 =	vsub.f32 v20, v36;
	v19 =	vsub.f32 v21, v37;
	[sflag:s31] =	ssyncadd.s32 $0xFFFFE000  }
0x364: {  	v11 =	vsub.f32 v18, v11;
	v17 =	vsub.f32 v17, v38;
	v5 =	vand.u32 $0x7FFFFFFF, v5;
	_ =	swait.ge [sflag:s31], $0x2000  }
0x365: {  	v6 =	vand.u32 $0x7FFFFFFF, v6;
	v16 =	vand.u32 $0x7FFFFFFF, v16;
	v18 =	vand.u32 $0x7FFFFFFF, v19;
	[sflag:s31] =	ssyncset.done $0x0  }
0x366: {  	s9 =	simm.s32 $0x0;
	v6 =	vsub.f32 v6, v5;
	v16 =	vsub.f32 v18, v16;
	[sflag:s31] =	ssyncadd.s32 $0xFFFFE000  }
0x367: {  	v11 =	vand.u32 $0x7FFFFFFF, v11;
	v15 =	vsub.f32 v15, v40;
	v17 =	vand.u32 $0x7FFFFFFF, v17;
	v5 =	vld [tilespmem:s9+$0x4C70]  }
0x368: {  	v11 =	vsub.f32 v17, v11;
	v16 =	vadd.f32 v16, v6;
	v6 =	vld [tilespmem:s9+$0x4C60]  }
0x369: {  	v12 =	vand.u32 $0x7FFFFFFF, v12;
	v14 =	vsub.f32 v14, v41;
	v15 =	vand.u32 $0x7FFFFFFF, v15;
	v24 =	vld [tilespmem:s9+$0xC70]  }
0x36a: {  	v12 =	vsub.f32 v15, v12;
	v11 =	vadd.f32 v11, v16;
	v28 =	vld [tilespmem:s9+$0x2C70]  }
0x36b: {  	v9 =	vand.u32 $0x7FFFFFFF, v9;
	v13 =	vsub.f32 v13, v43;
	v14 =	vand.u32 $0x7FFFFFFF, v14;
	v29 =	vld [tilespmem:s9+$0x6C70]  }
0x36c: {  	v9 =	vsub.f32 v14, v9;
	v11 =	vadd.f32 v12, v11;
	v14 =	vld [tilespmem:s9+$0x8C70]  }
0x36d: {  	v10 =	vsub.f32 v10, v42;
	v13 =	vand.u32 $0x7FFFFFFF, v13;
	v12 =	vand.u32 $0x7FFFFFFF, v7;
	v7 =	vld [tilespmem:s9+$0x4C50]  }
0x36e: {  	v9 =	vadd.f32 v9, v11;
	v11 =	vsub.f32 v13, v12;
	v13 =	vld [tilespmem:s9+$0xC60]  }
0x36f: {  	v10 =	vand.u32 $0x7FFFFFFF, v10;
	v12 =	vand.u32 $0x7FFFFFFF, v23;
	v30 =	vld [tilespmem:s9+$0x2C60]  }
0x370: {  	v10 =	vsub.f32 v10, v12;
	v9 =	vadd.f32 v11, v9;
	v52 =	vld [tilespmem:s9+$0x6C60]  }
0x371: {  	v53 =	vld [tilespmem:s9+$0x8C60]  }
0x372: {  	v8 =	vsub.f32 v8, v39;
	v10 =	vadd.f32 v10, v9;
	v9 =	vld [tilespmem:s9+$0x4C40]  }
0x373: {  	v54 =	vld [tilespmem:s9+$0xC50]  }
0x374: {  	v8 =	vand.u32 $0x7FFFFFFF, v8;
	v11 =	vand.u32 $0x7FFFFFFF, v22;
	v55 =	vld [tilespmem:s9+$0x2C50]  }
0x375: {  	v8 =	vsub.f32 v8, v11;
	v56 =	vld [tilespmem:s9+$0x6C50]  }
0x376: {  	v57 =	vld [tilespmem:s9+$0x8C50]  }
0x377: {  	v8 =	vadd.f32 v8, v10;
	v12 =	vld [tilespmem:s9+$0x4C30]  }
0x378: {  	v58 =	vld [tilespmem:s9+$0xC40]  }
0x379: {  	v10 =	vperm.xlane v8, v0;
	v59 =	vld [tilespmem:s9+$0x2C40]  }
0x37a: {  	v60 =	vld [tilespmem:s9+$0x6C40]  }
0x37b: {  	v8 =	vadd.f32 v8, v10;
	v61 =	vld [tilespmem:s9+$0x8C40]  }
0x37c: {  	v11 =	vld [tilespmem:s9+$0x4C20]  }
0x37d: {  	v10 =	vperm.xlane v8, v1;
	v62 =	vld [tilespmem:s9+$0xC30]  }
0x37e: {  	v63 =	vld [tilespmem:s9+$0x2C30]  }
0x37f: {  	v8 =	vadd.f32 v8, v10;
	v15 =	vld [tilespmem:s9+$0x6C30]  }
0x380: {  	v16 =	vld [tilespmem:s9+$0x8C30]  }
0x381: {  	v18 =	vld [tilespmem:s9+$0xC20];
	v10 =	vperm.xlane v8, v2  }
0x382: {  	v20 =	vld [tilespmem:s9+$0x2C20]  }
0x383: {  	v17 =	vld [tilespmem:s9+$0x6C20];
	v8 =	vadd.f32 v8, v10  }
0x384: {  	v19 =	vld [tilespmem:s9+$0x8C20]  }
0x385: {  	v21 =	vld [tilespmem:s9+$0xC00];
	v10 =	vperm.xlane v8, v3  }
0x386: {  	v25 =	vld [tilespmem:s9+$0x2C00]  }
0x387: {  	v22 =	vld [tilespmem:s9+$0x6C00];
	v8 =	vadd.f32 v8, v10  }
0x388: {  	v26 =	vld [tilespmem:s9+$0x8C00];
	v23 =	vadd.f32 v28, v24  }
0x389: {  	v27 =	vld [tilespmem:s9+$0xC10];
	v24 =	vadd.f32 v30, v13;
	v8 =	vadd.f32 $1.000000000e+00, v8  }
0x38a: {  	v31 =	vld [tilespmem:s9+$0x2C10];
	v30 =	vadd.f32 v55, v54;
	v28 =	vadd.f32 v59, v58  }
0x38b: {  	v32 =	vld [tilespmem:s9+$0x6C10];
	v13 =	vadd.f32 v57, v56;
	v33 =	vadd.f32 v63, v62;
	v8 =	vmax.f32 v8, $0.0e+00  }
0x38c: {  	v34 =	vld [tilespmem:s9+$0x8C10];
	v10 =	vadd.f32 v53, v52;
	v4 =	vadd.f32 v8, v4  }
0x38d: {  	s10 =	simm.s32 $0x200;
	v8 =	vadd.f32 v14, v29;
	v29 =	vld [tilespmem:s9+$0x4C00];
	v14 =	vadd.f32 v61, v60  }
.LBB2_14:
0x38e: {  	p0 =	sne.s32 s10, $0x7E00;
	v35 =	vld [tilespmem:s9+$0xAC00];
	v18 =	vadd.f32 v20, v18;
	v15 =	vadd.f32 v16, v15  }
0x38f: {  	v16 =	vadd.f32 v25, v21;
	v17 =	vadd.f32 v19, v17;
	v20 =	vld [tilespmem:s9+$0x4C10]  }
0x390: {  	v19 =	vadd.f32 v26, v22;
	v21 =	vadd.f32 v31, v27;
	v22 =	vld [tilespmem:s9+$0xAC10]  }
0x391: {  	s11 =	sshra.s32 s10, $0x2;
	v23 =	vsub.f32 v23, v5;
	v25 =	vadd.f32 v34, v32;
	v26 =	vld [tilespmem:s9+$0xAC20]  }
0x392: {  	v24 =	vsub.f32 v24, v6;
	v27 =	vsub.f32 v30, v7;
	v5 =	vld [tilespmem:s11+$0x4C70]  }
0x393: {  	v9 =	vsub.f32 v28, v9;
	v7 =	vsub.f32 v33, v12;
	v12 =	vld [tilespmem:s9+$0xAC70]  }
0x394: {  	v16 =	vsub.f32 v16, v29;
	v19 =	vsub.f32 v19, v35;
	v28 =	vld [tilespmem:s9+$0xAC30]  }
0x395: {  	v20 =	vsub.f32 v21, v20;
	v6 =	vld [tilespmem:s11+$0x4C60];
	v21 =	vsub.f32 v25, v22  }
0x396: {  	v11 =	vsub.f32 v18, v11;
	v16 =	vand.u32 $0x7FFFFFFF, v16;
	v17 =	vsub.f32 v17, v26;
	v18 =	vld [tilespmem:s9+$0xAC40]  }
0x397: {  	v19 =	vand.u32 $0x7FFFFFFF, v19;
	v20 =	vand.u32 $0x7FFFFFFF, v20;
	v21 =	vand.u32 $0x7FFFFFFF, v21;
	v22 =	vld [tilespmem:s9+$0xAC60]  }
0x398: {  	v16 =	vsub.f32 v19, v16;
	v19 =	vsub.f32 v21, v20;
	v20 =	vld [tilespmem:s9+$0xAC50];
	s9 =	smov.u32 s11  }
0x399: {  	v11 =	vand.u32 $0x7FFFFFFF, v11;
	v17 =	vand.u32 $0x7FFFFFFF, v17;
	v29 =	vld [tilespmem:s9+$0xC70];
	v15 =	vsub.f32 v15, v28  }
0x39a: {  	v11 =	vsub.f32 v17, v11;
	v28 =	vld [tilespmem:s9+$0x2C70];
	v16 =	vadd.f32 v19, v16  }
0x39b: {  	v7 =	vand.u32 $0x7FFFFFFF, v7;
	v30 =	vld [tilespmem:s9+$0x6C70];
	v15 =	vand.u32 $0x7FFFFFFF, v15;
	v14 =	vsub.f32 v14, v18  }
0x39c: {  	v31 =	vld [tilespmem:s9+$0x8C70];
	v11 =	vadd.f32 v11, v16;
	v15 =	vsub.f32 v15, v7  }
0x39d: {  	v9 =	vand.u32 $0x7FFFFFFF, v9;
	v7 =	vld [tilespmem:s9+$0x4C50];
	v14 =	vand.u32 $0x7FFFFFFF, v14;
	v13 =	vsub.f32 v13, v20  }
0x39e: {  	v32 =	vld [tilespmem:s9+$0xC60];
	v11 =	vadd.f32 v15, v11;
	v9 =	vsub.f32 v14, v9  }
0x39f: {  	v10 =	vsub.f32 v10, v22;
	v15 =	vand.u32 $0x7FFFFFFF, v27;
	v14 =	vld [tilespmem:s9+$0x2C60];
	v13 =	vand.u32 $0x7FFFFFFF, v13  }
0x3a0: {  	v33 =	vld [tilespmem:s9+$0x6C60];
	v11 =	vadd.f32 v9, v11;
	v13 =	vsub.f32 v13, v15  }
0x3a1: {  	v8 =	vsub.f32 v8, v12;
	v10 =	vand.u32 $0x7FFFFFFF, v10;
	v15 =	vand.u32 $0x7FFFFFFF, v24;
	v34 =	vld [tilespmem:s9+$0x8C60]  }
0x3a2: {  	v10 =	vsub.f32 v10, v15;
	v9 =	vld [tilespmem:s9+$0x4C40];
	v11 =	vadd.f32 v13, v11  }
0x3a3: {  	v12 =	vand.u32 $0x7FFFFFFF, v23;
	v8 =	vand.u32 $0x7FFFFFFF, v8;
	v13 =	vld [tilespmem:s9+$0xC50]  }
0x3a4: {  	v8 =	vsub.f32 v8, v12;
	v35 =	vld [tilespmem:s9+$0x2C50];
	v10 =	vadd.f32 v10, v11  }
0x3a5: {  	v36 =	vld [tilespmem:s9+$0x6C50]  }
0x3a6: {  	v37 =	vld [tilespmem:s9+$0x8C50];
	v8 =	vadd.f32 v8, v10  }
0x3a7: {  	v12 =	vld [tilespmem:s9+$0x4C30]  }
0x3a8: {  	v38 =	vld [tilespmem:s9+$0xC40];
	v10 =	vperm.xlane v8, v0  }
0x3a9: {  	v39 =	vld [tilespmem:s9+$0x2C40]  }
0x3aa: {  	v40 =	vld [tilespmem:s9+$0x6C40];
	v8 =	vadd.f32 v8, v10  }
0x3ab: {  	v41 =	vld [tilespmem:s9+$0x8C40]  }
0x3ac: {  	v11 =	vld [tilespmem:s9+$0x4C20];
	v10 =	vperm.xlane v8, v1  }
0x3ad: {  	v42 =	vld [tilespmem:s9+$0xC30]  }
0x3ae: {  	v43 =	vld [tilespmem:s9+$0x2C30];
	v8 =	vadd.f32 v8, v10  }
0x3af: {  	v15 =	vld [tilespmem:s9+$0x6C30]  }
0x3b0: {  	v16 =	vld [tilespmem:s9+$0x8C30];
	v10 =	vperm.xlane v8, v2  }
0x3b1: {  	v18 =	vld [tilespmem:s9+$0xC20]  }
0x3b2: {  	v20 =	vld [tilespmem:s9+$0x2C20];
	v8 =	vadd.f32 v8, v10  }
0x3b3: {  	v17 =	vld [tilespmem:s9+$0x6C20]  }
0x3b4: {  	v19 =	vld [tilespmem:s9+$0x8C20];
	v10 =	vperm.xlane v8, v3  }
0x3b5: {  	v21 =	vld [tilespmem:s9+$0xC00]  }
0x3b6: {  	v25 =	vld [tilespmem:s9+$0x2C00];
	v8 =	vadd.f32 v8, v10  }
0x3b7: {  	v22 =	vld [tilespmem:s9+$0x6C00]  }
0x3b8: {  	v26 =	vld [tilespmem:s9+$0x8C00];
	v44 =	vadd.f32 $1.000000000e+00, v8  }
.Ltmp6:
0x3b9: {  	v23 =	vadd.f32 v28, v29;
	v8 =	vadd.f32 v31, v30;
	v27 =	vld [tilespmem:s9+$0xC10];
	(pc) =	sbr.rel @p0 .LBB2_14-.Ltmp6, $4  }
0x3ba: {  	v24 =	vadd.f32 v14, v32;
	v10 =	vadd.f32 v34, v33;
	v31 =	vld [tilespmem:s9+$0x2C10];
	v14 =	vmax.f32 v44, $0.0e+00  }
0x3bb: {  	v30 =	vadd.f32 v35, v13;
	v32 =	vld [tilespmem:s9+$0x6C10];
	v4 =	vadd.f32 v14, v4  }
0x3bc: {  	v28 =	vadd.f32 v39, v38;
	v13 =	vadd.f32 v37, v36;
	v34 =	vld [tilespmem:s9+$0x8C10]  }
0x3bd: {  	s10 =	sadd.s32 $0x200, s10;
	v33 =	vadd.f32 v43, v42;
	v14 =	vadd.f32 v41, v40;
	v29 =	vld [tilespmem:s9+$0x4C00]  }
0x3be: {  	v35 =	vld [tilespmem:s9+$0xAC00]  }
0x3bf: {  	v36 =	vld [tilespmem:s9+$0x4C10]  }
0x3c0: {  	v37 =	vld [tilespmem:s9+$0xAC10]  }
0x3c1: {  	v38 =	vld [tilespmem:s9+$0xAC20]  }
0x3c2: {  	v39 =	vld [tilespmem:s9+$0xAC70]  }
0x3c3: {  	v40 =	vld [tilespmem:s9+$0xAC30]  }
0x3c4: {  	v41 =	vld [tilespmem:s9+$0xAC40]  }
0x3c5: {  	v42 =	vld [tilespmem:s9+$0xAC60]  }
0x3c6: {  	v43 =	vld [tilespmem:s9+$0xAC50];
	_ =	swait.ge [sflag:s31], $0x2000  }
0x3c7: {  	[sflag:s31] =	ssyncset.done $0x0  }
0x3c8: {  	[sflag:s31] =	ssyncadd.s32 $0xFFFFE000  }
0x3c9: {  	_ =	swait.ge [sflag:s31], $0x2000  }
0x3ca: {  	[sflag:s31] =	ssyncset.done $0x0  }
0x3cb: {  	[sflag:s31] =	ssyncadd.s32 $0xFFFFE000  }
0x3cc: {  	_ =	swait.ge [sflag:s31], $0x2000  }
0x3cd: {  	v18 =	vadd.f32 v20, v18;
	v15 =	vadd.f32 v16, v15;
	[sflag:s31] =	ssyncset.done $0x0  }
0x3ce: {  	v16 =	vadd.f32 v25, v21;
	v17 =	vadd.f32 v19, v17;
	[sflag:s31] =	ssyncadd.s32 $0xFFFFE000  }
0x3cf: {  	v19 =	vadd.f32 v26, v22;
	v22 =	vsub.f32 v23, v5;
	_ =	swait.ge [sflag:s31], $0x2000  }
0x3d0: {  	v7 =	vsub.f32 v30, v7;
	v23 =	vsub.f32 v24, v6;
	[sflag:s31] =	ssyncset.done $0x0  }
0x3d1: {  	v9 =	vsub.f32 v28, v9;
	v20 =	vadd.f32 v31, v27;
	[sflag:s31] =	ssyncadd.s32 $0xFFFFE000  }
0x3d2: {  	v12 =	vsub.f32 v33, v12;
	v21 =	vadd.f32 v34, v32;
	_ =	swait.ge [sflag:s31], $0x2000  }
0x3d3: {  	v5 =	vsub.f32 v16, v29;
	v6 =	vsub.f32 v19, v35;
	[sflag:s31] =	ssyncset.done $0x0  }
0x3d4: {  	v16 =	vsub.f32 v20, v36;
	v19 =	vsub.f32 v21, v37;
	[sflag:s31] =	ssyncadd.s32 $0xFFFFE000  }
0x3d5: {  	v11 =	vsub.f32 v18, v11;
	v17 =	vsub.f32 v17, v38;
	v5 =	vand.u32 $0x7FFFFFFF, v5;
	_ =	swait.ge [sflag:s31], $0x2000  }
0x3d6: {  	v6 =	vand.u32 $0x7FFFFFFF, v6;
	v16 =	vand.u32 $0x7FFFFFFF, v16;
	v18 =	vand.u32 $0x7FFFFFFF, v19;
	[sflag:s31] =	ssyncset.done $0x0  }
0x3d7: {  	s9 =	simm.s32 $0x0;
	v6 =	vsub.f32 v6, v5;
	v16 =	vsub.f32 v18, v16;
	[sflag:s31] =	ssyncadd.s32 $0xFFFFE000  }
0x3d8: {  	v11 =	vand.u32 $0x7FFFFFFF, v11;
	v15 =	vsub.f32 v15, v40;
	v17 =	vand.u32 $0x7FFFFFFF, v17;
	v5 =	vld [tilespmem:s9+$0x10C70]  }
0x3d9: {  	v11 =	vsub.f32 v17, v11;
	v16 =	vadd.f32 v16, v6;
	v6 =	vld [tilespmem:s9+$0x10C60]  }
0x3da: {  	v12 =	vand.u32 $0x7FFFFFFF, v12;
	v14 =	vsub.f32 v14, v41;
	v15 =	vand.u32 $0x7FFFFFFF, v15;
	v24 =	vld [tilespmem:s9+$0xCC70]  }
0x3db: {  	v12 =	vsub.f32 v15, v12;
	v11 =	vadd.f32 v11, v16;
	v28 =	vld [tilespmem:s9+$0xEC70]  }
0x3dc: {  	v9 =	vand.u32 $0x7FFFFFFF, v9;
	v13 =	vsub.f32 v13, v43;
	v14 =	vand.u32 $0x7FFFFFFF, v14;
	v29 =	vld [tilespmem:s9+$0x12C70]  }
0x3dd: {  	v9 =	vsub.f32 v14, v9;
	v11 =	vadd.f32 v12, v11;
	v14 =	vld [tilespmem:s9+$0x14C70]  }
0x3de: {  	v13 =	vand.u32 $0x7FFFFFFF, v13;
	v12 =	vand.u32 $0x7FFFFFFF, v7;
	v7 =	vld [tilespmem:s9+$0x10C50]  }
0x3df: {  	v9 =	vadd.f32 v9, v11;
	v11 =	vsub.f32 v13, v12;
	v13 =	vld [tilespmem:s9+$0xCC60]  }
0x3e0: {  	v30 =	vld [tilespmem:s9+$0xEC60]  }
0x3e1: {  	v10 =	vsub.f32 v10, v42;
	v52 =	vld [tilespmem:s9+$0x12C60]  }
0x3e2: {  	v53 =	vld [tilespmem:s9+$0x14C60]  }
0x3e3: {  	v8 =	vsub.f32 v8, v39;
	v10 =	vand.u32 $0x7FFFFFFF, v10;
	v12 =	vand.u32 $0x7FFFFFFF, v23;
	v54 =	vld [tilespmem:s9+$0xCC50]  }
0x3e4: {  	v10 =	vsub.f32 v10, v12;
	v9 =	vadd.f32 v11, v9;
	v55 =	vld [tilespmem:s9+$0xEC50]  }
0x3e5: {  	v8 =	vand.u32 $0x7FFFFFFF, v8;
	v11 =	vand.u32 $0x7FFFFFFF, v22;
	v56 =	vld [tilespmem:s9+$0x12C50]  }
0x3e6: {  	v57 =	vld [tilespmem:s9+$0x14C50];
	v8 =	vsub.f32 v8, v11;
	v10 =	vadd.f32 v10, v9  }
0x3e7: {  	v12 =	vld [tilespmem:s9+$0x10C30]  }
0x3e8: {  	v58 =	vld [tilespmem:s9+$0xCC40];
	v8 =	vadd.f32 v8, v10  }
0x3e9: {  	v59 =	vld [tilespmem:s9+$0xEC40]  }
0x3ea: {  	v60 =	vld [tilespmem:s9+$0x12C40];
	v10 =	vperm.xlane v8, v0  }
0x3eb: {  	v61 =	vld [tilespmem:s9+$0x14C40]  }
0x3ec: {  	v62 =	vld [tilespmem:s9+$0xCC30];
	v8 =	vadd.f32 v8, v10  }
0x3ed: {  	v63 =	vld [tilespmem:s9+$0xEC30]  }
0x3ee: {  	v15 =	vld [tilespmem:s9+$0x12C30];
	v10 =	vperm.xlane v8, v1  }
0x3ef: {  	v16 =	vld [tilespmem:s9+$0x14C30]  }
0x3f0: {  	v18 =	vld [tilespmem:s9+$0xCC20];
	v8 =	vadd.f32 v8, v10  }
0x3f1: {  	v20 =	vld [tilespmem:s9+$0xEC20]  }
0x3f2: {  	v17 =	vld [tilespmem:s9+$0x12C20];
	v10 =	vperm.xlane v8, v2  }
0x3f3: {  	v19 =	vld [tilespmem:s9+$0x14C20]  }
0x3f4: {  	v21 =	vld [tilespmem:s9+$0xCC00];
	v8 =	vadd.f32 v8, v10  }
0x3f5: {  	v25 =	vld [tilespmem:s9+$0xEC00]  }
0x3f6: {  	v23 =	vld [tilespmem:s9+$0x12C00];
	v10 =	vperm.xlane v8, v3  }
0x3f7: {  	v26 =	vld [tilespmem:s9+$0x14C00]  }
0x3f8: {  	v27 =	vld [tilespmem:s9+$0xCC10];
	v8 =	vadd.f32 v8, v10  }
0x3f9: {  	v31 =	vld [tilespmem:s9+$0xEC10];
	v22 =	vadd.f32 v28, v24  }
0x3fa: {  	v32 =	vld [tilespmem:s9+$0x12C10];
	v24 =	vadd.f32 v30, v13;
	v8 =	vadd.f32 $1.000000000e+00, v8  }
0x3fb: {  	v34 =	vld [tilespmem:s9+$0x14C10];
	v28 =	vadd.f32 v59, v58;
	v13 =	vadd.f32 v57, v56  }
0x3fc: {  	v11 =	vld [tilespmem:s9+$0x10C20];
	v33 =	vadd.f32 v63, v62;
	v10 =	vadd.f32 v53, v52;
	v8 =	vmax.f32 v8, $0.0e+00  }
0x3fd: {  	v9 =	vld [tilespmem:s9+$0x10C40];
	v4 =	vadd.f32 v8, v4;
	v8 =	vadd.f32 v14, v29  }
0x3fe: {  	s10 =	simm.s32 $0x200;
	v30 =	vld [tilespmem:s9+$0x10C00];
	v29 =	vadd.f32 v55, v54;
	v14 =	vadd.f32 v61, v60  }
.LBB2_16:
0x3ff: {  	p0 =	sne.s32 s10, $0x7E00;
	v35 =	vld [tilespmem:s9+$0x16C00];
	v18 =	vadd.f32 v20, v18;
	v15 =	vadd.f32 v16, v15  }
0x400: {  	v16 =	vadd.f32 v25, v21;
	v17 =	vadd.f32 v19, v17;
	v20 =	vld [tilespmem:s9+$0x10C10]  }
0x401: {  	v19 =	vadd.f32 v26, v23;
	v21 =	vadd.f32 v31, v27;
	v23 =	vld [tilespmem:s9+$0x16C10]  }
0x402: {  	s11 =	sshra.s32 s10, $0x2;
	v22 =	vsub.f32 v22, v5;
	v25 =	vadd.f32 v34, v32;
	v26 =	vld [tilespmem:s9+$0x16C20]  }
0x403: {  	v24 =	vsub.f32 v24, v6;
	v27 =	vsub.f32 v29, v7;
	v5 =	vld [tilespmem:s11+$0x10C70]  }
0x404: {  	v9 =	vsub.f32 v28, v9;
	v7 =	vsub.f32 v33, v12;
	v12 =	vld [tilespmem:s9+$0x16C70]  }
0x405: {  	v16 =	vsub.f32 v16, v30;
	v19 =	vsub.f32 v19, v35;
	v28 =	vld [tilespmem:s9+$0x16C30]  }
0x406: {  	v20 =	vsub.f32 v21, v20;
	v6 =	vld [tilespmem:s11+$0x10C60];
	v21 =	vsub.f32 v25, v23  }
0x407: {  	v11 =	vsub.f32 v18, v11;
	v16 =	vand.u32 $0x7FFFFFFF, v16;
	v17 =	vsub.f32 v17, v26;
	v18 =	vld [tilespmem:s9+$0x16C40]  }
0x408: {  	v19 =	vand.u32 $0x7FFFFFFF, v19;
	v20 =	vand.u32 $0x7FFFFFFF, v20;
	v21 =	vand.u32 $0x7FFFFFFF, v21;
	v23 =	vld [tilespmem:s9+$0x16C60]  }
0x409: {  	v16 =	vsub.f32 v19, v16;
	v19 =	vsub.f32 v21, v20;
	v20 =	vld [tilespmem:s9+$0x16C50];
	s9 =	smov.u32 s11  }
0x40a: {  	v11 =	vand.u32 $0x7FFFFFFF, v11;
	v17 =	vand.u32 $0x7FFFFFFF, v17;
	v29 =	vld [tilespmem:s9+$0xCC70];
	v15 =	vsub.f32 v15, v28  }
0x40b: {  	v11 =	vsub.f32 v17, v11;
	v28 =	vld [tilespmem:s9+$0xEC70];
	v16 =	vadd.f32 v19, v16  }
0x40c: {  	v7 =	vand.u32 $0x7FFFFFFF, v7;
	v30 =	vld [tilespmem:s9+$0x12C70];
	v15 =	vand.u32 $0x7FFFFFFF, v15;
	v14 =	vsub.f32 v14, v18  }
0x40d: {  	v31 =	vld [tilespmem:s9+$0x14C70];
	v11 =	vadd.f32 v11, v16;
	v15 =	vsub.f32 v15, v7  }
0x40e: {  	v9 =	vand.u32 $0x7FFFFFFF, v9;
	v7 =	vld [tilespmem:s9+$0x10C50];
	v14 =	vand.u32 $0x7FFFFFFF, v14;
	v13 =	vsub.f32 v13, v20  }
0x40f: {  	v32 =	vld [tilespmem:s9+$0xCC60];
	v11 =	vadd.f32 v15, v11;
	v9 =	vsub.f32 v14, v9  }
0x410: {  	v10 =	vsub.f32 v10, v23;
	v15 =	vand.u32 $0x7FFFFFFF, v27;
	v14 =	vld [tilespmem:s9+$0xEC60];
	v13 =	vand.u32 $0x7FFFFFFF, v13  }
0x411: {  	v33 =	vld [tilespmem:s9+$0x12C60];
	v11 =	vadd.f32 v9, v11;
	v13 =	vsub.f32 v13, v15  }
0x412: {  	v8 =	vsub.f32 v8, v12;
	v10 =	vand.u32 $0x7FFFFFFF, v10;
	v15 =	vand.u32 $0x7FFFFFFF, v24;
	v34 =	vld [tilespmem:s9+$0x14C60]  }
0x413: {  	v10 =	vsub.f32 v10, v15;
	v9 =	vld [tilespmem:s9+$0x10C40];
	v11 =	vadd.f32 v13, v11  }
0x414: {  	v12 =	vand.u32 $0x7FFFFFFF, v22;
	v8 =	vand.u32 $0x7FFFFFFF, v8;
	v13 =	vld [tilespmem:s9+$0xCC50]  }
0x415: {  	v8 =	vsub.f32 v8, v12;
	v35 =	vld [tilespmem:s9+$0xEC50];
	v10 =	vadd.f32 v10, v11  }
0x416: {  	v36 =	vld [tilespmem:s9+$0x12C50]  }
0x417: {  	v37 =	vld [tilespmem:s9+$0x14C50];
	v8 =	vadd.f32 v8, v10  }
0x418: {  	v12 =	vld [tilespmem:s9+$0x10C30]  }
0x419: {  	v38 =	vld [tilespmem:s9+$0xCC40];
	v10 =	vperm.xlane v8, v0  }
0x41a: {  	v39 =	vld [tilespmem:s9+$0xEC40]  }
0x41b: {  	v40 =	vld [tilespmem:s9+$0x12C40];
	v8 =	vadd.f32 v8, v10  }
0x41c: {  	v41 =	vld [tilespmem:s9+$0x14C40]  }
0x41d: {  	v11 =	vld [tilespmem:s9+$0x10C20];
	v10 =	vperm.xlane v8, v1  }
0x41e: {  	v42 =	vld [tilespmem:s9+$0xCC30]  }
0x41f: {  	v43 =	vld [tilespmem:s9+$0xEC30];
	v8 =	vadd.f32 v8, v10  }
0x420: {  	v15 =	vld [tilespmem:s9+$0x12C30]  }
0x421: {  	v16 =	vld [tilespmem:s9+$0x14C30];
	v10 =	vperm.xlane v8, v2  }
0x422: {  	v18 =	vld [tilespmem:s9+$0xCC20]  }
0x423: {  	v20 =	vld [tilespmem:s9+$0xEC20];
	v8 =	vadd.f32 v8, v10  }
0x424: {  	v17 =	vld [tilespmem:s9+$0x12C20]  }
0x425: {  	v19 =	vld [tilespmem:s9+$0x14C20];
	v10 =	vperm.xlane v8, v3  }
0x426: {  	v21 =	vld [tilespmem:s9+$0xCC00]  }
0x427: {  	v25 =	vld [tilespmem:s9+$0xEC00];
	v8 =	vadd.f32 v8, v10  }
0x428: {  	v23 =	vld [tilespmem:s9+$0x12C00]  }
0x429: {  	v26 =	vld [tilespmem:s9+$0x14C00];
	v44 =	vadd.f32 $1.000000000e+00, v8  }
.Ltmp7:
0x42a: {  	v22 =	vadd.f32 v28, v29;
	v8 =	vadd.f32 v31, v30;
	v27 =	vld [tilespmem:s9+$0xCC10];
	(pc) =	sbr.rel @p0 .LBB2_16-.Ltmp7, $4  }
0x42b: {  	v24 =	vadd.f32 v14, v32;
	v10 =	vadd.f32 v34, v33;
	v31 =	vld [tilespmem:s9+$0xEC10];
	v14 =	vmax.f32 v44, $0.0e+00  }
0x42c: {  	v29 =	vadd.f32 v35, v13;
	v32 =	vld [tilespmem:s9+$0x12C10];
	v4 =	vadd.f32 v14, v4  }
0x42d: {  	v13 =	vadd.f32 v37, v36;
	v28 =	vadd.f32 v39, v38;
	v34 =	vld [tilespmem:s9+$0x14C10]  }
0x42e: {  	s10 =	sadd.s32 $0x200, s10;
	v33 =	vadd.f32 v43, v42;
	v14 =	vadd.f32 v41, v40;
	v30 =	vld [tilespmem:s9+$0x10C00]  }
0x42f: {  	v35 =	vld [tilespmem:s9+$0x16C00];
	v18 =	vadd.f32 v20, v18;
	v15 =	vadd.f32 v16, v15  }
0x430: {  	v49 =	vadd.f32 v25, v21;
	v50 =	vld [tilespmem:s9+$0x10C10];
	v17 =	vadd.f32 v19, v17  }
0x431: {  	v51 =	vadd.f32 v26, v23;
	v53 =	vld [tilespmem:s9+$0x16C10];
	v5 =	vsub.f32 v22, v5  }
0x432: {  	v55 =	vld [tilespmem:s9+$0x16C20];
	v7 =	vsub.f32 v29, v7;
	v6 =	vsub.f32 v24, v6  }
0x433: {  	v9 =	vsub.f32 v28, v9;
	v52 =	vadd.f32 v31, v27  }
0x434: {  	v12 =	vsub.f32 v33, v12;
	v54 =	vadd.f32 v34, v32  }
0x435: {  	v56 =	vld [tilespmem:s9+$0x16C30];
	v16 =	vsub.f32 v49, v30;
	v19 =	vsub.f32 v51, v35  }
0x436: {  	v20 =	vsub.f32 v52, v50;
	v57 =	vsub.f32 v54, v53  }
0x437: {  	v58 =	vld [tilespmem:s9+$0x16C40];
	v11 =	vsub.f32 v18, v11;
	v17 =	vsub.f32 v17, v55;
	v16 =	vand.u32 $0x7FFFFFFF, v16  }
0x438: {  	v19 =	vand.u32 $0x7FFFFFFF, v19;
	v20 =	vand.u32 $0x7FFFFFFF, v20;
	v21 =	vand.u32 $0x7FFFFFFF, v57  }
0x439: {  	v60 =	vld [tilespmem:s9+$0x16C50];
	v16 =	vsub.f32 v19, v16;
	v59 =	vsub.f32 v21, v20  }
0x43a: {  	v11 =	vand.u32 $0x7FFFFFFF, v11;
	v15 =	vsub.f32 v15, v56;
	v17 =	vand.u32 $0x7FFFFFFF, v17  }
0x43b: {  	v61 =	vld [tilespmem:s9+$0x16C60];
	v11 =	vsub.f32 v17, v11;
	v16 =	vadd.f32 v59, v16  }
0x43c: {  	v12 =	vand.u32 $0x7FFFFFFF, v12;
	v14 =	vsub.f32 v14, v58;
	v15 =	vand.u32 $0x7FFFFFFF, v15  }
0x43d: {  	v62 =	vld [tilespmem:s9+$0x16C70];
	v12 =	vsub.f32 v15, v12;
	v11 =	vadd.f32 v11, v16  }
0x43e: {  	v9 =	vand.u32 $0x7FFFFFFF, v9;
	v13 =	vsub.f32 v13, v60;
	v14 =	vand.u32 $0x7FFFFFFF, v14  }
0x43f: {  	v9 =	vsub.f32 v14, v9;
	v11 =	vadd.f32 v12, v11  }
0x440: {  	v7 =	vand.u32 $0x7FFFFFFF, v7;
	v10 =	vsub.f32 v10, v61;
	v63 =	vand.u32 $0x7FFFFFFF, v13  }
0x441: {  	v7 =	vsub.f32 v63, v7;
	v9 =	vadd.f32 v9, v11  }
0x442: {  	v6 =	vand.u32 $0x7FFFFFFF, v6;
	v8 =	vsub.f32 v8, v62;
	v10 =	vand.u32 $0x7FFFFFFF, v10  }
0x443: {  	v6 =	vsub.f32 v10, v6;
	v7 =	vadd.f32 v7, v9  }
0x444: {  	v5 =	vand.u32 $0x7FFFFFFF, v5;
	v8 =	vand.u32 $0x7FFFFFFF, v8  }
0x445: {  	v5 =	vsub.f32 v8, v5;
	v6 =	vadd.f32 v6, v7;
	_ =	sdelay $0x1  }
0x446: {  	v5 =	vadd.f32 v5, v6;
	_ =	sdelay $0x1  }
0x447: {  	v6 =	vperm.xlane v5, v0;
	_ =	sdelay $0x1  }
0x448: {  	v5 =	vadd.f32 v5, v6;
	_ =	sdelay $0x1  }
0x449: {  	v6 =	vperm.xlane v5, v1;
	_ =	sdelay $0x1  }
0x44a: {  	v5 =	vadd.f32 v5, v6;
	_ =	sdelay $0x1  }
0x44b: {  	v6 =	vperm.xlane v5, v2;
	_ =	sdelay $0x1  }
0x44c: {  	v5 =	vadd.f32 v5, v6;
	_ =	sdelay $0x1  }
0x44d: {  	v6 =	vperm.xlane v5, v3;
	_ =	sdelay $0x1  }
0x44e: {  	v5 =	vadd.f32 v5, v6;
	_ =	sdelay $0x1  }
0x44f: {  	v5 =	vadd.f32 $1.000000000e+00, v5;
	_ =	sdelay $0x1  }
0x450: {  	v5 =	vmax.f32 v5, $0.0e+00  }
0x451: {  	v4 =	vadd.f32 v5, v4;
	_ =	sdelay $0x1  }
0x452: {  	s8 =	sadd.s32 $0x1, s8;
	v4 =	vmul.f32 $6.250000000e-02, v4  }
0x453: {  	p0 =	sne.s32 s8, s18  }
.Ltmp8:
0x454: {  	s15 =	simm.s32 $0x18C00;
	[tilespmem:$0x18C00] =	vst v4;
	(pc) =	sbr.rel @p0 .LBB2_1-.Ltmp8, $4  }
0x455: {  	[hbm4b:s17+s4] =	stream.linear.scatter [tilespmem:s15], [sflag:$0x2], $0x80, $0x38;
	[tilespmem:$0x18C80] =	vst v63  }
0x456: {  	_ =	swait.ge [sflag:s7], $0x80  }
0x457: {  	[sflag:s7] =	ssyncset.done $0x0  }
0x458: {  	[sflag:s7] =	ssyncadd.s32 $0xFFFFFF80  }
0x459: {  	_ =	sfence.sel $0x180000  }
0x45a: {  	[bflag:$0x0] =	sbarrier.arrive $0xFFFF  }
0x45b: {  	_ =	strace $0x90000047  }
0x45c: {  	s0 =	stileid.u32;
	[bflag:$0x2] =	sbarrier.arrive $0xFFFF  }
0x45d: {  	p0 =	sne.s32 s0, $0x0;
	s0 =	rddreg [dreg:$0x5]  }
0x45e: {  	s0 =	sadd.s32 @!p0 $0x100000, s0  }
0x45f: {  	[sflag:s0] =	ssyncadd.tile.s32 @!p0 $0x1;
	_ =	shalt  }
.Lfunc_end2:
_tile_overlayer_lowered:
.L_overlay_start_2:
0x460: {  	(tag) =	ssettag $0x2  }
0x461: {  	s0 =	rddreg [dreg:$0x0];
	s2 =	stileid.u32  }
0x462: {  	s1 =	rddreg [dreg:$0x1];
	p0 =	sne.s32 s2, $0x0  }
0x463: {  	s3 =	rddreg [dreg:$0x2];
	[bflag:$0x3] =	sbarrier.arrive $0xFFFF;
	s2 =	simm.s32 @!p0 $0x1C02  }
0x464: {  	[timem:s3], [sflag:s2] =	dma.local @!p0 [hbm:s0], s1  }
0x465: {  	s0 =	simm.s32 @!p0 $0x2  }
0x466: {  	_ =	swait.ge @!p0 [sflag:s0], s1  }
0x467: {  	s1 =	ssub.s32 @!p0 $0x0, s1;
	[sflag:s0] =	ssyncset.done @!p0 $0x0  }
0x468: {  	[sflag:s0] =	ssyncadd.s32 @!p0 s1  }
0x469: {  	[bflag:$0x3] =	sbarrier.arrive $0xFFFF  }
0x46a: {  	_ =	shalt  }

</sc_bundles>
